<compile_context>
chip_gen: v7x
topology: tpu7x:2x2x1
jax: 0.10.2.dev20260603
libtpu: 0.0.44.dev20260713+nightly
codegen_flags: <defaults>
</compile_context>

<pallas_src>
import functools

import jax
import jax.numpy as jnp
from jax import lax
from jax.experimental import pallas as pl
from jax.experimental.pallas import tpu as pltpu
from jax.experimental.pallas import tpu_sc as plsc

_N = 10000
_E = 320000
_F = 128
_NH = 4
_NCLS = 40
_EPS = 1e-5
_SM = 0.5

_NP = 10240
_NCORE = 2
_NSUB = 16
_NW = _NCORE * _NSUB
_CHK = 96
_CPT = 106
_DCHK = 64
_DCPT = 159
_EP = _NW * _CPT * _CHK
_RPT = _NP // _NSUB
_DW = 16

_BR = 256
_GRID = _NP // _BR


@functools.cache
def _make_spmm():
    mesh = plsc.VectorSubcoreMesh(
        core_axis_name="c", subcore_axis_name="s",
        num_cores=_NCORE, num_subcores=_NSUB)

    @functools.partial(
        pl.kernel,
        out_type=jax.ShapeDtypeStruct((_NCORE, _NP, _F), jnp.float32),
        mesh=mesh,
        scratch_types=[
            pltpu.VMEM((8, _CHK), jnp.int32),
            pltpu.VMEM((8, _CHK), jnp.int32),
            pltpu.VMEM((3, _CHK, _F), jnp.float32),
            pltpu.VMEM_SHARED((_NP, _F), jnp.float32),
            pltpu.SemaphoreType.DMA,
            pltpu.SemaphoreType.DMA,
            pltpu.SemaphoreType.DMA,
        ],
    )
    def spmm(x_hbm, src_hbm, dst_hbm, zeros_hbm, out_hbm,
             sidx, didx, rows, acc, isem, gsem, ssem):
        c = lax.axis_index("c")
        s = lax.axis_index("s")
        wid = s * _NCORE + c
        r0 = s * _RPT

        def load_pair(k, slot):
            pltpu.async_copy(src_hbm.at[wid, k], sidx.at[slot], isem)
            pltpu.async_copy(dst_hbm.at[wid, k], didx.at[slot], isem)

        def wait_pair(slot):
            pltpu.make_async_copy(src_hbm.at[wid, 0], sidx.at[slot],
                                  isem).wait()
            pltpu.make_async_copy(dst_hbm.at[wid, 0], didx.at[slot],
                                  isem).wait()

        def gather(k, islot, gslot):
            pltpu.async_copy(x_hbm.at[sidx.at[islot]], rows.at[gslot], gsem)

        pltpu.sync_copy(src_hbm.at[wid, 0], sidx.at[0])
        pltpu.sync_copy(dst_hbm.at[wid, 0], didx.at[0])
        load_pair(1, 1)
        load_pair(2, 2)
        load_pair(3, 3)
        gather(0, 0, 0)
        wait_pair(1)
        gather(1, 1, 1)
        pltpu.sync_copy(zeros_hbm.at[pl.ds(r0, _RPT)],
                        acc.at[pl.ds(r0, _RPT)])
        plsc.subcore_barrier()

        def body(k, carry):
            gslot = lax.rem(k, 3)
            islot = lax.rem(k, 8)

            @pl.when(k + 2 < _CPT)
            def _():
                wait_pair(lax.rem(k + 2, 8))

            pltpu.make_async_copy(x_hbm.at[sidx.at[islot]],
                                  rows.at[gslot], gsem).wait()

            @pl.when(k > 0)
            def _():
                pltpu.make_async_copy(rows.at[gslot],
                                      acc.at[didx.at[islot]], ssem).wait()

            @pl.when(k + 2 < _CPT)
            def _():
                gather(k + 2, lax.rem(k + 2, 8), lax.rem(k + 2, 3))

            @pl.when(k + 4 < _CPT)
            def _():
                load_pair(k + 4, lax.rem(k + 4, 8))

            pltpu.async_copy(rows.at[gslot], acc.at[didx.at[islot]],
                             ssem, add=True)
            return carry

        lax.fori_loop(0, _CPT, body, 0)
        pltpu.make_async_copy(rows.at[0], acc.at[didx.at[0]], ssem).wait()
        plsc.subcore_barrier()
        pltpu.sync_copy(acc.at[pl.ds(r0, _RPT)],
                        out_hbm.at[c, pl.ds(r0, _RPT)])

    return spmm


@functools.cache
def _make_deg(width=_F):
    mesh = plsc.VectorSubcoreMesh(
        core_axis_name="c", subcore_axis_name="s",
        num_cores=_NCORE, num_subcores=_NSUB)

    @functools.partial(
        pl.kernel,
        out_type=jax.ShapeDtypeStruct((_NCORE, _NP, width), jnp.float32),
        mesh=mesh,
        scratch_types=[
            pltpu.VMEM((8, _DCHK), jnp.int32),
            pltpu.VMEM((_DCHK, width), jnp.float32),
            pltpu.VMEM_SHARED((_NP, width), jnp.float32),
            pltpu.SemaphoreType.DMA,
            pltpu.SemaphoreType.DMA,
        ],
    )
    def deg(dst_hbm, ones_hbm, zeros_hbm, out_hbm, didx, ones_v, acc,
            isem, ssem):
        c = lax.axis_index("c")
        s = lax.axis_index("s")
        wid = s * _NCORE + c
        r0 = s * _RPT
        pltpu.sync_copy(dst_hbm.at[wid, 0], didx.at[0])
        for j in (1, 2, 3):
            pltpu.async_copy(dst_hbm.at[wid, j], didx.at[j], isem)
        pltpu.sync_copy(zeros_hbm.at[pl.ds(r0, _RPT)],
                        acc.at[pl.ds(r0, _RPT)])
        pltpu.sync_copy(ones_hbm, ones_v)
        pltpu.make_async_copy(dst_hbm.at[wid, 0], didx.at[1], isem).wait()
        plsc.subcore_barrier()

        def body(k, carry):
            islot = lax.rem(k, 8)
            pltpu.async_copy(ones_v, acc.at[didx.at[islot]], ssem, add=True)

            @pl.when(k >= 3)
            def _():
                pltpu.make_async_copy(ones_v, acc.at[didx.at[islot]],
                                      ssem).wait()

            @pl.when(k + 4 < _DCPT)
            def _():
                pltpu.async_copy(dst_hbm.at[wid, k + 4],
                                 didx.at[lax.rem(k + 4, 8)], isem)

            @pl.when(k + 2 < _DCPT)
            def _():
                pltpu.make_async_copy(dst_hbm.at[wid, 0],
                                      didx.at[lax.rem(k + 2, 8)],
                                      isem).wait()

            return carry

        lax.fori_loop(0, _DCPT, body, 0)
        for _ in range(3):
            pltpu.make_async_copy(ones_v, acc.at[didx.at[0]], ssem).wait()
        plsc.subcore_barrier()
        pltpu.sync_copy(acc.at[pl.ds(r0, _RPT)],
                        out_hbm.at[c, pl.ds(r0, _RPT)])

    return deg


def _spmm(x_p, src3, dst3, zerosF):
    return _make_spmm()(x_p, src3, dst3, zerosF)


def _deg(dst3, onesD, zerosD, width=_F):
    return _make_deg(width)(dst3, onesD, zerosD)



def _row(i):
    return (i, 0)


def _fix(i):
    return (0, 0)


def _prow(i):
    return (0, i, 0)


def _prep_body(degp_ref, x_ref, c0_ref, b0_ref,
               xt_ref, t0_ref, inv_ref, s_ref):
    i = pl.program_id(0)
    deg = degp_ref[0, :, :_DW] + degp_ref[1, :, :_DW]
    deg = jnp.maximum(deg, 1.0)
    rows = lax.broadcasted_iota(jnp.int32, (_BR, _DW), 0) + i * _BR
    valid = rows < _N
    inv = jnp.where(valid, 1.0 / deg, 0.0)
    sq = jnp.where(valid, lax.rsqrt(deg), 0.0)
    inv_ref[...] = inv
    s_ref[...] = sq
    xt = x_ref[...] * c0_ref[...] + b0_ref[...]
    xt_ref[...] = xt
    t0_ref[...] = xt * inv[:, :1]


def _prep(degp, x_p, c0, b0):
    return pl.pallas_call(
        _prep_body,
        grid=(_GRID,),
        in_specs=[
            pl.BlockSpec((_NCORE, _BR, _F), _prow),
            pl.BlockSpec((_BR, _F), _row),
            pl.BlockSpec((1, _F), _fix),
            pl.BlockSpec((1, _F), _fix),
        ],
        out_specs=[
            pl.BlockSpec((_BR, _F), _row),
            pl.BlockSpec((_BR, _F), _row),
            pl.BlockSpec((_BR, _DW), _row),
            pl.BlockSpec((_BR, _DW), _row),
        ],
        out_shape=[
            jax.ShapeDtypeStruct((_NP, _F), jnp.float32),
            jax.ShapeDtypeStruct((_NP, _F), jnp.float32),
            jax.ShapeDtypeStruct((_NP, _DW), jnp.float32),
            jax.ShapeDtypeStruct((_NP, _DW), jnp.float32),
        ],
    )(degp, x_p, c0, b0)


def _comb_body(h_ref, p_ref, inv_ref, q_ref, t_ref):
    q = 0.5 * (h_ref[...] + p_ref[0] + p_ref[1])
    q_ref[...] = q
    t_ref[...] = q * inv_ref[:, :1]


def _comb(h, p, inv16):
    return pl.pallas_call(
        _comb_body,
        grid=(_GRID,),
        in_specs=[
            pl.BlockSpec((_BR, _F), _row),
            pl.BlockSpec((_NCORE, _BR, _F), _prow),
            pl.BlockSpec((_BR, _DW), _row),
        ],
        out_specs=[
            pl.BlockSpec((_BR, _F), _row),
            pl.BlockSpec((_BR, _F), _row),
        ],
        out_shape=[
            jax.ShapeDtypeStruct((_NP, _F), jnp.float32),
            jax.ShapeDtypeStruct((_NP, _F), jnp.float32),
        ],
    )(h, p, inv16)


def _attn_body(q1_ref, q2_ref, q3_ref, p4_ref, s_ref,
               wcat_ref, ba_ref, b4_ref, c1_ref, b1_ref, wg_ref, bg_ref,
               u_ref, us_ref):
    f32 = jnp.float32
    q1 = q1_ref[...]
    q2 = q2_ref[...]
    q3 = q3_ref[...]
    q4 = 0.5 * (q3 + p4_ref[0] + p4_ref[1])
    wcat = wcat_ref[...]
    ba = ba_ref[...]
    b4 = b4_ref[...]

    def chan(base, take_abs):
        ch = jnp.dot(base, wcat, preferred_element_type=f32)
        if take_abs:
            ch = jnp.abs(ch)
        e = jnp.dot(ch, ba, preferred_element_type=f32)
        e = jnp.where(e >= 0, e, 0.2 * e)
        return ch, e

    chs = []
    es = []
    for base, take_abs in ((q1, False), (q2, False), (q3, False),
                           (q1 - q2, True), (q2 - q4, True)):
        ch, e = chan(base, take_abs)
        chs.append(ch)
        es.append(e)

    m = es[0]
    for e in es[1:]:
        m = jnp.maximum(m, e)
    ws = [jnp.exp(e - m) for e in es]
    z = ws[0] + ws[1] + ws[2] + ws[3] + ws[4]
    o = jnp.zeros_like(chs[0])
    for ch, w in zip(chs, ws):
        alpha = w / z
        o = o + ch * jnp.dot(alpha, b4, preferred_element_type=f32)

    h1 = o * c1_ref[...] + b1_ref[...]
    h1 = jnp.maximum(h1, 0.0)
    u = jnp.dot(h1, wg_ref[...], preferred_element_type=f32) + bg_ref[...]
    u_ref[...] = u
    us_ref[...] = u * s_ref[:, :1]


def _attn(q1, q2, q3, p4, s16, wcat, ba, b4, c1, b1, wg2, bg2):
    fw = _NH * _F
    return pl.pallas_call(
        _attn_body,
        grid=(_GRID,),
        in_specs=[
            pl.BlockSpec((_BR, _F), _row),
            pl.BlockSpec((_BR, _F), _row),
            pl.BlockSpec((_BR, _F), _row),
            pl.BlockSpec((_NCORE, _BR, _F), _prow),
            pl.BlockSpec((_BR, _DW), _row),
            pl.BlockSpec((_F, fw), _fix),
            pl.BlockSpec((fw, _F), _fix),
            pl.BlockSpec((_F, fw), _fix),
            pl.BlockSpec((1, fw), _fix),
            pl.BlockSpec((1, fw), _fix),
            pl.BlockSpec((fw, _F), _fix),
            pl.BlockSpec((1, _F), _fix),
        ],
        out_specs=[
            pl.BlockSpec((_BR, _F), _row),
            pl.BlockSpec((_BR, _F), _row),
        ],
        out_shape=[
            jax.ShapeDtypeStruct((_NP, _F), jnp.float32),
            jax.ShapeDtypeStruct((_NP, _F), jnp.float32),
        ],
    )(q1, q2, q3, p4, s16, wcat, ba, b4, c1, b1, wg2, bg2)


def _final_body(u_ref, v_ref, s_ref, c3_ref, b3_ref, wfc_ref, bfc_ref,
                out_ref):
    agg = (v_ref[0] + v_ref[1]) * s_ref[:, :1]
    z = (_SM * agg + u_ref[...]) / (1.0 + _SM)
    z = z * c3_ref[...] + b3_ref[...]
    z = jnp.where(z >= 0, z, 0.01 * z)
    l = jnp.dot(z, wfc_ref[...], preferred_element_type=jnp.float32)
    l = l + bfc_ref[...]
    m = jnp.max(l, axis=1, keepdims=True)
    lse = jnp.log(jnp.sum(jnp.exp(l - m), axis=1, keepdims=True)) + m
    out_ref[...] = l - lse


def _final(u, v, s16, c3, b3, wfc_p, bfc_p):
    return pl.pallas_call(
        _final_body,
        grid=(_GRID,),
        in_specs=[
            pl.BlockSpec((_BR, _F), _row),
            pl.BlockSpec((_NCORE, _BR, _F), _prow),
            pl.BlockSpec((_BR, _DW), _row),
            pl.BlockSpec((1, _F), _fix),
            pl.BlockSpec((1, _F), _fix),
            pl.BlockSpec((_F, _F), _fix),
            pl.BlockSpec((1, _F), _fix),
        ],
        out_specs=pl.BlockSpec((_BR, _F), _row),
        out_shape=jax.ShapeDtypeStruct((_NP, _F), jnp.float32),
    )(u, v, s16, c3, b3, wfc_p, bfc_p)



def kernel(x, adj, W_att, a_att, g0, b0, g1, b1, g2, b2, g3, b3,
           Wg, bg, Wfc, bfc):
    f32 = jnp.float32
    fw = _NH * _F
    pad = _EP - _E
    padrows = _N + (jnp.arange(pad, dtype=jnp.int32) % (_NP - _N))
    srcflat = jnp.concatenate([adj[0], padrows])
    dstflat = jnp.concatenate([adj[1], padrows])
    src3 = srcflat.reshape(_NW, _CPT, _CHK)
    dst3 = dstflat.reshape(_NW, _CPT, _CHK)
    dstD = dstflat.reshape(_NW, _DCPT, _DCHK)
    x_p = jnp.pad(x, ((0, _NP - _N), (0, 0)))
    zerosF = jnp.zeros((_NP, _F), f32)
    onesF = jnp.ones((_DCHK, _F), f32)

    sc = 1.0 / jnp.sqrt(jnp.asarray(1.0 + _EPS, f32))
    c0 = (g0 * sc)[None]
    b0r = b0[None]
    wcat = jnp.transpose(W_att, (1, 0, 2)).reshape(_F, fw)
    ba = jnp.zeros((fw, _F), f32)
    for i in range(_NH):
        ba = ba.at[i * _F:(i + 1) * _F, i].set(a_att[i])
    b4 = jnp.zeros((_F, fw), f32)
    for i in range(_NH):
        b4 = b4.at[i, i * _F:(i + 1) * _F].set(1.0)
    c1 = jnp.tile(g1 * sc, _NH)[None]
    b1r = jnp.tile(b1, _NH)[None]
    wg2 = (g2 * sc)[:, None] * Wg
    bg2 = (b2 @ Wg + bg)[None]
    c3 = (g3 * sc)[None]
    b3r = b3[None]
    wfc_p = jnp.pad(Wfc, ((0, 0), (0, _F - _NCLS)))
    bfc_p = jnp.concatenate([bfc, jnp.full((_F - _NCLS,), -1e30, f32)])[None]

    degp = _deg(dstD, onesF, zerosF)
    xt, t0, inv16, s16 = _prep(degp, x_p, c0, b0r)
    p = _spmm(t0, src3, dst3, zerosF)
    q1, t1 = _comb(xt, p, inv16)
    p = _spmm(t1, src3, dst3, zerosF)
    q2, t2 = _comb(q1, p, inv16)
    p = _spmm(t2, src3, dst3, zerosF)
    q3, t3 = _comb(q2, p, inv16)
    p4 = _spmm(t3, src3, dst3, zerosF)
    u, us = _attn(q1, q2, q3, p4, s16, wcat, ba, b4, c1, b1r, wg2, bg2)
    v = _spmm(us, src3, dst3, zerosF)
    lp = _final(u, v, s16, c3, b3r, wfc_p, bfc_p)
    return lp[:_N, :_NCLS]

# --- scband reference (transcript-rebuilt; emitter-appended) ---
"""Pipeline reference for scband-sct-gat-ogbarxiv-42219528519789 (READ-ONLY COPY).

The authoritative reference and input builder live on the scoring server;
editing this copy changes nothing except your own understanding.
"""

import jax, jax.numpy as jnp
import numpy as np

N = 10000
E = 320000
NFEAT = 128
HID = 128
NHEADS = 4
NCLASS = 40
SMOO = 0.5
BN_EPS = 1e-5


def _bn(x, g, b):
    # eval-mode BatchNorm1d with fresh running stats (mean=0, var=1)
    return x / jnp.sqrt(1.0 + BN_EPS) * g + b


def _propagate(h, src, dst, inv_deg):
    # lazy random-walk step P h = 0.5*(I + A D^-1) h
    msg = h[src] * inv_deg[src][:, None]
    agg = jnp.zeros_like(h).at[dst].add(msg)
    return 0.5 * (h + agg)


def _sct_att(h0, src, dst, inv_deg, W, a):
    # ScattterAttentionLayer: 3 low-pass channels (P, P^2, P^3) + 2 scattering
    # wavelet channels psi_1 = |P h - P^2 h|, psi_2 = |P^2 h - P^4 h| (data_idx=[1,2]),
    # combined with node-wise attention over channels.
    h = h0 @ W
    p1 = _propagate(h, src, dst, inv_deg)
    p2 = _propagate(p1, src, dst, inv_deg)
    p3 = _propagate(p2, src, dst, inv_deg)
    p4 = _propagate(p3, src, dst, inv_deg)
    psi1 = jnp.abs(p1 - p2)
    psi2 = jnp.abs(p2 - p4)
    ch = jnp.stack([p1, p2, p3, psi1, psi2], axis=1)  # [N, 5, HID]
    e = jax.nn.leaky_relu(jnp.einsum('ncd,d->nc', ch, a), 0.2)
    alpha = jax.nn.softmax(e, axis=1)
    out = jnp.sum(ch * alpha[..., None], axis=1)
    return out, alpha


def _gcres(x, src, dst, w_sym, Wg, bg, smooth):
    # GC_withres: spmm(smooth*A_sym + I, x W + b) / (1 + smooth)
    support = x @ Wg + bg
    agg = jnp.zeros_like(support).at[dst].add(support[src] * w_sym[:, None])
    return (smooth * agg + support) / (1.0 + smooth)


def setup_inputs(seed: int = 0):
    key = jax.random.key(seed)
    ks = jax.random.split(key, 8)
    x = jax.random.normal(ks[0], (N, NFEAT), dtype=jnp.float32)
    adj = jax.random.randint(ks[1], (2, E), 0, N, dtype=jnp.int32)
    W_att = jax.random.normal(ks[2], (NHEADS, NFEAT, HID), dtype=jnp.float32) / np.sqrt(NFEAT)
    a_att = jax.random.normal(ks[3], (NHEADS, HID), dtype=jnp.float32) / np.sqrt(HID)
    Wg = jax.random.normal(ks[4], (HID * NHEADS, HID), dtype=jnp.float32) / np.sqrt(HID * NHEADS)
    bg = jnp.zeros((HID,), dtype=jnp.float32)
    Wfc = jax.random.normal(ks[5], (HID, NCLASS), dtype=jnp.float32) / np.sqrt(HID)
    bfc = jnp.zeros((NCLASS,), dtype=jnp.float32)
    return {
        'x': x, 'adj': adj,
        'W_att': W_att, 'a_att': a_att,
        'g0': jnp.ones((NFEAT,), jnp.float32), 'b0': jnp.zeros((NFEAT,), jnp.float32),
        'g1': jnp.ones((HID,), jnp.float32), 'b1': jnp.zeros((HID,), jnp.float32),
        'g2': jnp.ones((HID * NHEADS,), jnp.float32), 'b2': jnp.zeros((HID * NHEADS,), jnp.float32),
        'g3': jnp.ones((HID,), jnp.float32), 'b3': jnp.zeros((HID,), jnp.float32),
        'Wg': Wg, 'bg': bg, 'Wfc': Wfc, 'bfc': bfc,
    }


def reference(x, adj, W_att, a_att, g0, b0, g1, b1, g2, b2, g3, b3, Wg, bg, Wfc, bfc):
    src = adj[0]
    dst = adj[1]
    deg = jnp.zeros((N,), jnp.float32).at[dst].add(1.0)
    deg = jnp.maximum(deg, 1.0)
    inv_deg = 1.0 / deg
    w_sym = 1.0 / jnp.sqrt(deg[src] * deg[dst])
    h = _bn(x, g0, b0)  # dropout is identity in eval
    heads = []
    for i in range(NHEADS):
        o, _ = _sct_att(h, src, dst, inv_deg, W_att[i], a_att[i])
        heads.append(jax.nn.relu(_bn(o, g1, b1)))
    h = jnp.concatenate(heads, axis=1)
    h = _bn(h, g2, b2)
    h = _gcres(h, src, dst, w_sym, Wg, bg, SMOO)
    h = _bn(h, g3, b3)
    h = jax.nn.leaky_relu(h, 0.01)
    logits = h @ Wfc + bfc
    return jax.nn.log_softmax(logits, axis=1)

if __name__ == "__main__":
    import jax
    _d = setup_inputs()
    print(jax.jit(kernel)(*tuple(_d.values())))

</pallas_src>

<mosaic_0001>
#map = affine_map<(d0, d1) -> (0, 0)>
#map1 = affine_map<(d0, d1) -> (0, 0, 0)>
module attributes {stable_mosaic.version = 14 : i64} {
  func.func @spmm(%arg0: i32, %arg1: i32, %arg2: memref<10240x128xf32, #tpu.memory_space<hbm>>, %arg3: memref<32x106x96xi32, #tpu.memory_space<hbm>>, %arg4: memref<32x106x96xi32, #tpu.memory_space<hbm>>, %arg5: memref<10240x128xf32, #tpu.memory_space<hbm>>, %arg6: memref<2x10240x128xf32, #tpu.memory_space<hbm>>, %arg7: memref<8x96xi32, #tpu.memory_space<vmem>>, %arg8: memref<8x96xi32, #tpu.memory_space<vmem>>, %arg9: memref<3x96x128xf32, #tpu.memory_space<vmem>>, %arg10: memref<10240x128xf32, #tpu.memory_space<vmem_shared>>, %arg11: memref<!tpu.dma_semaphore, #tpu.memory_space<semaphore_mem>>, %arg12: memref<!tpu.dma_semaphore, #tpu.memory_space<semaphore_mem>>, %arg13: memref<!tpu.dma_semaphore, #tpu.memory_space<semaphore_mem>>) attributes {dimension_semantics = [#tpu.dimension_semantics<core_parallel>, #tpu.dimension_semantics<subcore_parallel>], iteration_bounds = array<i64: 2, 16>, scalar_prefetch = 0 : i64, scratch_operands = 7 : i64, tpu.core_type = #tpu.core_type<sc_vector_subcore>, window_params = [{transform_indices = #map}, {transform_indices = #map1}, {transform_indices = #map1}, {transform_indices = #map}, {transform_indices = #map1}]} {
    %mul3A = arith.constant 2 : i32
    %mul3A_0 = arith.muli %arg1, %mul3A : i32
    %add3A = arith.addi %mul3A_0, %arg0 : i32
    %mul3A_1 = arith.constant 640 : i32
    %mul3A_2 = arith.muli %arg1, %mul3A_1 : i32
    %run_scoped3A = arith.constant 0 : i32
    %run_scoped3A_3 = arith.constant 0 : i32
    "tpu.region"() ({
      %run_scoped3A_158 = tpu.sem_alloc : memref<!tpu.dma_semaphore, #tpu.memory_space<semaphore_mem>>
      %dma_start3A_159 = arith.constant 0 : i32
      %dma_start3A_160 = tpu.memref_slice %arg7[%run_scoped3A_3, %dma_start3A_159] : memref<8x96xi32, #tpu.memory_space<vmem>> -> memref<1x96xi32, #tpu.memory_space<vmem>>
      %dma_start3A_161 = tpu.memref_squeeze %dma_start3A_160 : memref<1x96xi32, #tpu.memory_space<vmem>> -> memref<96xi32, #tpu.memory_space<vmem>>
      %dma_start3A_162 = arith.constant 0 : i32
      %dma_start3A_163 = tpu.memref_slice %arg3[%add3A, %run_scoped3A, %dma_start3A_162] : memref<32x106x96xi32, #tpu.memory_space<hbm>> -> memref<1x1x96xi32, #tpu.memory_space<hbm>>
      %dma_start3A_164 = tpu.memref_squeeze %dma_start3A_163 : memref<1x1x96xi32, #tpu.memory_space<hbm>> -> memref<96xi32, #tpu.memory_space<hbm>>
      %dma_start3A_165 = arith.constant 0 : i32
      %dma_start3A_166 = tpu.memref_slice %arg7[%run_scoped3A_3, %dma_start3A_165] : memref<8x96xi32, #tpu.memory_space<vmem>> -> memref<1x96xi32, #tpu.memory_space<vmem>>
      %dma_start3A_167 = tpu.memref_squeeze %dma_start3A_166 : memref<1x96xi32, #tpu.memory_space<vmem>> -> memref<96xi32, #tpu.memory_space<vmem>>
      %dma_start3A_168 = arith.constant 0 : i32
      %dma_start3A_169 = tpu.memref_slice %arg3[%add3A, %run_scoped3A, %dma_start3A_168] : memref<32x106x96xi32, #tpu.memory_space<hbm>> -> memref<1x1x96xi32, #tpu.memory_space<hbm>>
      %dma_start3A_170 = tpu.memref_squeeze %dma_start3A_169 : memref<1x1x96xi32, #tpu.memory_space<hbm>> -> memref<96xi32, #tpu.memory_space<hbm>>
      tpu.enqueue_dma source(%dma_start3A_170 : memref<96xi32, #tpu.memory_space<hbm>>) target(%dma_start3A_167 : memref<96xi32, #tpu.memory_space<vmem>>) target_semaphore(%run_scoped3A_158 : memref<!tpu.dma_semaphore, #tpu.memory_space<semaphore_mem>>)
      %dma_wait3A_171 = arith.constant 0 : i32
      %dma_wait3A_172 = tpu.memref_slice %arg7[%run_scoped3A_3, %dma_wait3A_171] : memref<8x96xi32, #tpu.memory_space<vmem>> -> memref<1x96xi32, #tpu.memory_space<vmem>>
      %dma_wait3A_173 = tpu.memref_squeeze %dma_wait3A_172 : memref<1x96xi32, #tpu.memory_space<vmem>> -> memref<96xi32, #tpu.memory_space<vmem>>
      %dma_wait3A_174 = arith.constant 0 : i32
      %dma_wait3A_175 = tpu.memref_slice %arg3[%add3A, %run_scoped3A, %dma_wait3A_174] : memref<32x106x96xi32, #tpu.memory_space<hbm>> -> memref<1x1x96xi32, #tpu.memory_space<hbm>>
      %dma_wait3A_176 = tpu.memref_squeeze %dma_wait3A_175 : memref<1x1x96xi32, #tpu.memory_space<hbm>> -> memref<96xi32, #tpu.memory_space<hbm>>
      %dma_wait3A_177 = arith.constant 0 : i32
      %dma_wait3A_178 = tpu.memref_slice %arg7[%run_scoped3A_3, %dma_wait3A_177] : memref<8x96xi32, #tpu.memory_space<vmem>> -> memref<1x96xi32, #tpu.memory_space<vmem>>
      %dma_wait3A_179 = tpu.memref_squeeze %dma_wait3A_178 : memref<1x96xi32, #tpu.memory_space<vmem>> -> memref<96xi32, #tpu.memory_space<vmem>>
      %dma_wait3A_180 = arith.constant 0 : i32
      %dma_wait3A_181 = tpu.memref_slice %arg3[%add3A, %run_scoped3A, %dma_wait3A_180] : memref<32x106x96xi32, #tpu.memory_space<hbm>> -> memref<1x1x96xi32, #tpu.memory_space<hbm>>
      %dma_wait3A_182 = tpu.memref_squeeze %dma_wait3A_181 : memref<1x1x96xi32, #tpu.memory_space<hbm>> -> memref<96xi32, #tpu.memory_space<hbm>>
      tpu.wait_dma2 semaphore(%run_scoped3A_158 : memref<!tpu.dma_semaphore, #tpu.memory_space<semaphore_mem>>) src(%dma_wait3A_182 : memref<96xi32, #tpu.memory_space<hbm>>) dst(%dma_wait3A_179 : memref<96xi32, #tpu.memory_space<vmem>>)
      tpu.yield
    }) : () -> ()
    %run_scoped3A_4 = arith.constant 0 : i32
    %run_scoped3A_5 = arith.constant 0 : i32
    "tpu.region"() ({
      %run_scoped3A_158 = tpu.sem_alloc : memref<!tpu.dma_semaphore, #tpu.memory_space<semaphore_mem>>
      %dma_start3A_159 = arith.constant 0 : i32
      %dma_start3A_160 = tpu.memref_slice %arg8[%run_scoped3A_5, %dma_start3A_159] : memref<8x96xi32, #tpu.memory_space<vmem>> -> memref<1x96xi32, #tpu.memory_space<vmem>>
      %dma_start3A_161 = tpu.memref_squeeze %dma_start3A_160 : memref<1x96xi32, #tpu.memory_space<vmem>> -> memref<96xi32, #tpu.memory_space<vmem>>
      %dma_start3A_162 = arith.constant 0 : i32
      %dma_start3A_163 = tpu.memref_slice %arg4[%add3A, %run_scoped3A_4, %dma_start3A_162] : memref<32x106x96xi32, #tpu.memory_space<hbm>> -> memref<1x1x96xi32, #tpu.memory_space<hbm>>
      %dma_start3A_164 = tpu.memref_squeeze %dma_start3A_163 : memref<1x1x96xi32, #tpu.memory_space<hbm>> -> memref<96xi32, #tpu.memory_space<hbm>>
      %dma_start3A_165 = arith.constant 0 : i32
      %dma_start3A_166 = tpu.memref_slice %arg8[%run_scoped3A_5, %dma_start3A_165] : memref<8x96xi32, #tpu.memory_space<vmem>> -> memref<1x96xi32, #tpu.memory_space<vmem>>
      %dma_start3A_167 = tpu.memref_squeeze %dma_start3A_166 : memref<1x96xi32, #tpu.memory_space<vmem>> -> memref<96xi32, #tpu.memory_space<vmem>>
      %dma_start3A_168 = arith.constant 0 : i32
      %dma_start3A_169 = tpu.memref_slice %arg4[%add3A, %run_scoped3A_4, %dma_start3A_168] : memref<32x106x96xi32, #tpu.memory_space<hbm>> -> memref<1x1x96xi32, #tpu.memory_space<hbm>>
      %dma_start3A_170 = tpu.memref_squeeze %dma_start3A_169 : memref<1x1x96xi32, #tpu.memory_space<hbm>> -> memref<96xi32, #tpu.memory_space<hbm>>
      tpu.enqueue_dma source(%dma_start3A_170 : memref<96xi32, #tpu.memory_space<hbm>>) target(%dma_start3A_167 : memref<96xi32, #tpu.memory_space<vmem>>) target_semaphore(%run_scoped3A_158 : memref<!tpu.dma_semaphore, #tpu.memory_space<semaphore_mem>>)
      %dma_wait3A_171 = arith.constant 0 : i32
      %dma_wait3A_172 = tpu.memref_slice %arg8[%run_scoped3A_5, %dma_wait3A_171] : memref<8x96xi32, #tpu.memory_space<vmem>> -> memref<1x96xi32, #tpu.memory_space<vmem>>
      %dma_wait3A_173 = tpu.memref_squeeze %dma_wait3A_172 : memref<1x96xi32, #tpu.memory_space<vmem>> -> memref<96xi32, #tpu.memory_space<vmem>>
      %dma_wait3A_174 = arith.constant 0 : i32
      %dma_wait3A_175 = tpu.memref_slice %arg4[%add3A, %run_scoped3A_4, %dma_wait3A_174] : memref<32x106x96xi32, #tpu.memory_space<hbm>> -> memref<1x1x96xi32, #tpu.memory_space<hbm>>
      %dma_wait3A_176 = tpu.memref_squeeze %dma_wait3A_175 : memref<1x1x96xi32, #tpu.memory_space<hbm>> -> memref<96xi32, #tpu.memory_space<hbm>>
      %dma_wait3A_177 = arith.constant 0 : i32
      %dma_wait3A_178 = tpu.memref_slice %arg8[%run_scoped3A_5, %dma_wait3A_177] : memref<8x96xi32, #tpu.memory_space<vmem>> -> memref<1x96xi32, #tpu.memory_space<vmem>>
      %dma_wait3A_179 = tpu.memref_squeeze %dma_wait3A_178 : memref<1x96xi32, #tpu.memory_space<vmem>> -> memref<96xi32, #tpu.memory_space<vmem>>
      %dma_wait3A_180 = arith.constant 0 : i32
      %dma_wait3A_181 = tpu.memref_slice %arg4[%add3A, %run_scoped3A_4, %dma_wait3A_180] : memref<32x106x96xi32, #tpu.memory_space<hbm>> -> memref<1x1x96xi32, #tpu.memory_space<hbm>>
      %dma_wait3A_182 = tpu.memref_squeeze %dma_wait3A_181 : memref<1x1x96xi32, #tpu.memory_space<hbm>> -> memref<96xi32, #tpu.memory_space<hbm>>
      tpu.wait_dma2 semaphore(%run_scoped3A_158 : memref<!tpu.dma_semaphore, #tpu.memory_space<semaphore_mem>>) src(%dma_wait3A_182 : memref<96xi32, #tpu.memory_space<hbm>>) dst(%dma_wait3A_179 : memref<96xi32, #tpu.memory_space<vmem>>)
      tpu.yield
    }) : () -> ()
    %dma_start3A = arith.constant 1 : i32
    %dma_start3A_6 = arith.constant 1 : i32
    %dma_start3A_7 = arith.constant 0 : i32
    %dma_start3A_8 = tpu.memref_slice %arg7[%dma_start3A_6, %dma_start3A_7] : memref<8x96xi32, #tpu.memory_space<vmem>> -> memref<1x96xi32, #tpu.memory_space<vmem>>
    %dma_start3A_9 = tpu.memref_squeeze %dma_start3A_8 : memref<1x96xi32, #tpu.memory_space<vmem>> -> memref<96xi32, #tpu.memory_space<vmem>>
    %dma_start3A_10 = arith.constant 0 : i32
    %dma_start3A_11 = tpu.memref_slice %arg3[%add3A, %dma_start3A, %dma_start3A_10] : memref<32x106x96xi32, #tpu.memory_space<hbm>> -> memref<1x1x96xi32, #tpu.memory_space<hbm>>
    %dma_start3A_12 = tpu.memref_squeeze %dma_start3A_11 : memref<1x1x96xi32, #tpu.memory_space<hbm>> -> memref<96xi32, #tpu.memory_space<hbm>>
    %dma_start3A_13 = arith.constant 0 : i32
    %dma_start3A_14 = tpu.memref_slice %arg7[%dma_start3A_6, %dma_start3A_13] : memref<8x96xi32, #tpu.memory_space<vmem>> -> memref<1x96xi32, #tpu.memory_space<vmem>>
    %dma_start3A_15 = tpu.memref_squeeze %dma_start3A_14 : memref<1x96xi32, #tpu.memory_space<vmem>> -> memref<96xi32, #tpu.memory_space<vmem>>
    %dma_start3A_16 = arith.constant 0 : i32
    %dma_start3A_17 = tpu.memref_slice %arg3[%add3A, %dma_start3A, %dma_start3A_16] : memref<32x106x96xi32, #tpu.memory_space<hbm>> -> memref<1x1x96xi32, #tpu.memory_space<hbm>>
    %dma_start3A_18 = tpu.memref_squeeze %dma_start3A_17 : memref<1x1x96xi32, #tpu.memory_space<hbm>> -> memref<96xi32, #tpu.memory_space<hbm>>
    tpu.enqueue_dma source(%dma_start3A_18 : memref<96xi32, #tpu.memory_space<hbm>>) target(%dma_start3A_15 : memref<96xi32, #tpu.memory_space<vmem>>) target_semaphore(%arg11 : memref<!tpu.dma_semaphore, #tpu.memory_space<semaphore_mem>>)
    %dma_start3A_19 = arith.constant 1 : i32
    %dma_start3A_20 = arith.constant 1 : i32
    %dma_start3A_21 = arith.constant 0 : i32
    %dma_start3A_22 = tpu.memref_slice %arg8[%dma_start3A_20, %dma_start3A_21] : memref<8x96xi32, #tpu.memory_space<vmem>> -> memref<1x96xi32, #tpu.memory_space<vmem>>
    %dma_start3A_23 = tpu.memref_squeeze %dma_start3A_22 : memref<1x96xi32, #tpu.memory_space<vmem>> -> memref<96xi32, #tpu.memory_space<vmem>>
    %dma_start3A_24 = arith.constant 0 : i32
    %dma_start3A_25 = tpu.memref_slice %arg4[%add3A, %dma_start3A_19, %dma_start3A_24] : memref<32x106x96xi32, #tpu.memory_space<hbm>> -> memref<1x1x96xi32, #tpu.memory_space<hbm>>
    %dma_start3A_26 = tpu.memref_squeeze %dma_start3A_25 : memref<1x1x96xi32, #tpu.memory_space<hbm>> -> memref<96xi32, #tpu.memory_space<hbm>>
    %dma_start3A_27 = arith.constant 0 : i32
    %dma_start3A_28 = tpu.memref_slice %arg8[%dma_start3A_20, %dma_start3A_27] : memref<8x96xi32, #tpu.memory_space<vmem>> -> memref<1x96xi32, #tpu.memory_space<vmem>>
    %dma_start3A_29 = tpu.memref_squeeze %dma_start3A_28 : memref<1x96xi32, #tpu.memory_space<vmem>> -> memref<96xi32, #tpu.memory_space<vmem>>
    %dma_start3A_30 = arith.constant 0 : i32
    %dma_start3A_31 = tpu.memref_slice %arg4[%add3A, %dma_start3A_19, %dma_start3A_30] : memref<32x106x96xi32, #tpu.memory_space<hbm>> -> memref<1x1x96xi32, #tpu.memory_space<hbm>>
    %dma_start3A_32 = tpu.memref_squeeze %dma_start3A_31 : memref<1x1x96xi32, #tpu.memory_space<hbm>> -> memref<96xi32, #tpu.memory_space<hbm>>
    tpu.enqueue_dma source(%dma_start3A_32 : memref<96xi32, #tpu.memory_space<hbm>>) target(%dma_start3A_29 : memref<96xi32, #tpu.memory_space<vmem>>) target_semaphore(%arg11 : memref<!tpu.dma_semaphore, #tpu.memory_space<semaphore_mem>>)
    %dma_start3A_33 = arith.constant 2 : i32
    %dma_start3A_34 = arith.constant 2 : i32
    %dma_start3A_35 = arith.constant 0 : i32
    %dma_start3A_36 = tpu.memref_slice %arg7[%dma_start3A_34, %dma_start3A_35] : memref<8x96xi32, #tpu.memory_space<vmem>> -> memref<1x96xi32, #tpu.memory_space<vmem>>
    %dma_start3A_37 = tpu.memref_squeeze %dma_start3A_36 : memref<1x96xi32, #tpu.memory_space<vmem>> -> memref<96xi32, #tpu.memory_space<vmem>>
    %dma_start3A_38 = arith.constant 0 : i32
    %dma_start3A_39 = tpu.memref_slice %arg3[%add3A, %dma_start3A_33, %dma_start3A_38] : memref<32x106x96xi32, #tpu.memory_space<hbm>> -> memref<1x1x96xi32, #tpu.memory_space<hbm>>
    %dma_start3A_40 = tpu.memref_squeeze %dma_start3A_39 : memref<1x1x96xi32, #tpu.memory_space<hbm>> -> memref<96xi32, #tpu.memory_space<hbm>>
    %dma_start3A_41 = arith.constant 0 : i32
    %dma_start3A_42 = tpu.memref_slice %arg7[%dma_start3A_34, %dma_start3A_41] : memref<8x96xi32, #tpu.memory_space<vmem>> -> memref<1x96xi32, #tpu.memory_space<vmem>>
    %dma_start3A_43 = tpu.memref_squeeze %dma_start3A_42 : memref<1x96xi32, #tpu.memory_space<vmem>> -> memref<96xi32, #tpu.memory_space<vmem>>
    %dma_start3A_44 = arith.constant 0 : i32
    %dma_start3A_45 = tpu.memref_slice %arg3[%add3A, %dma_start3A_33, %dma_start3A_44] : memref<32x106x96xi32, #tpu.memory_space<hbm>> -> memref<1x1x96xi32, #tpu.memory_space<hbm>>
    %dma_start3A_46 = tpu.memref_squeeze %dma_start3A_45 : memref<1x1x96xi32, #tpu.memory_space<hbm>> -> memref<96xi32, #tpu.memory_space<hbm>>
    tpu.enqueue_dma source(%dma_start3A_46 : memref<96xi32, #tpu.memory_space<hbm>>) target(%dma_start3A_43 : memref<96xi32, #tpu.memory_space<vmem>>) target_semaphore(%arg11 : memref<!tpu.dma_semaphore, #tpu.memory_space<semaphore_mem>>)
    %dma_start3A_47 = arith.constant 2 : i32
    %dma_start3A_48 = arith.constant 2 : i32
    %dma_start3A_49 = arith.constant 0 : i32
    %dma_start3A_50 = tpu.memref_slice %arg8[%dma_start3A_48, %dma_start3A_49] : memref<8x96xi32, #tpu.memory_space<vmem>> -> memref<1x96xi32, #tpu.memory_space<vmem>>
    %dma_start3A_51 = tpu.memref_squeeze %dma_start3A_50 : memref<1x96xi32, #tpu.memory_space<vmem>> -> memref<96xi32, #tpu.memory_space<vmem>>
    %dma_start3A_52 = arith.constant 0 : i32
    %dma_start3A_53 = tpu.memref_slice %arg4[%add3A, %dma_start3A_47, %dma_start3A_52] : memref<32x106x96xi32, #tpu.memory_space<hbm>> -> memref<1x1x96xi32, #tpu.memory_space<hbm>>
    %dma_start3A_54 = tpu.memref_squeeze %dma_start3A_53 : memref<1x1x96xi32, #tpu.memory_space<hbm>> -> memref<96xi32, #tpu.memory_space<hbm>>
    %dma_start3A_55 = arith.constant 0 : i32
    %dma_start3A_56 = tpu.memref_slice %arg8[%dma_start3A_48, %dma_start3A_55] : memref<8x96xi32, #tpu.memory_space<vmem>> -> memref<1x96xi32, #tpu.memory_space<vmem>>
    %dma_start3A_57 = tpu.memref_squeeze %dma_start3A_56 : memref<1x96xi32, #tpu.memory_space<vmem>> -> memref<96xi32, #tpu.memory_space<vmem>>
    %dma_start3A_58 = arith.constant 0 : i32
    %dma_start3A_59 = tpu.memref_slice %arg4[%add3A, %dma_start3A_47, %dma_start3A_58] : memref<32x106x96xi32, #tpu.memory_space<hbm>> -> memref<1x1x96xi32, #tpu.memory_space<hbm>>
    %dma_start3A_60 = tpu.memref_squeeze %dma_start3A_59 : memref<1x1x96xi32, #tpu.memory_space<hbm>> -> memref<96xi32, #tpu.memory_space<hbm>>
    tpu.enqueue_dma source(%dma_start3A_60 : memref<96xi32, #tpu.memory_space<hbm>>) target(%dma_start3A_57 : memref<96xi32, #tpu.memory_space<vmem>>) target_semaphore(%arg11 : memref<!tpu.dma_semaphore, #tpu.memory_space<semaphore_mem>>)
    %dma_start3A_61 = arith.constant 3 : i32
    %dma_start3A_62 = arith.constant 3 : i32
    %dma_start3A_63 = arith.constant 0 : i32
    %dma_start3A_64 = tpu.memref_slice %arg7[%dma_start3A_62, %dma_start3A_63] : memref<8x96xi32, #tpu.memory_space<vmem>> -> memref<1x96xi32, #tpu.memory_space<vmem>>
    %dma_start3A_65 = tpu.memref_squeeze %dma_start3A_64 : memref<1x96xi32, #tpu.memory_space<vmem>> -> memref<96xi32, #tpu.memory_space<vmem>>
    %dma_start3A_66 = arith.constant 0 : i32
    %dma_start3A_67 = tpu.memref_slice %arg3[%add3A, %dma_start3A_61, %dma_start3A_66] : memref<32x106x96xi32, #tpu.memory_space<hbm>> -> memref<1x1x96xi32, #tpu.memory_space<hbm>>
    %dma_start3A_68 = tpu.memref_squeeze %dma_start3A_67 : memref<1x1x96xi32, #tpu.memory_space<hbm>> -> memref<96xi32, #tpu.memory_space<hbm>>
    %dma_start3A_69 = arith.constant 0 : i32
    %dma_start3A_70 = tpu.memref_slice %arg7[%dma_start3A_62, %dma_start3A_69] : memref<8x96xi32, #tpu.memory_space<vmem>> -> memref<1x96xi32, #tpu.memory_space<vmem>>
    %dma_start3A_71 = tpu.memref_squeeze %dma_start3A_70 : memref<1x96xi32, #tpu.memory_space<vmem>> -> memref<96xi32, #tpu.memory_space<vmem>>
    %dma_start3A_72 = arith.constant 0 : i32
    %dma_start3A_73 = tpu.memref_slice %arg3[%add3A, %dma_start3A_61, %dma_start3A_72] : memref<32x106x96xi32, #tpu.memory_space<hbm>> -> memref<1x1x96xi32, #tpu.memory_space<hbm>>
    %dma_start3A_74 = tpu.memref_squeeze %dma_start3A_73 : memref<1x1x96xi32, #tpu.memory_space<hbm>> -> memref<96xi32, #tpu.memory_space<hbm>>
    tpu.enqueue_dma source(%dma_start3A_74 : memref<96xi32, #tpu.memory_space<hbm>>) target(%dma_start3A_71 : memref<96xi32, #tpu.memory_space<vmem>>) target_semaphore(%arg11 : memref<!tpu.dma_semaphore, #tpu.memory_space<semaphore_mem>>)
    %dma_start3A_75 = arith.constant 3 : i32
    %dma_start3A_76 = arith.constant 3 : i32
    %dma_start3A_77 = arith.constant 0 : i32
    %dma_start3A_78 = tpu.memref_slice %arg8[%dma_start3A_76, %dma_start3A_77] : memref<8x96xi32, #tpu.memory_space<vmem>> -> memref<1x96xi32, #tpu.memory_space<vmem>>
    %dma_start3A_79 = tpu.memref_squeeze %dma_start3A_78 : memref<1x96xi32, #tpu.memory_space<vmem>> -> memref<96xi32, #tpu.memory_space<vmem>>
    %dma_start3A_80 = arith.constant 0 : i32
    %dma_start3A_81 = tpu.memref_slice %arg4[%add3A, %dma_start3A_75, %dma_start3A_80] : memref<32x106x96xi32, #tpu.memory_space<hbm>> -> memref<1x1x96xi32, #tpu.memory_space<hbm>>
    %dma_start3A_82 = tpu.memref_squeeze %dma_start3A_81 : memref<1x1x96xi32, #tpu.memory_space<hbm>> -> memref<96xi32, #tpu.memory_space<hbm>>
    %dma_start3A_83 = arith.constant 0 : i32
    %dma_start3A_84 = tpu.memref_slice %arg8[%dma_start3A_76, %dma_start3A_83] : memref<8x96xi32, #tpu.memory_space<vmem>> -> memref<1x96xi32, #tpu.memory_space<vmem>>
    %dma_start3A_85 = tpu.memref_squeeze %dma_start3A_84 : memref<1x96xi32, #tpu.memory_space<vmem>> -> memref<96xi32, #tpu.memory_space<vmem>>
    %dma_start3A_86 = arith.constant 0 : i32
    %dma_start3A_87 = tpu.memref_slice %arg4[%add3A, %dma_start3A_75, %dma_start3A_86] : memref<32x106x96xi32, #tpu.memory_space<hbm>> -> memref<1x1x96xi32, #tpu.memory_space<hbm>>
    %dma_start3A_88 = tpu.memref_squeeze %dma_start3A_87 : memref<1x1x96xi32, #tpu.memory_space<hbm>> -> memref<96xi32, #tpu.memory_space<hbm>>
    tpu.enqueue_dma source(%dma_start3A_88 : memref<96xi32, #tpu.memory_space<hbm>>) target(%dma_start3A_85 : memref<96xi32, #tpu.memory_space<vmem>>) target_semaphore(%arg11 : memref<!tpu.dma_semaphore, #tpu.memory_space<semaphore_mem>>)
    %dma_start3A_89 = arith.constant 0 : i32
    %dma_start3A_90 = arith.constant 0 : i32
    %dma_start3A_91 = arith.constant 0 : i32
    %dma_start3A_92 = arith.constant 0 : i32
    %dma_start3A_93 = tpu.memref_slice %arg9[%dma_start3A_90, %dma_start3A_91, %dma_start3A_92] : memref<3x96x128xf32, #tpu.memory_space<vmem>> -> memref<1x96x128xf32, #tpu.memory_space<vmem>>
    %dma_start3A_94 = tpu.memref_squeeze %dma_start3A_93 : memref<1x96x128xf32, #tpu.memory_space<vmem>> -> memref<96x128xf32, #tpu.memory_space<vmem>>
    %dma_start3A_95 = arith.constant 0 : i32
    %dma_start3A_96 = tpu.memref_slice %arg7[%dma_start3A_89, %dma_start3A_95] : memref<8x96xi32, #tpu.memory_space<vmem>> -> memref<1x96xi32, #tpu.memory_space<vmem>>
    %dma_start3A_97 = tpu.memref_squeeze %dma_start3A_96 : memref<1x96xi32, #tpu.memory_space<vmem>> -> memref<96xi32, #tpu.memory_space<vmem>>
    %dma_start3A_98 = arith.constant 0 : i32
    %dma_start3A_99 = arith.constant 0 : i32
    %dma_start3A_100 = tpu.memref_slice %arg2[%dma_start3A_98, %dma_start3A_99] : memref<10240x128xf32, #tpu.memory_space<hbm>> -> memref<10240x128xf32, #tpu.memory_space<hbm>>
    tpu.enqueue_indirect_dma source(%dma_start3A_100 : memref<10240x128xf32, #tpu.memory_space<hbm>>) target(%dma_start3A_94 : memref<96x128xf32, #tpu.memory_space<vmem>>) offsets(%dma_start3A_97 : memref<96xi32, #tpu.memory_space<vmem>>) semaphore(%arg12 : memref<!tpu.dma_semaphore, #tpu.memory_space<semaphore_mem>>)
    %dma_wait3A = arith.constant 0 : i32
    %dma_wait3A_101 = arith.constant 1 : i32
    %dma_wait3A_102 = arith.constant 0 : i32
    %dma_wait3A_103 = tpu.memref_slice %arg7[%dma_wait3A_101, %dma_wait3A_102] : memref<8x96xi32, #tpu.memory_space<vmem>> -> memref<1x96xi32, #tpu.memory_space<vmem>>
    %dma_wait3A_104 = tpu.memref_squeeze %dma_wait3A_103 : memref<1x96xi32, #tpu.memory_space<vmem>> -> memref<96xi32, #tpu.memory_space<vmem>>
    %dma_wait3A_105 = arith.constant 0 : i32
    %dma_wait3A_106 = tpu.memref_slice %arg3[%add3A, %dma_wait3A, %dma_wait3A_105] : memref<32x106x96xi32, #tpu.memory_space<hbm>> -> memref<1x1x96xi32, #tpu.memory_space<hbm>>
    %dma_wait3A_107 = tpu.memref_squeeze %dma_wait3A_106 : memref<1x1x96xi32, #tpu.memory_space<hbm>> -> memref<96xi32, #tpu.memory_space<hbm>>
    %dma_wait3A_108 = arith.constant 0 : i32
    %dma_wait3A_109 = tpu.memref_slice %arg7[%dma_wait3A_101, %dma_wait3A_108] : memref<8x96xi32, #tpu.memory_space<vmem>> -> memref<1x96xi32, #tpu.memory_space<vmem>>
    %dma_wait3A_110 = tpu.memref_squeeze %dma_wait3A_109 : memref<1x96xi32, #tpu.memory_space<vmem>> -> memref<96xi32, #tpu.memory_space<vmem>>
    %dma_wait3A_111 = arith.constant 0 : i32
    %dma_wait3A_112 = tpu.memref_slice %arg3[%add3A, %dma_wait3A, %dma_wait3A_111] : memref<32x106x96xi32, #tpu.memory_space<hbm>> -> memref<1x1x96xi32, #tpu.memory_space<hbm>>
    %dma_wait3A_113 = tpu.memref_squeeze %dma_wait3A_112 : memref<1x1x96xi32, #tpu.memory_space<hbm>> -> memref<96xi32, #tpu.memory_space<hbm>>
    tpu.wait_dma2 semaphore(%arg11 : memref<!tpu.dma_semaphore, #tpu.memory_space<semaphore_mem>>) src(%dma_wait3A_113 : memref<96xi32, #tpu.memory_space<hbm>>) dst(%dma_wait3A_110 : memref<96xi32, #tpu.memory_space<vmem>>)
    %dma_wait3A_114 = arith.constant 0 : i32
    %dma_wait3A_115 = arith.constant 1 : i32
    %dma_wait3A_116 = arith.constant 0 : i32
    %dma_wait3A_117 = tpu.memref_slice %arg8[%dma_wait3A_115, %dma_wait3A_116] : memref<8x96xi32, #tpu.memory_space<vmem>> -> memref<1x96xi32, #tpu.memory_space<vmem>>
    %dma_wait3A_118 = tpu.memref_squeeze %dma_wait3A_117 : memref<1x96xi32, #tpu.memory_space<vmem>> -> memref<96xi32, #tpu.memory_space<vmem>>
    %dma_wait3A_119 = arith.constant 0 : i32
    %dma_wait3A_120 = tpu.memref_slice %arg4[%add3A, %dma_wait3A_114, %dma_wait3A_119] : memref<32x106x96xi32, #tpu.memory_space<hbm>> -> memref<1x1x96xi32, #tpu.memory_space<hbm>>
    %dma_wait3A_121 = tpu.memref_squeeze %dma_wait3A_120 : memref<1x1x96xi32, #tpu.memory_space<hbm>> -> memref<96xi32, #tpu.memory_space<hbm>>
    %dma_wait3A_122 = arith.constant 0 : i32
    %dma_wait3A_123 = tpu.memref_slice %arg8[%dma_wait3A_115, %dma_wait3A_122] : memref<8x96xi32, #tpu.memory_space<vmem>> -> memref<1x96xi32, #tpu.memory_space<vmem>>
    %dma_wait3A_124 = tpu.memref_squeeze %dma_wait3A_123 : memref<1x96xi32, #tpu.memory_space<vmem>> -> memref<96xi32, #tpu.memory_space<vmem>>
    %dma_wait3A_125 = arith.constant 0 : i32
    %dma_wait3A_126 = tpu.memref_slice %arg4[%add3A, %dma_wait3A_114, %dma_wait3A_125] : memref<32x106x96xi32, #tpu.memory_space<hbm>> -> memref<1x1x96xi32, #tpu.memory_space<hbm>>
    %dma_wait3A_127 = tpu.memref_squeeze %dma_wait3A_126 : memref<1x1x96xi32, #tpu.memory_space<hbm>> -> memref<96xi32, #tpu.memory_space<hbm>>
    tpu.wait_dma2 semaphore(%arg11 : memref<!tpu.dma_semaphore, #tpu.memory_space<semaphore_mem>>) src(%dma_wait3A_127 : memref<96xi32, #tpu.memory_space<hbm>>) dst(%dma_wait3A_124 : memref<96xi32, #tpu.memory_space<vmem>>)
    %dma_start3A_128 = arith.constant 1 : i32
    %dma_start3A_129 = arith.constant 1 : i32
    %dma_start3A_130 = arith.constant 0 : i32
    %dma_start3A_131 = arith.constant 0 : i32
    %dma_start3A_132 = tpu.memref_slice %arg9[%dma_start3A_129, %dma_start3A_130, %dma_start3A_131] : memref<3x96x128xf32, #tpu.memory_space<vmem>> -> memref<1x96x128xf32, #tpu.memory_space<vmem>>
    %dma_start3A_133 = tpu.memref_squeeze %dma_start3A_132 : memref<1x96x128xf32, #tpu.memory_space<vmem>> -> memref<96x128xf32, #tpu.memory_space<vmem>>
    %dma_start3A_134 = arith.constant 0 : i32
    %dma_start3A_135 = tpu.memref_slice %arg7[%dma_start3A_128, %dma_start3A_134] : memref<8x96xi32, #tpu.memory_space<vmem>> -> memref<1x96xi32, #tpu.memory_space<vmem>>
    %dma_start3A_136 = tpu.memref_squeeze %dma_start3A_135 : memref<1x96xi32, #tpu.memory_space<vmem>> -> memref<96xi32, #tpu.memory_space<vmem>>
    %dma_start3A_137 = arith.constant 0 : i32
    %dma_start3A_138 = arith.constant 0 : i32
    %dma_start3A_139 = tpu.memref_slice %arg2[%dma_start3A_137, %dma_start3A_138] : memref<10240x128xf32, #tpu.memory_space<hbm>> -> memref<10240x128xf32, #tpu.memory_space<hbm>>
    tpu.enqueue_indirect_dma source(%dma_start3A_139 : memref<10240x128xf32, #tpu.memory_space<hbm>>) target(%dma_start3A_133 : memref<96x128xf32, #tpu.memory_space<vmem>>) offsets(%dma_start3A_136 : memref<96xi32, #tpu.memory_space<vmem>>) semaphore(%arg12 : memref<!tpu.dma_semaphore, #tpu.memory_space<semaphore_mem>>)
    "tpu.region"() ({
      %run_scoped3A_158 = tpu.sem_alloc : memref<!tpu.dma_semaphore, #tpu.memory_space<semaphore_mem>>
      %dma_start3A_159 = arith.constant 0 : i32
      %dma_start3A_160 = tpu.memref_slice %arg10[%mul3A_2, %dma_start3A_159] : memref<10240x128xf32, #tpu.memory_space<vmem_shared>> -> memref<640x128xf32, #tpu.memory_space<vmem_shared>>
      %dma_start3A_161 = arith.constant 0 : i32
      %dma_start3A_162 = tpu.memref_slice %arg5[%mul3A_2, %dma_start3A_161] : memref<10240x128xf32, #tpu.memory_space<hbm>> -> memref<640x128xf32, #tpu.memory_space<hbm>>
      tpu.enqueue_dma source(%dma_start3A_162 : memref<640x128xf32, #tpu.memory_space<hbm>>) target(%dma_start3A_160 : memref<640x128xf32, #tpu.memory_space<vmem_shared>>) target_semaphore(%run_scoped3A_158 : memref<!tpu.dma_semaphore, #tpu.memory_space<semaphore_mem>>)
      %dma_wait3A_163 = arith.constant 0 : i32
      %dma_wait3A_164 = tpu.memref_slice %arg10[%mul3A_2, %dma_wait3A_163] : memref<10240x128xf32, #tpu.memory_space<vmem_shared>> -> memref<640x128xf32, #tpu.memory_space<vmem_shared>>
      %dma_wait3A_165 = arith.constant 0 : i32
      %dma_wait3A_166 = tpu.memref_slice %arg5[%mul3A_2, %dma_wait3A_165] : memref<10240x128xf32, #tpu.memory_space<hbm>> -> memref<640x128xf32, #tpu.memory_space<hbm>>
      tpu.wait_dma2 semaphore(%run_scoped3A_158 : memref<!tpu.dma_semaphore, #tpu.memory_space<semaphore_mem>>) src(%dma_wait3A_166 : memref<640x128xf32, #tpu.memory_space<hbm>>) dst(%dma_wait3A_164 : memref<640x128xf32, #tpu.memory_space<vmem_shared>>)
      tpu.yield
    }) : () -> ()
    %barrier3A = arith.constant 0 : index
    tpu.barrier barrier_id(%barrier3A)
    %scan3A = arith.constant 0 : i32
    %scan3A_140 = arith.constant 0 : i32
    %scan3A_141 = arith.constant 106 : i32
    %scan3A_142 = arith.addi %scan3A_140, %scan3A_141 : i32
    %scan3A_143 = arith.constant 1 : i32
    scf.for %scan3A_158 = %scan3A_140 to %scan3A_142 step %scan3A_143  : i32 {
      %rem3A = arith.constant 3 : i32
      %rem3A_159 = arith.remsi %scan3A_158, %rem3A : i32
      %rem3A_160 = arith.constant 8 : i32
      %rem3A_161 = arith.remsi %scan3A_158, %rem3A_160 : i32
      %add3A_162 = arith.constant 2 : i32
      %add3A_163 = arith.addi %scan3A_158, %add3A_162 : i32
      %lt3A = arith.constant 106 : i32
      %lt3A_164 = arith.cmpi slt, %add3A_163, %lt3A : i32
      %convert_element_type3A = arith.extui %lt3A_164 : i1 to i32
      %cond3A = arith.constant 0 : i32
      %cond3A_165 = arith.cmpi ne, %convert_element_type3A, %cond3A : i32
      scf.if %cond3A_165 {
        %add3A_204 = arith.constant 2 : i32
        %add3A_205 = arith.addi %scan3A_158, %add3A_204 : i32
        %rem3A_206 = arith.constant 8 : i32
        %rem3A_207 = arith.remsi %add3A_205, %rem3A_206 : i32
        %dma_wait3A_208 = arith.constant 0 : i32
        %dma_wait3A_209 = arith.constant 0 : i32
        %dma_wait3A_210 = tpu.memref_slice %arg7[%rem3A_207, %dma_wait3A_209] : memref<8x96xi32, #tpu.memory_space<vmem>> -> memref<1x96xi32, #tpu.memory_space<vmem>>
        %dma_wait3A_211 = tpu.memref_squeeze %dma_wait3A_210 : memref<1x96xi32, #tpu.memory_space<vmem>> -> memref<96xi32, #tpu.memory_space<vmem>>
        %dma_wait3A_212 = arith.constant 0 : i32
        %dma_wait3A_213 = tpu.memref_slice %arg3[%add3A, %dma_wait3A_208, %dma_wait3A_212] : memref<32x106x96xi32, #tpu.memory_space<hbm>> -> memref<1x1x96xi32, #tpu.memory_space<hbm>>
        %dma_wait3A_214 = tpu.memref_squeeze %dma_wait3A_213 : memref<1x1x96xi32, #tpu.memory_space<hbm>> -> memref<96xi32, #tpu.memory_space<hbm>>
        %dma_wait3A_215 = arith.constant 0 : i32
        %dma_wait3A_216 = tpu.memref_slice %arg7[%rem3A_207, %dma_wait3A_215] : memref<8x96xi32, #tpu.memory_space<vmem>> -> memref<1x96xi32, #tpu.memory_space<vmem>>
        %dma_wait3A_217 = tpu.memref_squeeze %dma_wait3A_216 : memref<1x96xi32, #tpu.memory_space<vmem>> -> memref<96xi32, #tpu.memory_space<vmem>>
        %dma_wait3A_218 = arith.constant 0 : i32
        %dma_wait3A_219 = tpu.memref_slice %arg3[%add3A, %dma_wait3A_208, %dma_wait3A_218] : memref<32x106x96xi32, #tpu.memory_space<hbm>> -> memref<1x1x96xi32, #tpu.memory_space<hbm>>
        %dma_wait3A_220 = tpu.memref_squeeze %dma_wait3A_219 : memref<1x1x96xi32, #tpu.memory_space<hbm>> -> memref<96xi32, #tpu.memory_space<hbm>>
        tpu.wait_dma2 semaphore(%arg11 : memref<!tpu.dma_semaphore, #tpu.memory_space<semaphore_mem>>) src(%dma_wait3A_220 : memref<96xi32, #tpu.memory_space<hbm>>) dst(%dma_wait3A_217 : memref<96xi32, #tpu.memory_space<vmem>>)
        %dma_wait3A_221 = arith.constant 0 : i32
        %dma_wait3A_222 = arith.constant 0 : i32
        %dma_wait3A_223 = tpu.memref_slice %arg8[%rem3A_207, %dma_wait3A_222] : memref<8x96xi32, #tpu.memory_space<vmem>> -> memref<1x96xi32, #tpu.memory_space<vmem>>
        %dma_wait3A_224 = tpu.memref_squeeze %dma_wait3A_223 : memref<1x96xi32, #tpu.memory_space<vmem>> -> memref<96xi32, #tpu.memory_space<vmem>>
        %dma_wait3A_225 = arith.constant 0 : i32
        %dma_wait3A_226 = tpu.memref_slice %arg4[%add3A, %dma_wait3A_221, %dma_wait3A_225] : memref<32x106x96xi32, #tpu.memory_space<hbm>> -> memref<1x1x96xi32, #tpu.memory_space<hbm>>
        %dma_wait3A_227 = tpu.memref_squeeze %dma_wait3A_226 : memref<1x1x96xi32, #tpu.memory_space<hbm>> -> memref<96xi32, #tpu.memory_space<hbm>>
        %dma_wait3A_228 = arith.constant 0 : i32
        %dma_wait3A_229 = tpu.memref_slice %arg8[%rem3A_207, %dma_wait3A_228] : memref<8x96xi32, #tpu.memory_space<vmem>> -> memref<1x96xi32, #tpu.memory_space<vmem>>
        %dma_wait3A_230 = tpu.memref_squeeze %dma_wait3A_229 : memref<1x96xi32, #tpu.memory_space<vmem>> -> memref<96xi32, #tpu.memory_space<vmem>>
        %dma_wait3A_231 = arith.constant 0 : i32
        %dma_wait3A_232 = tpu.memref_slice %arg4[%add3A, %dma_wait3A_221, %dma_wait3A_231] : memref<32x106x96xi32, #tpu.memory_space<hbm>> -> memref<1x1x96xi32, #tpu.memory_space<hbm>>
        %dma_wait3A_233 = tpu.memref_squeeze %dma_wait3A_232 : memref<1x1x96xi32, #tpu.memory_space<hbm>> -> memref<96xi32, #tpu.memory_space<hbm>>
        tpu.wait_dma2 semaphore(%arg11 : memref<!tpu.dma_semaphore, #tpu.memory_space<semaphore_mem>>) src(%dma_wait3A_233 : memref<96xi32, #tpu.memory_space<hbm>>) dst(%dma_wait3A_230 : memref<96xi32, #tpu.memory_space<vmem>>)
      } else {
      }
      %dma_wait3A_166 = arith.constant 0 : i32
      %dma_wait3A_167 = arith.constant 0 : i32
      %dma_wait3A_168 = tpu.memref_slice %arg9[%rem3A_159, %dma_wait3A_166, %dma_wait3A_167] : memref<3x96x128xf32, #tpu.memory_space<vmem>> -> memref<1x96x128xf32, #tpu.memory_space<vmem>>
      %dma_wait3A_169 = tpu.memref_squeeze %dma_wait3A_168 : memref<1x96x128xf32, #tpu.memory_space<vmem>> -> memref<96x128xf32, #tpu.memory_space<vmem>>
      %dma_wait3A_170 = arith.constant 0 : i32
      %dma_wait3A_171 = tpu.memref_slice %arg7[%rem3A_161, %dma_wait3A_170] : memref<8x96xi32, #tpu.memory_space<vmem>> -> memref<1x96xi32, #tpu.memory_space<vmem>>
      %dma_wait3A_172 = tpu.memref_squeeze %dma_wait3A_171 : memref<1x96xi32, #tpu.memory_space<vmem>> -> memref<96xi32, #tpu.memory_space<vmem>>
      %dma_wait3A_173 = arith.constant 0 : i32
      %dma_wait3A_174 = arith.constant 0 : i32
      %dma_wait3A_175 = tpu.memref_slice %arg2[%dma_wait3A_173, %dma_wait3A_174] : memref<10240x128xf32, #tpu.memory_space<hbm>> -> memref<10240x128xf32, #tpu.memory_space<hbm>>
      tpu.wait_indirect_dma semaphore(%arg12 : memref<!tpu.dma_semaphore, #tpu.memory_space<semaphore_mem>>) src(%dma_wait3A_175 : memref<10240x128xf32, #tpu.memory_space<hbm>>) dst(%dma_wait3A_169 : memref<96x128xf32, #tpu.memory_space<vmem>>)
      %gt3A = arith.constant 0 : i32
      %gt3A_176 = arith.cmpi sgt, %scan3A_158, %gt3A : i32
      %convert_element_type3A_177 = arith.extui %gt3A_176 : i1 to i32
      %cond3A_178 = arith.constant 0 : i32
      %cond3A_179 = arith.cmpi ne, %convert_element_type3A_177, %cond3A_178 : i32
      scf.if %cond3A_179 {
        %dma_wait3A_204 = arith.constant 0 : i32
        %dma_wait3A_205 = arith.constant 0 : i32
        %dma_wait3A_206 = tpu.memref_slice %arg9[%rem3A_159, %dma_wait3A_204, %dma_wait3A_205] : memref<3x96x128xf32, #tpu.memory_space<vmem>> -> memref<1x96x128xf32, #tpu.memory_space<vmem>>
        %dma_wait3A_207 = tpu.memref_squeeze %dma_wait3A_206 : memref<1x96x128xf32, #tpu.memory_space<vmem>> -> memref<96x128xf32, #tpu.memory_space<vmem>>
        %dma_wait3A_208 = arith.constant 0 : i32
        %dma_wait3A_209 = tpu.memref_slice %arg8[%rem3A_161, %dma_wait3A_208] : memref<8x96xi32, #tpu.memory_space<vmem>> -> memref<1x96xi32, #tpu.memory_space<vmem>>
        %dma_wait3A_210 = tpu.memref_squeeze %dma_wait3A_209 : memref<1x96xi32, #tpu.memory_space<vmem>> -> memref<96xi32, #tpu.memory_space<vmem>>
        %dma_wait3A_211 = arith.constant 0 : i32
        %dma_wait3A_212 = arith.constant 0 : i32
        %dma_wait3A_213 = tpu.memref_slice %arg10[%dma_wait3A_211, %dma_wait3A_212] : memref<10240x128xf32, #tpu.memory_space<vmem_shared>> -> memref<10240x128xf32, #tpu.memory_space<vmem_shared>>
        tpu.wait_indirect_dma semaphore(%arg13 : memref<!tpu.dma_semaphore, #tpu.memory_space<semaphore_mem>>) src(%dma_wait3A_207 : memref<96x128xf32, #tpu.memory_space<vmem>>) dst(%dma_wait3A_213 : memref<10240x128xf32, #tpu.memory_space<vmem_shared>>)
      } else {
      }
      %add3A_180 = arith.constant 2 : i32
      %add3A_181 = arith.addi %scan3A_158, %add3A_180 : i32
      %lt3A_182 = arith.constant 106 : i32
      %lt3A_183 = arith.cmpi slt, %add3A_181, %lt3A_182 : i32
      %convert_element_type3A_184 = arith.extui %lt3A_183 : i1 to i32
      %cond3A_185 = arith.constant 0 : i32
      %cond3A_186 = arith.cmpi ne, %convert_element_type3A_184, %cond3A_185 : i32
      scf.if %cond3A_186 {
        %add3A_204 = arith.constant 2 : i32
        %add3A_205 = arith.addi %scan3A_158, %add3A_204 : i32
        %add3A_206 = arith.constant 2 : i32
        %add3A_207 = arith.addi %scan3A_158, %add3A_206 : i32
        %rem3A_208 = arith.constant 8 : i32
        %rem3A_209 = arith.remsi %add3A_207, %rem3A_208 : i32
        %add3A_210 = arith.constant 2 : i32
        %add3A_211 = arith.addi %scan3A_158, %add3A_210 : i32
        %rem3A_212 = arith.constant 3 : i32
        %rem3A_213 = arith.remsi %add3A_211, %rem3A_212 : i32
        %dma_start3A_214 = arith.constant 0 : i32
        %dma_start3A_215 = arith.constant 0 : i32
        %dma_start3A_216 = tpu.memref_slice %arg9[%rem3A_213, %dma_start3A_214, %dma_start3A_215] : memref<3x96x128xf32, #tpu.memory_space<vmem>> -> memref<1x96x128xf32, #tpu.memory_space<vmem>>
        %dma_start3A_217 = tpu.memref_squeeze %dma_start3A_216 : memref<1x96x128xf32, #tpu.memory_space<vmem>> -> memref<96x128xf32, #tpu.memory_space<vmem>>
        %dma_start3A_218 = arith.constant 0 : i32
        %dma_start3A_219 = tpu.memref_slice %arg7[%rem3A_209, %dma_start3A_218] : memref<8x96xi32, #tpu.memory_space<vmem>> -> memref<1x96xi32, #tpu.memory_space<vmem>>
        %dma_start3A_220 = tpu.memref_squeeze %dma_start3A_219 : memref<1x96xi32, #tpu.memory_space<vmem>> -> memref<96xi32, #tpu.memory_space<vmem>>
        %dma_start3A_221 = arith.constant 0 : i32
        %dma_start3A_222 = arith.constant 0 : i32
        %dma_start3A_223 = tpu.memref_slice %arg2[%dma_start3A_221, %dma_start3A_222] : memref<10240x128xf32, #tpu.memory_space<hbm>> -> memref<10240x128xf32, #tpu.memory_space<hbm>>
        tpu.enqueue_indirect_dma source(%dma_start3A_223 : memref<10240x128xf32, #tpu.memory_space<hbm>>) target(%dma_start3A_217 : memref<96x128xf32, #tpu.memory_space<vmem>>) offsets(%dma_start3A_220 : memref<96xi32, #tpu.memory_space<vmem>>) semaphore(%arg12 : memref<!tpu.dma_semaphore, #tpu.memory_space<semaphore_mem>>)
      } else {
      }
      %add3A_187 = arith.constant 4 : i32
      %add3A_188 = arith.addi %scan3A_158, %add3A_187 : i32
      %lt3A_189 = arith.constant 106 : i32
      %lt3A_190 = arith.cmpi slt, %add3A_188, %lt3A_189 : i32
      %convert_element_type3A_191 = arith.extui %lt3A_190 : i1 to i32
      %cond3A_192 = arith.constant 0 : i32
      %cond3A_193 = arith.cmpi ne, %convert_element_type3A_191, %cond3A_192 : i32
      scf.if %cond3A_193 {
        %add3A_204 = arith.constant 4 : i32
        %add3A_205 = arith.addi %scan3A_158, %add3A_204 : i32
        %add3A_206 = arith.constant 4 : i32
        %add3A_207 = arith.addi %scan3A_158, %add3A_206 : i32
        %rem3A_208 = arith.constant 8 : i32
        %rem3A_209 = arith.remsi %add3A_207, %rem3A_208 : i32
        %dma_start3A_210 = arith.constant 0 : i32
        %dma_start3A_211 = tpu.memref_slice %arg7[%rem3A_209, %dma_start3A_210] : memref<8x96xi32, #tpu.memory_space<vmem>> -> memref<1x96xi32, #tpu.memory_space<vmem>>
        %dma_start3A_212 = tpu.memref_squeeze %dma_start3A_211 : memref<1x96xi32, #tpu.memory_space<vmem>> -> memref<96xi32, #tpu.memory_space<vmem>>
        %dma_start3A_213 = arith.constant 0 : i32
        %dma_start3A_214 = tpu.memref_slice %arg3[%add3A, %add3A_205, %dma_start3A_213] : memref<32x106x96xi32, #tpu.memory_space<hbm>> -> memref<1x1x96xi32, #tpu.memory_space<hbm>>
        %dma_start3A_215 = tpu.memref_squeeze %dma_start3A_214 : memref<1x1x96xi32, #tpu.memory_space<hbm>> -> memref<96xi32, #tpu.memory_space<hbm>>
        %dma_start3A_216 = arith.constant 0 : i32
        %dma_start3A_217 = tpu.memref_slice %arg7[%rem3A_209, %dma_start3A_216] : memref<8x96xi32, #tpu.memory_space<vmem>> -> memref<1x96xi32, #tpu.memory_space<vmem>>
        %dma_start3A_218 = tpu.memref_squeeze %dma_start3A_217 : memref<1x96xi32, #tpu.memory_space<vmem>> -> memref<96xi32, #tpu.memory_space<vmem>>
        %dma_start3A_219 = arith.constant 0 : i32
        %dma_start3A_220 = tpu.memref_slice %arg3[%add3A, %add3A_205, %dma_start3A_219] : memref<32x106x96xi32, #tpu.memory_space<hbm>> -> memref<1x1x96xi32, #tpu.memory_space<hbm>>
        %dma_start3A_221 = tpu.memref_squeeze %dma_start3A_220 : memref<1x1x96xi32, #tpu.memory_space<hbm>> -> memref<96xi32, #tpu.memory_space<hbm>>
        tpu.enqueue_dma source(%dma_start3A_221 : memref<96xi32, #tpu.memory_space<hbm>>) target(%dma_start3A_218 : memref<96xi32, #tpu.memory_space<vmem>>) target_semaphore(%arg11 : memref<!tpu.dma_semaphore, #tpu.memory_space<semaphore_mem>>)
        %dma_start3A_222 = arith.constant 0 : i32
        %dma_start3A_223 = tpu.memref_slice %arg8[%rem3A_209, %dma_start3A_222] : memref<8x96xi32, #tpu.memory_space<vmem>> -> memref<1x96xi32, #tpu.memory_space<vmem>>
        %dma_start3A_224 = tpu.memref_squeeze %dma_start3A_223 : memref<1x96xi32, #tpu.memory_space<vmem>> -> memref<96xi32, #tpu.memory_space<vmem>>
        %dma_start3A_225 = arith.constant 0 : i32
        %dma_start3A_226 = tpu.memref_slice %arg4[%add3A, %add3A_205, %dma_start3A_225] : memref<32x106x96xi32, #tpu.memory_space<hbm>> -> memref<1x1x96xi32, #tpu.memory_space<hbm>>
        %dma_start3A_227 = tpu.memref_squeeze %dma_start3A_226 : memref<1x1x96xi32, #tpu.memory_space<hbm>> -> memref<96xi32, #tpu.memory_space<hbm>>
        %dma_start3A_228 = arith.constant 0 : i32
        %dma_start3A_229 = tpu.memref_slice %arg8[%rem3A_209, %dma_start3A_228] : memref<8x96xi32, #tpu.memory_space<vmem>> -> memref<1x96xi32, #tpu.memory_space<vmem>>
        %dma_start3A_230 = tpu.memref_squeeze %dma_start3A_229 : memref<1x96xi32, #tpu.memory_space<vmem>> -> memref<96xi32, #tpu.memory_space<vmem>>
        %dma_start3A_231 = arith.constant 0 : i32
        %dma_start3A_232 = tpu.memref_slice %arg4[%add3A, %add3A_205, %dma_start3A_231] : memref<32x106x96xi32, #tpu.memory_space<hbm>> -> memref<1x1x96xi32, #tpu.memory_space<hbm>>
        %dma_start3A_233 = tpu.memref_squeeze %dma_start3A_232 : memref<1x1x96xi32, #tpu.memory_space<hbm>> -> memref<96xi32, #tpu.memory_space<hbm>>
        tpu.enqueue_dma source(%dma_start3A_233 : memref<96xi32, #tpu.memory_space<hbm>>) target(%dma_start3A_230 : memref<96xi32, #tpu.memory_space<vmem>>) target_semaphore(%arg11 : memref<!tpu.dma_semaphore, #tpu.memory_space<semaphore_mem>>)
      } else {
      }
      %dma_start3A_194 = arith.constant 0 : i32
      %dma_start3A_195 = arith.constant 0 : i32
      %dma_start3A_196 = tpu.memref_slice %arg9[%rem3A_159, %dma_start3A_194, %dma_start3A_195] : memref<3x96x128xf32, #tpu.memory_space<vmem>> -> memref<1x96x128xf32, #tpu.memory_space<vmem>>
      %dma_start3A_197 = tpu.memref_squeeze %dma_start3A_196 : memref<1x96x128xf32, #tpu.memory_space<vmem>> -> memref<96x128xf32, #tpu.memory_space<vmem>>
      %dma_start3A_198 = arith.constant 0 : i32
      %dma_start3A_199 = tpu.memref_slice %arg8[%rem3A_161, %dma_start3A_198] : memref<8x96xi32, #tpu.memory_space<vmem>> -> memref<1x96xi32, #tpu.memory_space<vmem>>
      %dma_start3A_200 = tpu.memref_squeeze %dma_start3A_199 : memref<1x96xi32, #tpu.memory_space<vmem>> -> memref<96xi32, #tpu.memory_space<vmem>>
      %dma_start3A_201 = arith.constant 0 : i32
      %dma_start3A_202 = arith.constant 0 : i32
      %dma_start3A_203 = tpu.memref_slice %arg10[%dma_start3A_201, %dma_start3A_202] : memref<10240x128xf32, #tpu.memory_space<vmem_shared>> -> memref<10240x128xf32, #tpu.memory_space<vmem_shared>>
      tpu.enqueue_indirect_dma source(%dma_start3A_197 : memref<96x128xf32, #tpu.memory_space<vmem>>) target(%dma_start3A_203 : memref<10240x128xf32, #tpu.memory_space<vmem_shared>>) offsets(%dma_start3A_200 : memref<96xi32, #tpu.memory_space<vmem>>) semaphore(%arg13 : memref<!tpu.dma_semaphore, #tpu.memory_space<semaphore_mem>>) {add = true}
    }
    %scan3A_144 = arith.constant 106 : i32
    %dma_wait3A_145 = arith.constant 0 : i32
    %dma_wait3A_146 = arith.constant 0 : i32
    %dma_wait3A_147 = arith.constant 0 : i32
    %dma_wait3A_148 = arith.constant 0 : i32
    %dma_wait3A_149 = tpu.memref_slice %arg9[%dma_wait3A_145, %dma_wait3A_147, %dma_wait3A_148] : memref<3x96x128xf32, #tpu.memory_space<vmem>> -> memref<1x96x128xf32, #tpu.memory_space<vmem>>
    %dma_wait3A_150 = tpu.memref_squeeze %dma_wait3A_149 : memref<1x96x128xf32, #tpu.memory_space<vmem>> -> memref<96x128xf32, #tpu.memory_space<vmem>>
    %dma_wait3A_151 = arith.constant 0 : i32
    %dma_wait3A_152 = tpu.memref_slice %arg8[%dma_wait3A_146, %dma_wait3A_151] : memref<8x96xi32, #tpu.memory_space<vmem>> -> memref<1x96xi32, #tpu.memory_space<vmem>>
    %dma_wait3A_153 = tpu.memref_squeeze %dma_wait3A_152 : memref<1x96xi32, #tpu.memory_space<vmem>> -> memref<96xi32, #tpu.memory_space<vmem>>
    %dma_wait3A_154 = arith.constant 0 : i32
    %dma_wait3A_155 = arith.constant 0 : i32
    %dma_wait3A_156 = tpu.memref_slice %arg10[%dma_wait3A_154, %dma_wait3A_155] : memref<10240x128xf32, #tpu.memory_space<vmem_shared>> -> memref<10240x128xf32, #tpu.memory_space<vmem_shared>>
    tpu.wait_indirect_dma semaphore(%arg13 : memref<!tpu.dma_semaphore, #tpu.memory_space<semaphore_mem>>) src(%dma_wait3A_150 : memref<96x128xf32, #tpu.memory_space<vmem>>) dst(%dma_wait3A_156 : memref<10240x128xf32, #tpu.memory_space<vmem_shared>>)
    %barrier3A_157 = arith.constant 0 : index
    tpu.barrier barrier_id(%barrier3A_157)
    "tpu.region"() ({
      %run_scoped3A_158 = tpu.sem_alloc : memref<!tpu.dma_semaphore, #tpu.memory_space<semaphore_mem>>
      %dma_start3A_159 = arith.constant 0 : i32
      %dma_start3A_160 = tpu.memref_slice %arg6[%arg0, %mul3A_2, %dma_start3A_159] : memref<2x10240x128xf32, #tpu.memory_space<hbm>> -> memref<1x640x128xf32, #tpu.memory_space<hbm>>
      %dma_start3A_161 = tpu.memref_squeeze %dma_start3A_160 : memref<1x640x128xf32, #tpu.memory_space<hbm>> -> memref<640x128xf32, #tpu.memory_space<hbm>>
      %dma_start3A_162 = arith.constant 0 : i32
      %dma_start3A_163 = tpu.memref_slice %arg10[%mul3A_2, %dma_start3A_162] : memref<10240x128xf32, #tpu.memory_space<vmem_shared>> -> memref<640x128xf32, #tpu.memory_space<vmem_shared>>
      tpu.enqueue_dma source(%dma_start3A_163 : memref<640x128xf32, #tpu.memory_space<vmem_shared>>) target(%dma_start3A_161 : memref<640x128xf32, #tpu.memory_space<hbm>>) target_semaphore(%run_scoped3A_158 : memref<!tpu.dma_semaphore, #tpu.memory_space<semaphore_mem>>)
      %dma_wait3A_164 = arith.constant 0 : i32
      %dma_wait3A_165 = tpu.memref_slice %arg6[%arg0, %mul3A_2, %dma_wait3A_164] : memref<2x10240x128xf32, #tpu.memory_space<hbm>> -> memref<1x640x128xf32, #tpu.memory_space<hbm>>
      %dma_wait3A_166 = tpu.memref_squeeze %dma_wait3A_165 : memref<1x640x128xf32, #tpu.memory_space<hbm>> -> memref<640x128xf32, #tpu.memory_space<hbm>>
      %dma_wait3A_167 = arith.constant 0 : i32
      %dma_wait3A_168 = tpu.memref_slice %arg10[%mul3A_2, %dma_wait3A_167] : memref<10240x128xf32, #tpu.memory_space<vmem_shared>> -> memref<640x128xf32, #tpu.memory_space<vmem_shared>>
      tpu.wait_dma2 semaphore(%run_scoped3A_158 : memref<!tpu.dma_semaphore, #tpu.memory_space<semaphore_mem>>) src(%dma_wait3A_168 : memref<640x128xf32, #tpu.memory_space<vmem_shared>>) dst(%dma_wait3A_166 : memref<640x128xf32, #tpu.memory_space<hbm>>)
      tpu.yield
    }) : () -> ()
    return
  }
}

#map = affine_map<(d0, d1) -> (0, 0, 0)>
#map1 = affine_map<(d0, d1) -> (0, 0)>
module attributes {stable_mosaic.version = 14 : i64} {
  func.func @deg(%arg0: i32, %arg1: i32, %arg2: memref<32x159x64xi32, #tpu.memory_space<hbm>>, %arg3: memref<64x128xf32, #tpu.memory_space<hbm>>, %arg4: memref<10240x128xf32, #tpu.memory_space<hbm>>, %arg5: memref<2x10240x128xf32, #tpu.memory_space<hbm>>, %arg6: memref<8x64xi32, #tpu.memory_space<vmem>>, %arg7: memref<64x128xf32, #tpu.memory_space<vmem>>, %arg8: memref<10240x128xf32, #tpu.memory_space<vmem_shared>>, %arg9: memref<!tpu.dma_semaphore, #tpu.memory_space<semaphore_mem>>, %arg10: memref<!tpu.dma_semaphore, #tpu.memory_space<semaphore_mem>>) attributes {dimension_semantics = [#tpu.dimension_semantics<core_parallel>, #tpu.dimension_semantics<subcore_parallel>], iteration_bounds = array<i64: 2, 16>, scalar_prefetch = 0 : i64, scratch_operands = 5 : i64, tpu.core_type = #tpu.core_type<sc_vector_subcore>, window_params = [{transform_indices = #map}, {transform_indices = #map1}, {transform_indices = #map1}, {transform_indices = #map}]} {
    %mul3A = arith.constant 2 : i32
    %mul3A_0 = arith.muli %arg1, %mul3A : i32
    %add3A = arith.addi %mul3A_0, %arg0 : i32
    %mul3A_1 = arith.constant 640 : i32
    %mul3A_2 = arith.muli %arg1, %mul3A_1 : i32
    %run_scoped3A = arith.constant 0 : i32
    %run_scoped3A_3 = arith.constant 0 : i32
    "tpu.region"() ({
      %run_scoped3A_85 = tpu.sem_alloc : memref<!tpu.dma_semaphore, #tpu.memory_space<semaphore_mem>>
      %dma_start3A_86 = arith.constant 0 : i32
      %dma_start3A_87 = tpu.memref_slice %arg6[%run_scoped3A_3, %dma_start3A_86] : memref<8x64xi32, #tpu.memory_space<vmem>> -> memref<1x64xi32, #tpu.memory_space<vmem>>
      %dma_start3A_88 = tpu.memref_squeeze %dma_start3A_87 : memref<1x64xi32, #tpu.memory_space<vmem>> -> memref<64xi32, #tpu.memory_space<vmem>>
      %dma_start3A_89 = arith.constant 0 : i32
      %dma_start3A_90 = tpu.memref_slice %arg2[%add3A, %run_scoped3A, %dma_start3A_89] : memref<32x159x64xi32, #tpu.memory_space<hbm>> -> memref<1x1x64xi32, #tpu.memory_space<hbm>>
      %dma_start3A_91 = tpu.memref_squeeze %dma_start3A_90 : memref<1x1x64xi32, #tpu.memory_space<hbm>> -> memref<64xi32, #tpu.memory_space<hbm>>
      %dma_start3A_92 = arith.constant 0 : i32
      %dma_start3A_93 = tpu.memref_slice %arg6[%run_scoped3A_3, %dma_start3A_92] : memref<8x64xi32, #tpu.memory_space<vmem>> -> memref<1x64xi32, #tpu.memory_space<vmem>>
      %dma_start3A_94 = tpu.memref_squeeze %dma_start3A_93 : memref<1x64xi32, #tpu.memory_space<vmem>> -> memref<64xi32, #tpu.memory_space<vmem>>
      %dma_start3A_95 = arith.constant 0 : i32
      %dma_start3A_96 = tpu.memref_slice %arg2[%add3A, %run_scoped3A, %dma_start3A_95] : memref<32x159x64xi32, #tpu.memory_space<hbm>> -> memref<1x1x64xi32, #tpu.memory_space<hbm>>
      %dma_start3A_97 = tpu.memref_squeeze %dma_start3A_96 : memref<1x1x64xi32, #tpu.memory_space<hbm>> -> memref<64xi32, #tpu.memory_space<hbm>>
      tpu.enqueue_dma source(%dma_start3A_97 : memref<64xi32, #tpu.memory_space<hbm>>) target(%dma_start3A_94 : memref<64xi32, #tpu.memory_space<vmem>>) target_semaphore(%run_scoped3A_85 : memref<!tpu.dma_semaphore, #tpu.memory_space<semaphore_mem>>)
      %dma_wait3A_98 = arith.constant 0 : i32
      %dma_wait3A_99 = tpu.memref_slice %arg6[%run_scoped3A_3, %dma_wait3A_98] : memref<8x64xi32, #tpu.memory_space<vmem>> -> memref<1x64xi32, #tpu.memory_space<vmem>>
      %dma_wait3A_100 = tpu.memref_squeeze %dma_wait3A_99 : memref<1x64xi32, #tpu.memory_space<vmem>> -> memref<64xi32, #tpu.memory_space<vmem>>
      %dma_wait3A_101 = arith.constant 0 : i32
      %dma_wait3A_102 = tpu.memref_slice %arg2[%add3A, %run_scoped3A, %dma_wait3A_101] : memref<32x159x64xi32, #tpu.memory_space<hbm>> -> memref<1x1x64xi32, #tpu.memory_space<hbm>>
      %dma_wait3A_103 = tpu.memref_squeeze %dma_wait3A_102 : memref<1x1x64xi32, #tpu.memory_space<hbm>> -> memref<64xi32, #tpu.memory_space<hbm>>
      %dma_wait3A_104 = arith.constant 0 : i32
      %dma_wait3A_105 = tpu.memref_slice %arg6[%run_scoped3A_3, %dma_wait3A_104] : memref<8x64xi32, #tpu.memory_space<vmem>> -> memref<1x64xi32, #tpu.memory_space<vmem>>
      %dma_wait3A_106 = tpu.memref_squeeze %dma_wait3A_105 : memref<1x64xi32, #tpu.memory_space<vmem>> -> memref<64xi32, #tpu.memory_space<vmem>>
      %dma_wait3A_107 = arith.constant 0 : i32
      %dma_wait3A_108 = tpu.memref_slice %arg2[%add3A, %run_scoped3A, %dma_wait3A_107] : memref<32x159x64xi32, #tpu.memory_space<hbm>> -> memref<1x1x64xi32, #tpu.memory_space<hbm>>
      %dma_wait3A_109 = tpu.memref_squeeze %dma_wait3A_108 : memref<1x1x64xi32, #tpu.memory_space<hbm>> -> memref<64xi32, #tpu.memory_space<hbm>>
      tpu.wait_dma2 semaphore(%run_scoped3A_85 : memref<!tpu.dma_semaphore, #tpu.memory_space<semaphore_mem>>) src(%dma_wait3A_109 : memref<64xi32, #tpu.memory_space<hbm>>) dst(%dma_wait3A_106 : memref<64xi32, #tpu.memory_space<vmem>>)
      tpu.yield
    }) : () -> ()
    %dma_start3A = arith.constant 1 : i32
    %dma_start3A_4 = arith.constant 1 : i32
    %dma_start3A_5 = arith.constant 0 : i32
    %dma_start3A_6 = tpu.memref_slice %arg6[%dma_start3A_4, %dma_start3A_5] : memref<8x64xi32, #tpu.memory_space<vmem>> -> memref<1x64xi32, #tpu.memory_space<vmem>>
    %dma_start3A_7 = tpu.memref_squeeze %dma_start3A_6 : memref<1x64xi32, #tpu.memory_space<vmem>> -> memref<64xi32, #tpu.memory_space<vmem>>
    %dma_start3A_8 = arith.constant 0 : i32
    %dma_start3A_9 = tpu.memref_slice %arg2[%add3A, %dma_start3A, %dma_start3A_8] : memref<32x159x64xi32, #tpu.memory_space<hbm>> -> memref<1x1x64xi32, #tpu.memory_space<hbm>>
    %dma_start3A_10 = tpu.memref_squeeze %dma_start3A_9 : memref<1x1x64xi32, #tpu.memory_space<hbm>> -> memref<64xi32, #tpu.memory_space<hbm>>
    %dma_start3A_11 = arith.constant 0 : i32
    %dma_start3A_12 = tpu.memref_slice %arg6[%dma_start3A_4, %dma_start3A_11] : memref<8x64xi32, #tpu.memory_space<vmem>> -> memref<1x64xi32, #tpu.memory_space<vmem>>
    %dma_start3A_13 = tpu.memref_squeeze %dma_start3A_12 : memref<1x64xi32, #tpu.memory_space<vmem>> -> memref<64xi32, #tpu.memory_space<vmem>>
    %dma_start3A_14 = arith.constant 0 : i32
    %dma_start3A_15 = tpu.memref_slice %arg2[%add3A, %dma_start3A, %dma_start3A_14] : memref<32x159x64xi32, #tpu.memory_space<hbm>> -> memref<1x1x64xi32, #tpu.memory_space<hbm>>
    %dma_start3A_16 = tpu.memref_squeeze %dma_start3A_15 : memref<1x1x64xi32, #tpu.memory_space<hbm>> -> memref<64xi32, #tpu.memory_space<hbm>>
    tpu.enqueue_dma source(%dma_start3A_16 : memref<64xi32, #tpu.memory_space<hbm>>) target(%dma_start3A_13 : memref<64xi32, #tpu.memory_space<vmem>>) target_semaphore(%arg9 : memref<!tpu.dma_semaphore, #tpu.memory_space<semaphore_mem>>)
    %dma_start3A_17 = arith.constant 2 : i32
    %dma_start3A_18 = arith.constant 2 : i32
    %dma_start3A_19 = arith.constant 0 : i32
    %dma_start3A_20 = tpu.memref_slice %arg6[%dma_start3A_18, %dma_start3A_19] : memref<8x64xi32, #tpu.memory_space<vmem>> -> memref<1x64xi32, #tpu.memory_space<vmem>>
    %dma_start3A_21 = tpu.memref_squeeze %dma_start3A_20 : memref<1x64xi32, #tpu.memory_space<vmem>> -> memref<64xi32, #tpu.memory_space<vmem>>
    %dma_start3A_22 = arith.constant 0 : i32
    %dma_start3A_23 = tpu.memref_slice %arg2[%add3A, %dma_start3A_17, %dma_start3A_22] : memref<32x159x64xi32, #tpu.memory_space<hbm>> -> memref<1x1x64xi32, #tpu.memory_space<hbm>>
    %dma_start3A_24 = tpu.memref_squeeze %dma_start3A_23 : memref<1x1x64xi32, #tpu.memory_space<hbm>> -> memref<64xi32, #tpu.memory_space<hbm>>
    %dma_start3A_25 = arith.constant 0 : i32
    %dma_start3A_26 = tpu.memref_slice %arg6[%dma_start3A_18, %dma_start3A_25] : memref<8x64xi32, #tpu.memory_space<vmem>> -> memref<1x64xi32, #tpu.memory_space<vmem>>
    %dma_start3A_27 = tpu.memref_squeeze %dma_start3A_26 : memref<1x64xi32, #tpu.memory_space<vmem>> -> memref<64xi32, #tpu.memory_space<vmem>>
    %dma_start3A_28 = arith.constant 0 : i32
    %dma_start3A_29 = tpu.memref_slice %arg2[%add3A, %dma_start3A_17, %dma_start3A_28] : memref<32x159x64xi32, #tpu.memory_space<hbm>> -> memref<1x1x64xi32, #tpu.memory_space<hbm>>
    %dma_start3A_30 = tpu.memref_squeeze %dma_start3A_29 : memref<1x1x64xi32, #tpu.memory_space<hbm>> -> memref<64xi32, #tpu.memory_space<hbm>>
    tpu.enqueue_dma source(%dma_start3A_30 : memref<64xi32, #tpu.memory_space<hbm>>) target(%dma_start3A_27 : memref<64xi32, #tpu.memory_space<vmem>>) target_semaphore(%arg9 : memref<!tpu.dma_semaphore, #tpu.memory_space<semaphore_mem>>)
    %dma_start3A_31 = arith.constant 3 : i32
    %dma_start3A_32 = arith.constant 3 : i32
    %dma_start3A_33 = arith.constant 0 : i32
    %dma_start3A_34 = tpu.memref_slice %arg6[%dma_start3A_32, %dma_start3A_33] : memref<8x64xi32, #tpu.memory_space<vmem>> -> memref<1x64xi32, #tpu.memory_space<vmem>>
    %dma_start3A_35 = tpu.memref_squeeze %dma_start3A_34 : memref<1x64xi32, #tpu.memory_space<vmem>> -> memref<64xi32, #tpu.memory_space<vmem>>
    %dma_start3A_36 = arith.constant 0 : i32
    %dma_start3A_37 = tpu.memref_slice %arg2[%add3A, %dma_start3A_31, %dma_start3A_36] : memref<32x159x64xi32, #tpu.memory_space<hbm>> -> memref<1x1x64xi32, #tpu.memory_space<hbm>>
    %dma_start3A_38 = tpu.memref_squeeze %dma_start3A_37 : memref<1x1x64xi32, #tpu.memory_space<hbm>> -> memref<64xi32, #tpu.memory_space<hbm>>
    %dma_start3A_39 = arith.constant 0 : i32
    %dma_start3A_40 = tpu.memref_slice %arg6[%dma_start3A_32, %dma_start3A_39] : memref<8x64xi32, #tpu.memory_space<vmem>> -> memref<1x64xi32, #tpu.memory_space<vmem>>
    %dma_start3A_41 = tpu.memref_squeeze %dma_start3A_40 : memref<1x64xi32, #tpu.memory_space<vmem>> -> memref<64xi32, #tpu.memory_space<vmem>>
    %dma_start3A_42 = arith.constant 0 : i32
    %dma_start3A_43 = tpu.memref_slice %arg2[%add3A, %dma_start3A_31, %dma_start3A_42] : memref<32x159x64xi32, #tpu.memory_space<hbm>> -> memref<1x1x64xi32, #tpu.memory_space<hbm>>
    %dma_start3A_44 = tpu.memref_squeeze %dma_start3A_43 : memref<1x1x64xi32, #tpu.memory_space<hbm>> -> memref<64xi32, #tpu.memory_space<hbm>>
    tpu.enqueue_dma source(%dma_start3A_44 : memref<64xi32, #tpu.memory_space<hbm>>) target(%dma_start3A_41 : memref<64xi32, #tpu.memory_space<vmem>>) target_semaphore(%arg9 : memref<!tpu.dma_semaphore, #tpu.memory_space<semaphore_mem>>)
    "tpu.region"() ({
      %run_scoped3A_85 = tpu.sem_alloc : memref<!tpu.dma_semaphore, #tpu.memory_space<semaphore_mem>>
      %dma_start3A_86 = arith.constant 0 : i32
      %dma_start3A_87 = tpu.memref_slice %arg8[%mul3A_2, %dma_start3A_86] : memref<10240x128xf32, #tpu.memory_space<vmem_shared>> -> memref<640x128xf32, #tpu.memory_space<vmem_shared>>
      %dma_start3A_88 = arith.constant 0 : i32
      %dma_start3A_89 = tpu.memref_slice %arg4[%mul3A_2, %dma_start3A_88] : memref<10240x128xf32, #tpu.memory_space<hbm>> -> memref<640x128xf32, #tpu.memory_space<hbm>>
      tpu.enqueue_dma source(%dma_start3A_89 : memref<640x128xf32, #tpu.memory_space<hbm>>) target(%dma_start3A_87 : memref<640x128xf32, #tpu.memory_space<vmem_shared>>) target_semaphore(%run_scoped3A_85 : memref<!tpu.dma_semaphore, #tpu.memory_space<semaphore_mem>>)
      %dma_wait3A_90 = arith.constant 0 : i32
      %dma_wait3A_91 = tpu.memref_slice %arg8[%mul3A_2, %dma_wait3A_90] : memref<10240x128xf32, #tpu.memory_space<vmem_shared>> -> memref<640x128xf32, #tpu.memory_space<vmem_shared>>
      %dma_wait3A_92 = arith.constant 0 : i32
      %dma_wait3A_93 = tpu.memref_slice %arg4[%mul3A_2, %dma_wait3A_92] : memref<10240x128xf32, #tpu.memory_space<hbm>> -> memref<640x128xf32, #tpu.memory_space<hbm>>
      tpu.wait_dma2 semaphore(%run_scoped3A_85 : memref<!tpu.dma_semaphore, #tpu.memory_space<semaphore_mem>>) src(%dma_wait3A_93 : memref<640x128xf32, #tpu.memory_space<hbm>>) dst(%dma_wait3A_91 : memref<640x128xf32, #tpu.memory_space<vmem_shared>>)
      tpu.yield
    }) : () -> ()
    "tpu.region"() ({
      %run_scoped3A_85 = tpu.sem_alloc : memref<!tpu.dma_semaphore, #tpu.memory_space<semaphore_mem>>
      tpu.enqueue_dma source(%arg3 : memref<64x128xf32, #tpu.memory_space<hbm>>) target(%arg7 : memref<64x128xf32, #tpu.memory_space<vmem>>) target_semaphore(%run_scoped3A_85 : memref<!tpu.dma_semaphore, #tpu.memory_space<semaphore_mem>>)
      tpu.wait_dma2 semaphore(%run_scoped3A_85 : memref<!tpu.dma_semaphore, #tpu.memory_space<semaphore_mem>>) src(%arg3 : memref<64x128xf32, #tpu.memory_space<hbm>>) dst(%arg7 : memref<64x128xf32, #tpu.memory_space<vmem>>)
      tpu.yield
    }) : () -> ()
    %dma_wait3A = arith.constant 0 : i32
    %dma_wait3A_45 = arith.constant 1 : i32
    %dma_wait3A_46 = arith.constant 0 : i32
    %dma_wait3A_47 = tpu.memref_slice %arg6[%dma_wait3A_45, %dma_wait3A_46] : memref<8x64xi32, #tpu.memory_space<vmem>> -> memref<1x64xi32, #tpu.memory_space<vmem>>
    %dma_wait3A_48 = tpu.memref_squeeze %dma_wait3A_47 : memref<1x64xi32, #tpu.memory_space<vmem>> -> memref<64xi32, #tpu.memory_space<vmem>>
    %dma_wait3A_49 = arith.constant 0 : i32
    %dma_wait3A_50 = tpu.memref_slice %arg2[%add3A, %dma_wait3A, %dma_wait3A_49] : memref<32x159x64xi32, #tpu.memory_space<hbm>> -> memref<1x1x64xi32, #tpu.memory_space<hbm>>
    %dma_wait3A_51 = tpu.memref_squeeze %dma_wait3A_50 : memref<1x1x64xi32, #tpu.memory_space<hbm>> -> memref<64xi32, #tpu.memory_space<hbm>>
    %dma_wait3A_52 = arith.constant 0 : i32
    %dma_wait3A_53 = tpu.memref_slice %arg6[%dma_wait3A_45, %dma_wait3A_52] : memref<8x64xi32, #tpu.memory_space<vmem>> -> memref<1x64xi32, #tpu.memory_space<vmem>>
    %dma_wait3A_54 = tpu.memref_squeeze %dma_wait3A_53 : memref<1x64xi32, #tpu.memory_space<vmem>> -> memref<64xi32, #tpu.memory_space<vmem>>
    %dma_wait3A_55 = arith.constant 0 : i32
    %dma_wait3A_56 = tpu.memref_slice %arg2[%add3A, %dma_wait3A, %dma_wait3A_55] : memref<32x159x64xi32, #tpu.memory_space<hbm>> -> memref<1x1x64xi32, #tpu.memory_space<hbm>>
    %dma_wait3A_57 = tpu.memref_squeeze %dma_wait3A_56 : memref<1x1x64xi32, #tpu.memory_space<hbm>> -> memref<64xi32, #tpu.memory_space<hbm>>
    tpu.wait_dma2 semaphore(%arg9 : memref<!tpu.dma_semaphore, #tpu.memory_space<semaphore_mem>>) src(%dma_wait3A_57 : memref<64xi32, #tpu.memory_space<hbm>>) dst(%dma_wait3A_54 : memref<64xi32, #tpu.memory_space<vmem>>)
    %barrier3A = arith.constant 0 : index
    tpu.barrier barrier_id(%barrier3A)
    %scan3A = arith.constant 0 : i32
    %scan3A_58 = arith.constant 0 : i32
    %scan3A_59 = arith.constant 159 : i32
    %scan3A_60 = arith.addi %scan3A_58, %scan3A_59 : i32
    %scan3A_61 = arith.constant 1 : i32
    scf.for %scan3A_85 = %scan3A_58 to %scan3A_60 step %scan3A_61  : i32 {
      %rem3A = arith.constant 8 : i32
      %rem3A_86 = arith.remsi %scan3A_85, %rem3A : i32
      %dma_start3A_87 = arith.constant 0 : i32
      %dma_start3A_88 = tpu.memref_slice %arg6[%rem3A_86, %dma_start3A_87] : memref<8x64xi32, #tpu.memory_space<vmem>> -> memref<1x64xi32, #tpu.memory_space<vmem>>
      %dma_start3A_89 = tpu.memref_squeeze %dma_start3A_88 : memref<1x64xi32, #tpu.memory_space<vmem>> -> memref<64xi32, #tpu.memory_space<vmem>>
      %dma_start3A_90 = arith.constant 0 : i32
      %dma_start3A_91 = arith.constant 0 : i32
      %dma_start3A_92 = tpu.memref_slice %arg8[%dma_start3A_90, %dma_start3A_91] : memref<10240x128xf32, #tpu.memory_space<vmem_shared>> -> memref<10240x128xf32, #tpu.memory_space<vmem_shared>>
      tpu.enqueue_indirect_dma source(%arg7 : memref<64x128xf32, #tpu.memory_space<vmem>>) target(%dma_start3A_92 : memref<10240x128xf32, #tpu.memory_space<vmem_shared>>) offsets(%dma_start3A_89 : memref<64xi32, #tpu.memory_space<vmem>>) semaphore(%arg10 : memref<!tpu.dma_semaphore, #tpu.memory_space<semaphore_mem>>) {add = true}
      %ge3A = arith.constant 3 : i32
      %ge3A_93 = arith.cmpi sge, %scan3A_85, %ge3A : i32
      %convert_element_type3A = arith.extui %ge3A_93 : i1 to i32
      %cond3A = arith.constant 0 : i32
      %cond3A_94 = arith.cmpi ne, %convert_element_type3A, %cond3A : i32
      scf.if %cond3A_94 {
        %dma_wait3A_108 = arith.constant 0 : i32
        %dma_wait3A_109 = tpu.memref_slice %arg6[%rem3A_86, %dma_wait3A_108] : memref<8x64xi32, #tpu.memory_space<vmem>> -> memref<1x64xi32, #tpu.memory_space<vmem>>
        %dma_wait3A_110 = tpu.memref_squeeze %dma_wait3A_109 : memref<1x64xi32, #tpu.memory_space<vmem>> -> memref<64xi32, #tpu.memory_space<vmem>>
        %dma_wait3A_111 = arith.constant 0 : i32
        %dma_wait3A_112 = arith.constant 0 : i32
        %dma_wait3A_113 = tpu.memref_slice %arg8[%dma_wait3A_111, %dma_wait3A_112] : memref<10240x128xf32, #tpu.memory_space<vmem_shared>> -> memref<10240x128xf32, #tpu.memory_space<vmem_shared>>
        tpu.wait_indirect_dma semaphore(%arg10 : memref<!tpu.dma_semaphore, #tpu.memory_space<semaphore_mem>>) src(%arg7 : memref<64x128xf32, #tpu.memory_space<vmem>>) dst(%dma_wait3A_113 : memref<10240x128xf32, #tpu.memory_space<vmem_shared>>)
      } else {
      }
      %add3A_95 = arith.constant 4 : i32
      %add3A_96 = arith.addi %scan3A_85, %add3A_95 : i32
      %lt3A = arith.constant 159 : i32
      %lt3A_97 = arith.cmpi slt, %add3A_96, %lt3A : i32
      %convert_element_type3A_98 = arith.extui %lt3A_97 : i1 to i32
      %cond3A_99 = arith.constant 0 : i32
      %cond3A_100 = arith.cmpi ne, %convert_element_type3A_98, %cond3A_99 : i32
      scf.if %cond3A_100 {
        %add3A_108 = arith.constant 4 : i32
        %add3A_109 = arith.addi %scan3A_85, %add3A_108 : i32
        %add3A_110 = arith.constant 4 : i32
        %add3A_111 = arith.addi %scan3A_85, %add3A_110 : i32
        %rem3A_112 = arith.constant 8 : i32
        %rem3A_113 = arith.remsi %add3A_111, %rem3A_112 : i32
        %dma_start3A_114 = arith.constant 0 : i32
        %dma_start3A_115 = tpu.memref_slice %arg6[%rem3A_113, %dma_start3A_114] : memref<8x64xi32, #tpu.memory_space<vmem>> -> memref<1x64xi32, #tpu.memory_space<vmem>>
        %dma_start3A_116 = tpu.memref_squeeze %dma_start3A_115 : memref<1x64xi32, #tpu.memory_space<vmem>> -> memref<64xi32, #tpu.memory_space<vmem>>
        %dma_start3A_117 = arith.constant 0 : i32
        %dma_start3A_118 = tpu.memref_slice %arg2[%add3A, %add3A_109, %dma_start3A_117] : memref<32x159x64xi32, #tpu.memory_space<hbm>> -> memref<1x1x64xi32, #tpu.memory_space<hbm>>
        %dma_start3A_119 = tpu.memref_squeeze %dma_start3A_118 : memref<1x1x64xi32, #tpu.memory_space<hbm>> -> memref<64xi32, #tpu.memory_space<hbm>>
        %dma_start3A_120 = arith.constant 0 : i32
        %dma_start3A_121 = tpu.memref_slice %arg6[%rem3A_113, %dma_start3A_120] : memref<8x64xi32, #tpu.memory_space<vmem>> -> memref<1x64xi32, #tpu.memory_space<vmem>>
        %dma_start3A_122 = tpu.memref_squeeze %dma_start3A_121 : memref<1x64xi32, #tpu.memory_space<vmem>> -> memref<64xi32, #tpu.memory_space<vmem>>
        %dma_start3A_123 = arith.constant 0 : i32
        %dma_start3A_124 = tpu.memref_slice %arg2[%add3A, %add3A_109, %dma_start3A_123] : memref<32x159x64xi32, #tpu.memory_space<hbm>> -> memref<1x1x64xi32, #tpu.memory_space<hbm>>
        %dma_start3A_125 = tpu.memref_squeeze %dma_start3A_124 : memref<1x1x64xi32, #tpu.memory_space<hbm>> -> memref<64xi32, #tpu.memory_space<hbm>>
        tpu.enqueue_dma source(%dma_start3A_125 : memref<64xi32, #tpu.memory_space<hbm>>) target(%dma_start3A_122 : memref<64xi32, #tpu.memory_space<vmem>>) target_semaphore(%arg9 : memref<!tpu.dma_semaphore, #tpu.memory_space<semaphore_mem>>)
      } else {
      }
      %add3A_101 = arith.constant 2 : i32
      %add3A_102 = arith.addi %scan3A_85, %add3A_101 : i32
      %lt3A_103 = arith.constant 159 : i32
      %lt3A_104 = arith.cmpi slt, %add3A_102, %lt3A_103 : i32
      %convert_element_type3A_105 = arith.extui %lt3A_104 : i1 to i32
      %cond3A_106 = arith.constant 0 : i32
      %cond3A_107 = arith.cmpi ne, %convert_element_type3A_105, %cond3A_106 : i32
      scf.if %cond3A_107 {
        %add3A_108 = arith.constant 2 : i32
        %add3A_109 = arith.addi %scan3A_85, %add3A_108 : i32
        %rem3A_110 = arith.constant 8 : i32
        %rem3A_111 = arith.remsi %add3A_109, %rem3A_110 : i32
        %dma_wait3A_112 = arith.constant 0 : i32
        %dma_wait3A_113 = arith.constant 0 : i32
        %dma_wait3A_114 = tpu.memref_slice %arg6[%rem3A_111, %dma_wait3A_113] : memref<8x64xi32, #tpu.memory_space<vmem>> -> memref<1x64xi32, #tpu.memory_space<vmem>>
        %dma_wait3A_115 = tpu.memref_squeeze %dma_wait3A_114 : memref<1x64xi32, #tpu.memory_space<vmem>> -> memref<64xi32, #tpu.memory_space<vmem>>
        %dma_wait3A_116 = arith.constant 0 : i32
        %dma_wait3A_117 = tpu.memref_slice %arg2[%add3A, %dma_wait3A_112, %dma_wait3A_116] : memref<32x159x64xi32, #tpu.memory_space<hbm>> -> memref<1x1x64xi32, #tpu.memory_space<hbm>>
        %dma_wait3A_118 = tpu.memref_squeeze %dma_wait3A_117 : memref<1x1x64xi32, #tpu.memory_space<hbm>> -> memref<64xi32, #tpu.memory_space<hbm>>
        %dma_wait3A_119 = arith.constant 0 : i32
        %dma_wait3A_120 = tpu.memref_slice %arg6[%rem3A_111, %dma_wait3A_119] : memref<8x64xi32, #tpu.memory_space<vmem>> -> memref<1x64xi32, #tpu.memory_space<vmem>>
        %dma_wait3A_121 = tpu.memref_squeeze %dma_wait3A_120 : memref<1x64xi32, #tpu.memory_space<vmem>> -> memref<64xi32, #tpu.memory_space<vmem>>
        %dma_wait3A_122 = arith.constant 0 : i32
        %dma_wait3A_123 = tpu.memref_slice %arg2[%add3A, %dma_wait3A_112, %dma_wait3A_122] : memref<32x159x64xi32, #tpu.memory_space<hbm>> -> memref<1x1x64xi32, #tpu.memory_space<hbm>>
        %dma_wait3A_124 = tpu.memref_squeeze %dma_wait3A_123 : memref<1x1x64xi32, #tpu.memory_space<hbm>> -> memref<64xi32, #tpu.memory_space<hbm>>
        tpu.wait_dma2 semaphore(%arg9 : memref<!tpu.dma_semaphore, #tpu.memory_space<semaphore_mem>>) src(%dma_wait3A_124 : memref<64xi32, #tpu.memory_space<hbm>>) dst(%dma_wait3A_121 : memref<64xi32, #tpu.memory_space<vmem>>)
      } else {
      }
    }
    %scan3A_62 = arith.constant 159 : i32
    %dma_wait3A_63 = arith.constant 0 : i32
    %dma_wait3A_64 = arith.constant 0 : i32
    %dma_wait3A_65 = tpu.memref_slice %arg6[%dma_wait3A_63, %dma_wait3A_64] : memref<8x64xi32, #tpu.memory_space<vmem>> -> memref<1x64xi32, #tpu.memory_space<vmem>>
    %dma_wait3A_66 = tpu.memref_squeeze %dma_wait3A_65 : memref<1x64xi32, #tpu.memory_space<vmem>> -> memref<64xi32, #tpu.memory_space<vmem>>
    %dma_wait3A_67 = arith.constant 0 : i32
    %dma_wait3A_68 = arith.constant 0 : i32
    %dma_wait3A_69 = tpu.memref_slice %arg8[%dma_wait3A_67, %dma_wait3A_68] : memref<10240x128xf32, #tpu.memory_space<vmem_shared>> -> memref<10240x128xf32, #tpu.memory_space<vmem_shared>>
    tpu.wait_indirect_dma semaphore(%arg10 : memref<!tpu.dma_semaphore, #tpu.memory_space<semaphore_mem>>) src(%arg7 : memref<64x128xf32, #tpu.memory_space<vmem>>) dst(%dma_wait3A_69 : memref<10240x128xf32, #tpu.memory_space<vmem_shared>>)
    %dma_wait3A_70 = arith.constant 0 : i32
    %dma_wait3A_71 = arith.constant 0 : i32
    %dma_wait3A_72 = tpu.memref_slice %arg6[%dma_wait3A_70, %dma_wait3A_71] : memref<8x64xi32, #tpu.memory_space<vmem>> -> memref<1x64xi32, #tpu.memory_space<vmem>>
    %dma_wait3A_73 = tpu.memref_squeeze %dma_wait3A_72 : memref<1x64xi32, #tpu.memory_space<vmem>> -> memref<64xi32, #tpu.memory_space<vmem>>
    %dma_wait3A_74 = arith.constant 0 : i32
    %dma_wait3A_75 = arith.constant 0 : i32
    %dma_wait3A_76 = tpu.memref_slice %arg8[%dma_wait3A_74, %dma_wait3A_75] : memref<10240x128xf32, #tpu.memory_space<vmem_shared>> -> memref<10240x128xf32, #tpu.memory_space<vmem_shared>>
    tpu.wait_indirect_dma semaphore(%arg10 : memref<!tpu.dma_semaphore, #tpu.memory_space<semaphore_mem>>) src(%arg7 : memref<64x128xf32, #tpu.memory_space<vmem>>) dst(%dma_wait3A_76 : memref<10240x128xf32, #tpu.memory_space<vmem_shared>>)
    %dma_wait3A_77 = arith.constant 0 : i32
    %dma_wait3A_78 = arith.constant 0 : i32
    %dma_wait3A_79 = tpu.memref_slice %arg6[%dma_wait3A_77, %dma_wait3A_78] : memref<8x64xi32, #tpu.memory_space<vmem>> -> memref<1x64xi32, #tpu.memory_space<vmem>>
    %dma_wait3A_80 = tpu.memref_squeeze %dma_wait3A_79 : memref<1x64xi32, #tpu.memory_space<vmem>> -> memref<64xi32, #tpu.memory_space<vmem>>
    %dma_wait3A_81 = arith.constant 0 : i32
    %dma_wait3A_82 = arith.constant 0 : i32
    %dma_wait3A_83 = tpu.memref_slice %arg8[%dma_wait3A_81, %dma_wait3A_82] : memref<10240x128xf32, #tpu.memory_space<vmem_shared>> -> memref<10240x128xf32, #tpu.memory_space<vmem_shared>>
    tpu.wait_indirect_dma semaphore(%arg10 : memref<!tpu.dma_semaphore, #tpu.memory_space<semaphore_mem>>) src(%arg7 : memref<64x128xf32, #tpu.memory_space<vmem>>) dst(%dma_wait3A_83 : memref<10240x128xf32, #tpu.memory_space<vmem_shared>>)
    %barrier3A_84 = arith.constant 0 : index
    tpu.barrier barrier_id(%barrier3A_84)
    "tpu.region"() ({
      %run_scoped3A_85 = tpu.sem_alloc : memref<!tpu.dma_semaphore, #tpu.memory_space<semaphore_mem>>
      %dma_start3A_86 = arith.constant 0 : i32
      %dma_start3A_87 = tpu.memref_slice %arg5[%arg0, %mul3A_2, %dma_start3A_86] : memref<2x10240x128xf32, #tpu.memory_space<hbm>> -> memref<1x640x128xf32, #tpu.memory_space<hbm>>
      %dma_start3A_88 = tpu.memref_squeeze %dma_start3A_87 : memref<1x640x128xf32, #tpu.memory_space<hbm>> -> memref<640x128xf32, #tpu.memory_space<hbm>>
      %dma_start3A_89 = arith.constant 0 : i32
      %dma_start3A_90 = tpu.memref_slice %arg8[%mul3A_2, %dma_start3A_89] : memref<10240x128xf32, #tpu.memory_space<vmem_shared>> -> memref<640x128xf32, #tpu.memory_space<vmem_shared>>
      tpu.enqueue_dma source(%dma_start3A_90 : memref<640x128xf32, #tpu.memory_space<vmem_shared>>) target(%dma_start3A_88 : memref<640x128xf32, #tpu.memory_space<hbm>>) target_semaphore(%run_scoped3A_85 : memref<!tpu.dma_semaphore, #tpu.memory_space<semaphore_mem>>)
      %dma_wait3A_91 = arith.constant 0 : i32
      %dma_wait3A_92 = tpu.memref_slice %arg5[%arg0, %mul3A_2, %dma_wait3A_91] : memref<2x10240x128xf32, #tpu.memory_space<hbm>> -> memref<1x640x128xf32, #tpu.memory_space<hbm>>
      %dma_wait3A_93 = tpu.memref_squeeze %dma_wait3A_92 : memref<1x640x128xf32, #tpu.memory_space<hbm>> -> memref<640x128xf32, #tpu.memory_space<hbm>>
      %dma_wait3A_94 = arith.constant 0 : i32
      %dma_wait3A_95 = tpu.memref_slice %arg8[%mul3A_2, %dma_wait3A_94] : memref<10240x128xf32, #tpu.memory_space<vmem_shared>> -> memref<640x128xf32, #tpu.memory_space<vmem_shared>>
      tpu.wait_dma2 semaphore(%run_scoped3A_85 : memref<!tpu.dma_semaphore, #tpu.memory_space<semaphore_mem>>) src(%dma_wait3A_95 : memref<640x128xf32, #tpu.memory_space<vmem_shared>>) dst(%dma_wait3A_93 : memref<640x128xf32, #tpu.memory_space<hbm>>)
      tpu.yield
    }) : () -> ()
    return
  }
}

#map = affine_map<(d0, d1) -> (0, 0)>
#map1 = affine_map<(d0, d1) -> (0, 0, 0)>
module attributes {stable_mosaic.version = 14 : i64} {
  func.func @spmm(%arg0: i32, %arg1: i32, %arg2: memref<10240x128xf32, #tpu.memory_space<hbm>>, %arg3: memref<32x106x96xi32, #tpu.memory_space<hbm>>, %arg4: memref<32x106x96xi32, #tpu.memory_space<hbm>>, %arg5: memref<10240x128xf32, #tpu.memory_space<hbm>>, %arg6: memref<2x10240x128xf32, #tpu.memory_space<hbm>>, %arg7: memref<8x96xi32, #tpu.memory_space<vmem>>, %arg8: memref<8x96xi32, #tpu.memory_space<vmem>>, %arg9: memref<3x96x128xf32, #tpu.memory_space<vmem>>, %arg10: memref<10240x128xf32, #tpu.memory_space<vmem_shared>>, %arg11: memref<!tpu.dma_semaphore, #tpu.memory_space<semaphore_mem>>, %arg12: memref<!tpu.dma_semaphore, #tpu.memory_space<semaphore_mem>>, %arg13: memref<!tpu.dma_semaphore, #tpu.memory_space<semaphore_mem>>) attributes {dimension_semantics = [#tpu.dimension_semantics<core_parallel>, #tpu.dimension_semantics<subcore_parallel>], iteration_bounds = array<i64: 2, 16>, scalar_prefetch = 0 : i64, scratch_operands = 7 : i64, tpu.core_type = #tpu.core_type<sc_vector_subcore>, window_params = [{transform_indices = #map}, {transform_indices = #map1}, {transform_indices = #map1}, {transform_indices = #map}, {transform_indices = #map1}]} {
    %mul3A = arith.constant 2 : i32
    %mul3A_0 = arith.muli %arg1, %mul3A : i32
    %add3A = arith.addi %mul3A_0, %arg0 : i32
    %mul3A_1 = arith.constant 640 : i32
    %mul3A_2 = arith.muli %arg1, %mul3A_1 : i32
    %run_scoped3A = arith.constant 0 : i32
    %run_scoped3A_3 = arith.constant 0 : i32
    "tpu.region"() ({
      %run_scoped3A_158 = tpu.sem_alloc : memref<!tpu.dma_semaphore, #tpu.memory_space<semaphore_mem>>
      %dma_start3A_159 = arith.constant 0 : i32
      %dma_start3A_160 = tpu.memref_slice %arg7[%run_scoped3A_3, %dma_start3A_159] : memref<8x96xi32, #tpu.memory_space<vmem>> -> memref<1x96xi32, #tpu.memory_space<vmem>>
      %dma_start3A_161 = tpu.memref_squeeze %dma_start3A_160 : memref<1x96xi32, #tpu.memory_space<vmem>> -> memref<96xi32, #tpu.memory_space<vmem>>
      %dma_start3A_162 = arith.constant 0 : i32
      %dma_start3A_163 = tpu.memref_slice %arg3[%add3A, %run_scoped3A, %dma_start3A_162] : memref<32x106x96xi32, #tpu.memory_space<hbm>> -> memref<1x1x96xi32, #tpu.memory_space<hbm>>
      %dma_start3A_164 = tpu.memref_squeeze %dma_start3A_163 : memref<1x1x96xi32, #tpu.memory_space<hbm>> -> memref<96xi32, #tpu.memory_space<hbm>>
      %dma_start3A_165 = arith.constant 0 : i32
      %dma_start3A_166 = tpu.memref_slice %arg7[%run_scoped3A_3, %dma_start3A_165] : memref<8x96xi32, #tpu.memory_space<vmem>> -> memref<1x96xi32, #tpu.memory_space<vmem>>
      %dma_start3A_167 = tpu.memref_squeeze %dma_start3A_166 : memref<1x96xi32, #tpu.memory_space<vmem>> -> memref<96xi32, #tpu.memory_space<vmem>>
      %dma_start3A_168 = arith.constant 0 : i32
      %dma_start3A_169 = tpu.memref_slice %arg3[%add3A, %run_scoped3A, %dma_start3A_168] : memref<32x106x96xi32, #tpu.memory_space<hbm>> -> memref<1x1x96xi32, #tpu.memory_space<hbm>>
      %dma_start3A_170 = tpu.memref_squeeze %dma_start3A_169 : memref<1x1x96xi32, #tpu.memory_space<hbm>> -> memref<96xi32, #tpu.memory_space<hbm>>
      tpu.enqueue_dma source(%dma_start3A_170 : memref<96xi32, #tpu.memory_space<hbm>>) target(%dma_start3A_167 : memref<96xi32, #tpu.memory_space<vmem>>) target_semaphore(%run_scoped3A_158 : memref<!tpu.dma_semaphore, #tpu.memory_space<semaphore_mem>>)
      %dma_wait3A_171 = arith.constant 0 : i32
      %dma_wait3A_172 = tpu.memref_slice %arg7[%run_scoped3A_3, %dma_wait3A_171] : memref<8x96xi32, #tpu.memory_space<vmem>> -> memref<1x96xi32, #tpu.memory_space<vmem>>
      %dma_wait3A_173 = tpu.memref_squeeze %dma_wait3A_172 : memref<1x96xi32, #tpu.memory_space<vmem>> -> memref<96xi32, #tpu.memory_space<vmem>>
      %dma_wait3A_174 = arith.constant 0 : i32
      %dma_wait3A_175 = tpu.memref_slice %arg3[%add3A, %run_scoped3A, %dma_wait3A_174] : memref<32x106x96xi32, #tpu.memory_space<hbm>> -> memref<1x1x96xi32, #tpu.memory_space<hbm>>
      %dma_wait3A_176 = tpu.memref_squeeze %dma_wait3A_175 : memref<1x1x96xi32, #tpu.memory_space<hbm>> -> memref<96xi32, #tpu.memory_space<hbm>>
      %dma_wait3A_177 = arith.constant 0 : i32
      %dma_wait3A_178 = tpu.memref_slice %arg7[%run_scoped3A_3, %dma_wait3A_177] : memref<8x96xi32, #tpu.memory_space<vmem>> -> memref<1x96xi32, #tpu.memory_space<vmem>>
      %dma_wait3A_179 = tpu.memref_squeeze %dma_wait3A_178 : memref<1x96xi32, #tpu.memory_space<vmem>> -> memref<96xi32, #tpu.memory_space<vmem>>
      %dma_wait3A_180 = arith.constant 0 : i32
      %dma_wait3A_181 = tpu.memref_slice %arg3[%add3A, %run_scoped3A, %dma_wait3A_180] : memref<32x106x96xi32, #tpu.memory_space<hbm>> -> memref<1x1x96xi32, #tpu.memory_space<hbm>>
      %dma_wait3A_182 = tpu.memref_squeeze %dma_wait3A_181 : memref<1x1x96xi32, #tpu.memory_space<hbm>> -> memref<96xi32, #tpu.memory_space<hbm>>
      tpu.wait_dma2 semaphore(%run_scoped3A_158 : memref<!tpu.dma_semaphore, #tpu.memory_space<semaphore_mem>>) src(%dma_wait3A_182 : memref<96xi32, #tpu.memory_space<hbm>>) dst(%dma_wait3A_179 : memref<96xi32, #tpu.memory_space<vmem>>)
      tpu.yield
    }) : () -> ()
    %run_scoped3A_4 = arith.constant 0 : i32
    %run_scoped3A_5 = arith.constant 0 : i32
    "tpu.region"() ({
      %run_scoped3A_158 = tpu.sem_alloc : memref<!tpu.dma_semaphore, #tpu.memory_space<semaphore_mem>>
      %dma_start3A_159 = arith.constant 0 : i32
      %dma_start3A_160 = tpu.memref_slice %arg8[%run_scoped3A_5, %dma_start3A_159] : memref<8x96xi32, #tpu.memory_space<vmem>> -> memref<1x96xi32, #tpu.memory_space<vmem>>
      %dma_start3A_161 = tpu.memref_squeeze %dma_start3A_160 : memref<1x96xi32, #tpu.memory_space<vmem>> -> memref<96xi32, #tpu.memory_space<vmem>>
      %dma_start3A_162 = arith.constant 0 : i32
      %dma_start3A_163 = tpu.memref_slice %arg4[%add3A, %run_scoped3A_4, %dma_start3A_162] : memref<32x106x96xi32, #tpu.memory_space<hbm>> -> memref<1x1x96xi32, #tpu.memory_space<hbm>>
      %dma_start3A_164 = tpu.memref_squeeze %dma_start3A_163 : memref<1x1x96xi32, #tpu.memory_space<hbm>> -> memref<96xi32, #tpu.memory_space<hbm>>
      %dma_start3A_165 = arith.constant 0 : i32
      %dma_start3A_166 = tpu.memref_slice %arg8[%run_scoped3A_5, %dma_start3A_165] : memref<8x96xi32, #tpu.memory_space<vmem>> -> memref<1x96xi32, #tpu.memory_space<vmem>>
      %dma_start3A_167 = tpu.memref_squeeze %dma_start3A_166 : memref<1x96xi32, #tpu.memory_space<vmem>> -> memref<96xi32, #tpu.memory_space<vmem>>
      %dma_start3A_168 = arith.constant 0 : i32
      %dma_start3A_169 = tpu.memref_slice %arg4[%add3A, %run_scoped3A_4, %dma_start3A_168] : memref<32x106x96xi32, #tpu.memory_space<hbm>> -> memref<1x1x96xi32, #tpu.memory_space<hbm>>
      %dma_start3A_170 = tpu.memref_squeeze %dma_start3A_169 : memref<1x1x96xi32, #tpu.memory_space<hbm>> -> memref<96xi32, #tpu.memory_space<hbm>>
      tpu.enqueue_dma source(%dma_start3A_170 : memref<96xi32, #tpu.memory_space<hbm>>) target(%dma_start3A_167 : memref<96xi32, #tpu.memory_space<vmem>>) target_semaphore(%run_scoped3A_158 : memref<!tpu.dma_semaphore, #tpu.memory_space<semaphore_mem>>)
      %dma_wait3A_171 = arith.constant 0 : i32
      %dma_wait3A_172 = tpu.memref_slice %arg8[%run_scoped3A_5, %dma_wait3A_171] : memref<8x96xi32, #tpu.memory_space<vmem>> -> memref<1x96xi32, #tpu.memory_space<vmem>>
      %dma_wait3A_173 = tpu.memref_squeeze %dma_wait3A_172 : memref<1x96xi32, #tpu.memory_space<vmem>> -> memref<96xi32, #tpu.memory_space<vmem>>
      %dma_wait3A_174 = arith.constant 0 : i32
      %dma_wait3A_175 = tpu.memref_slice %arg4[%add3A, %run_scoped3A_4, %dma_wait3A_174] : memref<32x106x96xi32, #tpu.memory_space<hbm>> -> memref<1x1x96xi32, #tpu.memory_space<hbm>>
      %dma_wait3A_176 = tpu.memref_squeeze %dma_wait3A_175 : memref<1x1x96xi32, #tpu.memory_space<hbm>> -> memref<96xi32, #tpu.memory_space<hbm>>
      %dma_wait3A_177 = arith.constant 0 : i32
      %dma_wait3A_178 = tpu.memref_slice %arg8[%run_scoped3A_5, %dma_wait3A_177] : memref<8x96xi32, #tpu.memory_space<vmem>> -> memref<1x96xi32, #tpu.memory_space<vmem>>
      %dma_wait3A_179 = tpu.memref_squeeze %dma_wait3A_178 : memref<1x96xi32, #tpu.memory_space<vmem>> -> memref<96xi32, #tpu.memory_space<vmem>>
      %dma_wait3A_180 = arith.constant 0 : i32
      %dma_wait3A_181 = tpu.memref_slice %arg4[%add3A, %run_scoped3A_4, %dma_wait3A_180] : memref<32x106x96xi32, #tpu.memory_space<hbm>> -> memref<1x1x96xi32, #tpu.memory_space<hbm>>
      %dma_wait3A_182 = tpu.memref_squeeze %dma_wait3A_181 : memref<1x1x96xi32, #tpu.memory_space<hbm>> -> memref<96xi32, #tpu.memory_space<hbm>>
      tpu.wait_dma2 semaphore(%run_scoped3A_158 : memref<!tpu.dma_semaphore, #tpu.memory_space<semaphore_mem>>) src(%dma_wait3A_182 : memref<96xi32, #tpu.memory_space<hbm>>) dst(%dma_wait3A_179 : memref<96xi32, #tpu.memory_space<vmem>>)
      tpu.yield
    }) : () -> ()
    %dma_start3A = arith.constant 1 : i32
    %dma_start3A_6 = arith.constant 1 : i32
    %dma_start3A_7 = arith.constant 0 : i32
    %dma_start3A_8 = tpu.memref_slice %arg7[%dma_start3A_6, %dma_start3A_7] : memref<8x96xi32, #tpu.memory_space<vmem>> -> memref<1x96xi32, #tpu.memory_space<vmem>>
    %dma_start3A_9 = tpu.memref_squeeze %dma_start3A_8 : memref<1x96xi32, #tpu.memory_space<vmem>> -> memref<96xi32, #tpu.memory_space<vmem>>
    %dma_start3A_10 = arith.constant 0 : i32
    %dma_start3A_11 = tpu.memref_slice %arg3[%add3A, %dma_start3A, %dma_start3A_10] : memref<32x106x96xi32, #tpu.memory_space<hbm>> -> memref<1x1x96xi32, #tpu.memory_space<hbm>>
    %dma_start3A_12 = tpu.memref_squeeze %dma_start3A_11 : memref<1x1x96xi32, #tpu.memory_space<hbm>> -> memref<96xi32, #tpu.memory_space<hbm>>
    %dma_start3A_13 = arith.constant 0 : i32
    %dma_start3A_14 = tpu.memref_slice %arg7[%dma_start3A_6, %dma_start3A_13] : memref<8x96xi32, #tpu.memory_space<vmem>> -> memref<1x96xi32, #tpu.memory_space<vmem>>
    %dma_start3A_15 = tpu.memref_squeeze %dma_start3A_14 : memref<1x96xi32, #tpu.memory_space<vmem>> -> memref<96xi32, #tpu.memory_space<vmem>>
    %dma_start3A_16 = arith.constant 0 : i32
    %dma_start3A_17 = tpu.memref_slice %arg3[%add3A, %dma_start3A, %dma_start3A_16] : memref<32x106x96xi32, #tpu.memory_space<hbm>> -> memref<1x1x96xi32, #tpu.memory_space<hbm>>
    %dma_start3A_18 = tpu.memref_squeeze %dma_start3A_17 : memref<1x1x96xi32, #tpu.memory_space<hbm>> -> memref<96xi32, #tpu.memory_space<hbm>>
    tpu.enqueue_dma source(%dma_start3A_18 : memref<96xi32, #tpu.memory_space<hbm>>) target(%dma_start3A_15 : memref<96xi32, #tpu.memory_space<vmem>>) target_semaphore(%arg11 : memref<!tpu.dma_semaphore, #tpu.memory_space<semaphore_mem>>)
    %dma_start3A_19 = arith.constant 1 : i32
    %dma_start3A_20 = arith.constant 1 : i32
    %dma_start3A_21 = arith.constant 0 : i32
    %dma_start3A_22 = tpu.memref_slice %arg8[%dma_start3A_20, %dma_start3A_21] : memref<8x96xi32, #tpu.memory_space<vmem>> -> memref<1x96xi32, #tpu.memory_space<vmem>>
    %dma_start3A_23 = tpu.memref_squeeze %dma_start3A_22 : memref<1x96xi32, #tpu.memory_space<vmem>> -> memref<96xi32, #tpu.memory_space<vmem>>
    %dma_start3A_24 = arith.constant 0 : i32
    %dma_start3A_25 = tpu.memref_slice %arg4[%add3A, %dma_start3A_19, %dma_start3A_24] : memref<32x106x96xi32, #tpu.memory_space<hbm>> -> memref<1x1x96xi32, #tpu.memory_space<hbm>>
    %dma_start3A_26 = tpu.memref_squeeze %dma_start3A_25 : memref<1x1x96xi32, #tpu.memory_space<hbm>> -> memref<96xi32, #tpu.memory_space<hbm>>
    %dma_start3A_27 = arith.constant 0 : i32
    %dma_start3A_28 = tpu.memref_slice %arg8[%dma_start3A_20, %dma_start3A_27] : memref<8x96xi32, #tpu.memory_space<vmem>> -> memref<1x96xi32, #tpu.memory_space<vmem>>
    %dma_start3A_29 = tpu.memref_squeeze %dma_start3A_28 : memref<1x96xi32, #tpu.memory_space<vmem>> -> memref<96xi32, #tpu.memory_space<vmem>>
    %dma_start3A_30 = arith.constant 0 : i32
    %dma_start3A_31 = tpu.memref_slice %arg4[%add3A, %dma_start3A_19, %dma_start3A_30] : memref<32x106x96xi32, #tpu.memory_space<hbm>> -> memref<1x1x96xi32, #tpu.memory_space<hbm>>
    %dma_start3A_32 = tpu.memref_squeeze %dma_start3A_31 : memref<1x1x96xi32, #tpu.memory_space<hbm>> -> memref<96xi32, #tpu.memory_space<hbm>>
    tpu.enqueue_dma source(%dma_start3A_32 : memref<96xi32, #tpu.memory_space<hbm>>) target(%dma_start3A_29 : memref<96xi32, #tpu.memory_space<vmem>>) target_semaphore(%arg11 : memref<!tpu.dma_semaphore, #tpu.memory_space<semaphore_mem>>)
    %dma_start3A_33 = arith.constant 2 : i32
    %dma_start3A_34 = arith.constant 2 : i32
    %dma_start3A_35 = arith.constant 0 : i32
    %dma_start3A_36 = tpu.memref_slice %arg7[%dma_start3A_34, %dma_start3A_35] : memref<8x96xi32, #tpu.memory_space<vmem>> -> memref<1x96xi32, #tpu.memory_space<vmem>>
    %dma_start3A_37 = tpu.memref_squeeze %dma_start3A_36 : memref<1x96xi32, #tpu.memory_space<vmem>> -> memref<96xi32, #tpu.memory_space<vmem>>
    %dma_start3A_38 = arith.constant 0 : i32
    %dma_start3A_39 = tpu.memref_slice %arg3[%add3A, %dma_start3A_33, %dma_start3A_38] : memref<32x106x96xi32, #tpu.memory_space<hbm>> -> memref<1x1x96xi32, #tpu.memory_space<hbm>>
    %dma_start3A_40 = tpu.memref_squeeze %dma_start3A_39 : memref<1x1x96xi32, #tpu.memory_space<hbm>> -> memref<96xi32, #tpu.memory_space<hbm>>
    %dma_start3A_41 = arith.constant 0 : i32
    %dma_start3A_42 = tpu.memref_slice %arg7[%dma_start3A_34, %dma_start3A_41] : memref<8x96xi32, #tpu.memory_space<vmem>> -> memref<1x96xi32, #tpu.memory_space<vmem>>
    %dma_start3A_43 = tpu.memref_squeeze %dma_start3A_42 : memref<1x96xi32, #tpu.memory_space<vmem>> -> memref<96xi32, #tpu.memory_space<vmem>>
    %dma_start3A_44 = arith.constant 0 : i32
    %dma_start3A_45 = tpu.memref_slice %arg3[%add3A, %dma_start3A_33, %dma_start3A_44] : memref<32x106x96xi32, #tpu.memory_space<hbm>> -> memref<1x1x96xi32, #tpu.memory_space<hbm>>
    %dma_start3A_46 = tpu.memref_squeeze %dma_start3A_45 : memref<1x1x96xi32, #tpu.memory_space<hbm>> -> memref<96xi32, #tpu.memory_space<hbm>>
    tpu.enqueue_dma source(%dma_start3A_46 : memref<96xi32, #tpu.memory_space<hbm>>) target(%dma_start3A_43 : memref<96xi32, #tpu.memory_space<vmem>>) target_semaphore(%arg11 : memref<!tpu.dma_semaphore, #tpu.memory_space<semaphore_mem>>)
    %dma_start3A_47 = arith.constant 2 : i32
    %dma_start3A_48 = arith.constant 2 : i32
    %dma_start3A_49 = arith.constant 0 : i32
    %dma_start3A_50 = tpu.memref_slice %arg8[%dma_start3A_48, %dma_start3A_49] : memref<8x96xi32, #tpu.memory_space<vmem>> -> memref<1x96xi32, #tpu.memory_space<vmem>>
    %dma_start3A_51 = tpu.memref_squeeze %dma_start3A_50 : memref<1x96xi32, #tpu.memory_space<vmem>> -> memref<96xi32, #tpu.memory_space<vmem>>
    %dma_start3A_52 = arith.constant 0 : i32
    %dma_start3A_53 = tpu.memref_slice %arg4[%add3A, %dma_start3A_47, %dma_start3A_52] : memref<32x106x96xi32, #tpu.memory_space<hbm>> -> memref<1x1x96xi32, #tpu.memory_space<hbm>>
    %dma_start3A_54 = tpu.memref_squeeze %dma_start3A_53 : memref<1x1x96xi32, #tpu.memory_space<hbm>> -> memref<96xi32, #tpu.memory_space<hbm>>
    %dma_start3A_55 = arith.constant 0 : i32
    %dma_start3A_56 = tpu.memref_slice %arg8[%dma_start3A_48, %dma_start3A_55] : memref<8x96xi32, #tpu.memory_space<vmem>> -> memref<1x96xi32, #tpu.memory_space<vmem>>
    %dma_start3A_57 = tpu.memref_squeeze %dma_start3A_56 : memref<1x96xi32, #tpu.memory_space<vmem>> -> memref<96xi32, #tpu.memory_space<vmem>>
    %dma_start3A_58 = arith.constant 0 : i32
    %dma_start3A_59 = tpu.memref_slice %arg4[%add3A, %dma_start3A_47, %dma_start3A_58] : memref<32x106x96xi32, #tpu.memory_space<hbm>> -> memref<1x1x96xi32, #tpu.memory_space<hbm>>
    %dma_start3A_60 = tpu.memref_squeeze %dma_start3A_59 : memref<1x1x96xi32, #tpu.memory_space<hbm>> -> memref<96xi32, #tpu.memory_space<hbm>>
    tpu.enqueue_dma source(%dma_start3A_60 : memref<96xi32, #tpu.memory_space<hbm>>) target(%dma_start3A_57 : memref<96xi32, #tpu.memory_space<vmem>>) target_semaphore(%arg11 : memref<!tpu.dma_semaphore, #tpu.memory_space<semaphore_mem>>)
    %dma_start3A_61 = arith.constant 3 : i32
    %dma_start3A_62 = arith.constant 3 : i32
    %dma_start3A_63 = arith.constant 0 : i32
    %dma_start3A_64 = tpu.memref_slice %arg7[%dma_start3A_62, %dma_start3A_63] : memref<8x96xi32, #tpu.memory_space<vmem>> -> memref<1x96xi32, #tpu.memory_space<vmem>>
    %dma_start3A_65 = tpu.memref_squeeze %dma_start3A_64 : memref<1x96xi32, #tpu.memory_space<vmem>> -> memref<96xi32, #tpu.memory_space<vmem>>
    %dma_start3A_66 = arith.constant 0 : i32
    %dma_start3A_67 = tpu.memref_slice %arg3[%add3A, %dma_start3A_61, %dma_start3A_66] : memref<32x106x96xi32, #tpu.memory_space<hbm>> -> memref<1x1x96xi32, #tpu.memory_space<hbm>>
    %dma_start3A_68 = tpu.memref_squeeze %dma_start3A_67 : memref<1x1x96xi32, #tpu.memory_space<hbm>> -> memref<96xi32, #tpu.memory_space<hbm>>
    %dma_start3A_69 = arith.constant 0 : i32
    %dma_start3A_70 = tpu.memref_slice %arg7[%dma_start3A_62, %dma_start3A_69] : memref<8x96xi32, #tpu.memory_space<vmem>> -> memref<1x96xi32, #tpu.memory_space<vmem>>
    %dma_start3A_71 = tpu.memref_squeeze %dma_start3A_70 : memref<1x96xi32, #tpu.memory_space<vmem>> -> memref<96xi32, #tpu.memory_space<vmem>>
    %dma_start3A_72 = arith.constant 0 : i32
    %dma_start3A_73 = tpu.memref_slice %arg3[%add3A, %dma_start3A_61, %dma_start3A_72] : memref<32x106x96xi32, #tpu.memory_space<hbm>> -> memref<1x1x96xi32, #tpu.memory_space<hbm>>
    %dma_start3A_74 = tpu.memref_squeeze %dma_start3A_73 : memref<1x1x96xi32, #tpu.memory_space<hbm>> -> memref<96xi32, #tpu.memory_space<hbm>>
    tpu.enqueue_dma source(%dma_start3A_74 : memref<96xi32, #tpu.memory_space<hbm>>) target(%dma_start3A_71 : memref<96xi32, #tpu.memory_space<vmem>>) target_semaphore(%arg11 : memref<!tpu.dma_semaphore, #tpu.memory_space<semaphore_mem>>)
    %dma_start3A_75 = arith.constant 3 : i32
    %dma_start3A_76 = arith.constant 3 : i32
    %dma_start3A_77 = arith.constant 0 : i32
    %dma_start3A_78 = tpu.memref_slice %arg8[%dma_start3A_76, %dma_start3A_77] : memref<8x96xi32, #tpu.memory_space<vmem>> -> memref<1x96xi32, #tpu.memory_space<vmem>>
    %dma_start3A_79 = tpu.memref_squeeze %dma_start3A_78 : memref<1x96xi32, #tpu.memory_space<vmem>> -> memref<96xi32, #tpu.memory_space<vmem>>
    %dma_start3A_80 = arith.constant 0 : i32
    %dma_start3A_81 = tpu.memref_slice %arg4[%add3A, %dma_start3A_75, %dma_start3A_80] : memref<32x106x96xi32, #tpu.memory_space<hbm>> -> memref<1x1x96xi32, #tpu.memory_space<hbm>>
    %dma_start3A_82 = tpu.memref_squeeze %dma_start3A_81 : memref<1x1x96xi32, #tpu.memory_space<hbm>> -> memref<96xi32, #tpu.memory_space<hbm>>
    %dma_start3A_83 = arith.constant 0 : i32
    %dma_start3A_84 = tpu.memref_slice %arg8[%dma_start3A_76, %dma_start3A_83] : memref<8x96xi32, #tpu.memory_space<vmem>> -> memref<1x96xi32, #tpu.memory_space<vmem>>
    %dma_start3A_85 = tpu.memref_squeeze %dma_start3A_84 : memref<1x96xi32, #tpu.memory_space<vmem>> -> memref<96xi32, #tpu.memory_space<vmem>>
    %dma_start3A_86 = arith.constant 0 : i32
    %dma_start3A_87 = tpu.memref_slice %arg4[%add3A, %dma_start3A_75, %dma_start3A_86] : memref<32x106x96xi32, #tpu.memory_space<hbm>> -> memref<1x1x96xi32, #tpu.memory_space<hbm>>
    %dma_start3A_88 = tpu.memref_squeeze %dma_start3A_87 : memref<1x1x96xi32, #tpu.memory_space<hbm>> -> memref<96xi32, #tpu.memory_space<hbm>>
    tpu.enqueue_dma source(%dma_start3A_88 : memref<96xi32, #tpu.memory_space<hbm>>) target(%dma_start3A_85 : memref<96xi32, #tpu.memory_space<vmem>>) target_semaphore(%arg11 : memref<!tpu.dma_semaphore, #tpu.memory_space<semaphore_mem>>)
    %dma_start3A_89 = arith.constant 0 : i32
    %dma_start3A_90 = arith.constant 0 : i32
    %dma_start3A_91 = arith.constant 0 : i32
    %dma_start3A_92 = arith.constant 0 : i32
    %dma_start3A_93 = tpu.memref_slice %arg9[%dma_start3A_90, %dma_start3A_91, %dma_start3A_92] : memref<3x96x128xf32, #tpu.memory_space<vmem>> -> memref<1x96x128xf32, #tpu.memory_space<vmem>>
    %dma_start3A_94 = tpu.memref_squeeze %dma_start3A_93 : memref<1x96x128xf32, #tpu.memory_space<vmem>> -> memref<96x128xf32, #tpu.memory_space<vmem>>
    %dma_start3A_95 = arith.constant 0 : i32
    %dma_start3A_96 = tpu.memref_slice %arg7[%dma_start3A_89, %dma_start3A_95] : memref<8x96xi32, #tpu.memory_space<vmem>> -> memref<1x96xi32, #tpu.memory_space<vmem>>
    %dma_start3A_97 = tpu.memref_squeeze %dma_start3A_96 : memref<1x96xi32, #tpu.memory_space<vmem>> -> memref<96xi32, #tpu.memory_space<vmem>>
    %dma_start3A_98 = arith.constant 0 : i32
    %dma_start3A_99 = arith.constant 0 : i32
    %dma_start3A_100 = tpu.memref_slice %arg2[%dma_start3A_98, %dma_start3A_99] : memref<10240x128xf32, #tpu.memory_space<hbm>> -> memref<10240x128xf32, #tpu.memory_space<hbm>>
    tpu.enqueue_indirect_dma source(%dma_start3A_100 : memref<10240x128xf32, #tpu.memory_space<hbm>>) target(%dma_start3A_94 : memref<96x128xf32, #tpu.memory_space<vmem>>) offsets(%dma_start3A_97 : memref<96xi32, #tpu.memory_space<vmem>>) semaphore(%arg12 : memref<!tpu.dma_semaphore, #tpu.memory_space<semaphore_mem>>)
    %dma_wait3A = arith.constant 0 : i32
    %dma_wait3A_101 = arith.constant 1 : i32
    %dma_wait3A_102 = arith.constant 0 : i32
    %dma_wait3A_103 = tpu.memref_slice %arg7[%dma_wait3A_101, %dma_wait3A_102] : memref<8x96xi32, #tpu.memory_space<vmem>> -> memref<1x96xi32, #tpu.memory_space<vmem>>
    %dma_wait3A_104 = tpu.memref_squeeze %dma_wait3A_103 : memref<1x96xi32, #tpu.memory_space<vmem>> -> memref<96xi32, #tpu.memory_space<vmem>>
    %dma_wait3A_105 = arith.constant 0 : i32
    %dma_wait3A_106 = tpu.memref_slice %arg3[%add3A, %dma_wait3A, %dma_wait3A_105] : memref<32x106x96xi32, #tpu.memory_space<hbm>> -> memref<1x1x96xi32, #tpu.memory_space<hbm>>
    %dma_wait3A_107 = tpu.memref_squeeze %dma_wait3A_106 : memref<1x1x96xi32, #tpu.memory_space<hbm>> -> memref<96xi32, #tpu.memory_space<hbm>>
    %dma_wait3A_108 = arith.constant 0 : i32
    %dma_wait3A_109 = tpu.memref_slice %arg7[%dma_wait3A_101, %dma_wait3A_108] : memref<8x96xi32, #tpu.memory_space<vmem>> -> memref<1x96xi32, #tpu.memory_space<vmem>>
    %dma_wait3A_110 = tpu.memref_squeeze %dma_wait3A_109 : memref<1x96xi32, #tpu.memory_space<vmem>> -> memref<96xi32, #tpu.memory_space<vmem>>
    %dma_wait3A_111 = arith.constant 0 : i32
    %dma_wait3A_112 = tpu.memref_slice %arg3[%add3A, %dma_wait3A, %dma_wait3A_111] : memref<32x106x96xi32, #tpu.memory_space<hbm>> -> memref<1x1x96xi32, #tpu.memory_space<hbm>>
    %dma_wait3A_113 = tpu.memref_squeeze %dma_wait3A_112 : memref<1x1x96xi32, #tpu.memory_space<hbm>> -> memref<96xi32, #tpu.memory_space<hbm>>
    tpu.wait_dma2 semaphore(%arg11 : memref<!tpu.dma_semaphore, #tpu.memory_space<semaphore_mem>>) src(%dma_wait3A_113 : memref<96xi32, #tpu.memory_space<hbm>>) dst(%dma_wait3A_110 : memref<96xi32, #tpu.memory_space<vmem>>)
    %dma_wait3A_114 = arith.constant 0 : i32
    %dma_wait3A_115 = arith.constant 1 : i32
    %dma_wait3A_116 = arith.constant 0 : i32
    %dma_wait3A_117 = tpu.memref_slice %arg8[%dma_wait3A_115, %dma_wait3A_116] : memref<8x96xi32, #tpu.memory_space<vmem>> -> memref<1x96xi32, #tpu.memory_space<vmem>>
    %dma_wait3A_118 = tpu.memref_squeeze %dma_wait3A_117 : memref<1x96xi32, #tpu.memory_space<vmem>> -> memref<96xi32, #tpu.memory_space<vmem>>
    %dma_wait3A_119 = arith.constant 0 : i32
    %dma_wait3A_120 = tpu.memref_slice %arg4[%add3A, %dma_wait3A_114, %dma_wait3A_119] : memref<32x106x96xi32, #tpu.memory_space<hbm>> -> memref<1x1x96xi32, #tpu.memory_space<hbm>>
    %dma_wait3A_121 = tpu.memref_squeeze %dma_wait3A_120 : memref<1x1x96xi32, #tpu.memory_space<hbm>> -> memref<96xi32, #tpu.memory_space<hbm>>
    %dma_wait3A_122 = arith.constant 0 : i32
    %dma_wait3A_123 = tpu.memref_slice %arg8[%dma_wait3A_115, %dma_wait3A_122] : memref<8x96xi32, #tpu.memory_space<vmem>> -> memref<1x96xi32, #tpu.memory_space<vmem>>
    %dma_wait3A_124 = tpu.memref_squeeze %dma_wait3A_123 : memref<1x96xi32, #tpu.memory_space<vmem>> -> memref<96xi32, #tpu.memory_space<vmem>>
    %dma_wait3A_125 = arith.constant 0 : i32
    %dma_wait3A_126 = tpu.memref_slice %arg4[%add3A, %dma_wait3A_114, %dma_wait3A_125] : memref<32x106x96xi32, #tpu.memory_space<hbm>> -> memref<1x1x96xi32, #tpu.memory_space<hbm>>
    %dma_wait3A_127 = tpu.memref_squeeze %dma_wait3A_126 : memref<1x1x96xi32, #tpu.memory_space<hbm>> -> memref<96xi32, #tpu.memory_space<hbm>>
    tpu.wait_dma2 semaphore(%arg11 : memref<!tpu.dma_semaphore, #tpu.memory_space<semaphore_mem>>) src(%dma_wait3A_127 : memref<96xi32, #tpu.memory_space<hbm>>) dst(%dma_wait3A_124 : memref<96xi32, #tpu.memory_space<vmem>>)
    %dma_start3A_128 = arith.constant 1 : i32
    %dma_start3A_129 = arith.constant 1 : i32
    %dma_start3A_130 = arith.constant 0 : i32
    %dma_start3A_131 = arith.constant 0 : i32
    %dma_start3A_132 = tpu.memref_slice %arg9[%dma_start3A_129, %dma_start3A_130, %dma_start3A_131] : memref<3x96x128xf32, #tpu.memory_space<vmem>> -> memref<1x96x128xf32, #tpu.memory_space<vmem>>
    %dma_start3A_133 = tpu.memref_squeeze %dma_start3A_132 : memref<1x96x128xf32, #tpu.memory_space<vmem>> -> memref<96x128xf32, #tpu.memory_space<vmem>>
    %dma_start3A_134 = arith.constant 0 : i32
    %dma_start3A_135 = tpu.memref_slice %arg7[%dma_start3A_128, %dma_start3A_134] : memref<8x96xi32, #tpu.memory_space<vmem>> -> memref<1x96xi32, #tpu.memory_space<vmem>>
    %dma_start3A_136 = tpu.memref_squeeze %dma_start3A_135 : memref<1x96xi32, #tpu.memory_space<vmem>> -> memref<96xi32, #tpu.memory_space<vmem>>
    %dma_start3A_137 = arith.constant 0 : i32
    %dma_start3A_138 = arith.constant 0 : i32
    %dma_start3A_139 = tpu.memref_slice %arg2[%dma_start3A_137, %dma_start3A_138] : memref<10240x128xf32, #tpu.memory_space<hbm>> -> memref<10240x128xf32, #tpu.memory_space<hbm>>
    tpu.enqueue_indirect_dma source(%dma_start3A_139 : memref<10240x128xf32, #tpu.memory_space<hbm>>) target(%dma_start3A_133 : memref<96x128xf32, #tpu.memory_space<vmem>>) offsets(%dma_start3A_136 : memref<96xi32, #tpu.memory_space<vmem>>) semaphore(%arg12 : memref<!tpu.dma_semaphore, #tpu.memory_space<semaphore_mem>>)
    "tpu.region"() ({
      %run_scoped3A_158 = tpu.sem_alloc : memref<!tpu.dma_semaphore, #tpu.memory_space<semaphore_mem>>
      %dma_start3A_159 = arith.constant 0 : i32
      %dma_start3A_160 = tpu.memref_slice %arg10[%mul3A_2, %dma_start3A_159] : memref<10240x128xf32, #tpu.memory_space<vmem_shared>> -> memref<640x128xf32, #tpu.memory_space<vmem_shared>>
      %dma_start3A_161 = arith.constant 0 : i32
      %dma_start3A_162 = tpu.memref_slice %arg5[%mul3A_2, %dma_start3A_161] : memref<10240x128xf32, #tpu.memory_space<hbm>> -> memref<640x128xf32, #tpu.memory_space<hbm>>
      tpu.enqueue_dma source(%dma_start3A_162 : memref<640x128xf32, #tpu.memory_space<hbm>>) target(%dma_start3A_160 : memref<640x128xf32, #tpu.memory_space<vmem_shared>>) target_semaphore(%run_scoped3A_158 : memref<!tpu.dma_semaphore, #tpu.memory_space<semaphore_mem>>)
      %dma_wait3A_163 = arith.constant 0 : i32
      %dma_wait3A_164 = tpu.memref_slice %arg10[%mul3A_2, %dma_wait3A_163] : memref<10240x128xf32, #tpu.memory_space<vmem_shared>> -> memref<640x128xf32, #tpu.memory_space<vmem_shared>>
      %dma_wait3A_165 = arith.constant 0 : i32
      %dma_wait3A_166 = tpu.memref_slice %arg5[%mul3A_2, %dma_wait3A_165] : memref<10240x128xf32, #tpu.memory_space<hbm>> -> memref<640x128xf32, #tpu.memory_space<hbm>>
      tpu.wait_dma2 semaphore(%run_scoped3A_158 : memref<!tpu.dma_semaphore, #tpu.memory_space<semaphore_mem>>) src(%dma_wait3A_166 : memref<640x128xf32, #tpu.memory_space<hbm>>) dst(%dma_wait3A_164 : memref<640x128xf32, #tpu.memory_space<vmem_shared>>)
      tpu.yield
    }) : () -> ()
    %barrier3A = arith.constant 0 : index
    tpu.barrier barrier_id(%barrier3A)
    %scan3A = arith.constant 0 : i32
    %scan3A_140 = arith.constant 0 : i32
    %scan3A_141 = arith.constant 106 : i32
    %scan3A_142 = arith.addi %scan3A_140, %scan3A_141 : i32
    %scan3A_143 = arith.constant 1 : i32
    scf.for %scan3A_158 = %scan3A_140 to %scan3A_142 step %scan3A_143  : i32 {
      %rem3A = arith.constant 3 : i32
      %rem3A_159 = arith.remsi %scan3A_158, %rem3A : i32
      %rem3A_160 = arith.constant 8 : i32
      %rem3A_161 = arith.remsi %scan3A_158, %rem3A_160 : i32
      %add3A_162 = arith.constant 2 : i32
      %add3A_163 = arith.addi %scan3A_158, %add3A_162 : i32
      %lt3A = arith.constant 106 : i32
      %lt3A_164 = arith.cmpi slt, %add3A_163, %lt3A : i32
      %convert_element_type3A = arith.extui %lt3A_164 : i1 to i32
      %cond3A = arith.constant 0 : i32
      %cond3A_165 = arith.cmpi ne, %convert_element_type3A, %cond3A : i32
      scf.if %cond3A_165 {
        %add3A_204 = arith.constant 2 : i32
        %add3A_205 = arith.addi %scan3A_158, %add3A_204 : i32
        %rem3A_206 = arith.constant 8 : i32
        %rem3A_207 = arith.remsi %add3A_205, %rem3A_206 : i32
        %dma_wait3A_208 = arith.constant 0 : i32
        %dma_wait3A_209 = arith.constant 0 : i32
        %dma_wait3A_210 = tpu.memref_slice %arg7[%rem3A_207, %dma_wait3A_209] : memref<8x96xi32, #tpu.memory_space<vmem>> -> memref<1x96xi32, #tpu.memory_space<vmem>>
        %dma_wait3A_211 = tpu.memref_squeeze %dma_wait3A_210 : memref<1x96xi32, #tpu.memory_space<vmem>> -> memref<96xi32, #tpu.memory_space<vmem>>
        %dma_wait3A_212 = arith.constant 0 : i32
        %dma_wait3A_213 = tpu.memref_slice %arg3[%add3A, %dma_wait3A_208, %dma_wait3A_212] : memref<32x106x96xi32, #tpu.memory_space<hbm>> -> memref<1x1x96xi32, #tpu.memory_space<hbm>>
        %dma_wait3A_214 = tpu.memref_squeeze %dma_wait3A_213 : memref<1x1x96xi32, #tpu.memory_space<hbm>> -> memref<96xi32, #tpu.memory_space<hbm>>
        %dma_wait3A_215 = arith.constant 0 : i32
        %dma_wait3A_216 = tpu.memref_slice %arg7[%rem3A_207, %dma_wait3A_215] : memref<8x96xi32, #tpu.memory_space<vmem>> -> memref<1x96xi32, #tpu.memory_space<vmem>>
        %dma_wait3A_217 = tpu.memref_squeeze %dma_wait3A_216 : memref<1x96xi32, #tpu.memory_space<vmem>> -> memref<96xi32, #tpu.memory_space<vmem>>
        %dma_wait3A_218 = arith.constant 0 : i32
        %dma_wait3A_219 = tpu.memref_slice %arg3[%add3A, %dma_wait3A_208, %dma_wait3A_218] : memref<32x106x96xi32, #tpu.memory_space<hbm>> -> memref<1x1x96xi32, #tpu.memory_space<hbm>>
        %dma_wait3A_220 = tpu.memref_squeeze %dma_wait3A_219 : memref<1x1x96xi32, #tpu.memory_space<hbm>> -> memref<96xi32, #tpu.memory_space<hbm>>
        tpu.wait_dma2 semaphore(%arg11 : memref<!tpu.dma_semaphore, #tpu.memory_space<semaphore_mem>>) src(%dma_wait3A_220 : memref<96xi32, #tpu.memory_space<hbm>>) dst(%dma_wait3A_217 : memref<96xi32, #tpu.memory_space<vmem>>)
        %dma_wait3A_221 = arith.constant 0 : i32
        %dma_wait3A_222 = arith.constant 0 : i32
        %dma_wait3A_223 = tpu.memref_slice %arg8[%rem3A_207, %dma_wait3A_222] : memref<8x96xi32, #tpu.memory_space<vmem>> -> memref<1x96xi32, #tpu.memory_space<vmem>>
        %dma_wait3A_224 = tpu.memref_squeeze %dma_wait3A_223 : memref<1x96xi32, #tpu.memory_space<vmem>> -> memref<96xi32, #tpu.memory_space<vmem>>
        %dma_wait3A_225 = arith.constant 0 : i32
        %dma_wait3A_226 = tpu.memref_slice %arg4[%add3A, %dma_wait3A_221, %dma_wait3A_225] : memref<32x106x96xi32, #tpu.memory_space<hbm>> -> memref<1x1x96xi32, #tpu.memory_space<hbm>>
        %dma_wait3A_227 = tpu.memref_squeeze %dma_wait3A_226 : memref<1x1x96xi32, #tpu.memory_space<hbm>> -> memref<96xi32, #tpu.memory_space<hbm>>
        %dma_wait3A_228 = arith.constant 0 : i32
        %dma_wait3A_229 = tpu.memref_slice %arg8[%rem3A_207, %dma_wait3A_228] : memref<8x96xi32, #tpu.memory_space<vmem>> -> memref<1x96xi32, #tpu.memory_space<vmem>>
        %dma_wait3A_230 = tpu.memref_squeeze %dma_wait3A_229 : memref<1x96xi32, #tpu.memory_space<vmem>> -> memref<96xi32, #tpu.memory_space<vmem>>
        %dma_wait3A_231 = arith.constant 0 : i32
        %dma_wait3A_232 = tpu.memref_slice %arg4[%add3A, %dma_wait3A_221, %dma_wait3A_231] : memref<32x106x96xi32, #tpu.memory_space<hbm>> -> memref<1x1x96xi32, #tpu.memory_space<hbm>>
        %dma_wait3A_233 = tpu.memref_squeeze %dma_wait3A_232 : memref<1x1x96xi32, #tpu.memory_space<hbm>> -> memref<96xi32, #tpu.memory_space<hbm>>
        tpu.wait_dma2 semaphore(%arg11 : memref<!tpu.dma_semaphore, #tpu.memory_space<semaphore_mem>>) src(%dma_wait3A_233 : memref<96xi32, #tpu.memory_space<hbm>>) dst(%dma_wait3A_230 : memref<96xi32, #tpu.memory_space<vmem>>)
      } else {
      }
      %dma_wait3A_166 = arith.constant 0 : i32
      %dma_wait3A_167 = arith.constant 0 : i32
      %dma_wait3A_168 = tpu.memref_slice %arg9[%rem3A_159, %dma_wait3A_166, %dma_wait3A_167] : memref<3x96x128xf32, #tpu.memory_space<vmem>> -> memref<1x96x128xf32, #tpu.memory_space<vmem>>
      %dma_wait3A_169 = tpu.memref_squeeze %dma_wait3A_168 : memref<1x96x128xf32, #tpu.memory_space<vmem>> -> memref<96x128xf32, #tpu.memory_space<vmem>>
      %dma_wait3A_170 = arith.constant 0 : i32
      %dma_wait3A_171 = tpu.memref_slice %arg7[%rem3A_161, %dma_wait3A_170] : memref<8x96xi32, #tpu.memory_space<vmem>> -> memref<1x96xi32, #tpu.memory_space<vmem>>
      %dma_wait3A_172 = tpu.memref_squeeze %dma_wait3A_171 : memref<1x96xi32, #tpu.memory_space<vmem>> -> memref<96xi32, #tpu.memory_space<vmem>>
      %dma_wait3A_173 = arith.constant 0 : i32
      %dma_wait3A_174 = arith.constant 0 : i32
      %dma_wait3A_175 = tpu.memref_slice %arg2[%dma_wait3A_173, %dma_wait3A_174] : memref<10240x128xf32, #tpu.memory_space<hbm>> -> memref<10240x128xf32, #tpu.memory_space<hbm>>
      tpu.wait_indirect_dma semaphore(%arg12 : memref<!tpu.dma_semaphore, #tpu.memory_space<semaphore_mem>>) src(%dma_wait3A_175 : memref<10240x128xf32, #tpu.memory_space<hbm>>) dst(%dma_wait3A_169 : memref<96x128xf32, #tpu.memory_space<vmem>>)
      %gt3A = arith.constant 0 : i32
      %gt3A_176 = arith.cmpi sgt, %scan3A_158, %gt3A : i32
      %convert_element_type3A_177 = arith.extui %gt3A_176 : i1 to i32
      %cond3A_178 = arith.constant 0 : i32
      %cond3A_179 = arith.cmpi ne, %convert_element_type3A_177, %cond3A_178 : i32
      scf.if %cond3A_179 {
        %dma_wait3A_204 = arith.constant 0 : i32
        %dma_wait3A_205 = arith.constant 0 : i32
        %dma_wait3A_206 = tpu.memref_slice %arg9[%rem3A_159, %dma_wait3A_204, %dma_wait3A_205] : memref<3x96x128xf32, #tpu.memory_space<vmem>> -> memref<1x96x128xf32, #tpu.memory_space<vmem>>
        %dma_wait3A_207 = tpu.memref_squeeze %dma_wait3A_206 : memref<1x96x128xf32, #tpu.memory_space<vmem>> -> memref<96x128xf32, #tpu.memory_space<vmem>>
        %dma_wait3A_208 = arith.constant 0 : i32
        %dma_wait3A_209 = tpu.memref_slice %arg8[%rem3A_161, %dma_wait3A_208] : memref<8x96xi32, #tpu.memory_space<vmem>> -> memref<1x96xi32, #tpu.memory_space<vmem>>
        %dma_wait3A_210 = tpu.memref_squeeze %dma_wait3A_209 : memref<1x96xi32, #tpu.memory_space<vmem>> -> memref<96xi32, #tpu.memory_space<vmem>>
        %dma_wait3A_211 = arith.constant 0 : i32
        %dma_wait3A_212 = arith.constant 0 : i32
        %dma_wait3A_213 = tpu.memref_slice %arg10[%dma_wait3A_211, %dma_wait3A_212] : memref<10240x128xf32, #tpu.memory_space<vmem_shared>> -> memref<10240x128xf32, #tpu.memory_space<vmem_shared>>
        tpu.wait_indirect_dma semaphore(%arg13 : memref<!tpu.dma_semaphore, #tpu.memory_space<semaphore_mem>>) src(%dma_wait3A_207 : memref<96x128xf32, #tpu.memory_space<vmem>>) dst(%dma_wait3A_213 : memref<10240x128xf32, #tpu.memory_space<vmem_shared>>)
      } else {
      }
      %add3A_180 = arith.constant 2 : i32
      %add3A_181 = arith.addi %scan3A_158, %add3A_180 : i32
      %lt3A_182 = arith.constant 106 : i32
      %lt3A_183 = arith.cmpi slt, %add3A_181, %lt3A_182 : i32
      %convert_element_type3A_184 = arith.extui %lt3A_183 : i1 to i32
      %cond3A_185 = arith.constant 0 : i32
      %cond3A_186 = arith.cmpi ne, %convert_element_type3A_184, %cond3A_185 : i32
      scf.if %cond3A_186 {
        %add3A_204 = arith.constant 2 : i32
        %add3A_205 = arith.addi %scan3A_158, %add3A_204 : i32
        %add3A_206 = arith.constant 2 : i32
        %add3A_207 = arith.addi %scan3A_158, %add3A_206 : i32
        %rem3A_208 = arith.constant 8 : i32
        %rem3A_209 = arith.remsi %add3A_207, %rem3A_208 : i32
        %add3A_210 = arith.constant 2 : i32
        %add3A_211 = arith.addi %scan3A_158, %add3A_210 : i32
        %rem3A_212 = arith.constant 3 : i32
        %rem3A_213 = arith.remsi %add3A_211, %rem3A_212 : i32
        %dma_start3A_214 = arith.constant 0 : i32
        %dma_start3A_215 = arith.constant 0 : i32
        %dma_start3A_216 = tpu.memref_slice %arg9[%rem3A_213, %dma_start3A_214, %dma_start3A_215] : memref<3x96x128xf32, #tpu.memory_space<vmem>> -> memref<1x96x128xf32, #tpu.memory_space<vmem>>
        %dma_start3A_217 = tpu.memref_squeeze %dma_start3A_216 : memref<1x96x128xf32, #tpu.memory_space<vmem>> -> memref<96x128xf32, #tpu.memory_space<vmem>>
        %dma_start3A_218 = arith.constant 0 : i32
        %dma_start3A_219 = tpu.memref_slice %arg7[%rem3A_209, %dma_start3A_218] : memref<8x96xi32, #tpu.memory_space<vmem>> -> memref<1x96xi32, #tpu.memory_space<vmem>>
        %dma_start3A_220 = tpu.memref_squeeze %dma_start3A_219 : memref<1x96xi32, #tpu.memory_space<vmem>> -> memref<96xi32, #tpu.memory_space<vmem>>
        %dma_start3A_221 = arith.constant 0 : i32
        %dma_start3A_222 = arith.constant 0 : i32
        %dma_start3A_223 = tpu.memref_slice %arg2[%dma_start3A_221, %dma_start3A_222] : memref<10240x128xf32, #tpu.memory_space<hbm>> -> memref<10240x128xf32, #tpu.memory_space<hbm>>
        tpu.enqueue_indirect_dma source(%dma_start3A_223 : memref<10240x128xf32, #tpu.memory_space<hbm>>) target(%dma_start3A_217 : memref<96x128xf32, #tpu.memory_space<vmem>>) offsets(%dma_start3A_220 : memref<96xi32, #tpu.memory_space<vmem>>) semaphore(%arg12 : memref<!tpu.dma_semaphore, #tpu.memory_space<semaphore_mem>>)
      } else {
      }
      %add3A_187 = arith.constant 4 : i32
      %add3A_188 = arith.addi %scan3A_158, %add3A_187 : i32
      %lt3A_189 = arith.constant 106 : i32
      %lt3A_190 = arith.cmpi slt, %add3A_188, %lt3A_189 : i32
      %convert_element_type3A_191 = arith.extui %lt3A_190 : i1 to i32
      %cond3A_192 = arith.constant 0 : i32
      %cond3A_193 = arith.cmpi ne, %convert_element_type3A_191, %cond3A_192 : i32
      scf.if %cond3A_193 {
        %add3A_204 = arith.constant 4 : i32
        %add3A_205 = arith.addi %scan3A_158, %add3A_204 : i32
        %add3A_206 = arith.constant 4 : i32
        %add3A_207 = arith.addi %scan3A_158, %add3A_206 : i32
        %rem3A_208 = arith.constant 8 : i32
        %rem3A_209 = arith.remsi %add3A_207, %rem3A_208 : i32
        %dma_start3A_210 = arith.constant 0 : i32
        %dma_start3A_211 = tpu.memref_slice %arg7[%rem3A_209, %dma_start3A_210] : memref<8x96xi32, #tpu.memory_space<vmem>> -> memref<1x96xi32, #tpu.memory_space<vmem>>
        %dma_start3A_212 = tpu.memref_squeeze %dma_start3A_211 : memref<1x96xi32, #tpu.memory_space<vmem>> -> memref<96xi32, #tpu.memory_space<vmem>>
        %dma_start3A_213 = arith.constant 0 : i32
        %dma_start3A_214 = tpu.memref_slice %arg3[%add3A, %add3A_205, %dma_start3A_213] : memref<32x106x96xi32, #tpu.memory_space<hbm>> -> memref<1x1x96xi32, #tpu.memory_space<hbm>>
        %dma_start3A_215 = tpu.memref_squeeze %dma_start3A_214 : memref<1x1x96xi32, #tpu.memory_space<hbm>> -> memref<96xi32, #tpu.memory_space<hbm>>
        %dma_start3A_216 = arith.constant 0 : i32
        %dma_start3A_217 = tpu.memref_slice %arg7[%rem3A_209, %dma_start3A_216] : memref<8x96xi32, #tpu.memory_space<vmem>> -> memref<1x96xi32, #tpu.memory_space<vmem>>
        %dma_start3A_218 = tpu.memref_squeeze %dma_start3A_217 : memref<1x96xi32, #tpu.memory_space<vmem>> -> memref<96xi32, #tpu.memory_space<vmem>>
        %dma_start3A_219 = arith.constant 0 : i32
        %dma_start3A_220 = tpu.memref_slice %arg3[%add3A, %add3A_205, %dma_start3A_219] : memref<32x106x96xi32, #tpu.memory_space<hbm>> -> memref<1x1x96xi32, #tpu.memory_space<hbm>>
        %dma_start3A_221 = tpu.memref_squeeze %dma_start3A_220 : memref<1x1x96xi32, #tpu.memory_space<hbm>> -> memref<96xi32, #tpu.memory_space<hbm>>
        tpu.enqueue_dma source(%dma_start3A_221 : memref<96xi32, #tpu.memory_space<hbm>>) target(%dma_start3A_218 : memref<96xi32, #tpu.memory_space<vmem>>) target_semaphore(%arg11 : memref<!tpu.dma_semaphore, #tpu.memory_space<semaphore_mem>>)
        %dma_start3A_222 = arith.constant 0 : i32
        %dma_start3A_223 = tpu.memref_slice %arg8[%rem3A_209, %dma_start3A_222] : memref<8x96xi32, #tpu.memory_space<vmem>> -> memref<1x96xi32, #tpu.memory_space<vmem>>
        %dma_start3A_224 = tpu.memref_squeeze %dma_start3A_223 : memref<1x96xi32, #tpu.memory_space<vmem>> -> memref<96xi32, #tpu.memory_space<vmem>>
        %dma_start3A_225 = arith.constant 0 : i32
        %dma_start3A_226 = tpu.memref_slice %arg4[%add3A, %add3A_205, %dma_start3A_225] : memref<32x106x96xi32, #tpu.memory_space<hbm>> -> memref<1x1x96xi32, #tpu.memory_space<hbm>>
        %dma_start3A_227 = tpu.memref_squeeze %dma_start3A_226 : memref<1x1x96xi32, #tpu.memory_space<hbm>> -> memref<96xi32, #tpu.memory_space<hbm>>
        %dma_start3A_228 = arith.constant 0 : i32
        %dma_start3A_229 = tpu.memref_slice %arg8[%rem3A_209, %dma_start3A_228] : memref<8x96xi32, #tpu.memory_space<vmem>> -> memref<1x96xi32, #tpu.memory_space<vmem>>
        %dma_start3A_230 = tpu.memref_squeeze %dma_start3A_229 : memref<1x96xi32, #tpu.memory_space<vmem>> -> memref<96xi32, #tpu.memory_space<vmem>>
        %dma_start3A_231 = arith.constant 0 : i32
        %dma_start3A_232 = tpu.memref_slice %arg4[%add3A, %add3A_205, %dma_start3A_231] : memref<32x106x96xi32, #tpu.memory_space<hbm>> -> memref<1x1x96xi32, #tpu.memory_space<hbm>>
        %dma_start3A_233 = tpu.memref_squeeze %dma_start3A_232 : memref<1x1x96xi32, #tpu.memory_space<hbm>> -> memref<96xi32, #tpu.memory_space<hbm>>
        tpu.enqueue_dma source(%dma_start3A_233 : memref<96xi32, #tpu.memory_space<hbm>>) target(%dma_start3A_230 : memref<96xi32, #tpu.memory_space<vmem>>) target_semaphore(%arg11 : memref<!tpu.dma_semaphore, #tpu.memory_space<semaphore_mem>>)
      } else {
      }
      %dma_start3A_194 = arith.constant 0 : i32
      %dma_start3A_195 = arith.constant 0 : i32
      %dma_start3A_196 = tpu.memref_slice %arg9[%rem3A_159, %dma_start3A_194, %dma_start3A_195] : memref<3x96x128xf32, #tpu.memory_space<vmem>> -> memref<1x96x128xf32, #tpu.memory_space<vmem>>
      %dma_start3A_197 = tpu.memref_squeeze %dma_start3A_196 : memref<1x96x128xf32, #tpu.memory_space<vmem>> -> memref<96x128xf32, #tpu.memory_space<vmem>>
      %dma_start3A_198 = arith.constant 0 : i32
      %dma_start3A_199 = tpu.memref_slice %arg8[%rem3A_161, %dma_start3A_198] : memref<8x96xi32, #tpu.memory_space<vmem>> -> memref<1x96xi32, #tpu.memory_space<vmem>>
      %dma_start3A_200 = tpu.memref_squeeze %dma_start3A_199 : memref<1x96xi32, #tpu.memory_space<vmem>> -> memref<96xi32, #tpu.memory_space<vmem>>
      %dma_start3A_201 = arith.constant 0 : i32
      %dma_start3A_202 = arith.constant 0 : i32
      %dma_start3A_203 = tpu.memref_slice %arg10[%dma_start3A_201, %dma_start3A_202] : memref<10240x128xf32, #tpu.memory_space<vmem_shared>> -> memref<10240x128xf32, #tpu.memory_space<vmem_shared>>
      tpu.enqueue_indirect_dma source(%dma_start3A_197 : memref<96x128xf32, #tpu.memory_space<vmem>>) target(%dma_start3A_203 : memref<10240x128xf32, #tpu.memory_space<vmem_shared>>) offsets(%dma_start3A_200 : memref<96xi32, #tpu.memory_space<vmem>>) semaphore(%arg13 : memref<!tpu.dma_semaphore, #tpu.memory_space<semaphore_mem>>) {add = true}
    }
    %scan3A_144 = arith.constant 106 : i32
    %dma_wait3A_145 = arith.constant 0 : i32
    %dma_wait3A_146 = arith.constant 0 : i32
    %dma_wait3A_147 = arith.constant 0 : i32
    %dma_wait3A_148 = arith.constant 0 : i32
    %dma_wait3A_149 = tpu.memref_slice %arg9[%dma_wait3A_145, %dma_wait3A_147, %dma_wait3A_148] : memref<3x96x128xf32, #tpu.memory_space<vmem>> -> memref<1x96x128xf32, #tpu.memory_space<vmem>>
    %dma_wait3A_150 = tpu.memref_squeeze %dma_wait3A_149 : memref<1x96x128xf32, #tpu.memory_space<vmem>> -> memref<96x128xf32, #tpu.memory_space<vmem>>
    %dma_wait3A_151 = arith.constant 0 : i32
    %dma_wait3A_152 = tpu.memref_slice %arg8[%dma_wait3A_146, %dma_wait3A_151] : memref<8x96xi32, #tpu.memory_space<vmem>> -> memref<1x96xi32, #tpu.memory_space<vmem>>
    %dma_wait3A_153 = tpu.memref_squeeze %dma_wait3A_152 : memref<1x96xi32, #tpu.memory_space<vmem>> -> memref<96xi32, #tpu.memory_space<vmem>>
    %dma_wait3A_154 = arith.constant 0 : i32
    %dma_wait3A_155 = arith.constant 0 : i32
    %dma_wait3A_156 = tpu.memref_slice %arg10[%dma_wait3A_154, %dma_wait3A_155] : memref<10240x128xf32, #tpu.memory_space<vmem_shared>> -> memref<10240x128xf32, #tpu.memory_space<vmem_shared>>
    tpu.wait_indirect_dma semaphore(%arg13 : memref<!tpu.dma_semaphore, #tpu.memory_space<semaphore_mem>>) src(%dma_wait3A_150 : memref<96x128xf32, #tpu.memory_space<vmem>>) dst(%dma_wait3A_156 : memref<10240x128xf32, #tpu.memory_space<vmem_shared>>)
    %barrier3A_157 = arith.constant 0 : index
    tpu.barrier barrier_id(%barrier3A_157)
    "tpu.region"() ({
      %run_scoped3A_158 = tpu.sem_alloc : memref<!tpu.dma_semaphore, #tpu.memory_space<semaphore_mem>>
      %dma_start3A_159 = arith.constant 0 : i32
      %dma_start3A_160 = tpu.memref_slice %arg6[%arg0, %mul3A_2, %dma_start3A_159] : memref<2x10240x128xf32, #tpu.memory_space<hbm>> -> memref<1x640x128xf32, #tpu.memory_space<hbm>>
      %dma_start3A_161 = tpu.memref_squeeze %dma_start3A_160 : memref<1x640x128xf32, #tpu.memory_space<hbm>> -> memref<640x128xf32, #tpu.memory_space<hbm>>
      %dma_start3A_162 = arith.constant 0 : i32
      %dma_start3A_163 = tpu.memref_slice %arg10[%mul3A_2, %dma_start3A_162] : memref<10240x128xf32, #tpu.memory_space<vmem_shared>> -> memref<640x128xf32, #tpu.memory_space<vmem_shared>>
      tpu.enqueue_dma source(%dma_start3A_163 : memref<640x128xf32, #tpu.memory_space<vmem_shared>>) target(%dma_start3A_161 : memref<640x128xf32, #tpu.memory_space<hbm>>) target_semaphore(%run_scoped3A_158 : memref<!tpu.dma_semaphore, #tpu.memory_space<semaphore_mem>>)
      %dma_wait3A_164 = arith.constant 0 : i32
      %dma_wait3A_165 = tpu.memref_slice %arg6[%arg0, %mul3A_2, %dma_wait3A_164] : memref<2x10240x128xf32, #tpu.memory_space<hbm>> -> memref<1x640x128xf32, #tpu.memory_space<hbm>>
      %dma_wait3A_166 = tpu.memref_squeeze %dma_wait3A_165 : memref<1x640x128xf32, #tpu.memory_space<hbm>> -> memref<640x128xf32, #tpu.memory_space<hbm>>
      %dma_wait3A_167 = arith.constant 0 : i32
      %dma_wait3A_168 = tpu.memref_slice %arg10[%mul3A_2, %dma_wait3A_167] : memref<10240x128xf32, #tpu.memory_space<vmem_shared>> -> memref<640x128xf32, #tpu.memory_space<vmem_shared>>
      tpu.wait_dma2 semaphore(%run_scoped3A_158 : memref<!tpu.dma_semaphore, #tpu.memory_space<semaphore_mem>>) src(%dma_wait3A_168 : memref<640x128xf32, #tpu.memory_space<vmem_shared>>) dst(%dma_wait3A_166 : memref<640x128xf32, #tpu.memory_space<hbm>>)
      tpu.yield
    }) : () -> ()
    return
  }
}

#map = affine_map<(d0, d1) -> (0, 0)>
#map1 = affine_map<(d0, d1) -> (0, 0, 0)>
module attributes {stable_mosaic.version = 14 : i64} {
  func.func @spmm(%arg0: i32, %arg1: i32, %arg2: memref<10240x128xf32, #tpu.memory_space<hbm>>, %arg3: memref<32x106x96xi32, #tpu.memory_space<hbm>>, %arg4: memref<32x106x96xi32, #tpu.memory_space<hbm>>, %arg5: memref<10240x128xf32, #tpu.memory_space<hbm>>, %arg6: memref<2x10240x128xf32, #tpu.memory_space<hbm>>, %arg7: memref<8x96xi32, #tpu.memory_space<vmem>>, %arg8: memref<8x96xi32, #tpu.memory_space<vmem>>, %arg9: memref<3x96x128xf32, #tpu.memory_space<vmem>>, %arg10: memref<10240x128xf32, #tpu.memory_space<vmem_shared>>, %arg11: memref<!tpu.dma_semaphore, #tpu.memory_space<semaphore_mem>>, %arg12: memref<!tpu.dma_semaphore, #tpu.memory_space<semaphore_mem>>, %arg13: memref<!tpu.dma_semaphore, #tpu.memory_space<semaphore_mem>>) attributes {dimension_semantics = [#tpu.dimension_semantics<core_parallel>, #tpu.dimension_semantics<subcore_parallel>], iteration_bounds = array<i64: 2, 16>, scalar_prefetch = 0 : i64, scratch_operands = 7 : i64, tpu.core_type = #tpu.core_type<sc_vector_subcore>, window_params = [{transform_indices = #map}, {transform_indices = #map1}, {transform_indices = #map1}, {transform_indices = #map}, {transform_indices = #map1}]} {
    %mul3A = arith.constant 2 : i32
    %mul3A_0 = arith.muli %arg1, %mul3A : i32
    %add3A = arith.addi %mul3A_0, %arg0 : i32
    %mul3A_1 = arith.constant 640 : i32
    %mul3A_2 = arith.muli %arg1, %mul3A_1 : i32
    %run_scoped3A = arith.constant 0 : i32
    %run_scoped3A_3 = arith.constant 0 : i32
    "tpu.region"() ({
      %run_scoped3A_158 = tpu.sem_alloc : memref<!tpu.dma_semaphore, #tpu.memory_space<semaphore_mem>>
      %dma_start3A_159 = arith.constant 0 : i32
      %dma_start3A_160 = tpu.memref_slice %arg7[%run_scoped3A_3, %dma_start3A_159] : memref<8x96xi32, #tpu.memory_space<vmem>> -> memref<1x96xi32, #tpu.memory_space<vmem>>
      %dma_start3A_161 = tpu.memref_squeeze %dma_start3A_160 : memref<1x96xi32, #tpu.memory_space<vmem>> -> memref<96xi32, #tpu.memory_space<vmem>>
      %dma_start3A_162 = arith.constant 0 : i32
      %dma_start3A_163 = tpu.memref_slice %arg3[%add3A, %run_scoped3A, %dma_start3A_162] : memref<32x106x96xi32, #tpu.memory_space<hbm>> -> memref<1x1x96xi32, #tpu.memory_space<hbm>>
      %dma_start3A_164 = tpu.memref_squeeze %dma_start3A_163 : memref<1x1x96xi32, #tpu.memory_space<hbm>> -> memref<96xi32, #tpu.memory_space<hbm>>
      %dma_start3A_165 = arith.constant 0 : i32
      %dma_start3A_166 = tpu.memref_slice %arg7[%run_scoped3A_3, %dma_start3A_165] : memref<8x96xi32, #tpu.memory_space<vmem>> -> memref<1x96xi32, #tpu.memory_space<vmem>>
      %dma_start3A_167 = tpu.memref_squeeze %dma_start3A_166 : memref<1x96xi32, #tpu.memory_space<vmem>> -> memref<96xi32, #tpu.memory_space<vmem>>
      %dma_start3A_168 = arith.constant 0 : i32
      %dma_start3A_169 = tpu.memref_slice %arg3[%add3A, %run_scoped3A, %dma_start3A_168] : memref<32x106x96xi32, #tpu.memory_space<hbm>> -> memref<1x1x96xi32, #tpu.memory_space<hbm>>
      %dma_start3A_170 = tpu.memref_squeeze %dma_start3A_169 : memref<1x1x96xi32, #tpu.memory_space<hbm>> -> memref<96xi32, #tpu.memory_space<hbm>>
      tpu.enqueue_dma source(%dma_start3A_170 : memref<96xi32, #tpu.memory_space<hbm>>) target(%dma_start3A_167 : memref<96xi32, #tpu.memory_space<vmem>>) target_semaphore(%run_scoped3A_158 : memref<!tpu.dma_semaphore, #tpu.memory_space<semaphore_mem>>)
      %dma_wait3A_171 = arith.constant 0 : i32
      %dma_wait3A_172 = tpu.memref_slice %arg7[%run_scoped3A_3, %dma_wait3A_171] : memref<8x96xi32, #tpu.memory_space<vmem>> -> memref<1x96xi32, #tpu.memory_space<vmem>>
      %dma_wait3A_173 = tpu.memref_squeeze %dma_wait3A_172 : memref<1x96xi32, #tpu.memory_space<vmem>> -> memref<96xi32, #tpu.memory_space<vmem>>
      %dma_wait3A_174 = arith.constant 0 : i32
      %dma_wait3A_175 = tpu.memref_slice %arg3[%add3A, %run_scoped3A, %dma_wait3A_174] : memref<32x106x96xi32, #tpu.memory_space<hbm>> -> memref<1x1x96xi32, #tpu.memory_space<hbm>>
      %dma_wait3A_176 = tpu.memref_squeeze %dma_wait3A_175 : memref<1x1x96xi32, #tpu.memory_space<hbm>> -> memref<96xi32, #tpu.memory_space<hbm>>
      %dma_wait3A_177 = arith.constant 0 : i32
      %dma_wait3A_178 = tpu.memref_slice %arg7[%run_scoped3A_3, %dma_wait3A_177] : memref<8x96xi32, #tpu.memory_space<vmem>> -> memref<1x96xi32, #tpu.memory_space<vmem>>
      %dma_wait3A_179 = tpu.memref_squeeze %dma_wait3A_178 : memref<1x96xi32, #tpu.memory_space<vmem>> -> memref<96xi32, #tpu.memory_space<vmem>>
      %dma_wait3A_180 = arith.constant 0 : i32
      %dma_wait3A_181 = tpu.memref_slice %arg3[%add3A, %run_scoped3A, %dma_wait3A_180] : memref<32x106x96xi32, #tpu.memory_space<hbm>> -> memref<1x1x96xi32, #tpu.memory_space<hbm>>
      %dma_wait3A_182 = tpu.memref_squeeze %dma_wait3A_181 : memref<1x1x96xi32, #tpu.memory_space<hbm>> -> memref<96xi32, #tpu.memory_space<hbm>>
      tpu.wait_dma2 semaphore(%run_scoped3A_158 : memref<!tpu.dma_semaphore, #tpu.memory_space<semaphore_mem>>) src(%dma_wait3A_182 : memref<96xi32, #tpu.memory_space<hbm>>) dst(%dma_wait3A_179 : memref<96xi32, #tpu.memory_space<vmem>>)
      tpu.yield
    }) : () -> ()
    %run_scoped3A_4 = arith.constant 0 : i32
    %run_scoped3A_5 = arith.constant 0 : i32
    "tpu.region"() ({
      %run_scoped3A_158 = tpu.sem_alloc : memref<!tpu.dma_semaphore, #tpu.memory_space<semaphore_mem>>
      %dma_start3A_159 = arith.constant 0 : i32
      %dma_start3A_160 = tpu.memref_slice %arg8[%run_scoped3A_5, %dma_start3A_159] : memref<8x96xi32, #tpu.memory_space<vmem>> -> memref<1x96xi32, #tpu.memory_space<vmem>>
      %dma_start3A_161 = tpu.memref_squeeze %dma_start3A_160 : memref<1x96xi32, #tpu.memory_space<vmem>> -> memref<96xi32, #tpu.memory_space<vmem>>
      %dma_start3A_162 = arith.constant 0 : i32
      %dma_start3A_163 = tpu.memref_slice %arg4[%add3A, %run_scoped3A_4, %dma_start3A_162] : memref<32x106x96xi32, #tpu.memory_space<hbm>> -> memref<1x1x96xi32, #tpu.memory_space<hbm>>
      %dma_start3A_164 = tpu.memref_squeeze %dma_start3A_163 : memref<1x1x96xi32, #tpu.memory_space<hbm>> -> memref<96xi32, #tpu.memory_space<hbm>>
      %dma_start3A_165 = arith.constant 0 : i32
      %dma_start3A_166 = tpu.memref_slice %arg8[%run_scoped3A_5, %dma_start3A_165] : memref<8x96xi32, #tpu.memory_space<vmem>> -> memref<1x96xi32, #tpu.memory_space<vmem>>
      %dma_start3A_167 = tpu.memref_squeeze %dma_start3A_166 : memref<1x96xi32, #tpu.memory_space<vmem>> -> memref<96xi32, #tpu.memory_space<vmem>>
      %dma_start3A_168 = arith.constant 0 : i32
      %dma_start3A_169 = tpu.memref_slice %arg4[%add3A, %run_scoped3A_4, %dma_start3A_168] : memref<32x106x96xi32, #tpu.memory_space<hbm>> -> memref<1x1x96xi32, #tpu.memory_space<hbm>>
      %dma_start3A_170 = tpu.memref_squeeze %dma_start3A_169 : memref<1x1x96xi32, #tpu.memory_space<hbm>> -> memref<96xi32, #tpu.memory_space<hbm>>
      tpu.enqueue_dma source(%dma_start3A_170 : memref<96xi32, #tpu.memory_space<hbm>>) target(%dma_start3A_167 : memref<96xi32, #tpu.memory_space<vmem>>) target_semaphore(%run_scoped3A_158 : memref<!tpu.dma_semaphore, #tpu.memory_space<semaphore_mem>>)
      %dma_wait3A_171 = arith.constant 0 : i32
      %dma_wait3A_172 = tpu.memref_slice %arg8[%run_scoped3A_5, %dma_wait3A_171] : memref<8x96xi32, #tpu.memory_space<vmem>> -> memref<1x96xi32, #tpu.memory_space<vmem>>
      %dma_wait3A_173 = tpu.memref_squeeze %dma_wait3A_172 : memref<1x96xi32, #tpu.memory_space<vmem>> -> memref<96xi32, #tpu.memory_space<vmem>>
      %dma_wait3A_174 = arith.constant 0 : i32
      %dma_wait3A_175 = tpu.memref_slice %arg4[%add3A, %run_scoped3A_4, %dma_wait3A_174] : memref<32x106x96xi32, #tpu.memory_space<hbm>> -> memref<1x1x96xi32, #tpu.memory_space<hbm>>
      %dma_wait3A_176 = tpu.memref_squeeze %dma_wait3A_175 : memref<1x1x96xi32, #tpu.memory_space<hbm>> -> memref<96xi32, #tpu.memory_space<hbm>>
      %dma_wait3A_177 = arith.constant 0 : i32
      %dma_wait3A_178 = tpu.memref_slice %arg8[%run_scoped3A_5, %dma_wait3A_177] : memref<8x96xi32, #tpu.memory_space<vmem>> -> memref<1x96xi32, #tpu.memory_space<vmem>>
      %dma_wait3A_179 = tpu.memref_squeeze %dma_wait3A_178 : memref<1x96xi32, #tpu.memory_space<vmem>> -> memref<96xi32, #tpu.memory_space<vmem>>
      %dma_wait3A_180 = arith.constant 0 : i32
      %dma_wait3A_181 = tpu.memref_slice %arg4[%add3A, %run_scoped3A_4, %dma_wait3A_180] : memref<32x106x96xi32, #tpu.memory_space<hbm>> -> memref<1x1x96xi32, #tpu.memory_space<hbm>>
      %dma_wait3A_182 = tpu.memref_squeeze %dma_wait3A_181 : memref<1x1x96xi32, #tpu.memory_space<hbm>> -> memref<96xi32, #tpu.memory_space<hbm>>
      tpu.wait_dma2 semaphore(%run_scoped3A_158 : memref<!tpu.dma_semaphore, #tpu.memory_space<semaphore_mem>>) src(%dma_wait3A_182 : memref<96xi32, #tpu.memory_space<hbm>>) dst(%dma_wait3A_179 : memref<96xi32, #tpu.memory_space<vmem>>)
      tpu.yield
    }) : () -> ()
    %dma_start3A = arith.constant 1 : i32
    %dma_start3A_6 = arith.constant 1 : i32
    %dma_start3A_7 = arith.constant 0 : i32
    %dma_start3A_8 = tpu.memref_slice %arg7[%dma_start3A_6, %dma_start3A_7] : memref<8x96xi32, #tpu.memory_space<vmem>> -> memref<1x96xi32, #tpu.memory_space<vmem>>
    %dma_start3A_9 = tpu.memref_squeeze %dma_start3A_8 : memref<1x96xi32, #tpu.memory_space<vmem>> -> memref<96xi32, #tpu.memory_space<vmem>>
    %dma_start3A_10 = arith.constant 0 : i32
    %dma_start3A_11 = tpu.memref_slice %arg3[%add3A, %dma_start3A, %dma_start3A_10] : memref<32x106x96xi32, #tpu.memory_space<hbm>> -> memref<1x1x96xi32, #tpu.memory_space<hbm>>
    %dma_start3A_12 = tpu.memref_squeeze %dma_start3A_11 : memref<1x1x96xi32, #tpu.memory_space<hbm>> -> memref<96xi32, #tpu.memory_space<hbm>>
    %dma_start3A_13 = arith.constant 0 : i32
    %dma_start3A_14 = tpu.memref_slice %arg7[%dma_start3A_6, %dma_start3A_13] : memref<8x96xi32, #tpu.memory_space<vmem>> -> memref<1x96xi32, #tpu.memory_space<vmem>>
    %dma_start3A_15 = tpu.memref_squeeze %dma_start3A_14 : memref<1x96xi32, #tpu.memory_space<vmem>> -> memref<96xi32, #tpu.memory_space<vmem>>
    %dma_start3A_16 = arith.constant 0 : i32
    %dma_start3A_17 = tpu.memref_slice %arg3[%add3A, %dma_start3A, %dma_start3A_16] : memref<32x106x96xi32, #tpu.memory_space<hbm>> -> memref<1x1x96xi32, #tpu.memory_space<hbm>>
    %dma_start3A_18 = tpu.memref_squeeze %dma_start3A_17 : memref<1x1x96xi32, #tpu.memory_space<hbm>> -> memref<96xi32, #tpu.memory_space<hbm>>
    tpu.enqueue_dma source(%dma_start3A_18 : memref<96xi32, #tpu.memory_space<hbm>>) target(%dma_start3A_15 : memref<96xi32, #tpu.memory_space<vmem>>) target_semaphore(%arg11 : memref<!tpu.dma_semaphore, #tpu.memory_space<semaphore_mem>>)
    %dma_start3A_19 = arith.constant 1 : i32
    %dma_start3A_20 = arith.constant 1 : i32
    %dma_start3A_21 = arith.constant 0 : i32
    %dma_start3A_22 = tpu.memref_slice %arg8[%dma_start3A_20, %dma_start3A_21] : memref<8x96xi32, #tpu.memory_space<vmem>> -> memref<1x96xi32, #tpu.memory_space<vmem>>
    %dma_start3A_23 = tpu.memref_squeeze %dma_start3A_22 : memref<1x96xi32, #tpu.memory_space<vmem>> -> memref<96xi32, #tpu.memory_space<vmem>>
    %dma_start3A_24 = arith.constant 0 : i32
    %dma_start3A_25 = tpu.memref_slice %arg4[%add3A, %dma_start3A_19, %dma_start3A_24] : memref<32x106x96xi32, #tpu.memory_space<hbm>> -> memref<1x1x96xi32, #tpu.memory_space<hbm>>
    %dma_start3A_26 = tpu.memref_squeeze %dma_start3A_25 : memref<1x1x96xi32, #tpu.memory_space<hbm>> -> memref<96xi32, #tpu.memory_space<hbm>>
    %dma_start3A_27 = arith.constant 0 : i32
    %dma_start3A_28 = tpu.memref_slice %arg8[%dma_start3A_20, %dma_start3A_27] : memref<8x96xi32, #tpu.memory_space<vmem>> -> memref<1x96xi32, #tpu.memory_space<vmem>>
    %dma_start3A_29 = tpu.memref_squeeze %dma_start3A_28 : memref<1x96xi32, #tpu.memory_space<vmem>> -> memref<96xi32, #tpu.memory_space<vmem>>
    %dma_start3A_30 = arith.constant 0 : i32
    %dma_start3A_31 = tpu.memref_slice %arg4[%add3A, %dma_start3A_19, %dma_start3A_30] : memref<32x106x96xi32, #tpu.memory_space<hbm>> -> memref<1x1x96xi32, #tpu.memory_space<hbm>>
    %dma_start3A_32 = tpu.memref_squeeze %dma_start3A_31 : memref<1x1x96xi32, #tpu.memory_space<hbm>> -> memref<96xi32, #tpu.memory_space<hbm>>
    tpu.enqueue_dma source(%dma_start3A_32 : memref<96xi32, #tpu.memory_space<hbm>>) target(%dma_start3A_29 : memref<96xi32, #tpu.memory_space<vmem>>) target_semaphore(%arg11 : memref<!tpu.dma_semaphore, #tpu.memory_space<semaphore_mem>>)
    %dma_start3A_33 = arith.constant 2 : i32
    %dma_start3A_34 = arith.constant 2 : i32
    %dma_start3A_35 = arith.constant 0 : i32
    %dma_start3A_36 = tpu.memref_slice %arg7[%dma_start3A_34, %dma_start3A_35] : memref<8x96xi32, #tpu.memory_space<vmem>> -> memref<1x96xi32, #tpu.memory_space<vmem>>
    %dma_start3A_37 = tpu.memref_squeeze %dma_start3A_36 : memref<1x96xi32, #tpu.memory_space<vmem>> -> memref<96xi32, #tpu.memory_space<vmem>>
    %dma_start3A_38 = arith.constant 0 : i32
    %dma_start3A_39 = tpu.memref_slice %arg3[%add3A, %dma_start3A_33, %dma_start3A_38] : memref<32x106x96xi32, #tpu.memory_space<hbm>> -> memref<1x1x96xi32, #tpu.memory_space<hbm>>
    %dma_start3A_40 = tpu.memref_squeeze %dma_start3A_39 : memref<1x1x96xi32, #tpu.memory_space<hbm>> -> memref<96xi32, #tpu.memory_space<hbm>>
    %dma_start3A_41 = arith.constant 0 : i32
    %dma_start3A_42 = tpu.memref_slice %arg7[%dma_start3A_34, %dma_start3A_41] : memref<8x96xi32, #tpu.memory_space<vmem>> -> memref<1x96xi32, #tpu.memory_space<vmem>>
    %dma_start3A_43 = tpu.memref_squeeze %dma_start3A_42 : memref<1x96xi32, #tpu.memory_space<vmem>> -> memref<96xi32, #tpu.memory_space<vmem>>
    %dma_start3A_44 = arith.constant 0 : i32
    %dma_start3A_45 = tpu.memref_slice %arg3[%add3A, %dma_start3A_33, %dma_start3A_44] : memref<32x106x96xi32, #tpu.memory_space<hbm>> -> memref<1x1x96xi32, #tpu.memory_space<hbm>>
    %dma_start3A_46 = tpu.memref_squeeze %dma_start3A_45 : memref<1x1x96xi32, #tpu.memory_space<hbm>> -> memref<96xi32, #tpu.memory_space<hbm>>
    tpu.enqueue_dma source(%dma_start3A_46 : memref<96xi32, #tpu.memory_space<hbm>>) target(%dma_start3A_43 : memref<96xi32, #tpu.memory_space<vmem>>) target_semaphore(%arg11 : memref<!tpu.dma_semaphore, #tpu.memory_space<semaphore_mem>>)
    %dma_start3A_47 = arith.constant 2 : i32
    %dma_start3A_48 = arith.constant 2 : i32
    %dma_start3A_49 = arith.constant 0 : i32
    %dma_start3A_50 = tpu.memref_slice %arg8[%dma_start3A_48, %dma_start3A_49] : memref<8x96xi32, #tpu.memory_space<vmem>> -> memref<1x96xi32, #tpu.memory_space<vmem>>
    %dma_start3A_51 = tpu.memref_squeeze %dma_start3A_50 : memref<1x96xi32, #tpu.memory_space<vmem>> -> memref<96xi32, #tpu.memory_space<vmem>>
    %dma_start3A_52 = arith.constant 0 : i32
    %dma_start3A_53 = tpu.memref_slice %arg4[%add3A, %dma_start3A_47, %dma_start3A_52] : memref<32x106x96xi32, #tpu.memory_space<hbm>> -> memref<1x1x96xi32, #tpu.memory_space<hbm>>
    %dma_start3A_54 = tpu.memref_squeeze %dma_start3A_53 : memref<1x1x96xi32, #tpu.memory_space<hbm>> -> memref<96xi32, #tpu.memory_space<hbm>>
    %dma_start3A_55 = arith.constant 0 : i32
    %dma_start3A_56 = tpu.memref_slice %arg8[%dma_start3A_48, %dma_start3A_55] : memref<8x96xi32, #tpu.memory_space<vmem>> -> memref<1x96xi32, #tpu.memory_space<vmem>>
    %dma_start3A_57 = tpu.memref_squeeze %dma_start3A_56 : memref<1x96xi32, #tpu.memory_space<vmem>> -> memref<96xi32, #tpu.memory_space<vmem>>
    %dma_start3A_58 = arith.constant 0 : i32
    %dma_start3A_59 = tpu.memref_slice %arg4[%add3A, %dma_start3A_47, %dma_start3A_58] : memref<32x106x96xi32, #tpu.memory_space<hbm>> -> memref<1x1x96xi32, #tpu.memory_space<hbm>>
    %dma_start3A_60 = tpu.memref_squeeze %dma_start3A_59 : memref<1x1x96xi32, #tpu.memory_space<hbm>> -> memref<96xi32, #tpu.memory_space<hbm>>
    tpu.enqueue_dma source(%dma_start3A_60 : memref<96xi32, #tpu.memory_space<hbm>>) target(%dma_start3A_57 : memref<96xi32, #tpu.memory_space<vmem>>) target_semaphore(%arg11 : memref<!tpu.dma_semaphore, #tpu.memory_space<semaphore_mem>>)
    %dma_start3A_61 = arith.constant 3 : i32
    %dma_start3A_62 = arith.constant 3 : i32
    %dma_start3A_63 = arith.constant 0 : i32
    %dma_start3A_64 = tpu.memref_slice %arg7[%dma_start3A_62, %dma_start3A_63] : memref<8x96xi32, #tpu.memory_space<vmem>> -> memref<1x96xi32, #tpu.memory_space<vmem>>
    %dma_start3A_65 = tpu.memref_squeeze %dma_start3A_64 : memref<1x96xi32, #tpu.memory_space<vmem>> -> memref<96xi32, #tpu.memory_space<vmem>>
    %dma_start3A_66 = arith.constant 0 : i32
    %dma_start3A_67 = tpu.memref_slice %arg3[%add3A, %dma_start3A_61, %dma_start3A_66] : memref<32x106x96xi32, #tpu.memory_space<hbm>> -> memref<1x1x96xi32, #tpu.memory_space<hbm>>
    %dma_start3A_68 = tpu.memref_squeeze %dma_start3A_67 : memref<1x1x96xi32, #tpu.memory_space<hbm>> -> memref<96xi32, #tpu.memory_space<hbm>>
    %dma_start3A_69 = arith.constant 0 : i32
    %dma_start3A_70 = tpu.memref_slice %arg7[%dma_start3A_62, %dma_start3A_69] : memref<8x96xi32, #tpu.memory_space<vmem>> -> memref<1x96xi32, #tpu.memory_space<vmem>>
    %dma_start3A_71 = tpu.memref_squeeze %dma_start3A_70 : memref<1x96xi32, #tpu.memory_space<vmem>> -> memref<96xi32, #tpu.memory_space<vmem>>
    %dma_start3A_72 = arith.constant 0 : i32
    %dma_start3A_73 = tpu.memref_slice %arg3[%add3A, %dma_start3A_61, %dma_start3A_72] : memref<32x106x96xi32, #tpu.memory_space<hbm>> -> memref<1x1x96xi32, #tpu.memory_space<hbm>>
    %dma_start3A_74 = tpu.memref_squeeze %dma_start3A_73 : memref<1x1x96xi32, #tpu.memory_space<hbm>> -> memref<96xi32, #tpu.memory_space<hbm>>
    tpu.enqueue_dma source(%dma_start3A_74 : memref<96xi32, #tpu.memory_space<hbm>>) target(%dma_start3A_71 : memref<96xi32, #tpu.memory_space<vmem>>) target_semaphore(%arg11 : memref<!tpu.dma_semaphore, #tpu.memory_space<semaphore_mem>>)
    %dma_start3A_75 = arith.constant 3 : i32
    %dma_start3A_76 = arith.constant 3 : i32
    %dma_start3A_77 = arith.constant 0 : i32
    %dma_start3A_78 = tpu.memref_slice %arg8[%dma_start3A_76, %dma_start3A_77] : memref<8x96xi32, #tpu.memory_space<vmem>> -> memref<1x96xi32, #tpu.memory_space<vmem>>
    %dma_start3A_79 = tpu.memref_squeeze %dma_start3A_78 : memref<1x96xi32, #tpu.memory_space<vmem>> -> memref<96xi32, #tpu.memory_space<vmem>>
    %dma_start3A_80 = arith.constant 0 : i32
    %dma_start3A_81 = tpu.memref_slice %arg4[%add3A, %dma_start3A_75, %dma_start3A_80] : memref<32x106x96xi32, #tpu.memory_space<hbm>> -> memref<1x1x96xi32, #tpu.memory_space<hbm>>
    %dma_start3A_82 = tpu.memref_squeeze %dma_start3A_81 : memref<1x1x96xi32, #tpu.memory_space<hbm>> -> memref<96xi32, #tpu.memory_space<hbm>>
    %dma_start3A_83 = arith.constant 0 : i32
    %dma_start3A_84 = tpu.memref_slice %arg8[%dma_start3A_76, %dma_start3A_83] : memref<8x96xi32, #tpu.memory_space<vmem>> -> memref<1x96xi32, #tpu.memory_space<vmem>>
    %dma_start3A_85 = tpu.memref_squeeze %dma_start3A_84 : memref<1x96xi32, #tpu.memory_space<vmem>> -> memref<96xi32, #tpu.memory_space<vmem>>
    %dma_start3A_86 = arith.constant 0 : i32
    %dma_start3A_87 = tpu.memref_slice %arg4[%add3A, %dma_start3A_75, %dma_start3A_86] : memref<32x106x96xi32, #tpu.memory_space<hbm>> -> memref<1x1x96xi32, #tpu.memory_space<hbm>>
    %dma_start3A_88 = tpu.memref_squeeze %dma_start3A_87 : memref<1x1x96xi32, #tpu.memory_space<hbm>> -> memref<96xi32, #tpu.memory_space<hbm>>
    tpu.enqueue_dma source(%dma_start3A_88 : memref<96xi32, #tpu.memory_space<hbm>>) target(%dma_start3A_85 : memref<96xi32, #tpu.memory_space<vmem>>) target_semaphore(%arg11 : memref<!tpu.dma_semaphore, #tpu.memory_space<semaphore_mem>>)
    %dma_start3A_89 = arith.constant 0 : i32
    %dma_start3A_90 = arith.constant 0 : i32
    %dma_start3A_91 = arith.constant 0 : i32
    %dma_start3A_92 = arith.constant 0 : i32
    %dma_start3A_93 = tpu.memref_slice %arg9[%dma_start3A_90, %dma_start3A_91, %dma_start3A_92] : memref<3x96x128xf32, #tpu.memory_space<vmem>> -> memref<1x96x128xf32, #tpu.memory_space<vmem>>
    %dma_start3A_94 = tpu.memref_squeeze %dma_start3A_93 : memref<1x96x128xf32, #tpu.memory_space<vmem>> -> memref<96x128xf32, #tpu.memory_space<vmem>>
    %dma_start3A_95 = arith.constant 0 : i32
    %dma_start3A_96 = tpu.memref_slice %arg7[%dma_start3A_89, %dma_start3A_95] : memref<8x96xi32, #tpu.memory_space<vmem>> -> memref<1x96xi32, #tpu.memory_space<vmem>>
    %dma_start3A_97 = tpu.memref_squeeze %dma_start3A_96 : memref<1x96xi32, #tpu.memory_space<vmem>> -> memref<96xi32, #tpu.memory_space<vmem>>
    %dma_start3A_98 = arith.constant 0 : i32
    %dma_start3A_99 = arith.constant 0 : i32
    %dma_start3A_100 = tpu.memref_slice %arg2[%dma_start3A_98, %dma_start3A_99] : memref<10240x128xf32, #tpu.memory_space<hbm>> -> memref<10240x128xf32, #tpu.memory_space<hbm>>
    tpu.enqueue_indirect_dma source(%dma_start3A_100 : memref<10240x128xf32, #tpu.memory_space<hbm>>) target(%dma_start3A_94 : memref<96x128xf32, #tpu.memory_space<vmem>>) offsets(%dma_start3A_97 : memref<96xi32, #tpu.memory_space<vmem>>) semaphore(%arg12 : memref<!tpu.dma_semaphore, #tpu.memory_space<semaphore_mem>>)
    %dma_wait3A = arith.constant 0 : i32
    %dma_wait3A_101 = arith.constant 1 : i32
    %dma_wait3A_102 = arith.constant 0 : i32
    %dma_wait3A_103 = tpu.memref_slice %arg7[%dma_wait3A_101, %dma_wait3A_102] : memref<8x96xi32, #tpu.memory_space<vmem>> -> memref<1x96xi32, #tpu.memory_space<vmem>>
    %dma_wait3A_104 = tpu.memref_squeeze %dma_wait3A_103 : memref<1x96xi32, #tpu.memory_space<vmem>> -> memref<96xi32, #tpu.memory_space<vmem>>
    %dma_wait3A_105 = arith.constant 0 : i32
    %dma_wait3A_106 = tpu.memref_slice %arg3[%add3A, %dma_wait3A, %dma_wait3A_105] : memref<32x106x96xi32, #tpu.memory_space<hbm>> -> memref<1x1x96xi32, #tpu.memory_space<hbm>>
    %dma_wait3A_107 = tpu.memref_squeeze %dma_wait3A_106 : memref<1x1x96xi32, #tpu.memory_space<hbm>> -> memref<96xi32, #tpu.memory_space<hbm>>
    %dma_wait3A_108 = arith.constant 0 : i32
    %dma_wait3A_109 = tpu.memref_slice %arg7[%dma_wait3A_101, %dma_wait3A_108] : memref<8x96xi32, #tpu.memory_space<vmem>> -> memref<1x96xi32, #tpu.memory_space<vmem>>
    %dma_wait3A_110 = tpu.memref_squeeze %dma_wait3A_109 : memref<1x96xi32, #tpu.memory_space<vmem>> -> memref<96xi32, #tpu.memory_space<vmem>>
    %dma_wait3A_111 = arith.constant 0 : i32
    %dma_wait3A_112 = tpu.memref_slice %arg3[%add3A, %dma_wait3A, %dma_wait3A_111] : memref<32x106x96xi32, #tpu.memory_space<hbm>> -> memref<1x1x96xi32, #tpu.memory_space<hbm>>
    %dma_wait3A_113 = tpu.memref_squeeze %dma_wait3A_112 : memref<1x1x96xi32, #tpu.memory_space<hbm>> -> memref<96xi32, #tpu.memory_space<hbm>>
    tpu.wait_dma2 semaphore(%arg11 : memref<!tpu.dma_semaphore, #tpu.memory_space<semaphore_mem>>) src(%dma_wait3A_113 : memref<96xi32, #tpu.memory_space<hbm>>) dst(%dma_wait3A_110 : memref<96xi32, #tpu.memory_space<vmem>>)
    %dma_wait3A_114 = arith.constant 0 : i32
    %dma_wait3A_115 = arith.constant 1 : i32
    %dma_wait3A_116 = arith.constant 0 : i32
    %dma_wait3A_117 = tpu.memref_slice %arg8[%dma_wait3A_115, %dma_wait3A_116] : memref<8x96xi32, #tpu.memory_space<vmem>> -> memref<1x96xi32, #tpu.memory_space<vmem>>
    %dma_wait3A_118 = tpu.memref_squeeze %dma_wait3A_117 : memref<1x96xi32, #tpu.memory_space<vmem>> -> memref<96xi32, #tpu.memory_space<vmem>>
    %dma_wait3A_119 = arith.constant 0 : i32
    %dma_wait3A_120 = tpu.memref_slice %arg4[%add3A, %dma_wait3A_114, %dma_wait3A_119] : memref<32x106x96xi32, #tpu.memory_space<hbm>> -> memref<1x1x96xi32, #tpu.memory_space<hbm>>
    %dma_wait3A_121 = tpu.memref_squeeze %dma_wait3A_120 : memref<1x1x96xi32, #tpu.memory_space<hbm>> -> memref<96xi32, #tpu.memory_space<hbm>>
    %dma_wait3A_122 = arith.constant 0 : i32
    %dma_wait3A_123 = tpu.memref_slice %arg8[%dma_wait3A_115, %dma_wait3A_122] : memref<8x96xi32, #tpu.memory_space<vmem>> -> memref<1x96xi32, #tpu.memory_space<vmem>>
    %dma_wait3A_124 = tpu.memref_squeeze %dma_wait3A_123 : memref<1x96xi32, #tpu.memory_space<vmem>> -> memref<96xi32, #tpu.memory_space<vmem>>
    %dma_wait3A_125 = arith.constant 0 : i32
    %dma_wait3A_126 = tpu.memref_slice %arg4[%add3A, %dma_wait3A_114, %dma_wait3A_125] : memref<32x106x96xi32, #tpu.memory_space<hbm>> -> memref<1x1x96xi32, #tpu.memory_space<hbm>>
    %dma_wait3A_127 = tpu.memref_squeeze %dma_wait3A_126 : memref<1x1x96xi32, #tpu.memory_space<hbm>> -> memref<96xi32, #tpu.memory_space<hbm>>
    tpu.wait_dma2 semaphore(%arg11 : memref<!tpu.dma_semaphore, #tpu.memory_space<semaphore_mem>>) src(%dma_wait3A_127 : memref<96xi32, #tpu.memory_space<hbm>>) dst(%dma_wait3A_124 : memref<96xi32, #tpu.memory_space<vmem>>)
    %dma_start3A_128 = arith.constant 1 : i32
    %dma_start3A_129 = arith.constant 1 : i32
    %dma_start3A_130 = arith.constant 0 : i32
    %dma_start3A_131 = arith.constant 0 : i32
    %dma_start3A_132 = tpu.memref_slice %arg9[%dma_start3A_129, %dma_start3A_130, %dma_start3A_131] : memref<3x96x128xf32, #tpu.memory_space<vmem>> -> memref<1x96x128xf32, #tpu.memory_space<vmem>>
    %dma_start3A_133 = tpu.memref_squeeze %dma_start3A_132 : memref<1x96x128xf32, #tpu.memory_space<vmem>> -> memref<96x128xf32, #tpu.memory_space<vmem>>
    %dma_start3A_134 = arith.constant 0 : i32
    %dma_start3A_135 = tpu.memref_slice %arg7[%dma_start3A_128, %dma_start3A_134] : memref<8x96xi32, #tpu.memory_space<vmem>> -> memref<1x96xi32, #tpu.memory_space<vmem>>
    %dma_start3A_136 = tpu.memref_squeeze %dma_start3A_135 : memref<1x96xi32, #tpu.memory_space<vmem>> -> memref<96xi32, #tpu.memory_space<vmem>>
    %dma_start3A_137 = arith.constant 0 : i32
    %dma_start3A_138 = arith.constant 0 : i32
    %dma_start3A_139 = tpu.memref_slice %arg2[%dma_start3A_137, %dma_start3A_138] : memref<10240x128xf32, #tpu.memory_space<hbm>> -> memref<10240x128xf32, #tpu.memory_space<hbm>>
    tpu.enqueue_indirect_dma source(%dma_start3A_139 : memref<10240x128xf32, #tpu.memory_space<hbm>>) target(%dma_start3A_133 : memref<96x128xf32, #tpu.memory_space<vmem>>) offsets(%dma_start3A_136 : memref<96xi32, #tpu.memory_space<vmem>>) semaphore(%arg12 : memref<!tpu.dma_semaphore, #tpu.memory_space<semaphore_mem>>)
    "tpu.region"() ({
      %run_scoped3A_158 = tpu.sem_alloc : memref<!tpu.dma_semaphore, #tpu.memory_space<semaphore_mem>>
      %dma_start3A_159 = arith.constant 0 : i32
      %dma_start3A_160 = tpu.memref_slice %arg10[%mul3A_2, %dma_start3A_159] : memref<10240x128xf32, #tpu.memory_space<vmem_shared>> -> memref<640x128xf32, #tpu.memory_space<vmem_shared>>
      %dma_start3A_161 = arith.constant 0 : i32
      %dma_start3A_162 = tpu.memref_slice %arg5[%mul3A_2, %dma_start3A_161] : memref<10240x128xf32, #tpu.memory_space<hbm>> -> memref<640x128xf32, #tpu.memory_space<hbm>>
      tpu.enqueue_dma source(%dma_start3A_162 : memref<640x128xf32, #tpu.memory_space<hbm>>) target(%dma_start3A_160 : memref<640x128xf32, #tpu.memory_space<vmem_shared>>) target_semaphore(%run_scoped3A_158 : memref<!tpu.dma_semaphore, #tpu.memory_space<semaphore_mem>>)
      %dma_wait3A_163 = arith.constant 0 : i32
      %dma_wait3A_164 = tpu.memref_slice %arg10[%mul3A_2, %dma_wait3A_163] : memref<10240x128xf32, #tpu.memory_space<vmem_shared>> -> memref<640x128xf32, #tpu.memory_space<vmem_shared>>
      %dma_wait3A_165 = arith.constant 0 : i32
      %dma_wait3A_166 = tpu.memref_slice %arg5[%mul3A_2, %dma_wait3A_165] : memref<10240x128xf32, #tpu.memory_space<hbm>> -> memref<640x128xf32, #tpu.memory_space<hbm>>
      tpu.wait_dma2 semaphore(%run_scoped3A_158 : memref<!tpu.dma_semaphore, #tpu.memory_space<semaphore_mem>>) src(%dma_wait3A_166 : memref<640x128xf32, #tpu.memory_space<hbm>>) dst(%dma_wait3A_164 : memref<640x128xf32, #tpu.memory_space<vmem_shared>>)
      tpu.yield
    }) : () -> ()
    %barrier3A = arith.constant 0 : index
    tpu.barrier barrier_id(%barrier3A)
    %scan3A = arith.constant 0 : i32
    %scan3A_140 = arith.constant 0 : i32
    %scan3A_141 = arith.constant 106 : i32
    %scan3A_142 = arith.addi %scan3A_140, %scan3A_141 : i32
    %scan3A_143 = arith.constant 1 : i32
    scf.for %scan3A_158 = %scan3A_140 to %scan3A_142 step %scan3A_143  : i32 {
      %rem3A = arith.constant 3 : i32
      %rem3A_159 = arith.remsi %scan3A_158, %rem3A : i32
      %rem3A_160 = arith.constant 8 : i32
      %rem3A_161 = arith.remsi %scan3A_158, %rem3A_160 : i32
      %add3A_162 = arith.constant 2 : i32
      %add3A_163 = arith.addi %scan3A_158, %add3A_162 : i32
      %lt3A = arith.constant 106 : i32
      %lt3A_164 = arith.cmpi slt, %add3A_163, %lt3A : i32
      %convert_element_type3A = arith.extui %lt3A_164 : i1 to i32
      %cond3A = arith.constant 0 : i32
      %cond3A_165 = arith.cmpi ne, %convert_element_type3A, %cond3A : i32
      scf.if %cond3A_165 {
        %add3A_204 = arith.constant 2 : i32
        %add3A_205 = arith.addi %scan3A_158, %add3A_204 : i32
        %rem3A_206 = arith.constant 8 : i32
        %rem3A_207 = arith.remsi %add3A_205, %rem3A_206 : i32
        %dma_wait3A_208 = arith.constant 0 : i32
        %dma_wait3A_209 = arith.constant 0 : i32
        %dma_wait3A_210 = tpu.memref_slice %arg7[%rem3A_207, %dma_wait3A_209] : memref<8x96xi32, #tpu.memory_space<vmem>> -> memref<1x96xi32, #tpu.memory_space<vmem>>
        %dma_wait3A_211 = tpu.memref_squeeze %dma_wait3A_210 : memref<1x96xi32, #tpu.memory_space<vmem>> -> memref<96xi32, #tpu.memory_space<vmem>>
        %dma_wait3A_212 = arith.constant 0 : i32
        %dma_wait3A_213 = tpu.memref_slice %arg3[%add3A, %dma_wait3A_208, %dma_wait3A_212] : memref<32x106x96xi32, #tpu.memory_space<hbm>> -> memref<1x1x96xi32, #tpu.memory_space<hbm>>
        %dma_wait3A_214 = tpu.memref_squeeze %dma_wait3A_213 : memref<1x1x96xi32, #tpu.memory_space<hbm>> -> memref<96xi32, #tpu.memory_space<hbm>>
        %dma_wait3A_215 = arith.constant 0 : i32
        %dma_wait3A_216 = tpu.memref_slice %arg7[%rem3A_207, %dma_wait3A_215] : memref<8x96xi32, #tpu.memory_space<vmem>> -> memref<1x96xi32, #tpu.memory_space<vmem>>
        %dma_wait3A_217 = tpu.memref_squeeze %dma_wait3A_216 : memref<1x96xi32, #tpu.memory_space<vmem>> -> memref<96xi32, #tpu.memory_space<vmem>>
        %dma_wait3A_218 = arith.constant 0 : i32
        %dma_wait3A_219 = tpu.memref_slice %arg3[%add3A, %dma_wait3A_208, %dma_wait3A_218] : memref<32x106x96xi32, #tpu.memory_space<hbm>> -> memref<1x1x96xi32, #tpu.memory_space<hbm>>
        %dma_wait3A_220 = tpu.memref_squeeze %dma_wait3A_219 : memref<1x1x96xi32, #tpu.memory_space<hbm>> -> memref<96xi32, #tpu.memory_space<hbm>>
        tpu.wait_dma2 semaphore(%arg11 : memref<!tpu.dma_semaphore, #tpu.memory_space<semaphore_mem>>) src(%dma_wait3A_220 : memref<96xi32, #tpu.memory_space<hbm>>) dst(%dma_wait3A_217 : memref<96xi32, #tpu.memory_space<vmem>>)
        %dma_wait3A_221 = arith.constant 0 : i32
        %dma_wait3A_222 = arith.constant 0 : i32
        %dma_wait3A_223 = tpu.memref_slice %arg8[%rem3A_207, %dma_wait3A_222] : memref<8x96xi32, #tpu.memory_space<vmem>> -> memref<1x96xi32, #tpu.memory_space<vmem>>
        %dma_wait3A_224 = tpu.memref_squeeze %dma_wait3A_223 : memref<1x96xi32, #tpu.memory_space<vmem>> -> memref<96xi32, #tpu.memory_space<vmem>>
        %dma_wait3A_225 = arith.constant 0 : i32
        %dma_wait3A_226 = tpu.memref_slice %arg4[%add3A, %dma_wait3A_221, %dma_wait3A_225] : memref<32x106x96xi32, #tpu.memory_space<hbm>> -> memref<1x1x96xi32, #tpu.memory_space<hbm>>
        %dma_wait3A_227 = tpu.memref_squeeze %dma_wait3A_226 : memref<1x1x96xi32, #tpu.memory_space<hbm>> -> memref<96xi32, #tpu.memory_space<hbm>>
        %dma_wait3A_228 = arith.constant 0 : i32
        %dma_wait3A_229 = tpu.memref_slice %arg8[%rem3A_207, %dma_wait3A_228] : memref<8x96xi32, #tpu.memory_space<vmem>> -> memref<1x96xi32, #tpu.memory_space<vmem>>
        %dma_wait3A_230 = tpu.memref_squeeze %dma_wait3A_229 : memref<1x96xi32, #tpu.memory_space<vmem>> -> memref<96xi32, #tpu.memory_space<vmem>>
        %dma_wait3A_231 = arith.constant 0 : i32
        %dma_wait3A_232 = tpu.memref_slice %arg4[%add3A, %dma_wait3A_221, %dma_wait3A_231] : memref<32x106x96xi32, #tpu.memory_space<hbm>> -> memref<1x1x96xi32, #tpu.memory_space<hbm>>
        %dma_wait3A_233 = tpu.memref_squeeze %dma_wait3A_232 : memref<1x1x96xi32, #tpu.memory_space<hbm>> -> memref<96xi32, #tpu.memory_space<hbm>>
        tpu.wait_dma2 semaphore(%arg11 : memref<!tpu.dma_semaphore, #tpu.memory_space<semaphore_mem>>) src(%dma_wait3A_233 : memref<96xi32, #tpu.memory_space<hbm>>) dst(%dma_wait3A_230 : memref<96xi32, #tpu.memory_space<vmem>>)
      } else {
      }
      %dma_wait3A_166 = arith.constant 0 : i32
      %dma_wait3A_167 = arith.constant 0 : i32
      %dma_wait3A_168 = tpu.memref_slice %arg9[%rem3A_159, %dma_wait3A_166, %dma_wait3A_167] : memref<3x96x128xf32, #tpu.memory_space<vmem>> -> memref<1x96x128xf32, #tpu.memory_space<vmem>>
      %dma_wait3A_169 = tpu.memref_squeeze %dma_wait3A_168 : memref<1x96x128xf32, #tpu.memory_space<vmem>> -> memref<96x128xf32, #tpu.memory_space<vmem>>
      %dma_wait3A_170 = arith.constant 0 : i32
      %dma_wait3A_171 = tpu.memref_slice %arg7[%rem3A_161, %dma_wait3A_170] : memref<8x96xi32, #tpu.memory_space<vmem>> -> memref<1x96xi32, #tpu.memory_space<vmem>>
      %dma_wait3A_172 = tpu.memref_squeeze %dma_wait3A_171 : memref<1x96xi32, #tpu.memory_space<vmem>> -> memref<96xi32, #tpu.memory_space<vmem>>
      %dma_wait3A_173 = arith.constant 0 : i32
      %dma_wait3A_174 = arith.constant 0 : i32
      %dma_wait3A_175 = tpu.memref_slice %arg2[%dma_wait3A_173, %dma_wait3A_174] : memref<10240x128xf32, #tpu.memory_space<hbm>> -> memref<10240x128xf32, #tpu.memory_space<hbm>>
      tpu.wait_indirect_dma semaphore(%arg12 : memref<!tpu.dma_semaphore, #tpu.memory_space<semaphore_mem>>) src(%dma_wait3A_175 : memref<10240x128xf32, #tpu.memory_space<hbm>>) dst(%dma_wait3A_169 : memref<96x128xf32, #tpu.memory_space<vmem>>)
      %gt3A = arith.constant 0 : i32
      %gt3A_176 = arith.cmpi sgt, %scan3A_158, %gt3A : i32
      %convert_element_type3A_177 = arith.extui %gt3A_176 : i1 to i32
      %cond3A_178 = arith.constant 0 : i32
      %cond3A_179 = arith.cmpi ne, %convert_element_type3A_177, %cond3A_178 : i32
      scf.if %cond3A_179 {
        %dma_wait3A_204 = arith.constant 0 : i32
        %dma_wait3A_205 = arith.constant 0 : i32
        %dma_wait3A_206 = tpu.memref_slice %arg9[%rem3A_159, %dma_wait3A_204, %dma_wait3A_205] : memref<3x96x128xf32, #tpu.memory_space<vmem>> -> memref<1x96x128xf32, #tpu.memory_space<vmem>>
        %dma_wait3A_207 = tpu.memref_squeeze %dma_wait3A_206 : memref<1x96x128xf32, #tpu.memory_space<vmem>> -> memref<96x128xf32, #tpu.memory_space<vmem>>
        %dma_wait3A_208 = arith.constant 0 : i32
        %dma_wait3A_209 = tpu.memref_slice %arg8[%rem3A_161, %dma_wait3A_208] : memref<8x96xi32, #tpu.memory_space<vmem>> -> memref<1x96xi32, #tpu.memory_space<vmem>>
        %dma_wait3A_210 = tpu.memref_squeeze %dma_wait3A_209 : memref<1x96xi32, #tpu.memory_space<vmem>> -> memref<96xi32, #tpu.memory_space<vmem>>
        %dma_wait3A_211 = arith.constant 0 : i32
        %dma_wait3A_212 = arith.constant 0 : i32
        %dma_wait3A_213 = tpu.memref_slice %arg10[%dma_wait3A_211, %dma_wait3A_212] : memref<10240x128xf32, #tpu.memory_space<vmem_shared>> -> memref<10240x128xf32, #tpu.memory_space<vmem_shared>>
        tpu.wait_indirect_dma semaphore(%arg13 : memref<!tpu.dma_semaphore, #tpu.memory_space<semaphore_mem>>) src(%dma_wait3A_207 : memref<96x128xf32, #tpu.memory_space<vmem>>) dst(%dma_wait3A_213 : memref<10240x128xf32, #tpu.memory_space<vmem_shared>>)
      } else {
      }
      %add3A_180 = arith.constant 2 : i32
      %add3A_181 = arith.addi %scan3A_158, %add3A_180 : i32
      %lt3A_182 = arith.constant 106 : i32
      %lt3A_183 = arith.cmpi slt, %add3A_181, %lt3A_182 : i32
      %convert_element_type3A_184 = arith.extui %lt3A_183 : i1 to i32
      %cond3A_185 = arith.constant 0 : i32
      %cond3A_186 = arith.cmpi ne, %convert_element_type3A_184, %cond3A_185 : i32
      scf.if %cond3A_186 {
        %add3A_204 = arith.constant 2 : i32
        %add3A_205 = arith.addi %scan3A_158, %add3A_204 : i32
        %add3A_206 = arith.constant 2 : i32
        %add3A_207 = arith.addi %scan3A_158, %add3A_206 : i32
        %rem3A_208 = arith.constant 8 : i32
        %rem3A_209 = arith.remsi %add3A_207, %rem3A_208 : i32
        %add3A_210 = arith.constant 2 : i32
        %add3A_211 = arith.addi %scan3A_158, %add3A_210 : i32
        %rem3A_212 = arith.constant 3 : i32
        %rem3A_213 = arith.remsi %add3A_211, %rem3A_212 : i32
        %dma_start3A_214 = arith.constant 0 : i32
        %dma_start3A_215 = arith.constant 0 : i32
        %dma_start3A_216 = tpu.memref_slice %arg9[%rem3A_213, %dma_start3A_214, %dma_start3A_215] : memref<3x96x128xf32, #tpu.memory_space<vmem>> -> memref<1x96x128xf32, #tpu.memory_space<vmem>>
        %dma_start3A_217 = tpu.memref_squeeze %dma_start3A_216 : memref<1x96x128xf32, #tpu.memory_space<vmem>> -> memref<96x128xf32, #tpu.memory_space<vmem>>
        %dma_start3A_218 = arith.constant 0 : i32
        %dma_start3A_219 = tpu.memref_slice %arg7[%rem3A_209, %dma_start3A_218] : memref<8x96xi32, #tpu.memory_space<vmem>> -> memref<1x96xi32, #tpu.memory_space<vmem>>
        %dma_start3A_220 = tpu.memref_squeeze %dma_start3A_219 : memref<1x96xi32, #tpu.memory_space<vmem>> -> memref<96xi32, #tpu.memory_space<vmem>>
        %dma_start3A_221 = arith.constant 0 : i32
        %dma_start3A_222 = arith.constant 0 : i32
        %dma_start3A_223 = tpu.memref_slice %arg2[%dma_start3A_221, %dma_start3A_222] : memref<10240x128xf32, #tpu.memory_space<hbm>> -> memref<10240x128xf32, #tpu.memory_space<hbm>>
        tpu.enqueue_indirect_dma source(%dma_start3A_223 : memref<10240x128xf32, #tpu.memory_space<hbm>>) target(%dma_start3A_217 : memref<96x128xf32, #tpu.memory_space<vmem>>) offsets(%dma_start3A_220 : memref<96xi32, #tpu.memory_space<vmem>>) semaphore(%arg12 : memref<!tpu.dma_semaphore, #tpu.memory_space<semaphore_mem>>)
      } else {
      }
      %add3A_187 = arith.constant 4 : i32
      %add3A_188 = arith.addi %scan3A_158, %add3A_187 : i32
      %lt3A_189 = arith.constant 106 : i32
      %lt3A_190 = arith.cmpi slt, %add3A_188, %lt3A_189 : i32
      %convert_element_type3A_191 = arith.extui %lt3A_190 : i1 to i32
      %cond3A_192 = arith.constant 0 : i32
      %cond3A_193 = arith.cmpi ne, %convert_element_type3A_191, %cond3A_192 : i32
      scf.if %cond3A_193 {
        %add3A_204 = arith.constant 4 : i32
        %add3A_205 = arith.addi %scan3A_158, %add3A_204 : i32
        %add3A_206 = arith.constant 4 : i32
        %add3A_207 = arith.addi %scan3A_158, %add3A_206 : i32
        %rem3A_208 = arith.constant 8 : i32
        %rem3A_209 = arith.remsi %add3A_207, %rem3A_208 : i32
        %dma_start3A_210 = arith.constant 0 : i32
        %dma_start3A_211 = tpu.memref_slice %arg7[%rem3A_209, %dma_start3A_210] : memref<8x96xi32, #tpu.memory_space<vmem>> -> memref<1x96xi32, #tpu.memory_space<vmem>>
        %dma_start3A_212 = tpu.memref_squeeze %dma_start3A_211 : memref<1x96xi32, #tpu.memory_space<vmem>> -> memref<96xi32, #tpu.memory_space<vmem>>
        %dma_start3A_213 = arith.constant 0 : i32
        %dma_start3A_214 = tpu.memref_slice %arg3[%add3A, %add3A_205, %dma_start3A_213] : memref<32x106x96xi32, #tpu.memory_space<hbm>> -> memref<1x1x96xi32, #tpu.memory_space<hbm>>
        %dma_start3A_215 = tpu.memref_squeeze %dma_start3A_214 : memref<1x1x96xi32, #tpu.memory_space<hbm>> -> memref<96xi32, #tpu.memory_space<hbm>>
        %dma_start3A_216 = arith.constant 0 : i32
        %dma_start3A_217 = tpu.memref_slice %arg7[%rem3A_209, %dma_start3A_216] : memref<8x96xi32, #tpu.memory_space<vmem>> -> memref<1x96xi32, #tpu.memory_space<vmem>>
        %dma_start3A_218 = tpu.memref_squeeze %dma_start3A_217 : memref<1x96xi32, #tpu.memory_space<vmem>> -> memref<96xi32, #tpu.memory_space<vmem>>
        %dma_start3A_219 = arith.constant 0 : i32
        %dma_start3A_220 = tpu.memref_slice %arg3[%add3A, %add3A_205, %dma_start3A_219] : memref<32x106x96xi32, #tpu.memory_space<hbm>> -> memref<1x1x96xi32, #tpu.memory_space<hbm>>
        %dma_start3A_221 = tpu.memref_squeeze %dma_start3A_220 : memref<1x1x96xi32, #tpu.memory_space<hbm>> -> memref<96xi32, #tpu.memory_space<hbm>>
        tpu.enqueue_dma source(%dma_start3A_221 : memref<96xi32, #tpu.memory_space<hbm>>) target(%dma_start3A_218 : memref<96xi32, #tpu.memory_space<vmem>>) target_semaphore(%arg11 : memref<!tpu.dma_semaphore, #tpu.memory_space<semaphore_mem>>)
        %dma_start3A_222 = arith.constant 0 : i32
        %dma_start3A_223 = tpu.memref_slice %arg8[%rem3A_209, %dma_start3A_222] : memref<8x96xi32, #tpu.memory_space<vmem>> -> memref<1x96xi32, #tpu.memory_space<vmem>>
        %dma_start3A_224 = tpu.memref_squeeze %dma_start3A_223 : memref<1x96xi32, #tpu.memory_space<vmem>> -> memref<96xi32, #tpu.memory_space<vmem>>
        %dma_start3A_225 = arith.constant 0 : i32
        %dma_start3A_226 = tpu.memref_slice %arg4[%add3A, %add3A_205, %dma_start3A_225] : memref<32x106x96xi32, #tpu.memory_space<hbm>> -> memref<1x1x96xi32, #tpu.memory_space<hbm>>
        %dma_start3A_227 = tpu.memref_squeeze %dma_start3A_226 : memref<1x1x96xi32, #tpu.memory_space<hbm>> -> memref<96xi32, #tpu.memory_space<hbm>>
        %dma_start3A_228 = arith.constant 0 : i32
        %dma_start3A_229 = tpu.memref_slice %arg8[%rem3A_209, %dma_start3A_228] : memref<8x96xi32, #tpu.memory_space<vmem>> -> memref<1x96xi32, #tpu.memory_space<vmem>>
        %dma_start3A_230 = tpu.memref_squeeze %dma_start3A_229 : memref<1x96xi32, #tpu.memory_space<vmem>> -> memref<96xi32, #tpu.memory_space<vmem>>
        %dma_start3A_231 = arith.constant 0 : i32
        %dma_start3A_232 = tpu.memref_slice %arg4[%add3A, %add3A_205, %dma_start3A_231] : memref<32x106x96xi32, #tpu.memory_space<hbm>> -> memref<1x1x96xi32, #tpu.memory_space<hbm>>
        %dma_start3A_233 = tpu.memref_squeeze %dma_start3A_232 : memref<1x1x96xi32, #tpu.memory_space<hbm>> -> memref<96xi32, #tpu.memory_space<hbm>>
        tpu.enqueue_dma source(%dma_start3A_233 : memref<96xi32, #tpu.memory_space<hbm>>) target(%dma_start3A_230 : memref<96xi32, #tpu.memory_space<vmem>>) target_semaphore(%arg11 : memref<!tpu.dma_semaphore, #tpu.memory_space<semaphore_mem>>)
      } else {
      }
      %dma_start3A_194 = arith.constant 0 : i32
      %dma_start3A_195 = arith.constant 0 : i32
      %dma_start3A_196 = tpu.memref_slice %arg9[%rem3A_159, %dma_start3A_194, %dma_start3A_195] : memref<3x96x128xf32, #tpu.memory_space<vmem>> -> memref<1x96x128xf32, #tpu.memory_space<vmem>>
      %dma_start3A_197 = tpu.memref_squeeze %dma_start3A_196 : memref<1x96x128xf32, #tpu.memory_space<vmem>> -> memref<96x128xf32, #tpu.memory_space<vmem>>
      %dma_start3A_198 = arith.constant 0 : i32
      %dma_start3A_199 = tpu.memref_slice %arg8[%rem3A_161, %dma_start3A_198] : memref<8x96xi32, #tpu.memory_space<vmem>> -> memref<1x96xi32, #tpu.memory_space<vmem>>
      %dma_start3A_200 = tpu.memref_squeeze %dma_start3A_199 : memref<1x96xi32, #tpu.memory_space<vmem>> -> memref<96xi32, #tpu.memory_space<vmem>>
      %dma_start3A_201 = arith.constant 0 : i32
      %dma_start3A_202 = arith.constant 0 : i32
      %dma_start3A_203 = tpu.memref_slice %arg10[%dma_start3A_201, %dma_start3A_202] : memref<10240x128xf32, #tpu.memory_space<vmem_shared>> -> memref<10240x128xf32, #tpu.memory_space<vmem_shared>>
      tpu.enqueue_indirect_dma source(%dma_start3A_197 : memref<96x128xf32, #tpu.memory_space<vmem>>) target(%dma_start3A_203 : memref<10240x128xf32, #tpu.memory_space<vmem_shared>>) offsets(%dma_start3A_200 : memref<96xi32, #tpu.memory_space<vmem>>) semaphore(%arg13 : memref<!tpu.dma_semaphore, #tpu.memory_space<semaphore_mem>>) {add = true}
    }
    %scan3A_144 = arith.constant 106 : i32
    %dma_wait3A_145 = arith.constant 0 : i32
    %dma_wait3A_146 = arith.constant 0 : i32
    %dma_wait3A_147 = arith.constant 0 : i32
    %dma_wait3A_148 = arith.constant 0 : i32
    %dma_wait3A_149 = tpu.memref_slice %arg9[%dma_wait3A_145, %dma_wait3A_147, %dma_wait3A_148] : memref<3x96x128xf32, #tpu.memory_space<vmem>> -> memref<1x96x128xf32, #tpu.memory_space<vmem>>
    %dma_wait3A_150 = tpu.memref_squeeze %dma_wait3A_149 : memref<1x96x128xf32, #tpu.memory_space<vmem>> -> memref<96x128xf32, #tpu.memory_space<vmem>>
    %dma_wait3A_151 = arith.constant 0 : i32
    %dma_wait3A_152 = tpu.memref_slice %arg8[%dma_wait3A_146, %dma_wait3A_151] : memref<8x96xi32, #tpu.memory_space<vmem>> -> memref<1x96xi32, #tpu.memory_space<vmem>>
    %dma_wait3A_153 = tpu.memref_squeeze %dma_wait3A_152 : memref<1x96xi32, #tpu.memory_space<vmem>> -> memref<96xi32, #tpu.memory_space<vmem>>
    %dma_wait3A_154 = arith.constant 0 : i32
    %dma_wait3A_155 = arith.constant 0 : i32
    %dma_wait3A_156 = tpu.memref_slice %arg10[%dma_wait3A_154, %dma_wait3A_155] : memref<10240x128xf32, #tpu.memory_space<vmem_shared>> -> memref<10240x128xf32, #tpu.memory_space<vmem_shared>>
    tpu.wait_indirect_dma semaphore(%arg13 : memref<!tpu.dma_semaphore, #tpu.memory_space<semaphore_mem>>) src(%dma_wait3A_150 : memref<96x128xf32, #tpu.memory_space<vmem>>) dst(%dma_wait3A_156 : memref<10240x128xf32, #tpu.memory_space<vmem_shared>>)
    %barrier3A_157 = arith.constant 0 : index
    tpu.barrier barrier_id(%barrier3A_157)
    "tpu.region"() ({
      %run_scoped3A_158 = tpu.sem_alloc : memref<!tpu.dma_semaphore, #tpu.memory_space<semaphore_mem>>
      %dma_start3A_159 = arith.constant 0 : i32
      %dma_start3A_160 = tpu.memref_slice %arg6[%arg0, %mul3A_2, %dma_start3A_159] : memref<2x10240x128xf32, #tpu.memory_space<hbm>> -> memref<1x640x128xf32, #tpu.memory_space<hbm>>
      %dma_start3A_161 = tpu.memref_squeeze %dma_start3A_160 : memref<1x640x128xf32, #tpu.memory_space<hbm>> -> memref<640x128xf32, #tpu.memory_space<hbm>>
      %dma_start3A_162 = arith.constant 0 : i32
      %dma_start3A_163 = tpu.memref_slice %arg10[%mul3A_2, %dma_start3A_162] : memref<10240x128xf32, #tpu.memory_space<vmem_shared>> -> memref<640x128xf32, #tpu.memory_space<vmem_shared>>
      tpu.enqueue_dma source(%dma_start3A_163 : memref<640x128xf32, #tpu.memory_space<vmem_shared>>) target(%dma_start3A_161 : memref<640x128xf32, #tpu.memory_space<hbm>>) target_semaphore(%run_scoped3A_158 : memref<!tpu.dma_semaphore, #tpu.memory_space<semaphore_mem>>)
      %dma_wait3A_164 = arith.constant 0 : i32
      %dma_wait3A_165 = tpu.memref_slice %arg6[%arg0, %mul3A_2, %dma_wait3A_164] : memref<2x10240x128xf32, #tpu.memory_space<hbm>> -> memref<1x640x128xf32, #tpu.memory_space<hbm>>
      %dma_wait3A_166 = tpu.memref_squeeze %dma_wait3A_165 : memref<1x640x128xf32, #tpu.memory_space<hbm>> -> memref<640x128xf32, #tpu.memory_space<hbm>>
      %dma_wait3A_167 = arith.constant 0 : i32
      %dma_wait3A_168 = tpu.memref_slice %arg10[%mul3A_2, %dma_wait3A_167] : memref<10240x128xf32, #tpu.memory_space<vmem_shared>> -> memref<640x128xf32, #tpu.memory_space<vmem_shared>>
      tpu.wait_dma2 semaphore(%run_scoped3A_158 : memref<!tpu.dma_semaphore, #tpu.memory_space<semaphore_mem>>) src(%dma_wait3A_168 : memref<640x128xf32, #tpu.memory_space<vmem_shared>>) dst(%dma_wait3A_166 : memref<640x128xf32, #tpu.memory_space<hbm>>)
      tpu.yield
    }) : () -> ()
    return
  }
}

#map = affine_map<(d0, d1) -> (0, 0)>
#map1 = affine_map<(d0, d1) -> (0, 0, 0)>
module attributes {stable_mosaic.version = 14 : i64} {
  func.func @spmm(%arg0: i32, %arg1: i32, %arg2: memref<10240x128xf32, #tpu.memory_space<hbm>>, %arg3: memref<32x106x96xi32, #tpu.memory_space<hbm>>, %arg4: memref<32x106x96xi32, #tpu.memory_space<hbm>>, %arg5: memref<10240x128xf32, #tpu.memory_space<hbm>>, %arg6: memref<2x10240x128xf32, #tpu.memory_space<hbm>>, %arg7: memref<8x96xi32, #tpu.memory_space<vmem>>, %arg8: memref<8x96xi32, #tpu.memory_space<vmem>>, %arg9: memref<3x96x128xf32, #tpu.memory_space<vmem>>, %arg10: memref<10240x128xf32, #tpu.memory_space<vmem_shared>>, %arg11: memref<!tpu.dma_semaphore, #tpu.memory_space<semaphore_mem>>, %arg12: memref<!tpu.dma_semaphore, #tpu.memory_space<semaphore_mem>>, %arg13: memref<!tpu.dma_semaphore, #tpu.memory_space<semaphore_mem>>) attributes {dimension_semantics = [#tpu.dimension_semantics<core_parallel>, #tpu.dimension_semantics<subcore_parallel>], iteration_bounds = array<i64: 2, 16>, scalar_prefetch = 0 : i64, scratch_operands = 7 : i64, tpu.core_type = #tpu.core_type<sc_vector_subcore>, window_params = [{transform_indices = #map}, {transform_indices = #map1}, {transform_indices = #map1}, {transform_indices = #map}, {transform_indices = #map1}]} {
    %mul3A = arith.constant 2 : i32
    %mul3A_0 = arith.muli %arg1, %mul3A : i32
    %add3A = arith.addi %mul3A_0, %arg0 : i32
    %mul3A_1 = arith.constant 640 : i32
    %mul3A_2 = arith.muli %arg1, %mul3A_1 : i32
    %run_scoped3A = arith.constant 0 : i32
    %run_scoped3A_3 = arith.constant 0 : i32
    "tpu.region"() ({
      %run_scoped3A_158 = tpu.sem_alloc : memref<!tpu.dma_semaphore, #tpu.memory_space<semaphore_mem>>
      %dma_start3A_159 = arith.constant 0 : i32
      %dma_start3A_160 = tpu.memref_slice %arg7[%run_scoped3A_3, %dma_start3A_159] : memref<8x96xi32, #tpu.memory_space<vmem>> -> memref<1x96xi32, #tpu.memory_space<vmem>>
      %dma_start3A_161 = tpu.memref_squeeze %dma_start3A_160 : memref<1x96xi32, #tpu.memory_space<vmem>> -> memref<96xi32, #tpu.memory_space<vmem>>
      %dma_start3A_162 = arith.constant 0 : i32
      %dma_start3A_163 = tpu.memref_slice %arg3[%add3A, %run_scoped3A, %dma_start3A_162] : memref<32x106x96xi32, #tpu.memory_space<hbm>> -> memref<1x1x96xi32, #tpu.memory_space<hbm>>
      %dma_start3A_164 = tpu.memref_squeeze %dma_start3A_163 : memref<1x1x96xi32, #tpu.memory_space<hbm>> -> memref<96xi32, #tpu.memory_space<hbm>>
      %dma_start3A_165 = arith.constant 0 : i32
      %dma_start3A_166 = tpu.memref_slice %arg7[%run_scoped3A_3, %dma_start3A_165] : memref<8x96xi32, #tpu.memory_space<vmem>> -> memref<1x96xi32, #tpu.memory_space<vmem>>
      %dma_start3A_167 = tpu.memref_squeeze %dma_start3A_166 : memref<1x96xi32, #tpu.memory_space<vmem>> -> memref<96xi32, #tpu.memory_space<vmem>>
      %dma_start3A_168 = arith.constant 0 : i32
      %dma_start3A_169 = tpu.memref_slice %arg3[%add3A, %run_scoped3A, %dma_start3A_168] : memref<32x106x96xi32, #tpu.memory_space<hbm>> -> memref<1x1x96xi32, #tpu.memory_space<hbm>>
      %dma_start3A_170 = tpu.memref_squeeze %dma_start3A_169 : memref<1x1x96xi32, #tpu.memory_space<hbm>> -> memref<96xi32, #tpu.memory_space<hbm>>
      tpu.enqueue_dma source(%dma_start3A_170 : memref<96xi32, #tpu.memory_space<hbm>>) target(%dma_start3A_167 : memref<96xi32, #tpu.memory_space<vmem>>) target_semaphore(%run_scoped3A_158 : memref<!tpu.dma_semaphore, #tpu.memory_space<semaphore_mem>>)
      %dma_wait3A_171 = arith.constant 0 : i32
      %dma_wait3A_172 = tpu.memref_slice %arg7[%run_scoped3A_3, %dma_wait3A_171] : memref<8x96xi32, #tpu.memory_space<vmem>> -> memref<1x96xi32, #tpu.memory_space<vmem>>
      %dma_wait3A_173 = tpu.memref_squeeze %dma_wait3A_172 : memref<1x96xi32, #tpu.memory_space<vmem>> -> memref<96xi32, #tpu.memory_space<vmem>>
      %dma_wait3A_174 = arith.constant 0 : i32
      %dma_wait3A_175 = tpu.memref_slice %arg3[%add3A, %run_scoped3A, %dma_wait3A_174] : memref<32x106x96xi32, #tpu.memory_space<hbm>> -> memref<1x1x96xi32, #tpu.memory_space<hbm>>
      %dma_wait3A_176 = tpu.memref_squeeze %dma_wait3A_175 : memref<1x1x96xi32, #tpu.memory_space<hbm>> -> memref<96xi32, #tpu.memory_space<hbm>>
      %dma_wait3A_177 = arith.constant 0 : i32
      %dma_wait3A_178 = tpu.memref_slice %arg7[%run_scoped3A_3, %dma_wait3A_177] : memref<8x96xi32, #tpu.memory_space<vmem>> -> memref<1x96xi32, #tpu.memory_space<vmem>>
      %dma_wait3A_179 = tpu.memref_squeeze %dma_wait3A_178 : memref<1x96xi32, #tpu.memory_space<vmem>> -> memref<96xi32, #tpu.memory_space<vmem>>
      %dma_wait3A_180 = arith.constant 0 : i32
      %dma_wait3A_181 = tpu.memref_slice %arg3[%add3A, %run_scoped3A, %dma_wait3A_180] : memref<32x106x96xi32, #tpu.memory_space<hbm>> -> memref<1x1x96xi32, #tpu.memory_space<hbm>>
      %dma_wait3A_182 = tpu.memref_squeeze %dma_wait3A_181 : memref<1x1x96xi32, #tpu.memory_space<hbm>> -> memref<96xi32, #tpu.memory_space<hbm>>
      tpu.wait_dma2 semaphore(%run_scoped3A_158 : memref<!tpu.dma_semaphore, #tpu.memory_space<semaphore_mem>>) src(%dma_wait3A_182 : memref<96xi32, #tpu.memory_space<hbm>>) dst(%dma_wait3A_179 : memref<96xi32, #tpu.memory_space<vmem>>)
      tpu.yield
    }) : () -> ()
    %run_scoped3A_4 = arith.constant 0 : i32
    %run_scoped3A_5 = arith.constant 0 : i32
    "tpu.region"() ({
      %run_scoped3A_158 = tpu.sem_alloc : memref<!tpu.dma_semaphore, #tpu.memory_space<semaphore_mem>>
      %dma_start3A_159 = arith.constant 0 : i32
      %dma_start3A_160 = tpu.memref_slice %arg8[%run_scoped3A_5, %dma_start3A_159] : memref<8x96xi32, #tpu.memory_space<vmem>> -> memref<1x96xi32, #tpu.memory_space<vmem>>
      %dma_start3A_161 = tpu.memref_squeeze %dma_start3A_160 : memref<1x96xi32, #tpu.memory_space<vmem>> -> memref<96xi32, #tpu.memory_space<vmem>>
      %dma_start3A_162 = arith.constant 0 : i32
      %dma_start3A_163 = tpu.memref_slice %arg4[%add3A, %run_scoped3A_4, %dma_start3A_162] : memref<32x106x96xi32, #tpu.memory_space<hbm>> -> memref<1x1x96xi32, #tpu.memory_space<hbm>>
      %dma_start3A_164 = tpu.memref_squeeze %dma_start3A_163 : memref<1x1x96xi32, #tpu.memory_space<hbm>> -> memref<96xi32, #tpu.memory_space<hbm>>
      %dma_start3A_165 = arith.constant 0 : i32
      %dma_start3A_166 = tpu.memref_slice %arg8[%run_scoped3A_5, %dma_start3A_165] : memref<8x96xi32, #tpu.memory_space<vmem>> -> memref<1x96xi32, #tpu.memory_space<vmem>>
      %dma_start3A_167 = tpu.memref_squeeze %dma_start3A_166 : memref<1x96xi32, #tpu.memory_space<vmem>> -> memref<96xi32, #tpu.memory_space<vmem>>
      %dma_start3A_168 = arith.constant 0 : i32
      %dma_start3A_169 = tpu.memref_slice %arg4[%add3A, %run_scoped3A_4, %dma_start3A_168] : memref<32x106x96xi32, #tpu.memory_space<hbm>> -> memref<1x1x96xi32, #tpu.memory_space<hbm>>
      %dma_start3A_170 = tpu.memref_squeeze %dma_start3A_169 : memref<1x1x96xi32, #tpu.memory_space<hbm>> -> memref<96xi32, #tpu.memory_space<hbm>>
      tpu.enqueue_dma source(%dma_start3A_170 : memref<96xi32, #tpu.memory_space<hbm>>) target(%dma_start3A_167 : memref<96xi32, #tpu.memory_space<vmem>>) target_semaphore(%run_scoped3A_158 : memref<!tpu.dma_semaphore, #tpu.memory_space<semaphore_mem>>)
      %dma_wait3A_171 = arith.constant 0 : i32
      %dma_wait3A_172 = tpu.memref_slice %arg8[%run_scoped3A_5, %dma_wait3A_171] : memref<8x96xi32, #tpu.memory_space<vmem>> -> memref<1x96xi32, #tpu.memory_space<vmem>>
      %dma_wait3A_173 = tpu.memref_squeeze %dma_wait3A_172 : memref<1x96xi32, #tpu.memory_space<vmem>> -> memref<96xi32, #tpu.memory_space<vmem>>
      %dma_wait3A_174 = arith.constant 0 : i32
      %dma_wait3A_175 = tpu.memref_slice %arg4[%add3A, %run_scoped3A_4, %dma_wait3A_174] : memref<32x106x96xi32, #tpu.memory_space<hbm>> -> memref<1x1x96xi32, #tpu.memory_space<hbm>>
      %dma_wait3A_176 = tpu.memref_squeeze %dma_wait3A_175 : memref<1x1x96xi32, #tpu.memory_space<hbm>> -> memref<96xi32, #tpu.memory_space<hbm>>
      %dma_wait3A_177 = arith.constant 0 : i32
      %dma_wait3A_178 = tpu.memref_slice %arg8[%run_scoped3A_5, %dma_wait3A_177] : memref<8x96xi32, #tpu.memory_space<vmem>> -> memref<1x96xi32, #tpu.memory_space<vmem>>
      %dma_wait3A_179 = tpu.memref_squeeze %dma_wait3A_178 : memref<1x96xi32, #tpu.memory_space<vmem>> -> memref<96xi32, #tpu.memory_space<vmem>>
      %dma_wait3A_180 = arith.constant 0 : i32
      %dma_wait3A_181 = tpu.memref_slice %arg4[%add3A, %run_scoped3A_4, %dma_wait3A_180] : memref<32x106x96xi32, #tpu.memory_space<hbm>> -> memref<1x1x96xi32, #tpu.memory_space<hbm>>
      %dma_wait3A_182 = tpu.memref_squeeze %dma_wait3A_181 : memref<1x1x96xi32, #tpu.memory_space<hbm>> -> memref<96xi32, #tpu.memory_space<hbm>>
      tpu.wait_dma2 semaphore(%run_scoped3A_158 : memref<!tpu.dma_semaphore, #tpu.memory_space<semaphore_mem>>) src(%dma_wait3A_182 : memref<96xi32, #tpu.memory_space<hbm>>) dst(%dma_wait3A_179 : memref<96xi32, #tpu.memory_space<vmem>>)
      tpu.yield
    }) : () -> ()
    %dma_start3A = arith.constant 1 : i32
    %dma_start3A_6 = arith.constant 1 : i32
    %dma_start3A_7 = arith.constant 0 : i32
    %dma_start3A_8 = tpu.memref_slice %arg7[%dma_start3A_6, %dma_start3A_7] : memref<8x96xi32, #tpu.memory_space<vmem>> -> memref<1x96xi32, #tpu.memory_space<vmem>>
    %dma_start3A_9 = tpu.memref_squeeze %dma_start3A_8 : memref<1x96xi32, #tpu.memory_space<vmem>> -> memref<96xi32, #tpu.memory_space<vmem>>
    %dma_start3A_10 = arith.constant 0 : i32
    %dma_start3A_11 = tpu.memref_slice %arg3[%add3A, %dma_start3A, %dma_start3A_10] : memref<32x106x96xi32, #tpu.memory_space<hbm>> -> memref<1x1x96xi32, #tpu.memory_space<hbm>>
    %dma_start3A_12 = tpu.memref_squeeze %dma_start3A_11 : memref<1x1x96xi32, #tpu.memory_space<hbm>> -> memref<96xi32, #tpu.memory_space<hbm>>
    %dma_start3A_13 = arith.constant 0 : i32
    %dma_start3A_14 = tpu.memref_slice %arg7[%dma_start3A_6, %dma_start3A_13] : memref<8x96xi32, #tpu.memory_space<vmem>> -> memref<1x96xi32, #tpu.memory_space<vmem>>
    %dma_start3A_15 = tpu.memref_squeeze %dma_start3A_14 : memref<1x96xi32, #tpu.memory_space<vmem>> -> memref<96xi32, #tpu.memory_space<vmem>>
    %dma_start3A_16 = arith.constant 0 : i32
    %dma_start3A_17 = tpu.memref_slice %arg3[%add3A, %dma_start3A, %dma_start3A_16] : memref<32x106x96xi32, #tpu.memory_space<hbm>> -> memref<1x1x96xi32, #tpu.memory_space<hbm>>
    %dma_start3A_18 = tpu.memref_squeeze %dma_start3A_17 : memref<1x1x96xi32, #tpu.memory_space<hbm>> -> memref<96xi32, #tpu.memory_space<hbm>>
    tpu.enqueue_dma source(%dma_start3A_18 : memref<96xi32, #tpu.memory_space<hbm>>) target(%dma_start3A_15 : memref<96xi32, #tpu.memory_space<vmem>>) target_semaphore(%arg11 : memref<!tpu.dma_semaphore, #tpu.memory_space<semaphore_mem>>)
    %dma_start3A_19 = arith.constant 1 : i32
    %dma_start3A_20 = arith.constant 1 : i32
    %dma_start3A_21 = arith.constant 0 : i32
    %dma_start3A_22 = tpu.memref_slice %arg8[%dma_start3A_20, %dma_start3A_21] : memref<8x96xi32, #tpu.memory_space<vmem>> -> memref<1x96xi32, #tpu.memory_space<vmem>>
    %dma_start3A_23 = tpu.memref_squeeze %dma_start3A_22 : memref<1x96xi32, #tpu.memory_space<vmem>> -> memref<96xi32, #tpu.memory_space<vmem>>
    %dma_start3A_24 = arith.constant 0 : i32
    %dma_start3A_25 = tpu.memref_slice %arg4[%add3A, %dma_start3A_19, %dma_start3A_24] : memref<32x106x96xi32, #tpu.memory_space<hbm>> -> memref<1x1x96xi32, #tpu.memory_space<hbm>>
    %dma_start3A_26 = tpu.memref_squeeze %dma_start3A_25 : memref<1x1x96xi32, #tpu.memory_space<hbm>> -> memref<96xi32, #tpu.memory_space<hbm>>
    %dma_start3A_27 = arith.constant 0 : i32
    %dma_start3A_28 = tpu.memref_slice %arg8[%dma_start3A_20, %dma_start3A_27] : memref<8x96xi32, #tpu.memory_space<vmem>> -> memref<1x96xi32, #tpu.memory_space<vmem>>
    %dma_start3A_29 = tpu.memref_squeeze %dma_start3A_28 : memref<1x96xi32, #tpu.memory_space<vmem>> -> memref<96xi32, #tpu.memory_space<vmem>>
    %dma_start3A_30 = arith.constant 0 : i32
    %dma_start3A_31 = tpu.memref_slice %arg4[%add3A, %dma_start3A_19, %dma_start3A_30] : memref<32x106x96xi32, #tpu.memory_space<hbm>> -> memref<1x1x96xi32, #tpu.memory_space<hbm>>
    %dma_start3A_32 = tpu.memref_squeeze %dma_start3A_31 : memref<1x1x96xi32, #tpu.memory_space<hbm>> -> memref<96xi32, #tpu.memory_space<hbm>>
    tpu.enqueue_dma source(%dma_start3A_32 : memref<96xi32, #tpu.memory_space<hbm>>) target(%dma_start3A_29 : memref<96xi32, #tpu.memory_space<vmem>>) target_semaphore(%arg11 : memref<!tpu.dma_semaphore, #tpu.memory_space<semaphore_mem>>)
    %dma_start3A_33 = arith.constant 2 : i32
    %dma_start3A_34 = arith.constant 2 : i32
    %dma_start3A_35 = arith.constant 0 : i32
    %dma_start3A_36 = tpu.memref_slice %arg7[%dma_start3A_34, %dma_start3A_35] : memref<8x96xi32, #tpu.memory_space<vmem>> -> memref<1x96xi32, #tpu.memory_space<vmem>>
    %dma_start3A_37 = tpu.memref_squeeze %dma_start3A_36 : memref<1x96xi32, #tpu.memory_space<vmem>> -> memref<96xi32, #tpu.memory_space<vmem>>
    %dma_start3A_38 = arith.constant 0 : i32
    %dma_start3A_39 = tpu.memref_slice %arg3[%add3A, %dma_start3A_33, %dma_start3A_38] : memref<32x106x96xi32, #tpu.memory_space<hbm>> -> memref<1x1x96xi32, #tpu.memory_space<hbm>>
    %dma_start3A_40 = tpu.memref_squeeze %dma_start3A_39 : memref<1x1x96xi32, #tpu.memory_space<hbm>> -> memref<96xi32, #tpu.memory_space<hbm>>
    %dma_start3A_41 = arith.constant 0 : i32
    %dma_start3A_42 = tpu.memref_slice %arg7[%dma_start3A_34, %dma_start3A_41] : memref<8x96xi32, #tpu.memory_space<vmem>> -> memref<1x96xi32, #tpu.memory_space<vmem>>
    %dma_start3A_43 = tpu.memref_squeeze %dma_start3A_42 : memref<1x96xi32, #tpu.memory_space<vmem>> -> memref<96xi32, #tpu.memory_space<vmem>>
    %dma_start3A_44 = arith.constant 0 : i32
    %dma_start3A_45 = tpu.memref_slice %arg3[%add3A, %dma_start3A_33, %dma_start3A_44] : memref<32x106x96xi32, #tpu.memory_space<hbm>> -> memref<1x1x96xi32, #tpu.memory_space<hbm>>
    %dma_start3A_46 = tpu.memref_squeeze %dma_start3A_45 : memref<1x1x96xi32, #tpu.memory_space<hbm>> -> memref<96xi32, #tpu.memory_space<hbm>>
    tpu.enqueue_dma source(%dma_start3A_46 : memref<96xi32, #tpu.memory_space<hbm>>) target(%dma_start3A_43 : memref<96xi32, #tpu.memory_space<vmem>>) target_semaphore(%arg11 : memref<!tpu.dma_semaphore, #tpu.memory_space<semaphore_mem>>)
    %dma_start3A_47 = arith.constant 2 : i32
    %dma_start3A_48 = arith.constant 2 : i32
    %dma_start3A_49 = arith.constant 0 : i32
    %dma_start3A_50 = tpu.memref_slice %arg8[%dma_start3A_48, %dma_start3A_49] : memref<8x96xi32, #tpu.memory_space<vmem>> -> memref<1x96xi32, #tpu.memory_space<vmem>>
    %dma_start3A_51 = tpu.memref_squeeze %dma_start3A_50 : memref<1x96xi32, #tpu.memory_space<vmem>> -> memref<96xi32, #tpu.memory_space<vmem>>
    %dma_start3A_52 = arith.constant 0 : i32
    %dma_start3A_53 = tpu.memref_slice %arg4[%add3A, %dma_start3A_47, %dma_start3A_52] : memref<32x106x96xi32, #tpu.memory_space<hbm>> -> memref<1x1x96xi32, #tpu.memory_space<hbm>>
    %dma_start3A_54 = tpu.memref_squeeze %dma_start3A_53 : memref<1x1x96xi32, #tpu.memory_space<hbm>> -> memref<96xi32, #tpu.memory_space<hbm>>
    %dma_start3A_55 = arith.constant 0 : i32
    %dma_start3A_56 = tpu.memref_slice %arg8[%dma_start3A_48, %dma_start3A_55] : memref<8x96xi32, #tpu.memory_space<vmem>> -> memref<1x96xi32, #tpu.memory_space<vmem>>
    %dma_start3A_57 = tpu.memref_squeeze %dma_start3A_56 : memref<1x96xi32, #tpu.memory_space<vmem>> -> memref<96xi32, #tpu.memory_space<vmem>>
    %dma_start3A_58 = arith.constant 0 : i32
    %dma_start3A_59 = tpu.memref_slice %arg4[%add3A, %dma_start3A_47, %dma_start3A_58] : memref<32x106x96xi32, #tpu.memory_space<hbm>> -> memref<1x1x96xi32, #tpu.memory_space<hbm>>
    %dma_start3A_60 = tpu.memref_squeeze %dma_start3A_59 : memref<1x1x96xi32, #tpu.memory_space<hbm>> -> memref<96xi32, #tpu.memory_space<hbm>>
    tpu.enqueue_dma source(%dma_start3A_60 : memref<96xi32, #tpu.memory_space<hbm>>) target(%dma_start3A_57 : memref<96xi32, #tpu.memory_space<vmem>>) target_semaphore(%arg11 : memref<!tpu.dma_semaphore, #tpu.memory_space<semaphore_mem>>)
    %dma_start3A_61 = arith.constant 3 : i32
    %dma_start3A_62 = arith.constant 3 : i32
    %dma_start3A_63 = arith.constant 0 : i32
    %dma_start3A_64 = tpu.memref_slice %arg7[%dma_start3A_62, %dma_start3A_63] : memref<8x96xi32, #tpu.memory_space<vmem>> -> memref<1x96xi32, #tpu.memory_space<vmem>>
    %dma_start3A_65 = tpu.memref_squeeze %dma_start3A_64 : memref<1x96xi32, #tpu.memory_space<vmem>> -> memref<96xi32, #tpu.memory_space<vmem>>
    %dma_start3A_66 = arith.constant 0 : i32
    %dma_start3A_67 = tpu.memref_slice %arg3[%add3A, %dma_start3A_61, %dma_start3A_66] : memref<32x106x96xi32, #tpu.memory_space<hbm>> -> memref<1x1x96xi32, #tpu.memory_space<hbm>>
    %dma_start3A_68 = tpu.memref_squeeze %dma_start3A_67 : memref<1x1x96xi32, #tpu.memory_space<hbm>> -> memref<96xi32, #tpu.memory_space<hbm>>
    %dma_start3A_69 = arith.constant 0 : i32
    %dma_start3A_70 = tpu.memref_slice %arg7[%dma_start3A_62, %dma_start3A_69] : memref<8x96xi32, #tpu.memory_space<vmem>> -> memref<1x96xi32, #tpu.memory_space<vmem>>
    %dma_start3A_71 = tpu.memref_squeeze %dma_start3A_70 : memref<1x96xi32, #tpu.memory_space<vmem>> -> memref<96xi32, #tpu.memory_space<vmem>>
    %dma_start3A_72 = arith.constant 0 : i32
    %dma_start3A_73 = tpu.memref_slice %arg3[%add3A, %dma_start3A_61, %dma_start3A_72] : memref<32x106x96xi32, #tpu.memory_space<hbm>> -> memref<1x1x96xi32, #tpu.memory_space<hbm>>
    %dma_start3A_74 = tpu.memref_squeeze %dma_start3A_73 : memref<1x1x96xi32, #tpu.memory_space<hbm>> -> memref<96xi32, #tpu.memory_space<hbm>>
    tpu.enqueue_dma source(%dma_start3A_74 : memref<96xi32, #tpu.memory_space<hbm>>) target(%dma_start3A_71 : memref<96xi32, #tpu.memory_space<vmem>>) target_semaphore(%arg11 : memref<!tpu.dma_semaphore, #tpu.memory_space<semaphore_mem>>)
    %dma_start3A_75 = arith.constant 3 : i32
    %dma_start3A_76 = arith.constant 3 : i32
    %dma_start3A_77 = arith.constant 0 : i32
    %dma_start3A_78 = tpu.memref_slice %arg8[%dma_start3A_76, %dma_start3A_77] : memref<8x96xi32, #tpu.memory_space<vmem>> -> memref<1x96xi32, #tpu.memory_space<vmem>>
    %dma_start3A_79 = tpu.memref_squeeze %dma_start3A_78 : memref<1x96xi32, #tpu.memory_space<vmem>> -> memref<96xi32, #tpu.memory_space<vmem>>
    %dma_start3A_80 = arith.constant 0 : i32
    %dma_start3A_81 = tpu.memref_slice %arg4[%add3A, %dma_start3A_75, %dma_start3A_80] : memref<32x106x96xi32, #tpu.memory_space<hbm>> -> memref<1x1x96xi32, #tpu.memory_space<hbm>>
    %dma_start3A_82 = tpu.memref_squeeze %dma_start3A_81 : memref<1x1x96xi32, #tpu.memory_space<hbm>> -> memref<96xi32, #tpu.memory_space<hbm>>
    %dma_start3A_83 = arith.constant 0 : i32
    %dma_start3A_84 = tpu.memref_slice %arg8[%dma_start3A_76, %dma_start3A_83] : memref<8x96xi32, #tpu.memory_space<vmem>> -> memref<1x96xi32, #tpu.memory_space<vmem>>
    %dma_start3A_85 = tpu.memref_squeeze %dma_start3A_84 : memref<1x96xi32, #tpu.memory_space<vmem>> -> memref<96xi32, #tpu.memory_space<vmem>>
    %dma_start3A_86 = arith.constant 0 : i32
    %dma_start3A_87 = tpu.memref_slice %arg4[%add3A, %dma_start3A_75, %dma_start3A_86] : memref<32x106x96xi32, #tpu.memory_space<hbm>> -> memref<1x1x96xi32, #tpu.memory_space<hbm>>
    %dma_start3A_88 = tpu.memref_squeeze %dma_start3A_87 : memref<1x1x96xi32, #tpu.memory_space<hbm>> -> memref<96xi32, #tpu.memory_space<hbm>>
    tpu.enqueue_dma source(%dma_start3A_88 : memref<96xi32, #tpu.memory_space<hbm>>) target(%dma_start3A_85 : memref<96xi32, #tpu.memory_space<vmem>>) target_semaphore(%arg11 : memref<!tpu.dma_semaphore, #tpu.memory_space<semaphore_mem>>)
    %dma_start3A_89 = arith.constant 0 : i32
    %dma_start3A_90 = arith.constant 0 : i32
    %dma_start3A_91 = arith.constant 0 : i32
    %dma_start3A_92 = arith.constant 0 : i32
    %dma_start3A_93 = tpu.memref_slice %arg9[%dma_start3A_90, %dma_start3A_91, %dma_start3A_92] : memref<3x96x128xf32, #tpu.memory_space<vmem>> -> memref<1x96x128xf32, #tpu.memory_space<vmem>>
    %dma_start3A_94 = tpu.memref_squeeze %dma_start3A_93 : memref<1x96x128xf32, #tpu.memory_space<vmem>> -> memref<96x128xf32, #tpu.memory_space<vmem>>
    %dma_start3A_95 = arith.constant 0 : i32
    %dma_start3A_96 = tpu.memref_slice %arg7[%dma_start3A_89, %dma_start3A_95] : memref<8x96xi32, #tpu.memory_space<vmem>> -> memref<1x96xi32, #tpu.memory_space<vmem>>
    %dma_start3A_97 = tpu.memref_squeeze %dma_start3A_96 : memref<1x96xi32, #tpu.memory_space<vmem>> -> memref<96xi32, #tpu.memory_space<vmem>>
    %dma_start3A_98 = arith.constant 0 : i32
    %dma_start3A_99 = arith.constant 0 : i32
    %dma_start3A_100 = tpu.memref_slice %arg2[%dma_start3A_98, %dma_start3A_99] : memref<10240x128xf32, #tpu.memory_space<hbm>> -> memref<10240x128xf32, #tpu.memory_space<hbm>>
    tpu.enqueue_indirect_dma source(%dma_start3A_100 : memref<10240x128xf32, #tpu.memory_space<hbm>>) target(%dma_start3A_94 : memref<96x128xf32, #tpu.memory_space<vmem>>) offsets(%dma_start3A_97 : memref<96xi32, #tpu.memory_space<vmem>>) semaphore(%arg12 : memref<!tpu.dma_semaphore, #tpu.memory_space<semaphore_mem>>)
    %dma_wait3A = arith.constant 0 : i32
    %dma_wait3A_101 = arith.constant 1 : i32
    %dma_wait3A_102 = arith.constant 0 : i32
    %dma_wait3A_103 = tpu.memref_slice %arg7[%dma_wait3A_101, %dma_wait3A_102] : memref<8x96xi32, #tpu.memory_space<vmem>> -> memref<1x96xi32, #tpu.memory_space<vmem>>
    %dma_wait3A_104 = tpu.memref_squeeze %dma_wait3A_103 : memref<1x96xi32, #tpu.memory_space<vmem>> -> memref<96xi32, #tpu.memory_space<vmem>>
    %dma_wait3A_105 = arith.constant 0 : i32
    %dma_wait3A_106 = tpu.memref_slice %arg3[%add3A, %dma_wait3A, %dma_wait3A_105] : memref<32x106x96xi32, #tpu.memory_space<hbm>> -> memref<1x1x96xi32, #tpu.memory_space<hbm>>
    %dma_wait3A_107 = tpu.memref_squeeze %dma_wait3A_106 : memref<1x1x96xi32, #tpu.memory_space<hbm>> -> memref<96xi32, #tpu.memory_space<hbm>>
    %dma_wait3A_108 = arith.constant 0 : i32
    %dma_wait3A_109 = tpu.memref_slice %arg7[%dma_wait3A_101, %dma_wait3A_108] : memref<8x96xi32, #tpu.memory_space<vmem>> -> memref<1x96xi32, #tpu.memory_space<vmem>>
    %dma_wait3A_110 = tpu.memref_squeeze %dma_wait3A_109 : memref<1x96xi32, #tpu.memory_space<vmem>> -> memref<96xi32, #tpu.memory_space<vmem>>
    %dma_wait3A_111 = arith.constant 0 : i32
    %dma_wait3A_112 = tpu.memref_slice %arg3[%add3A, %dma_wait3A, %dma_wait3A_111] : memref<32x106x96xi32, #tpu.memory_space<hbm>> -> memref<1x1x96xi32, #tpu.memory_space<hbm>>
    %dma_wait3A_113 = tpu.memref_squeeze %dma_wait3A_112 : memref<1x1x96xi32, #tpu.memory_space<hbm>> -> memref<96xi32, #tpu.memory_space<hbm>>
    tpu.wait_dma2 semaphore(%arg11 : memref<!tpu.dma_semaphore, #tpu.memory_space<semaphore_mem>>) src(%dma_wait3A_113 : memref<96xi32, #tpu.memory_space<hbm>>) dst(%dma_wait3A_110 : memref<96xi32, #tpu.memory_space<vmem>>)
    %dma_wait3A_114 = arith.constant 0 : i32
    %dma_wait3A_115 = arith.constant 1 : i32
    %dma_wait3A_116 = arith.constant 0 : i32
    %dma_wait3A_117 = tpu.memref_slice %arg8[%dma_wait3A_115, %dma_wait3A_116] : memref<8x96xi32, #tpu.memory_space<vmem>> -> memref<1x96xi32, #tpu.memory_space<vmem>>
    %dma_wait3A_118 = tpu.memref_squeeze %dma_wait3A_117 : memref<1x96xi32, #tpu.memory_space<vmem>> -> memref<96xi32, #tpu.memory_space<vmem>>
    %dma_wait3A_119 = arith.constant 0 : i32
    %dma_wait3A_120 = tpu.memref_slice %arg4[%add3A, %dma_wait3A_114, %dma_wait3A_119] : memref<32x106x96xi32, #tpu.memory_space<hbm>> -> memref<1x1x96xi32, #tpu.memory_space<hbm>>
    %dma_wait3A_121 = tpu.memref_squeeze %dma_wait3A_120 : memref<1x1x96xi32, #tpu.memory_space<hbm>> -> memref<96xi32, #tpu.memory_space<hbm>>
    %dma_wait3A_122 = arith.constant 0 : i32
    %dma_wait3A_123 = tpu.memref_slice %arg8[%dma_wait3A_115, %dma_wait3A_122] : memref<8x96xi32, #tpu.memory_space<vmem>> -> memref<1x96xi32, #tpu.memory_space<vmem>>
    %dma_wait3A_124 = tpu.memref_squeeze %dma_wait3A_123 : memref<1x96xi32, #tpu.memory_space<vmem>> -> memref<96xi32, #tpu.memory_space<vmem>>
    %dma_wait3A_125 = arith.constant 0 : i32
    %dma_wait3A_126 = tpu.memref_slice %arg4[%add3A, %dma_wait3A_114, %dma_wait3A_125] : memref<32x106x96xi32, #tpu.memory_space<hbm>> -> memref<1x1x96xi32, #tpu.memory_space<hbm>>
    %dma_wait3A_127 = tpu.memref_squeeze %dma_wait3A_126 : memref<1x1x96xi32, #tpu.memory_space<hbm>> -> memref<96xi32, #tpu.memory_space<hbm>>
    tpu.wait_dma2 semaphore(%arg11 : memref<!tpu.dma_semaphore, #tpu.memory_space<semaphore_mem>>) src(%dma_wait3A_127 : memref<96xi32, #tpu.memory_space<hbm>>) dst(%dma_wait3A_124 : memref<96xi32, #tpu.memory_space<vmem>>)
    %dma_start3A_128 = arith.constant 1 : i32
    %dma_start3A_129 = arith.constant 1 : i32
    %dma_start3A_130 = arith.constant 0 : i32
    %dma_start3A_131 = arith.constant 0 : i32
    %dma_start3A_132 = tpu.memref_slice %arg9[%dma_start3A_129, %dma_start3A_130, %dma_start3A_131] : memref<3x96x128xf32, #tpu.memory_space<vmem>> -> memref<1x96x128xf32, #tpu.memory_space<vmem>>
    %dma_start3A_133 = tpu.memref_squeeze %dma_start3A_132 : memref<1x96x128xf32, #tpu.memory_space<vmem>> -> memref<96x128xf32, #tpu.memory_space<vmem>>
    %dma_start3A_134 = arith.constant 0 : i32
    %dma_start3A_135 = tpu.memref_slice %arg7[%dma_start3A_128, %dma_start3A_134] : memref<8x96xi32, #tpu.memory_space<vmem>> -> memref<1x96xi32, #tpu.memory_space<vmem>>
    %dma_start3A_136 = tpu.memref_squeeze %dma_start3A_135 : memref<1x96xi32, #tpu.memory_space<vmem>> -> memref<96xi32, #tpu.memory_space<vmem>>
    %dma_start3A_137 = arith.constant 0 : i32
    %dma_start3A_138 = arith.constant 0 : i32
    %dma_start3A_139 = tpu.memref_slice %arg2[%dma_start3A_137, %dma_start3A_138] : memref<10240x128xf32, #tpu.memory_space<hbm>> -> memref<10240x128xf32, #tpu.memory_space<hbm>>
    tpu.enqueue_indirect_dma source(%dma_start3A_139 : memref<10240x128xf32, #tpu.memory_space<hbm>>) target(%dma_start3A_133 : memref<96x128xf32, #tpu.memory_space<vmem>>) offsets(%dma_start3A_136 : memref<96xi32, #tpu.memory_space<vmem>>) semaphore(%arg12 : memref<!tpu.dma_semaphore, #tpu.memory_space<semaphore_mem>>)
    "tpu.region"() ({
      %run_scoped3A_158 = tpu.sem_alloc : memref<!tpu.dma_semaphore, #tpu.memory_space<semaphore_mem>>
      %dma_start3A_159 = arith.constant 0 : i32
      %dma_start3A_160 = tpu.memref_slice %arg10[%mul3A_2, %dma_start3A_159] : memref<10240x128xf32, #tpu.memory_space<vmem_shared>> -> memref<640x128xf32, #tpu.memory_space<vmem_shared>>
      %dma_start3A_161 = arith.constant 0 : i32
      %dma_start3A_162 = tpu.memref_slice %arg5[%mul3A_2, %dma_start3A_161] : memref<10240x128xf32, #tpu.memory_space<hbm>> -> memref<640x128xf32, #tpu.memory_space<hbm>>
      tpu.enqueue_dma source(%dma_start3A_162 : memref<640x128xf32, #tpu.memory_space<hbm>>) target(%dma_start3A_160 : memref<640x128xf32, #tpu.memory_space<vmem_shared>>) target_semaphore(%run_scoped3A_158 : memref<!tpu.dma_semaphore, #tpu.memory_space<semaphore_mem>>)
      %dma_wait3A_163 = arith.constant 0 : i32
      %dma_wait3A_164 = tpu.memref_slice %arg10[%mul3A_2, %dma_wait3A_163] : memref<10240x128xf32, #tpu.memory_space<vmem_shared>> -> memref<640x128xf32, #tpu.memory_space<vmem_shared>>
      %dma_wait3A_165 = arith.constant 0 : i32
      %dma_wait3A_166 = tpu.memref_slice %arg5[%mul3A_2, %dma_wait3A_165] : memref<10240x128xf32, #tpu.memory_space<hbm>> -> memref<640x128xf32, #tpu.memory_space<hbm>>
      tpu.wait_dma2 semaphore(%run_scoped3A_158 : memref<!tpu.dma_semaphore, #tpu.memory_space<semaphore_mem>>) src(%dma_wait3A_166 : memref<640x128xf32, #tpu.memory_space<hbm>>) dst(%dma_wait3A_164 : memref<640x128xf32, #tpu.memory_space<vmem_shared>>)
      tpu.yield
    }) : () -> ()
    %barrier3A = arith.constant 0 : index
    tpu.barrier barrier_id(%barrier3A)
    %scan3A = arith.constant 0 : i32
    %scan3A_140 = arith.constant 0 : i32
    %scan3A_141 = arith.constant 106 : i32
    %scan3A_142 = arith.addi %scan3A_140, %scan3A_141 : i32
    %scan3A_143 = arith.constant 1 : i32
    scf.for %scan3A_158 = %scan3A_140 to %scan3A_142 step %scan3A_143  : i32 {
      %rem3A = arith.constant 3 : i32
      %rem3A_159 = arith.remsi %scan3A_158, %rem3A : i32
      %rem3A_160 = arith.constant 8 : i32
      %rem3A_161 = arith.remsi %scan3A_158, %rem3A_160 : i32
      %add3A_162 = arith.constant 2 : i32
      %add3A_163 = arith.addi %scan3A_158, %add3A_162 : i32
      %lt3A = arith.constant 106 : i32
      %lt3A_164 = arith.cmpi slt, %add3A_163, %lt3A : i32
      %convert_element_type3A = arith.extui %lt3A_164 : i1 to i32
      %cond3A = arith.constant 0 : i32
      %cond3A_165 = arith.cmpi ne, %convert_element_type3A, %cond3A : i32
      scf.if %cond3A_165 {
        %add3A_204 = arith.constant 2 : i32
        %add3A_205 = arith.addi %scan3A_158, %add3A_204 : i32
        %rem3A_206 = arith.constant 8 : i32
        %rem3A_207 = arith.remsi %add3A_205, %rem3A_206 : i32
        %dma_wait3A_208 = arith.constant 0 : i32
        %dma_wait3A_209 = arith.constant 0 : i32
        %dma_wait3A_210 = tpu.memref_slice %arg7[%rem3A_207, %dma_wait3A_209] : memref<8x96xi32, #tpu.memory_space<vmem>> -> memref<1x96xi32, #tpu.memory_space<vmem>>
        %dma_wait3A_211 = tpu.memref_squeeze %dma_wait3A_210 : memref<1x96xi32, #tpu.memory_space<vmem>> -> memref<96xi32, #tpu.memory_space<vmem>>
        %dma_wait3A_212 = arith.constant 0 : i32
        %dma_wait3A_213 = tpu.memref_slice %arg3[%add3A, %dma_wait3A_208, %dma_wait3A_212] : memref<32x106x96xi32, #tpu.memory_space<hbm>> -> memref<1x1x96xi32, #tpu.memory_space<hbm>>
        %dma_wait3A_214 = tpu.memref_squeeze %dma_wait3A_213 : memref<1x1x96xi32, #tpu.memory_space<hbm>> -> memref<96xi32, #tpu.memory_space<hbm>>
        %dma_wait3A_215 = arith.constant 0 : i32
        %dma_wait3A_216 = tpu.memref_slice %arg7[%rem3A_207, %dma_wait3A_215] : memref<8x96xi32, #tpu.memory_space<vmem>> -> memref<1x96xi32, #tpu.memory_space<vmem>>
        %dma_wait3A_217 = tpu.memref_squeeze %dma_wait3A_216 : memref<1x96xi32, #tpu.memory_space<vmem>> -> memref<96xi32, #tpu.memory_space<vmem>>
        %dma_wait3A_218 = arith.constant 0 : i32
        %dma_wait3A_219 = tpu.memref_slice %arg3[%add3A, %dma_wait3A_208, %dma_wait3A_218] : memref<32x106x96xi32, #tpu.memory_space<hbm>> -> memref<1x1x96xi32, #tpu.memory_space<hbm>>
        %dma_wait3A_220 = tpu.memref_squeeze %dma_wait3A_219 : memref<1x1x96xi32, #tpu.memory_space<hbm>> -> memref<96xi32, #tpu.memory_space<hbm>>
        tpu.wait_dma2 semaphore(%arg11 : memref<!tpu.dma_semaphore, #tpu.memory_space<semaphore_mem>>) src(%dma_wait3A_220 : memref<96xi32, #tpu.memory_space<hbm>>) dst(%dma_wait3A_217 : memref<96xi32, #tpu.memory_space<vmem>>)
        %dma_wait3A_221 = arith.constant 0 : i32
        %dma_wait3A_222 = arith.constant 0 : i32
        %dma_wait3A_223 = tpu.memref_slice %arg8[%rem3A_207, %dma_wait3A_222] : memref<8x96xi32, #tpu.memory_space<vmem>> -> memref<1x96xi32, #tpu.memory_space<vmem>>
        %dma_wait3A_224 = tpu.memref_squeeze %dma_wait3A_223 : memref<1x96xi32, #tpu.memory_space<vmem>> -> memref<96xi32, #tpu.memory_space<vmem>>
        %dma_wait3A_225 = arith.constant 0 : i32
        %dma_wait3A_226 = tpu.memref_slice %arg4[%add3A, %dma_wait3A_221, %dma_wait3A_225] : memref<32x106x96xi32, #tpu.memory_space<hbm>> -> memref<1x1x96xi32, #tpu.memory_space<hbm>>
        %dma_wait3A_227 = tpu.memref_squeeze %dma_wait3A_226 : memref<1x1x96xi32, #tpu.memory_space<hbm>> -> memref<96xi32, #tpu.memory_space<hbm>>
        %dma_wait3A_228 = arith.constant 0 : i32
        %dma_wait3A_229 = tpu.memref_slice %arg8[%rem3A_207, %dma_wait3A_228] : memref<8x96xi32, #tpu.memory_space<vmem>> -> memref<1x96xi32, #tpu.memory_space<vmem>>
        %dma_wait3A_230 = tpu.memref_squeeze %dma_wait3A_229 : memref<1x96xi32, #tpu.memory_space<vmem>> -> memref<96xi32, #tpu.memory_space<vmem>>
        %dma_wait3A_231 = arith.constant 0 : i32
        %dma_wait3A_232 = tpu.memref_slice %arg4[%add3A, %dma_wait3A_221, %dma_wait3A_231] : memref<32x106x96xi32, #tpu.memory_space<hbm>> -> memref<1x1x96xi32, #tpu.memory_space<hbm>>
        %dma_wait3A_233 = tpu.memref_squeeze %dma_wait3A_232 : memref<1x1x96xi32, #tpu.memory_space<hbm>> -> memref<96xi32, #tpu.memory_space<hbm>>
        tpu.wait_dma2 semaphore(%arg11 : memref<!tpu.dma_semaphore, #tpu.memory_space<semaphore_mem>>) src(%dma_wait3A_233 : memref<96xi32, #tpu.memory_space<hbm>>) dst(%dma_wait3A_230 : memref<96xi32, #tpu.memory_space<vmem>>)
      } else {
      }
      %dma_wait3A_166 = arith.constant 0 : i32
      %dma_wait3A_167 = arith.constant 0 : i32
      %dma_wait3A_168 = tpu.memref_slice %arg9[%rem3A_159, %dma_wait3A_166, %dma_wait3A_167] : memref<3x96x128xf32, #tpu.memory_space<vmem>> -> memref<1x96x128xf32, #tpu.memory_space<vmem>>
      %dma_wait3A_169 = tpu.memref_squeeze %dma_wait3A_168 : memref<1x96x128xf32, #tpu.memory_space<vmem>> -> memref<96x128xf32, #tpu.memory_space<vmem>>
      %dma_wait3A_170 = arith.constant 0 : i32
      %dma_wait3A_171 = tpu.memref_slice %arg7[%rem3A_161, %dma_wait3A_170] : memref<8x96xi32, #tpu.memory_space<vmem>> -> memref<1x96xi32, #tpu.memory_space<vmem>>
      %dma_wait3A_172 = tpu.memref_squeeze %dma_wait3A_171 : memref<1x96xi32, #tpu.memory_space<vmem>> -> memref<96xi32, #tpu.memory_space<vmem>>
      %dma_wait3A_173 = arith.constant 0 : i32
      %dma_wait3A_174 = arith.constant 0 : i32
      %dma_wait3A_175 = tpu.memref_slice %arg2[%dma_wait3A_173, %dma_wait3A_174] : memref<10240x128xf32, #tpu.memory_space<hbm>> -> memref<10240x128xf32, #tpu.memory_space<hbm>>
      tpu.wait_indirect_dma semaphore(%arg12 : memref<!tpu.dma_semaphore, #tpu.memory_space<semaphore_mem>>) src(%dma_wait3A_175 : memref<10240x128xf32, #tpu.memory_space<hbm>>) dst(%dma_wait3A_169 : memref<96x128xf32, #tpu.memory_space<vmem>>)
      %gt3A = arith.constant 0 : i32
      %gt3A_176 = arith.cmpi sgt, %scan3A_158, %gt3A : i32
      %convert_element_type3A_177 = arith.extui %gt3A_176 : i1 to i32
      %cond3A_178 = arith.constant 0 : i32
      %cond3A_179 = arith.cmpi ne, %convert_element_type3A_177, %cond3A_178 : i32
      scf.if %cond3A_179 {
        %dma_wait3A_204 = arith.constant 0 : i32
        %dma_wait3A_205 = arith.constant 0 : i32
        %dma_wait3A_206 = tpu.memref_slice %arg9[%rem3A_159, %dma_wait3A_204, %dma_wait3A_205] : memref<3x96x128xf32, #tpu.memory_space<vmem>> -> memref<1x96x128xf32, #tpu.memory_space<vmem>>
        %dma_wait3A_207 = tpu.memref_squeeze %dma_wait3A_206 : memref<1x96x128xf32, #tpu.memory_space<vmem>> -> memref<96x128xf32, #tpu.memory_space<vmem>>
        %dma_wait3A_208 = arith.constant 0 : i32
        %dma_wait3A_209 = tpu.memref_slice %arg8[%rem3A_161, %dma_wait3A_208] : memref<8x96xi32, #tpu.memory_space<vmem>> -> memref<1x96xi32, #tpu.memory_space<vmem>>
        %dma_wait3A_210 = tpu.memref_squeeze %dma_wait3A_209 : memref<1x96xi32, #tpu.memory_space<vmem>> -> memref<96xi32, #tpu.memory_space<vmem>>
        %dma_wait3A_211 = arith.constant 0 : i32
        %dma_wait3A_212 = arith.constant 0 : i32
        %dma_wait3A_213 = tpu.memref_slice %arg10[%dma_wait3A_211, %dma_wait3A_212] : memref<10240x128xf32, #tpu.memory_space<vmem_shared>> -> memref<10240x128xf32, #tpu.memory_space<vmem_shared>>
        tpu.wait_indirect_dma semaphore(%arg13 : memref<!tpu.dma_semaphore, #tpu.memory_space<semaphore_mem>>) src(%dma_wait3A_207 : memref<96x128xf32, #tpu.memory_space<vmem>>) dst(%dma_wait3A_213 : memref<10240x128xf32, #tpu.memory_space<vmem_shared>>)
      } else {
      }
      %add3A_180 = arith.constant 2 : i32
      %add3A_181 = arith.addi %scan3A_158, %add3A_180 : i32
      %lt3A_182 = arith.constant 106 : i32
      %lt3A_183 = arith.cmpi slt, %add3A_181, %lt3A_182 : i32
      %convert_element_type3A_184 = arith.extui %lt3A_183 : i1 to i32
      %cond3A_185 = arith.constant 0 : i32
      %cond3A_186 = arith.cmpi ne, %convert_element_type3A_184, %cond3A_185 : i32
      scf.if %cond3A_186 {
        %add3A_204 = arith.constant 2 : i32
        %add3A_205 = arith.addi %scan3A_158, %add3A_204 : i32
        %add3A_206 = arith.constant 2 : i32
        %add3A_207 = arith.addi %scan3A_158, %add3A_206 : i32
        %rem3A_208 = arith.constant 8 : i32
        %rem3A_209 = arith.remsi %add3A_207, %rem3A_208 : i32
        %add3A_210 = arith.constant 2 : i32
        %add3A_211 = arith.addi %scan3A_158, %add3A_210 : i32
        %rem3A_212 = arith.constant 3 : i32
        %rem3A_213 = arith.remsi %add3A_211, %rem3A_212 : i32
        %dma_start3A_214 = arith.constant 0 : i32
        %dma_start3A_215 = arith.constant 0 : i32
        %dma_start3A_216 = tpu.memref_slice %arg9[%rem3A_213, %dma_start3A_214, %dma_start3A_215] : memref<3x96x128xf32, #tpu.memory_space<vmem>> -> memref<1x96x128xf32, #tpu.memory_space<vmem>>
        %dma_start3A_217 = tpu.memref_squeeze %dma_start3A_216 : memref<1x96x128xf32, #tpu.memory_space<vmem>> -> memref<96x128xf32, #tpu.memory_space<vmem>>
        %dma_start3A_218 = arith.constant 0 : i32
        %dma_start3A_219 = tpu.memref_slice %arg7[%rem3A_209, %dma_start3A_218] : memref<8x96xi32, #tpu.memory_space<vmem>> -> memref<1x96xi32, #tpu.memory_space<vmem>>
        %dma_start3A_220 = tpu.memref_squeeze %dma_start3A_219 : memref<1x96xi32, #tpu.memory_space<vmem>> -> memref<96xi32, #tpu.memory_space<vmem>>
        %dma_start3A_221 = arith.constant 0 : i32
        %dma_start3A_222 = arith.constant 0 : i32
        %dma_start3A_223 = tpu.memref_slice %arg2[%dma_start3A_221, %dma_start3A_222] : memref<10240x128xf32, #tpu.memory_space<hbm>> -> memref<10240x128xf32, #tpu.memory_space<hbm>>
        tpu.enqueue_indirect_dma source(%dma_start3A_223 : memref<10240x128xf32, #tpu.memory_space<hbm>>) target(%dma_start3A_217 : memref<96x128xf32, #tpu.memory_space<vmem>>) offsets(%dma_start3A_220 : memref<96xi32, #tpu.memory_space<vmem>>) semaphore(%arg12 : memref<!tpu.dma_semaphore, #tpu.memory_space<semaphore_mem>>)
      } else {
      }
      %add3A_187 = arith.constant 4 : i32
      %add3A_188 = arith.addi %scan3A_158, %add3A_187 : i32
      %lt3A_189 = arith.constant 106 : i32
      %lt3A_190 = arith.cmpi slt, %add3A_188, %lt3A_189 : i32
      %convert_element_type3A_191 = arith.extui %lt3A_190 : i1 to i32
      %cond3A_192 = arith.constant 0 : i32
      %cond3A_193 = arith.cmpi ne, %convert_element_type3A_191, %cond3A_192 : i32
      scf.if %cond3A_193 {
        %add3A_204 = arith.constant 4 : i32
        %add3A_205 = arith.addi %scan3A_158, %add3A_204 : i32
        %add3A_206 = arith.constant 4 : i32
        %add3A_207 = arith.addi %scan3A_158, %add3A_206 : i32
        %rem3A_208 = arith.constant 8 : i32
        %rem3A_209 = arith.remsi %add3A_207, %rem3A_208 : i32
        %dma_start3A_210 = arith.constant 0 : i32
        %dma_start3A_211 = tpu.memref_slice %arg7[%rem3A_209, %dma_start3A_210] : memref<8x96xi32, #tpu.memory_space<vmem>> -> memref<1x96xi32, #tpu.memory_space<vmem>>
        %dma_start3A_212 = tpu.memref_squeeze %dma_start3A_211 : memref<1x96xi32, #tpu.memory_space<vmem>> -> memref<96xi32, #tpu.memory_space<vmem>>
        %dma_start3A_213 = arith.constant 0 : i32
        %dma_start3A_214 = tpu.memref_slice %arg3[%add3A, %add3A_205, %dma_start3A_213] : memref<32x106x96xi32, #tpu.memory_space<hbm>> -> memref<1x1x96xi32, #tpu.memory_space<hbm>>
        %dma_start3A_215 = tpu.memref_squeeze %dma_start3A_214 : memref<1x1x96xi32, #tpu.memory_space<hbm>> -> memref<96xi32, #tpu.memory_space<hbm>>
        %dma_start3A_216 = arith.constant 0 : i32
        %dma_start3A_217 = tpu.memref_slice %arg7[%rem3A_209, %dma_start3A_216] : memref<8x96xi32, #tpu.memory_space<vmem>> -> memref<1x96xi32, #tpu.memory_space<vmem>>
        %dma_start3A_218 = tpu.memref_squeeze %dma_start3A_217 : memref<1x96xi32, #tpu.memory_space<vmem>> -> memref<96xi32, #tpu.memory_space<vmem>>
        %dma_start3A_219 = arith.constant 0 : i32
        %dma_start3A_220 = tpu.memref_slice %arg3[%add3A, %add3A_205, %dma_start3A_219] : memref<32x106x96xi32, #tpu.memory_space<hbm>> -> memref<1x1x96xi32, #tpu.memory_space<hbm>>
        %dma_start3A_221 = tpu.memref_squeeze %dma_start3A_220 : memref<1x1x96xi32, #tpu.memory_space<hbm>> -> memref<96xi32, #tpu.memory_space<hbm>>
        tpu.enqueue_dma source(%dma_start3A_221 : memref<96xi32, #tpu.memory_space<hbm>>) target(%dma_start3A_218 : memref<96xi32, #tpu.memory_space<vmem>>) target_semaphore(%arg11 : memref<!tpu.dma_semaphore, #tpu.memory_space<semaphore_mem>>)
        %dma_start3A_222 = arith.constant 0 : i32
        %dma_start3A_223 = tpu.memref_slice %arg8[%rem3A_209, %dma_start3A_222] : memref<8x96xi32, #tpu.memory_space<vmem>> -> memref<1x96xi32, #tpu.memory_space<vmem>>
        %dma_start3A_224 = tpu.memref_squeeze %dma_start3A_223 : memref<1x96xi32, #tpu.memory_space<vmem>> -> memref<96xi32, #tpu.memory_space<vmem>>
        %dma_start3A_225 = arith.constant 0 : i32
        %dma_start3A_226 = tpu.memref_slice %arg4[%add3A, %add3A_205, %dma_start3A_225] : memref<32x106x96xi32, #tpu.memory_space<hbm>> -> memref<1x1x96xi32, #tpu.memory_space<hbm>>
        %dma_start3A_227 = tpu.memref_squeeze %dma_start3A_226 : memref<1x1x96xi32, #tpu.memory_space<hbm>> -> memref<96xi32, #tpu.memory_space<hbm>>
        %dma_start3A_228 = arith.constant 0 : i32
        %dma_start3A_229 = tpu.memref_slice %arg8[%rem3A_209, %dma_start3A_228] : memref<8x96xi32, #tpu.memory_space<vmem>> -> memref<1x96xi32, #tpu.memory_space<vmem>>
        %dma_start3A_230 = tpu.memref_squeeze %dma_start3A_229 : memref<1x96xi32, #tpu.memory_space<vmem>> -> memref<96xi32, #tpu.memory_space<vmem>>
        %dma_start3A_231 = arith.constant 0 : i32
        %dma_start3A_232 = tpu.memref_slice %arg4[%add3A, %add3A_205, %dma_start3A_231] : memref<32x106x96xi32, #tpu.memory_space<hbm>> -> memref<1x1x96xi32, #tpu.memory_space<hbm>>
        %dma_start3A_233 = tpu.memref_squeeze %dma_start3A_232 : memref<1x1x96xi32, #tpu.memory_space<hbm>> -> memref<96xi32, #tpu.memory_space<hbm>>
        tpu.enqueue_dma source(%dma_start3A_233 : memref<96xi32, #tpu.memory_space<hbm>>) target(%dma_start3A_230 : memref<96xi32, #tpu.memory_space<vmem>>) target_semaphore(%arg11 : memref<!tpu.dma_semaphore, #tpu.memory_space<semaphore_mem>>)
      } else {
      }
      %dma_start3A_194 = arith.constant 0 : i32
      %dma_start3A_195 = arith.constant 0 : i32
      %dma_start3A_196 = tpu.memref_slice %arg9[%rem3A_159, %dma_start3A_194, %dma_start3A_195] : memref<3x96x128xf32, #tpu.memory_space<vmem>> -> memref<1x96x128xf32, #tpu.memory_space<vmem>>
      %dma_start3A_197 = tpu.memref_squeeze %dma_start3A_196 : memref<1x96x128xf32, #tpu.memory_space<vmem>> -> memref<96x128xf32, #tpu.memory_space<vmem>>
      %dma_start3A_198 = arith.constant 0 : i32
      %dma_start3A_199 = tpu.memref_slice %arg8[%rem3A_161, %dma_start3A_198] : memref<8x96xi32, #tpu.memory_space<vmem>> -> memref<1x96xi32, #tpu.memory_space<vmem>>
      %dma_start3A_200 = tpu.memref_squeeze %dma_start3A_199 : memref<1x96xi32, #tpu.memory_space<vmem>> -> memref<96xi32, #tpu.memory_space<vmem>>
      %dma_start3A_201 = arith.constant 0 : i32
      %dma_start3A_202 = arith.constant 0 : i32
      %dma_start3A_203 = tpu.memref_slice %arg10[%dma_start3A_201, %dma_start3A_202] : memref<10240x128xf32, #tpu.memory_space<vmem_shared>> -> memref<10240x128xf32, #tpu.memory_space<vmem_shared>>
      tpu.enqueue_indirect_dma source(%dma_start3A_197 : memref<96x128xf32, #tpu.memory_space<vmem>>) target(%dma_start3A_203 : memref<10240x128xf32, #tpu.memory_space<vmem_shared>>) offsets(%dma_start3A_200 : memref<96xi32, #tpu.memory_space<vmem>>) semaphore(%arg13 : memref<!tpu.dma_semaphore, #tpu.memory_space<semaphore_mem>>) {add = true}
    }
    %scan3A_144 = arith.constant 106 : i32
    %dma_wait3A_145 = arith.constant 0 : i32
    %dma_wait3A_146 = arith.constant 0 : i32
    %dma_wait3A_147 = arith.constant 0 : i32
    %dma_wait3A_148 = arith.constant 0 : i32
    %dma_wait3A_149 = tpu.memref_slice %arg9[%dma_wait3A_145, %dma_wait3A_147, %dma_wait3A_148] : memref<3x96x128xf32, #tpu.memory_space<vmem>> -> memref<1x96x128xf32, #tpu.memory_space<vmem>>
    %dma_wait3A_150 = tpu.memref_squeeze %dma_wait3A_149 : memref<1x96x128xf32, #tpu.memory_space<vmem>> -> memref<96x128xf32, #tpu.memory_space<vmem>>
    %dma_wait3A_151 = arith.constant 0 : i32
    %dma_wait3A_152 = tpu.memref_slice %arg8[%dma_wait3A_146, %dma_wait3A_151] : memref<8x96xi32, #tpu.memory_space<vmem>> -> memref<1x96xi32, #tpu.memory_space<vmem>>
    %dma_wait3A_153 = tpu.memref_squeeze %dma_wait3A_152 : memref<1x96xi32, #tpu.memory_space<vmem>> -> memref<96xi32, #tpu.memory_space<vmem>>
    %dma_wait3A_154 = arith.constant 0 : i32
    %dma_wait3A_155 = arith.constant 0 : i32
    %dma_wait3A_156 = tpu.memref_slice %arg10[%dma_wait3A_154, %dma_wait3A_155] : memref<10240x128xf32, #tpu.memory_space<vmem_shared>> -> memref<10240x128xf32, #tpu.memory_space<vmem_shared>>
    tpu.wait_indirect_dma semaphore(%arg13 : memref<!tpu.dma_semaphore, #tpu.memory_space<semaphore_mem>>) src(%dma_wait3A_150 : memref<96x128xf32, #tpu.memory_space<vmem>>) dst(%dma_wait3A_156 : memref<10240x128xf32, #tpu.memory_space<vmem_shared>>)
    %barrier3A_157 = arith.constant 0 : index
    tpu.barrier barrier_id(%barrier3A_157)
    "tpu.region"() ({
      %run_scoped3A_158 = tpu.sem_alloc : memref<!tpu.dma_semaphore, #tpu.memory_space<semaphore_mem>>
      %dma_start3A_159 = arith.constant 0 : i32
      %dma_start3A_160 = tpu.memref_slice %arg6[%arg0, %mul3A_2, %dma_start3A_159] : memref<2x10240x128xf32, #tpu.memory_space<hbm>> -> memref<1x640x128xf32, #tpu.memory_space<hbm>>
      %dma_start3A_161 = tpu.memref_squeeze %dma_start3A_160 : memref<1x640x128xf32, #tpu.memory_space<hbm>> -> memref<640x128xf32, #tpu.memory_space<hbm>>
      %dma_start3A_162 = arith.constant 0 : i32
      %dma_start3A_163 = tpu.memref_slice %arg10[%mul3A_2, %dma_start3A_162] : memref<10240x128xf32, #tpu.memory_space<vmem_shared>> -> memref<640x128xf32, #tpu.memory_space<vmem_shared>>
      tpu.enqueue_dma source(%dma_start3A_163 : memref<640x128xf32, #tpu.memory_space<vmem_shared>>) target(%dma_start3A_161 : memref<640x128xf32, #tpu.memory_space<hbm>>) target_semaphore(%run_scoped3A_158 : memref<!tpu.dma_semaphore, #tpu.memory_space<semaphore_mem>>)
      %dma_wait3A_164 = arith.constant 0 : i32
      %dma_wait3A_165 = tpu.memref_slice %arg6[%arg0, %mul3A_2, %dma_wait3A_164] : memref<2x10240x128xf32, #tpu.memory_space<hbm>> -> memref<1x640x128xf32, #tpu.memory_space<hbm>>
      %dma_wait3A_166 = tpu.memref_squeeze %dma_wait3A_165 : memref<1x640x128xf32, #tpu.memory_space<hbm>> -> memref<640x128xf32, #tpu.memory_space<hbm>>
      %dma_wait3A_167 = arith.constant 0 : i32
      %dma_wait3A_168 = tpu.memref_slice %arg10[%mul3A_2, %dma_wait3A_167] : memref<10240x128xf32, #tpu.memory_space<vmem_shared>> -> memref<640x128xf32, #tpu.memory_space<vmem_shared>>
      tpu.wait_dma2 semaphore(%run_scoped3A_158 : memref<!tpu.dma_semaphore, #tpu.memory_space<semaphore_mem>>) src(%dma_wait3A_168 : memref<640x128xf32, #tpu.memory_space<vmem_shared>>) dst(%dma_wait3A_166 : memref<640x128xf32, #tpu.memory_space<hbm>>)
      tpu.yield
    }) : () -> ()
    return
  }
}

#map = affine_map<(d0, d1) -> (0, 0)>
#map1 = affine_map<(d0, d1) -> (0, 0, 0)>
module attributes {stable_mosaic.version = 14 : i64} {
  func.func @spmm(%arg0: i32, %arg1: i32, %arg2: memref<10240x128xf32, #tpu.memory_space<hbm>>, %arg3: memref<32x106x96xi32, #tpu.memory_space<hbm>>, %arg4: memref<32x106x96xi32, #tpu.memory_space<hbm>>, %arg5: memref<10240x128xf32, #tpu.memory_space<hbm>>, %arg6: memref<2x10240x128xf32, #tpu.memory_space<hbm>>, %arg7: memref<8x96xi32, #tpu.memory_space<vmem>>, %arg8: memref<8x96xi32, #tpu.memory_space<vmem>>, %arg9: memref<3x96x128xf32, #tpu.memory_space<vmem>>, %arg10: memref<10240x128xf32, #tpu.memory_space<vmem_shared>>, %arg11: memref<!tpu.dma_semaphore, #tpu.memory_space<semaphore_mem>>, %arg12: memref<!tpu.dma_semaphore, #tpu.memory_space<semaphore_mem>>, %arg13: memref<!tpu.dma_semaphore, #tpu.memory_space<semaphore_mem>>) attributes {dimension_semantics = [#tpu.dimension_semantics<core_parallel>, #tpu.dimension_semantics<subcore_parallel>], iteration_bounds = array<i64: 2, 16>, scalar_prefetch = 0 : i64, scratch_operands = 7 : i64, tpu.core_type = #tpu.core_type<sc_vector_subcore>, window_params = [{transform_indices = #map}, {transform_indices = #map1}, {transform_indices = #map1}, {transform_indices = #map}, {transform_indices = #map1}]} {
    %mul3A = arith.constant 2 : i32
    %mul3A_0 = arith.muli %arg1, %mul3A : i32
    %add3A = arith.addi %mul3A_0, %arg0 : i32
    %mul3A_1 = arith.constant 640 : i32
    %mul3A_2 = arith.muli %arg1, %mul3A_1 : i32
    %run_scoped3A = arith.constant 0 : i32
    %run_scoped3A_3 = arith.constant 0 : i32
    "tpu.region"() ({
      %run_scoped3A_158 = tpu.sem_alloc : memref<!tpu.dma_semaphore, #tpu.memory_space<semaphore_mem>>
      %dma_start3A_159 = arith.constant 0 : i32
      %dma_start3A_160 = tpu.memref_slice %arg7[%run_scoped3A_3, %dma_start3A_159] : memref<8x96xi32, #tpu.memory_space<vmem>> -> memref<1x96xi32, #tpu.memory_space<vmem>>
      %dma_start3A_161 = tpu.memref_squeeze %dma_start3A_160 : memref<1x96xi32, #tpu.memory_space<vmem>> -> memref<96xi32, #tpu.memory_space<vmem>>
      %dma_start3A_162 = arith.constant 0 : i32
      %dma_start3A_163 = tpu.memref_slice %arg3[%add3A, %run_scoped3A, %dma_start3A_162] : memref<32x106x96xi32, #tpu.memory_space<hbm>> -> memref<1x1x96xi32, #tpu.memory_space<hbm>>
      %dma_start3A_164 = tpu.memref_squeeze %dma_start3A_163 : memref<1x1x96xi32, #tpu.memory_space<hbm>> -> memref<96xi32, #tpu.memory_space<hbm>>
      %dma_start3A_165 = arith.constant 0 : i32
      %dma_start3A_166 = tpu.memref_slice %arg7[%run_scoped3A_3, %dma_start3A_165] : memref<8x96xi32, #tpu.memory_space<vmem>> -> memref<1x96xi32, #tpu.memory_space<vmem>>
      %dma_start3A_167 = tpu.memref_squeeze %dma_start3A_166 : memref<1x96xi32, #tpu.memory_space<vmem>> -> memref<96xi32, #tpu.memory_space<vmem>>
      %dma_start3A_168 = arith.constant 0 : i32
      %dma_start3A_169 = tpu.memref_slice %arg3[%add3A, %run_scoped3A, %dma_start3A_168] : memref<32x106x96xi32, #tpu.memory_space<hbm>> -> memref<1x1x96xi32, #tpu.memory_space<hbm>>
      %dma_start3A_170 = tpu.memref_squeeze %dma_start3A_169 : memref<1x1x96xi32, #tpu.memory_space<hbm>> -> memref<96xi32, #tpu.memory_space<hbm>>
      tpu.enqueue_dma source(%dma_start3A_170 : memref<96xi32, #tpu.memory_space<hbm>>) target(%dma_start3A_167 : memref<96xi32, #tpu.memory_space<vmem>>) target_semaphore(%run_scoped3A_158 : memref<!tpu.dma_semaphore, #tpu.memory_space<semaphore_mem>>)
      %dma_wait3A_171 = arith.constant 0 : i32
      %dma_wait3A_172 = tpu.memref_slice %arg7[%run_scoped3A_3, %dma_wait3A_171] : memref<8x96xi32, #tpu.memory_space<vmem>> -> memref<1x96xi32, #tpu.memory_space<vmem>>
      %dma_wait3A_173 = tpu.memref_squeeze %dma_wait3A_172 : memref<1x96xi32, #tpu.memory_space<vmem>> -> memref<96xi32, #tpu.memory_space<vmem>>
      %dma_wait3A_174 = arith.constant 0 : i32
      %dma_wait3A_175 = tpu.memref_slice %arg3[%add3A, %run_scoped3A, %dma_wait3A_174] : memref<32x106x96xi32, #tpu.memory_space<hbm>> -> memref<1x1x96xi32, #tpu.memory_space<hbm>>
      %dma_wait3A_176 = tpu.memref_squeeze %dma_wait3A_175 : memref<1x1x96xi32, #tpu.memory_space<hbm>> -> memref<96xi32, #tpu.memory_space<hbm>>
      %dma_wait3A_177 = arith.constant 0 : i32
      %dma_wait3A_178 = tpu.memref_slice %arg7[%run_scoped3A_3, %dma_wait3A_177] : memref<8x96xi32, #tpu.memory_space<vmem>> -> memref<1x96xi32, #tpu.memory_space<vmem>>
      %dma_wait3A_179 = tpu.memref_squeeze %dma_wait3A_178 : memref<1x96xi32, #tpu.memory_space<vmem>> -> memref<96xi32, #tpu.memory_space<vmem>>
      %dma_wait3A_180 = arith.constant 0 : i32
      %dma_wait3A_181 = tpu.memref_slice %arg3[%add3A, %run_scoped3A, %dma_wait3A_180] : memref<32x106x96xi32, #tpu.memory_space<hbm>> -> memref<1x1x96xi32, #tpu.memory_space<hbm>>
      %dma_wait3A_182 = tpu.memref_squeeze %dma_wait3A_181 : memref<1x1x96xi32, #tpu.memory_space<hbm>> -> memref<96xi32, #tpu.memory_space<hbm>>
      tpu.wait_dma2 semaphore(%run_scoped3A_158 : memref<!tpu.dma_semaphore, #tpu.memory_space<semaphore_mem>>) src(%dma_wait3A_182 : memref<96xi32, #tpu.memory_space<hbm>>) dst(%dma_wait3A_179 : memref<96xi32, #tpu.memory_space<vmem>>)
      tpu.yield
    }) : () -> ()
    %run_scoped3A_4 = arith.constant 0 : i32
    %run_scoped3A_5 = arith.constant 0 : i32
    "tpu.region"() ({
      %run_scoped3A_158 = tpu.sem_alloc : memref<!tpu.dma_semaphore, #tpu.memory_space<semaphore_mem>>
      %dma_start3A_159 = arith.constant 0 : i32
      %dma_start3A_160 = tpu.memref_slice %arg8[%run_scoped3A_5, %dma_start3A_159] : memref<8x96xi32, #tpu.memory_space<vmem>> -> memref<1x96xi32, #tpu.memory_space<vmem>>
      %dma_start3A_161 = tpu.memref_squeeze %dma_start3A_160 : memref<1x96xi32, #tpu.memory_space<vmem>> -> memref<96xi32, #tpu.memory_space<vmem>>
      %dma_start3A_162 = arith.constant 0 : i32
      %dma_start3A_163 = tpu.memref_slice %arg4[%add3A, %run_scoped3A_4, %dma_start3A_162] : memref<32x106x96xi32, #tpu.memory_space<hbm>> -> memref<1x1x96xi32, #tpu.memory_space<hbm>>
      %dma_start3A_164 = tpu.memref_squeeze %dma_start3A_163 : memref<1x1x96xi32, #tpu.memory_space<hbm>> -> memref<96xi32, #tpu.memory_space<hbm>>
      %dma_start3A_165 = arith.constant 0 : i32
      %dma_start3A_166 = tpu.memref_slice %arg8[%run_scoped3A_5, %dma_start3A_165] : memref<8x96xi32, #tpu.memory_space<vmem>> -> memref<1x96xi32, #tpu.memory_space<vmem>>
      %dma_start3A_167 = tpu.memref_squeeze %dma_start3A_166 : memref<1x96xi32, #tpu.memory_space<vmem>> -> memref<96xi32, #tpu.memory_space<vmem>>
      %dma_start3A_168 = arith.constant 0 : i32
      %dma_start3A_169 = tpu.memref_slice %arg4[%add3A, %run_scoped3A_4, %dma_start3A_168] : memref<32x106x96xi32, #tpu.memory_space<hbm>> -> memref<1x1x96xi32, #tpu.memory_space<hbm>>
      %dma_start3A_170 = tpu.memref_squeeze %dma_start3A_169 : memref<1x1x96xi32, #tpu.memory_space<hbm>> -> memref<96xi32, #tpu.memory_space<hbm>>
      tpu.enqueue_dma source(%dma_start3A_170 : memref<96xi32, #tpu.memory_space<hbm>>) target(%dma_start3A_167 : memref<96xi32, #tpu.memory_space<vmem>>) target_semaphore(%run_scoped3A_158 : memref<!tpu.dma_semaphore, #tpu.memory_space<semaphore_mem>>)
      %dma_wait3A_171 = arith.constant 0 : i32
      %dma_wait3A_172 = tpu.memref_slice %arg8[%run_scoped3A_5, %dma_wait3A_171] : memref<8x96xi32, #tpu.memory_space<vmem>> -> memref<1x96xi32, #tpu.memory_space<vmem>>
      %dma_wait3A_173 = tpu.memref_squeeze %dma_wait3A_172 : memref<1x96xi32, #tpu.memory_space<vmem>> -> memref<96xi32, #tpu.memory_space<vmem>>
      %dma_wait3A_174 = arith.constant 0 : i32
      %dma_wait3A_175 = tpu.memref_slice %arg4[%add3A, %run_scoped3A_4, %dma_wait3A_174] : memref<32x106x96xi32, #tpu.memory_space<hbm>> -> memref<1x1x96xi32, #tpu.memory_space<hbm>>
      %dma_wait3A_176 = tpu.memref_squeeze %dma_wait3A_175 : memref<1x1x96xi32, #tpu.memory_space<hbm>> -> memref<96xi32, #tpu.memory_space<hbm>>
      %dma_wait3A_177 = arith.constant 0 : i32
      %dma_wait3A_178 = tpu.memref_slice %arg8[%run_scoped3A_5, %dma_wait3A_177] : memref<8x96xi32, #tpu.memory_space<vmem>> -> memref<1x96xi32, #tpu.memory_space<vmem>>
      %dma_wait3A_179 = tpu.memref_squeeze %dma_wait3A_178 : memref<1x96xi32, #tpu.memory_space<vmem>> -> memref<96xi32, #tpu.memory_space<vmem>>
      %dma_wait3A_180 = arith.constant 0 : i32
      %dma_wait3A_181 = tpu.memref_slice %arg4[%add3A, %run_scoped3A_4, %dma_wait3A_180] : memref<32x106x96xi32, #tpu.memory_space<hbm>> -> memref<1x1x96xi32, #tpu.memory_space<hbm>>
      %dma_wait3A_182 = tpu.memref_squeeze %dma_wait3A_181 : memref<1x1x96xi32, #tpu.memory_space<hbm>> -> memref<96xi32, #tpu.memory_space<hbm>>
      tpu.wait_dma2 semaphore(%run_scoped3A_158 : memref<!tpu.dma_semaphore, #tpu.memory_space<semaphore_mem>>) src(%dma_wait3A_182 : memref<96xi32, #tpu.memory_space<hbm>>) dst(%dma_wait3A_179 : memref<96xi32, #tpu.memory_space<vmem>>)
      tpu.yield
    }) : () -> ()
    %dma_start3A = arith.constant 1 : i32
    %dma_start3A_6 = arith.constant 1 : i32
    %dma_start3A_7 = arith.constant 0 : i32
    %dma_start3A_8 = tpu.memref_slice %arg7[%dma_start3A_6, %dma_start3A_7] : memref<8x96xi32, #tpu.memory_space<vmem>> -> memref<1x96xi32, #tpu.memory_space<vmem>>
    %dma_start3A_9 = tpu.memref_squeeze %dma_start3A_8 : memref<1x96xi32, #tpu.memory_space<vmem>> -> memref<96xi32, #tpu.memory_space<vmem>>
    %dma_start3A_10 = arith.constant 0 : i32
    %dma_start3A_11 = tpu.memref_slice %arg3[%add3A, %dma_start3A, %dma_start3A_10] : memref<32x106x96xi32, #tpu.memory_space<hbm>> -> memref<1x1x96xi32, #tpu.memory_space<hbm>>
    %dma_start3A_12 = tpu.memref_squeeze %dma_start3A_11 : memref<1x1x96xi32, #tpu.memory_space<hbm>> -> memref<96xi32, #tpu.memory_space<hbm>>
    %dma_start3A_13 = arith.constant 0 : i32
    %dma_start3A_14 = tpu.memref_slice %arg7[%dma_start3A_6, %dma_start3A_13] : memref<8x96xi32, #tpu.memory_space<vmem>> -> memref<1x96xi32, #tpu.memory_space<vmem>>
    %dma_start3A_15 = tpu.memref_squeeze %dma_start3A_14 : memref<1x96xi32, #tpu.memory_space<vmem>> -> memref<96xi32, #tpu.memory_space<vmem>>
    %dma_start3A_16 = arith.constant 0 : i32
    %dma_start3A_17 = tpu.memref_slice %arg3[%add3A, %dma_start3A, %dma_start3A_16] : memref<32x106x96xi32, #tpu.memory_space<hbm>> -> memref<1x1x96xi32, #tpu.memory_space<hbm>>
    %dma_start3A_18 = tpu.memref_squeeze %dma_start3A_17 : memref<1x1x96xi32, #tpu.memory_space<hbm>> -> memref<96xi32, #tpu.memory_space<hbm>>
    tpu.enqueue_dma source(%dma_start3A_18 : memref<96xi32, #tpu.memory_space<hbm>>) target(%dma_start3A_15 : memref<96xi32, #tpu.memory_space<vmem>>) target_semaphore(%arg11 : memref<!tpu.dma_semaphore, #tpu.memory_space<semaphore_mem>>)
    %dma_start3A_19 = arith.constant 1 : i32
    %dma_start3A_20 = arith.constant 1 : i32
    %dma_start3A_21 = arith.constant 0 : i32
    %dma_start3A_22 = tpu.memref_slice %arg8[%dma_start3A_20, %dma_start3A_21] : memref<8x96xi32, #tpu.memory_space<vmem>> -> memref<1x96xi32, #tpu.memory_space<vmem>>
    %dma_start3A_23 = tpu.memref_squeeze %dma_start3A_22 : memref<1x96xi32, #tpu.memory_space<vmem>> -> memref<96xi32, #tpu.memory_space<vmem>>
    %dma_start3A_24 = arith.constant 0 : i32
    %dma_start3A_25 = tpu.memref_slice %arg4[%add3A, %dma_start3A_19, %dma_start3A_24] : memref<32x106x96xi32, #tpu.memory_space<hbm>> -> memref<1x1x96xi32, #tpu.memory_space<hbm>>
    %dma_start3A_26 = tpu.memref_squeeze %dma_start3A_25 : memref<1x1x96xi32, #tpu.memory_space<hbm>> -> memref<96xi32, #tpu.memory_space<hbm>>
    %dma_start3A_27 = arith.constant 0 : i32
    %dma_start3A_28 = tpu.memref_slice %arg8[%dma_start3A_20, %dma_start3A_27] : memref<8x96xi32, #tpu.memory_space<vmem>> -> memref<1x96xi32, #tpu.memory_space<vmem>>
    %dma_start3A_29 = tpu.memref_squeeze %dma_start3A_28 : memref<1x96xi32, #tpu.memory_space<vmem>> -> memref<96xi32, #tpu.memory_space<vmem>>
    %dma_start3A_30 = arith.constant 0 : i32
    %dma_start3A_31 = tpu.memref_slice %arg4[%add3A, %dma_start3A_19, %dma_start3A_30] : memref<32x106x96xi32, #tpu.memory_space<hbm>> -> memref<1x1x96xi32, #tpu.memory_space<hbm>>
    %dma_start3A_32 = tpu.memref_squeeze %dma_start3A_31 : memref<1x1x96xi32, #tpu.memory_space<hbm>> -> memref<96xi32, #tpu.memory_space<hbm>>
    tpu.enqueue_dma source(%dma_start3A_32 : memref<96xi32, #tpu.memory_space<hbm>>) target(%dma_start3A_29 : memref<96xi32, #tpu.memory_space<vmem>>) target_semaphore(%arg11 : memref<!tpu.dma_semaphore, #tpu.memory_space<semaphore_mem>>)
    %dma_start3A_33 = arith.constant 2 : i32
    %dma_start3A_34 = arith.constant 2 : i32
    %dma_start3A_35 = arith.constant 0 : i32
    %dma_start3A_36 = tpu.memref_slice %arg7[%dma_start3A_34, %dma_start3A_35] : memref<8x96xi32, #tpu.memory_space<vmem>> -> memref<1x96xi32, #tpu.memory_space<vmem>>
    %dma_start3A_37 = tpu.memref_squeeze %dma_start3A_36 : memref<1x96xi32, #tpu.memory_space<vmem>> -> memref<96xi32, #tpu.memory_space<vmem>>
    %dma_start3A_38 = arith.constant 0 : i32
    %dma_start3A_39 = tpu.memref_slice %arg3[%add3A, %dma_start3A_33, %dma_start3A_38] : memref<32x106x96xi32, #tpu.memory_space<hbm>> -> memref<1x1x96xi32, #tpu.memory_space<hbm>>
    %dma_start3A_40 = tpu.memref_squeeze %dma_start3A_39 : memref<1x1x96xi32, #tpu.memory_space<hbm>> -> memref<96xi32, #tpu.memory_space<hbm>>
    %dma_start3A_41 = arith.constant 0 : i32
    %dma_start3A_42 = tpu.memref_slice %arg7[%dma_start3A_34, %dma_start3A_41] : memref<8x96xi32, #tpu.memory_space<vmem>> -> memref<1x96xi32, #tpu.memory_space<vmem>>
    %dma_start3A_43 = tpu.memref_squeeze %dma_start3A_42 : memref<1x96xi32, #tpu.memory_space<vmem>> -> memref<96xi32, #tpu.memory_space<vmem>>
    %dma_start3A_44 = arith.constant 0 : i32
    %dma_start3A_45 = tpu.memref_slice %arg3[%add3A, %dma_start3A_33, %dma_start3A_44] : memref<32x106x96xi32, #tpu.memory_space<hbm>> -> memref<1x1x96xi32, #tpu.memory_space<hbm>>
    %dma_start3A_46 = tpu.memref_squeeze %dma_start3A_45 : memref<1x1x96xi32, #tpu.memory_space<hbm>> -> memref<96xi32, #tpu.memory_space<hbm>>
    tpu.enqueue_dma source(%dma_start3A_46 : memref<96xi32, #tpu.memory_space<hbm>>) target(%dma_start3A_43 : memref<96xi32, #tpu.memory_space<vmem>>) target_semaphore(%arg11 : memref<!tpu.dma_semaphore, #tpu.memory_space<semaphore_mem>>)
    %dma_start3A_47 = arith.constant 2 : i32
    %dma_start3A_48 = arith.constant 2 : i32
    %dma_start3A_49 = arith.constant 0 : i32
    %dma_start3A_50 = tpu.memref_slice %arg8[%dma_start3A_48, %dma_start3A_49] : memref<8x96xi32, #tpu.memory_space<vmem>> -> memref<1x96xi32, #tpu.memory_space<vmem>>
    %dma_start3A_51 = tpu.memref_squeeze %dma_start3A_50 : memref<1x96xi32, #tpu.memory_space<vmem>> -> memref<96xi32, #tpu.memory_space<vmem>>
    %dma_start3A_52 = arith.constant 0 : i32
    %dma_start3A_53 = tpu.memref_slice %arg4[%add3A, %dma_start3A_47, %dma_start3A_52] : memref<32x106x96xi32, #tpu.memory_space<hbm>> -> memref<1x1x96xi32, #tpu.memory_space<hbm>>
    %dma_start3A_54 = tpu.memref_squeeze %dma_start3A_53 : memref<1x1x96xi32, #tpu.memory_space<hbm>> -> memref<96xi32, #tpu.memory_space<hbm>>
    %dma_start3A_55 = arith.constant 0 : i32
    %dma_start3A_56 = tpu.memref_slice %arg8[%dma_start3A_48, %dma_start3A_55] : memref<8x96xi32, #tpu.memory_space<vmem>> -> memref<1x96xi32, #tpu.memory_space<vmem>>
    %dma_start3A_57 = tpu.memref_squeeze %dma_start3A_56 : memref<1x96xi32, #tpu.memory_space<vmem>> -> memref<96xi32, #tpu.memory_space<vmem>>
    %dma_start3A_58 = arith.constant 0 : i32
    %dma_start3A_59 = tpu.memref_slice %arg4[%add3A, %dma_start3A_47, %dma_start3A_58] : memref<32x106x96xi32, #tpu.memory_space<hbm>> -> memref<1x1x96xi32, #tpu.memory_space<hbm>>
    %dma_start3A_60 = tpu.memref_squeeze %dma_start3A_59 : memref<1x1x96xi32, #tpu.memory_space<hbm>> -> memref<96xi32, #tpu.memory_space<hbm>>
    tpu.enqueue_dma source(%dma_start3A_60 : memref<96xi32, #tpu.memory_space<hbm>>) target(%dma_start3A_57 : memref<96xi32, #tpu.memory_space<vmem>>) target_semaphore(%arg11 : memref<!tpu.dma_semaphore, #tpu.memory_space<semaphore_mem>>)
    %dma_start3A_61 = arith.constant 3 : i32
    %dma_start3A_62 = arith.constant 3 : i32
    %dma_start3A_63 = arith.constant 0 : i32
    %dma_start3A_64 = tpu.memref_slice %arg7[%dma_start3A_62, %dma_start3A_63] : memref<8x96xi32, #tpu.memory_space<vmem>> -> memref<1x96xi32, #tpu.memory_space<vmem>>
    %dma_start3A_65 = tpu.memref_squeeze %dma_start3A_64 : memref<1x96xi32, #tpu.memory_space<vmem>> -> memref<96xi32, #tpu.memory_space<vmem>>
    %dma_start3A_66 = arith.constant 0 : i32
    %dma_start3A_67 = tpu.memref_slice %arg3[%add3A, %dma_start3A_61, %dma_start3A_66] : memref<32x106x96xi32, #tpu.memory_space<hbm>> -> memref<1x1x96xi32, #tpu.memory_space<hbm>>
    %dma_start3A_68 = tpu.memref_squeeze %dma_start3A_67 : memref<1x1x96xi32, #tpu.memory_space<hbm>> -> memref<96xi32, #tpu.memory_space<hbm>>
    %dma_start3A_69 = arith.constant 0 : i32
    %dma_start3A_70 = tpu.memref_slice %arg7[%dma_start3A_62, %dma_start3A_69] : memref<8x96xi32, #tpu.memory_space<vmem>> -> memref<1x96xi32, #tpu.memory_space<vmem>>
    %dma_start3A_71 = tpu.memref_squeeze %dma_start3A_70 : memref<1x96xi32, #tpu.memory_space<vmem>> -> memref<96xi32, #tpu.memory_space<vmem>>
    %dma_start3A_72 = arith.constant 0 : i32
    %dma_start3A_73 = tpu.memref_slice %arg3[%add3A, %dma_start3A_61, %dma_start3A_72] : memref<32x106x96xi32, #tpu.memory_space<hbm>> -> memref<1x1x96xi32, #tpu.memory_space<hbm>>
    %dma_start3A_74 = tpu.memref_squeeze %dma_start3A_73 : memref<1x1x96xi32, #tpu.memory_space<hbm>> -> memref<96xi32, #tpu.memory_space<hbm>>
    tpu.enqueue_dma source(%dma_start3A_74 : memref<96xi32, #tpu.memory_space<hbm>>) target(%dma_start3A_71 : memref<96xi32, #tpu.memory_space<vmem>>) target_semaphore(%arg11 : memref<!tpu.dma_semaphore, #tpu.memory_space<semaphore_mem>>)
    %dma_start3A_75 = arith.constant 3 : i32
    %dma_start3A_76 = arith.constant 3 : i32
    %dma_start3A_77 = arith.constant 0 : i32
    %dma_start3A_78 = tpu.memref_slice %arg8[%dma_start3A_76, %dma_start3A_77] : memref<8x96xi32, #tpu.memory_space<vmem>> -> memref<1x96xi32, #tpu.memory_space<vmem>>
    %dma_start3A_79 = tpu.memref_squeeze %dma_start3A_78 : memref<1x96xi32, #tpu.memory_space<vmem>> -> memref<96xi32, #tpu.memory_space<vmem>>
    %dma_start3A_80 = arith.constant 0 : i32
    %dma_start3A_81 = tpu.memref_slice %arg4[%add3A, %dma_start3A_75, %dma_start3A_80] : memref<32x106x96xi32, #tpu.memory_space<hbm>> -> memref<1x1x96xi32, #tpu.memory_space<hbm>>
    %dma_start3A_82 = tpu.memref_squeeze %dma_start3A_81 : memref<1x1x96xi32, #tpu.memory_space<hbm>> -> memref<96xi32, #tpu.memory_space<hbm>>
    %dma_start3A_83 = arith.constant 0 : i32
    %dma_start3A_84 = tpu.memref_slice %arg8[%dma_start3A_76, %dma_start3A_83] : memref<8x96xi32, #tpu.memory_space<vmem>> -> memref<1x96xi32, #tpu.memory_space<vmem>>
    %dma_start3A_85 = tpu.memref_squeeze %dma_start3A_84 : memref<1x96xi32, #tpu.memory_space<vmem>> -> memref<96xi32, #tpu.memory_space<vmem>>
    %dma_start3A_86 = arith.constant 0 : i32
    %dma_start3A_87 = tpu.memref_slice %arg4[%add3A, %dma_start3A_75, %dma_start3A_86] : memref<32x106x96xi32, #tpu.memory_space<hbm>> -> memref<1x1x96xi32, #tpu.memory_space<hbm>>
    %dma_start3A_88 = tpu.memref_squeeze %dma_start3A_87 : memref<1x1x96xi32, #tpu.memory_space<hbm>> -> memref<96xi32, #tpu.memory_space<hbm>>
    tpu.enqueue_dma source(%dma_start3A_88 : memref<96xi32, #tpu.memory_space<hbm>>) target(%dma_start3A_85 : memref<96xi32, #tpu.memory_space<vmem>>) target_semaphore(%arg11 : memref<!tpu.dma_semaphore, #tpu.memory_space<semaphore_mem>>)
    %dma_start3A_89 = arith.constant 0 : i32
    %dma_start3A_90 = arith.constant 0 : i32
    %dma_start3A_91 = arith.constant 0 : i32
    %dma_start3A_92 = arith.constant 0 : i32
    %dma_start3A_93 = tpu.memref_slice %arg9[%dma_start3A_90, %dma_start3A_91, %dma_start3A_92] : memref<3x96x128xf32, #tpu.memory_space<vmem>> -> memref<1x96x128xf32, #tpu.memory_space<vmem>>
    %dma_start3A_94 = tpu.memref_squeeze %dma_start3A_93 : memref<1x96x128xf32, #tpu.memory_space<vmem>> -> memref<96x128xf32, #tpu.memory_space<vmem>>
    %dma_start3A_95 = arith.constant 0 : i32
    %dma_start3A_96 = tpu.memref_slice %arg7[%dma_start3A_89, %dma_start3A_95] : memref<8x96xi32, #tpu.memory_space<vmem>> -> memref<1x96xi32, #tpu.memory_space<vmem>>
    %dma_start3A_97 = tpu.memref_squeeze %dma_start3A_96 : memref<1x96xi32, #tpu.memory_space<vmem>> -> memref<96xi32, #tpu.memory_space<vmem>>
    %dma_start3A_98 = arith.constant 0 : i32
    %dma_start3A_99 = arith.constant 0 : i32
    %dma_start3A_100 = tpu.memref_slice %arg2[%dma_start3A_98, %dma_start3A_99] : memref<10240x128xf32, #tpu.memory_space<hbm>> -> memref<10240x128xf32, #tpu.memory_space<hbm>>
    tpu.enqueue_indirect_dma source(%dma_start3A_100 : memref<10240x128xf32, #tpu.memory_space<hbm>>) target(%dma_start3A_94 : memref<96x128xf32, #tpu.memory_space<vmem>>) offsets(%dma_start3A_97 : memref<96xi32, #tpu.memory_space<vmem>>) semaphore(%arg12 : memref<!tpu.dma_semaphore, #tpu.memory_space<semaphore_mem>>)
    %dma_wait3A = arith.constant 0 : i32
    %dma_wait3A_101 = arith.constant 1 : i32
    %dma_wait3A_102 = arith.constant 0 : i32
    %dma_wait3A_103 = tpu.memref_slice %arg7[%dma_wait3A_101, %dma_wait3A_102] : memref<8x96xi32, #tpu.memory_space<vmem>> -> memref<1x96xi32, #tpu.memory_space<vmem>>
    %dma_wait3A_104 = tpu.memref_squeeze %dma_wait3A_103 : memref<1x96xi32, #tpu.memory_space<vmem>> -> memref<96xi32, #tpu.memory_space<vmem>>
    %dma_wait3A_105 = arith.constant 0 : i32
    %dma_wait3A_106 = tpu.memref_slice %arg3[%add3A, %dma_wait3A, %dma_wait3A_105] : memref<32x106x96xi32, #tpu.memory_space<hbm>> -> memref<1x1x96xi32, #tpu.memory_space<hbm>>
    %dma_wait3A_107 = tpu.memref_squeeze %dma_wait3A_106 : memref<1x1x96xi32, #tpu.memory_space<hbm>> -> memref<96xi32, #tpu.memory_space<hbm>>
    %dma_wait3A_108 = arith.constant 0 : i32
    %dma_wait3A_109 = tpu.memref_slice %arg7[%dma_wait3A_101, %dma_wait3A_108] : memref<8x96xi32, #tpu.memory_space<vmem>> -> memref<1x96xi32, #tpu.memory_space<vmem>>
    %dma_wait3A_110 = tpu.memref_squeeze %dma_wait3A_109 : memref<1x96xi32, #tpu.memory_space<vmem>> -> memref<96xi32, #tpu.memory_space<vmem>>
    %dma_wait3A_111 = arith.constant 0 : i32
    %dma_wait3A_112 = tpu.memref_slice %arg3[%add3A, %dma_wait3A, %dma_wait3A_111] : memref<32x106x96xi32, #tpu.memory_space<hbm>> -> memref<1x1x96xi32, #tpu.memory_space<hbm>>
    %dma_wait3A_113 = tpu.memref_squeeze %dma_wait3A_112 : memref<1x1x96xi32, #tpu.memory_space<hbm>> -> memref<96xi32, #tpu.memory_space<hbm>>
    tpu.wait_dma2 semaphore(%arg11 : memref<!tpu.dma_semaphore, #tpu.memory_space<semaphore_mem>>) src(%dma_wait3A_113 : memref<96xi32, #tpu.memory_space<hbm>>) dst(%dma_wait3A_110 : memref<96xi32, #tpu.memory_space<vmem>>)
    %dma_wait3A_114 = arith.constant 0 : i32
    %dma_wait3A_115 = arith.constant 1 : i32
    %dma_wait3A_116 = arith.constant 0 : i32
    %dma_wait3A_117 = tpu.memref_slice %arg8[%dma_wait3A_115, %dma_wait3A_116] : memref<8x96xi32, #tpu.memory_space<vmem>> -> memref<1x96xi32, #tpu.memory_space<vmem>>
    %dma_wait3A_118 = tpu.memref_squeeze %dma_wait3A_117 : memref<1x96xi32, #tpu.memory_space<vmem>> -> memref<96xi32, #tpu.memory_space<vmem>>
    %dma_wait3A_119 = arith.constant 0 : i32
    %dma_wait3A_120 = tpu.memref_slice %arg4[%add3A, %dma_wait3A_114, %dma_wait3A_119] : memref<32x106x96xi32, #tpu.memory_space<hbm>> -> memref<1x1x96xi32, #tpu.memory_space<hbm>>
    %dma_wait3A_121 = tpu.memref_squeeze %dma_wait3A_120 : memref<1x1x96xi32, #tpu.memory_space<hbm>> -> memref<96xi32, #tpu.memory_space<hbm>>
    %dma_wait3A_122 = arith.constant 0 : i32
    %dma_wait3A_123 = tpu.memref_slice %arg8[%dma_wait3A_115, %dma_wait3A_122] : memref<8x96xi32, #tpu.memory_space<vmem>> -> memref<1x96xi32, #tpu.memory_space<vmem>>
    %dma_wait3A_124 = tpu.memref_squeeze %dma_wait3A_123 : memref<1x96xi32, #tpu.memory_space<vmem>> -> memref<96xi32, #tpu.memory_space<vmem>>
    %dma_wait3A_125 = arith.constant 0 : i32
    %dma_wait3A_126 = tpu.memref_slice %arg4[%add3A, %dma_wait3A_114, %dma_wait3A_125] : memref<32x106x96xi32, #tpu.memory_space<hbm>> -> memref<1x1x96xi32, #tpu.memory_space<hbm>>
    %dma_wait3A_127 = tpu.memref_squeeze %dma_wait3A_126 : memref<1x1x96xi32, #tpu.memory_space<hbm>> -> memref<96xi32, #tpu.memory_space<hbm>>
    tpu.wait_dma2 semaphore(%arg11 : memref<!tpu.dma_semaphore, #tpu.memory_space<semaphore_mem>>) src(%dma_wait3A_127 : memref<96xi32, #tpu.memory_space<hbm>>) dst(%dma_wait3A_124 : memref<96xi32, #tpu.memory_space<vmem>>)
    %dma_start3A_128 = arith.constant 1 : i32
    %dma_start3A_129 = arith.constant 1 : i32
    %dma_start3A_130 = arith.constant 0 : i32
    %dma_start3A_131 = arith.constant 0 : i32
    %dma_start3A_132 = tpu.memref_slice %arg9[%dma_start3A_129, %dma_start3A_130, %dma_start3A_131] : memref<3x96x128xf32, #tpu.memory_space<vmem>> -> memref<1x96x128xf32, #tpu.memory_space<vmem>>
    %dma_start3A_133 = tpu.memref_squeeze %dma_start3A_132 : memref<1x96x128xf32, #tpu.memory_space<vmem>> -> memref<96x128xf32, #tpu.memory_space<vmem>>
    %dma_start3A_134 = arith.constant 0 : i32
    %dma_start3A_135 = tpu.memref_slice %arg7[%dma_start3A_128, %dma_start3A_134] : memref<8x96xi32, #tpu.memory_space<vmem>> -> memref<1x96xi32, #tpu.memory_space<vmem>>
    %dma_start3A_136 = tpu.memref_squeeze %dma_start3A_135 : memref<1x96xi32, #tpu.memory_space<vmem>> -> memref<96xi32, #tpu.memory_space<vmem>>
    %dma_start3A_137 = arith.constant 0 : i32
    %dma_start3A_138 = arith.constant 0 : i32
    %dma_start3A_139 = tpu.memref_slice %arg2[%dma_start3A_137, %dma_start3A_138] : memref<10240x128xf32, #tpu.memory_space<hbm>> -> memref<10240x128xf32, #tpu.memory_space<hbm>>
    tpu.enqueue_indirect_dma source(%dma_start3A_139 : memref<10240x128xf32, #tpu.memory_space<hbm>>) target(%dma_start3A_133 : memref<96x128xf32, #tpu.memory_space<vmem>>) offsets(%dma_start3A_136 : memref<96xi32, #tpu.memory_space<vmem>>) semaphore(%arg12 : memref<!tpu.dma_semaphore, #tpu.memory_space<semaphore_mem>>)
    "tpu.region"() ({
      %run_scoped3A_158 = tpu.sem_alloc : memref<!tpu.dma_semaphore, #tpu.memory_space<semaphore_mem>>
      %dma_start3A_159 = arith.constant 0 : i32
      %dma_start3A_160 = tpu.memref_slice %arg10[%mul3A_2, %dma_start3A_159] : memref<10240x128xf32, #tpu.memory_space<vmem_shared>> -> memref<640x128xf32, #tpu.memory_space<vmem_shared>>
      %dma_start3A_161 = arith.constant 0 : i32
      %dma_start3A_162 = tpu.memref_slice %arg5[%mul3A_2, %dma_start3A_161] : memref<10240x128xf32, #tpu.memory_space<hbm>> -> memref<640x128xf32, #tpu.memory_space<hbm>>
      tpu.enqueue_dma source(%dma_start3A_162 : memref<640x128xf32, #tpu.memory_space<hbm>>) target(%dma_start3A_160 : memref<640x128xf32, #tpu.memory_space<vmem_shared>>) target_semaphore(%run_scoped3A_158 : memref<!tpu.dma_semaphore, #tpu.memory_space<semaphore_mem>>)
      %dma_wait3A_163 = arith.constant 0 : i32
      %dma_wait3A_164 = tpu.memref_slice %arg10[%mul3A_2, %dma_wait3A_163] : memref<10240x128xf32, #tpu.memory_space<vmem_shared>> -> memref<640x128xf32, #tpu.memory_space<vmem_shared>>
      %dma_wait3A_165 = arith.constant 0 : i32
      %dma_wait3A_166 = tpu.memref_slice %arg5[%mul3A_2, %dma_wait3A_165] : memref<10240x128xf32, #tpu.memory_space<hbm>> -> memref<640x128xf32, #tpu.memory_space<hbm>>
      tpu.wait_dma2 semaphore(%run_scoped3A_158 : memref<!tpu.dma_semaphore, #tpu.memory_space<semaphore_mem>>) src(%dma_wait3A_166 : memref<640x128xf32, #tpu.memory_space<hbm>>) dst(%dma_wait3A_164 : memref<640x128xf32, #tpu.memory_space<vmem_shared>>)
      tpu.yield
    }) : () -> ()
    %barrier3A = arith.constant 0 : index
    tpu.barrier barrier_id(%barrier3A)
    %scan3A = arith.constant 0 : i32
    %scan3A_140 = arith.constant 0 : i32
    %scan3A_141 = arith.constant 106 : i32
    %scan3A_142 = arith.addi %scan3A_140, %scan3A_141 : i32
    %scan3A_143 = arith.constant 1 : i32
    scf.for %scan3A_158 = %scan3A_140 to %scan3A_142 step %scan3A_143  : i32 {
      %rem3A = arith.constant 3 : i32
      %rem3A_159 = arith.remsi %scan3A_158, %rem3A : i32
      %rem3A_160 = arith.constant 8 : i32
      %rem3A_161 = arith.remsi %scan3A_158, %rem3A_160 : i32
      %add3A_162 = arith.constant 2 : i32
      %add3A_163 = arith.addi %scan3A_158, %add3A_162 : i32
      %lt3A = arith.constant 106 : i32
      %lt3A_164 = arith.cmpi slt, %add3A_163, %lt3A : i32
      %convert_element_type3A = arith.extui %lt3A_164 : i1 to i32
      %cond3A = arith.constant 0 : i32
      %cond3A_165 = arith.cmpi ne, %convert_element_type3A, %cond3A : i32
      scf.if %cond3A_165 {
        %add3A_204 = arith.constant 2 : i32
        %add3A_205 = arith.addi %scan3A_158, %add3A_204 : i32
        %rem3A_206 = arith.constant 8 : i32
        %rem3A_207 = arith.remsi %add3A_205, %rem3A_206 : i32
        %dma_wait3A_208 = arith.constant 0 : i32
        %dma_wait3A_209 = arith.constant 0 : i32
        %dma_wait3A_210 = tpu.memref_slice %arg7[%rem3A_207, %dma_wait3A_209] : memref<8x96xi32, #tpu.memory_space<vmem>> -> memref<1x96xi32, #tpu.memory_space<vmem>>
        %dma_wait3A_211 = tpu.memref_squeeze %dma_wait3A_210 : memref<1x96xi32, #tpu.memory_space<vmem>> -> memref<96xi32, #tpu.memory_space<vmem>>
        %dma_wait3A_212 = arith.constant 0 : i32
        %dma_wait3A_213 = tpu.memref_slice %arg3[%add3A, %dma_wait3A_208, %dma_wait3A_212] : memref<32x106x96xi32, #tpu.memory_space<hbm>> -> memref<1x1x96xi32, #tpu.memory_space<hbm>>
        %dma_wait3A_214 = tpu.memref_squeeze %dma_wait3A_213 : memref<1x1x96xi32, #tpu.memory_space<hbm>> -> memref<96xi32, #tpu.memory_space<hbm>>
        %dma_wait3A_215 = arith.constant 0 : i32
        %dma_wait3A_216 = tpu.memref_slice %arg7[%rem3A_207, %dma_wait3A_215] : memref<8x96xi32, #tpu.memory_space<vmem>> -> memref<1x96xi32, #tpu.memory_space<vmem>>
        %dma_wait3A_217 = tpu.memref_squeeze %dma_wait3A_216 : memref<1x96xi32, #tpu.memory_space<vmem>> -> memref<96xi32, #tpu.memory_space<vmem>>
        %dma_wait3A_218 = arith.constant 0 : i32
        %dma_wait3A_219 = tpu.memref_slice %arg3[%add3A, %dma_wait3A_208, %dma_wait3A_218] : memref<32x106x96xi32, #tpu.memory_space<hbm>> -> memref<1x1x96xi32, #tpu.memory_space<hbm>>
        %dma_wait3A_220 = tpu.memref_squeeze %dma_wait3A_219 : memref<1x1x96xi32, #tpu.memory_space<hbm>> -> memref<96xi32, #tpu.memory_space<hbm>>
        tpu.wait_dma2 semaphore(%arg11 : memref<!tpu.dma_semaphore, #tpu.memory_space<semaphore_mem>>) src(%dma_wait3A_220 : memref<96xi32, #tpu.memory_space<hbm>>) dst(%dma_wait3A_217 : memref<96xi32, #tpu.memory_space<vmem>>)
        %dma_wait3A_221 = arith.constant 0 : i32
        %dma_wait3A_222 = arith.constant 0 : i32
        %dma_wait3A_223 = tpu.memref_slice %arg8[%rem3A_207, %dma_wait3A_222] : memref<8x96xi32, #tpu.memory_space<vmem>> -> memref<1x96xi32, #tpu.memory_space<vmem>>
        %dma_wait3A_224 = tpu.memref_squeeze %dma_wait3A_223 : memref<1x96xi32, #tpu.memory_space<vmem>> -> memref<96xi32, #tpu.memory_space<vmem>>
        %dma_wait3A_225 = arith.constant 0 : i32
        %dma_wait3A_226 = tpu.memref_slice %arg4[%add3A, %dma_wait3A_221, %dma_wait3A_225] : memref<32x106x96xi32, #tpu.memory_space<hbm>> -> memref<1x1x96xi32, #tpu.memory_space<hbm>>
        %dma_wait3A_227 = tpu.memref_squeeze %dma_wait3A_226 : memref<1x1x96xi32, #tpu.memory_space<hbm>> -> memref<96xi32, #tpu.memory_space<hbm>>
        %dma_wait3A_228 = arith.constant 0 : i32
        %dma_wait3A_229 = tpu.memref_slice %arg8[%rem3A_207, %dma_wait3A_228] : memref<8x96xi32, #tpu.memory_space<vmem>> -> memref<1x96xi32, #tpu.memory_space<vmem>>
        %dma_wait3A_230 = tpu.memref_squeeze %dma_wait3A_229 : memref<1x96xi32, #tpu.memory_space<vmem>> -> memref<96xi32, #tpu.memory_space<vmem>>
        %dma_wait3A_231 = arith.constant 0 : i32
        %dma_wait3A_232 = tpu.memref_slice %arg4[%add3A, %dma_wait3A_221, %dma_wait3A_231] : memref<32x106x96xi32, #tpu.memory_space<hbm>> -> memref<1x1x96xi32, #tpu.memory_space<hbm>>
        %dma_wait3A_233 = tpu.memref_squeeze %dma_wait3A_232 : memref<1x1x96xi32, #tpu.memory_space<hbm>> -> memref<96xi32, #tpu.memory_space<hbm>>
        tpu.wait_dma2 semaphore(%arg11 : memref<!tpu.dma_semaphore, #tpu.memory_space<semaphore_mem>>) src(%dma_wait3A_233 : memref<96xi32, #tpu.memory_space<hbm>>) dst(%dma_wait3A_230 : memref<96xi32, #tpu.memory_space<vmem>>)
      } else {
      }
      %dma_wait3A_166 = arith.constant 0 : i32
      %dma_wait3A_167 = arith.constant 0 : i32
      %dma_wait3A_168 = tpu.memref_slice %arg9[%rem3A_159, %dma_wait3A_166, %dma_wait3A_167] : memref<3x96x128xf32, #tpu.memory_space<vmem>> -> memref<1x96x128xf32, #tpu.memory_space<vmem>>
      %dma_wait3A_169 = tpu.memref_squeeze %dma_wait3A_168 : memref<1x96x128xf32, #tpu.memory_space<vmem>> -> memref<96x128xf32, #tpu.memory_space<vmem>>
      %dma_wait3A_170 = arith.constant 0 : i32
      %dma_wait3A_171 = tpu.memref_slice %arg7[%rem3A_161, %dma_wait3A_170] : memref<8x96xi32, #tpu.memory_space<vmem>> -> memref<1x96xi32, #tpu.memory_space<vmem>>
      %dma_wait3A_172 = tpu.memref_squeeze %dma_wait3A_171 : memref<1x96xi32, #tpu.memory_space<vmem>> -> memref<96xi32, #tpu.memory_space<vmem>>
      %dma_wait3A_173 = arith.constant 0 : i32
      %dma_wait3A_174 = arith.constant 0 : i32
      %dma_wait3A_175 = tpu.memref_slice %arg2[%dma_wait3A_173, %dma_wait3A_174] : memref<10240x128xf32, #tpu.memory_space<hbm>> -> memref<10240x128xf32, #tpu.memory_space<hbm>>
      tpu.wait_indirect_dma semaphore(%arg12 : memref<!tpu.dma_semaphore, #tpu.memory_space<semaphore_mem>>) src(%dma_wait3A_175 : memref<10240x128xf32, #tpu.memory_space<hbm>>) dst(%dma_wait3A_169 : memref<96x128xf32, #tpu.memory_space<vmem>>)
      %gt3A = arith.constant 0 : i32
      %gt3A_176 = arith.cmpi sgt, %scan3A_158, %gt3A : i32
      %convert_element_type3A_177 = arith.extui %gt3A_176 : i1 to i32
      %cond3A_178 = arith.constant 0 : i32
      %cond3A_179 = arith.cmpi ne, %convert_element_type3A_177, %cond3A_178 : i32
      scf.if %cond3A_179 {
        %dma_wait3A_204 = arith.constant 0 : i32
        %dma_wait3A_205 = arith.constant 0 : i32
        %dma_wait3A_206 = tpu.memref_slice %arg9[%rem3A_159, %dma_wait3A_204, %dma_wait3A_205] : memref<3x96x128xf32, #tpu.memory_space<vmem>> -> memref<1x96x128xf32, #tpu.memory_space<vmem>>
        %dma_wait3A_207 = tpu.memref_squeeze %dma_wait3A_206 : memref<1x96x128xf32, #tpu.memory_space<vmem>> -> memref<96x128xf32, #tpu.memory_space<vmem>>
        %dma_wait3A_208 = arith.constant 0 : i32
        %dma_wait3A_209 = tpu.memref_slice %arg8[%rem3A_161, %dma_wait3A_208] : memref<8x96xi32, #tpu.memory_space<vmem>> -> memref<1x96xi32, #tpu.memory_space<vmem>>
        %dma_wait3A_210 = tpu.memref_squeeze %dma_wait3A_209 : memref<1x96xi32, #tpu.memory_space<vmem>> -> memref<96xi32, #tpu.memory_space<vmem>>
        %dma_wait3A_211 = arith.constant 0 : i32
        %dma_wait3A_212 = arith.constant 0 : i32
        %dma_wait3A_213 = tpu.memref_slice %arg10[%dma_wait3A_211, %dma_wait3A_212] : memref<10240x128xf32, #tpu.memory_space<vmem_shared>> -> memref<10240x128xf32, #tpu.memory_space<vmem_shared>>
        tpu.wait_indirect_dma semaphore(%arg13 : memref<!tpu.dma_semaphore, #tpu.memory_space<semaphore_mem>>) src(%dma_wait3A_207 : memref<96x128xf32, #tpu.memory_space<vmem>>) dst(%dma_wait3A_213 : memref<10240x128xf32, #tpu.memory_space<vmem_shared>>)
      } else {
      }
      %add3A_180 = arith.constant 2 : i32
      %add3A_181 = arith.addi %scan3A_158, %add3A_180 : i32
      %lt3A_182 = arith.constant 106 : i32
      %lt3A_183 = arith.cmpi slt, %add3A_181, %lt3A_182 : i32
      %convert_element_type3A_184 = arith.extui %lt3A_183 : i1 to i32
      %cond3A_185 = arith.constant 0 : i32
      %cond3A_186 = arith.cmpi ne, %convert_element_type3A_184, %cond3A_185 : i32
      scf.if %cond3A_186 {
        %add3A_204 = arith.constant 2 : i32
        %add3A_205 = arith.addi %scan3A_158, %add3A_204 : i32
        %add3A_206 = arith.constant 2 : i32
        %add3A_207 = arith.addi %scan3A_158, %add3A_206 : i32
        %rem3A_208 = arith.constant 8 : i32
        %rem3A_209 = arith.remsi %add3A_207, %rem3A_208 : i32
        %add3A_210 = arith.constant 2 : i32
        %add3A_211 = arith.addi %scan3A_158, %add3A_210 : i32
        %rem3A_212 = arith.constant 3 : i32
        %rem3A_213 = arith.remsi %add3A_211, %rem3A_212 : i32
        %dma_start3A_214 = arith.constant 0 : i32
        %dma_start3A_215 = arith.constant 0 : i32
        %dma_start3A_216 = tpu.memref_slice %arg9[%rem3A_213, %dma_start3A_214, %dma_start3A_215] : memref<3x96x128xf32, #tpu.memory_space<vmem>> -> memref<1x96x128xf32, #tpu.memory_space<vmem>>
        %dma_start3A_217 = tpu.memref_squeeze %dma_start3A_216 : memref<1x96x128xf32, #tpu.memory_space<vmem>> -> memref<96x128xf32, #tpu.memory_space<vmem>>
        %dma_start3A_218 = arith.constant 0 : i32
        %dma_start3A_219 = tpu.memref_slice %arg7[%rem3A_209, %dma_start3A_218] : memref<8x96xi32, #tpu.memory_space<vmem>> -> memref<1x96xi32, #tpu.memory_space<vmem>>
        %dma_start3A_220 = tpu.memref_squeeze %dma_start3A_219 : memref<1x96xi32, #tpu.memory_space<vmem>> -> memref<96xi32, #tpu.memory_space<vmem>>
        %dma_start3A_221 = arith.constant 0 : i32
        %dma_start3A_222 = arith.constant 0 : i32
        %dma_start3A_223 = tpu.memref_slice %arg2[%dma_start3A_221, %dma_start3A_222] : memref<10240x128xf32, #tpu.memory_space<hbm>> -> memref<10240x128xf32, #tpu.memory_space<hbm>>
        tpu.enqueue_indirect_dma source(%dma_start3A_223 : memref<10240x128xf32, #tpu.memory_space<hbm>>) target(%dma_start3A_217 : memref<96x128xf32, #tpu.memory_space<vmem>>) offsets(%dma_start3A_220 : memref<96xi32, #tpu.memory_space<vmem>>) semaphore(%arg12 : memref<!tpu.dma_semaphore, #tpu.memory_space<semaphore_mem>>)
      } else {
      }
      %add3A_187 = arith.constant 4 : i32
      %add3A_188 = arith.addi %scan3A_158, %add3A_187 : i32
      %lt3A_189 = arith.constant 106 : i32
      %lt3A_190 = arith.cmpi slt, %add3A_188, %lt3A_189 : i32
      %convert_element_type3A_191 = arith.extui %lt3A_190 : i1 to i32
      %cond3A_192 = arith.constant 0 : i32
      %cond3A_193 = arith.cmpi ne, %convert_element_type3A_191, %cond3A_192 : i32
      scf.if %cond3A_193 {
        %add3A_204 = arith.constant 4 : i32
        %add3A_205 = arith.addi %scan3A_158, %add3A_204 : i32
        %add3A_206 = arith.constant 4 : i32
        %add3A_207 = arith.addi %scan3A_158, %add3A_206 : i32
        %rem3A_208 = arith.constant 8 : i32
        %rem3A_209 = arith.remsi %add3A_207, %rem3A_208 : i32
        %dma_start3A_210 = arith.constant 0 : i32
        %dma_start3A_211 = tpu.memref_slice %arg7[%rem3A_209, %dma_start3A_210] : memref<8x96xi32, #tpu.memory_space<vmem>> -> memref<1x96xi32, #tpu.memory_space<vmem>>
        %dma_start3A_212 = tpu.memref_squeeze %dma_start3A_211 : memref<1x96xi32, #tpu.memory_space<vmem>> -> memref<96xi32, #tpu.memory_space<vmem>>
        %dma_start3A_213 = arith.constant 0 : i32
        %dma_start3A_214 = tpu.memref_slice %arg3[%add3A, %add3A_205, %dma_start3A_213] : memref<32x106x96xi32, #tpu.memory_space<hbm>> -> memref<1x1x96xi32, #tpu.memory_space<hbm>>
        %dma_start3A_215 = tpu.memref_squeeze %dma_start3A_214 : memref<1x1x96xi32, #tpu.memory_space<hbm>> -> memref<96xi32, #tpu.memory_space<hbm>>
        %dma_start3A_216 = arith.constant 0 : i32
        %dma_start3A_217 = tpu.memref_slice %arg7[%rem3A_209, %dma_start3A_216] : memref<8x96xi32, #tpu.memory_space<vmem>> -> memref<1x96xi32, #tpu.memory_space<vmem>>
        %dma_start3A_218 = tpu.memref_squeeze %dma_start3A_217 : memref<1x96xi32, #tpu.memory_space<vmem>> -> memref<96xi32, #tpu.memory_space<vmem>>
        %dma_start3A_219 = arith.constant 0 : i32
        %dma_start3A_220 = tpu.memref_slice %arg3[%add3A, %add3A_205, %dma_start3A_219] : memref<32x106x96xi32, #tpu.memory_space<hbm>> -> memref<1x1x96xi32, #tpu.memory_space<hbm>>
        %dma_start3A_221 = tpu.memref_squeeze %dma_start3A_220 : memref<1x1x96xi32, #tpu.memory_space<hbm>> -> memref<96xi32, #tpu.memory_space<hbm>>
        tpu.enqueue_dma source(%dma_start3A_221 : memref<96xi32, #tpu.memory_space<hbm>>) target(%dma_start3A_218 : memref<96xi32, #tpu.memory_space<vmem>>) target_semaphore(%arg11 : memref<!tpu.dma_semaphore, #tpu.memory_space<semaphore_mem>>)
        %dma_start3A_222 = arith.constant 0 : i32
        %dma_start3A_223 = tpu.memref_slice %arg8[%rem3A_209, %dma_start3A_222] : memref<8x96xi32, #tpu.memory_space<vmem>> -> memref<1x96xi32, #tpu.memory_space<vmem>>
        %dma_start3A_224 = tpu.memref_squeeze %dma_start3A_223 : memref<1x96xi32, #tpu.memory_space<vmem>> -> memref<96xi32, #tpu.memory_space<vmem>>
        %dma_start3A_225 = arith.constant 0 : i32
        %dma_start3A_226 = tpu.memref_slice %arg4[%add3A, %add3A_205, %dma_start3A_225] : memref<32x106x96xi32, #tpu.memory_space<hbm>> -> memref<1x1x96xi32, #tpu.memory_space<hbm>>
        %dma_start3A_227 = tpu.memref_squeeze %dma_start3A_226 : memref<1x1x96xi32, #tpu.memory_space<hbm>> -> memref<96xi32, #tpu.memory_space<hbm>>
        %dma_start3A_228 = arith.constant 0 : i32
        %dma_start3A_229 = tpu.memref_slice %arg8[%rem3A_209, %dma_start3A_228] : memref<8x96xi32, #tpu.memory_space<vmem>> -> memref<1x96xi32, #tpu.memory_space<vmem>>
        %dma_start3A_230 = tpu.memref_squeeze %dma_start3A_229 : memref<1x96xi32, #tpu.memory_space<vmem>> -> memref<96xi32, #tpu.memory_space<vmem>>
        %dma_start3A_231 = arith.constant 0 : i32
        %dma_start3A_232 = tpu.memref_slice %arg4[%add3A, %add3A_205, %dma_start3A_231] : memref<32x106x96xi32, #tpu.memory_space<hbm>> -> memref<1x1x96xi32, #tpu.memory_space<hbm>>
        %dma_start3A_233 = tpu.memref_squeeze %dma_start3A_232 : memref<1x1x96xi32, #tpu.memory_space<hbm>> -> memref<96xi32, #tpu.memory_space<hbm>>
        tpu.enqueue_dma source(%dma_start3A_233 : memref<96xi32, #tpu.memory_space<hbm>>) target(%dma_start3A_230 : memref<96xi32, #tpu.memory_space<vmem>>) target_semaphore(%arg11 : memref<!tpu.dma_semaphore, #tpu.memory_space<semaphore_mem>>)
      } else {
      }
      %dma_start3A_194 = arith.constant 0 : i32
      %dma_start3A_195 = arith.constant 0 : i32
      %dma_start3A_196 = tpu.memref_slice %arg9[%rem3A_159, %dma_start3A_194, %dma_start3A_195] : memref<3x96x128xf32, #tpu.memory_space<vmem>> -> memref<1x96x128xf32, #tpu.memory_space<vmem>>
      %dma_start3A_197 = tpu.memref_squeeze %dma_start3A_196 : memref<1x96x128xf32, #tpu.memory_space<vmem>> -> memref<96x128xf32, #tpu.memory_space<vmem>>
      %dma_start3A_198 = arith.constant 0 : i32
      %dma_start3A_199 = tpu.memref_slice %arg8[%rem3A_161, %dma_start3A_198] : memref<8x96xi32, #tpu.memory_space<vmem>> -> memref<1x96xi32, #tpu.memory_space<vmem>>
      %dma_start3A_200 = tpu.memref_squeeze %dma_start3A_199 : memref<1x96xi32, #tpu.memory_space<vmem>> -> memref<96xi32, #tpu.memory_space<vmem>>
      %dma_start3A_201 = arith.constant 0 : i32
      %dma_start3A_202 = arith.constant 0 : i32
      %dma_start3A_203 = tpu.memref_slice %arg10[%dma_start3A_201, %dma_start3A_202] : memref<10240x128xf32, #tpu.memory_space<vmem_shared>> -> memref<10240x128xf32, #tpu.memory_space<vmem_shared>>
      tpu.enqueue_indirect_dma source(%dma_start3A_197 : memref<96x128xf32, #tpu.memory_space<vmem>>) target(%dma_start3A_203 : memref<10240x128xf32, #tpu.memory_space<vmem_shared>>) offsets(%dma_start3A_200 : memref<96xi32, #tpu.memory_space<vmem>>) semaphore(%arg13 : memref<!tpu.dma_semaphore, #tpu.memory_space<semaphore_mem>>) {add = true}
    }
    %scan3A_144 = arith.constant 106 : i32
    %dma_wait3A_145 = arith.constant 0 : i32
    %dma_wait3A_146 = arith.constant 0 : i32
    %dma_wait3A_147 = arith.constant 0 : i32
    %dma_wait3A_148 = arith.constant 0 : i32
    %dma_wait3A_149 = tpu.memref_slice %arg9[%dma_wait3A_145, %dma_wait3A_147, %dma_wait3A_148] : memref<3x96x128xf32, #tpu.memory_space<vmem>> -> memref<1x96x128xf32, #tpu.memory_space<vmem>>
    %dma_wait3A_150 = tpu.memref_squeeze %dma_wait3A_149 : memref<1x96x128xf32, #tpu.memory_space<vmem>> -> memref<96x128xf32, #tpu.memory_space<vmem>>
    %dma_wait3A_151 = arith.constant 0 : i32
    %dma_wait3A_152 = tpu.memref_slice %arg8[%dma_wait3A_146, %dma_wait3A_151] : memref<8x96xi32, #tpu.memory_space<vmem>> -> memref<1x96xi32, #tpu.memory_space<vmem>>
    %dma_wait3A_153 = tpu.memref_squeeze %dma_wait3A_152 : memref<1x96xi32, #tpu.memory_space<vmem>> -> memref<96xi32, #tpu.memory_space<vmem>>
    %dma_wait3A_154 = arith.constant 0 : i32
    %dma_wait3A_155 = arith.constant 0 : i32
    %dma_wait3A_156 = tpu.memref_slice %arg10[%dma_wait3A_154, %dma_wait3A_155] : memref<10240x128xf32, #tpu.memory_space<vmem_shared>> -> memref<10240x128xf32, #tpu.memory_space<vmem_shared>>
    tpu.wait_indirect_dma semaphore(%arg13 : memref<!tpu.dma_semaphore, #tpu.memory_space<semaphore_mem>>) src(%dma_wait3A_150 : memref<96x128xf32, #tpu.memory_space<vmem>>) dst(%dma_wait3A_156 : memref<10240x128xf32, #tpu.memory_space<vmem_shared>>)
    %barrier3A_157 = arith.constant 0 : index
    tpu.barrier barrier_id(%barrier3A_157)
    "tpu.region"() ({
      %run_scoped3A_158 = tpu.sem_alloc : memref<!tpu.dma_semaphore, #tpu.memory_space<semaphore_mem>>
      %dma_start3A_159 = arith.constant 0 : i32
      %dma_start3A_160 = tpu.memref_slice %arg6[%arg0, %mul3A_2, %dma_start3A_159] : memref<2x10240x128xf32, #tpu.memory_space<hbm>> -> memref<1x640x128xf32, #tpu.memory_space<hbm>>
      %dma_start3A_161 = tpu.memref_squeeze %dma_start3A_160 : memref<1x640x128xf32, #tpu.memory_space<hbm>> -> memref<640x128xf32, #tpu.memory_space<hbm>>
      %dma_start3A_162 = arith.constant 0 : i32
      %dma_start3A_163 = tpu.memref_slice %arg10[%mul3A_2, %dma_start3A_162] : memref<10240x128xf32, #tpu.memory_space<vmem_shared>> -> memref<640x128xf32, #tpu.memory_space<vmem_shared>>
      tpu.enqueue_dma source(%dma_start3A_163 : memref<640x128xf32, #tpu.memory_space<vmem_shared>>) target(%dma_start3A_161 : memref<640x128xf32, #tpu.memory_space<hbm>>) target_semaphore(%run_scoped3A_158 : memref<!tpu.dma_semaphore, #tpu.memory_space<semaphore_mem>>)
      %dma_wait3A_164 = arith.constant 0 : i32
      %dma_wait3A_165 = tpu.memref_slice %arg6[%arg0, %mul3A_2, %dma_wait3A_164] : memref<2x10240x128xf32, #tpu.memory_space<hbm>> -> memref<1x640x128xf32, #tpu.memory_space<hbm>>
      %dma_wait3A_166 = tpu.memref_squeeze %dma_wait3A_165 : memref<1x640x128xf32, #tpu.memory_space<hbm>> -> memref<640x128xf32, #tpu.memory_space<hbm>>
      %dma_wait3A_167 = arith.constant 0 : i32
      %dma_wait3A_168 = tpu.memref_slice %arg10[%mul3A_2, %dma_wait3A_167] : memref<10240x128xf32, #tpu.memory_space<vmem_shared>> -> memref<640x128xf32, #tpu.memory_space<vmem_shared>>
      tpu.wait_dma2 semaphore(%run_scoped3A_158 : memref<!tpu.dma_semaphore, #tpu.memory_space<semaphore_mem>>) src(%dma_wait3A_168 : memref<640x128xf32, #tpu.memory_space<vmem_shared>>) dst(%dma_wait3A_166 : memref<640x128xf32, #tpu.memory_space<hbm>>)
      tpu.yield
    }) : () -> ()
    return
  }
}

module attributes {stable_mosaic.version = 14 : i64} {
  func.func @_prep_body(%arg0: i32, %arg1: memref<2x256x128xf32, #tpu.memory_space<vmem>>, %arg2: memref<256x128xf32, #tpu.memory_space<vmem>>, %arg3: memref<1x128xf32, #tpu.memory_space<vmem>>, %arg4: memref<1x128xf32, #tpu.memory_space<vmem>>, %arg5: memref<256x128xf32, #tpu.memory_space<vmem>>, %arg6: memref<256x128xf32, #tpu.memory_space<vmem>>, %arg7: memref<256x16xf32, #tpu.memory_space<vmem>>, %arg8: memref<256x16xf32, #tpu.memory_space<vmem>>) attributes {dimension_semantics = [#tpu.dimension_semantics<arbitrary>], iteration_bounds = array<i64: 40>, scalar_prefetch = 0 : i64, scratch_operands = 0 : i64, tpu.core_type = #tpu.core_type<tc>, window_params = [{transform_indices = @transform_0, window_bounds = array<i64: 2, 256, 128>}, {transform_indices = @transform_1, window_bounds = array<i64: 256, 128>}, {pipeline_mode = #tpu.pipeline_mode<synchronous>, transform_indices = @transform_2, window_bounds = array<i64: 1, 128>}, {pipeline_mode = #tpu.pipeline_mode<synchronous>, transform_indices = @transform_3, window_bounds = array<i64: 1, 128>}, {transform_indices = @transform_4, window_bounds = array<i64: 256, 128>}, {transform_indices = @transform_5, window_bounds = array<i64: 256, 128>}, {transform_indices = @transform_6, window_bounds = array<i64: 256, 16>}, {transform_indices = @transform_7, window_bounds = array<i64: 256, 16>}]} {
    %get3A = arith.constant 0 : index
    %get3A_0 = arith.constant 0 : index
    %get3A_1 = arith.constant 0 : index
    %get3A_2 = vector.load %arg1[%get3A, %get3A_0, %get3A_1] : memref<2x256x128xf32, #tpu.memory_space<vmem>>, vector<1x256x16xf32>
    %get3A_3 = vector.shape_cast %get3A_2 : vector<1x256x16xf32> to vector<256x16xf32>
    %get3A_4 = arith.constant 1 : index
    %get3A_5 = arith.constant 0 : index
    %get3A_6 = arith.constant 0 : index
    %get3A_7 = vector.load %arg1[%get3A_4, %get3A_5, %get3A_6] : memref<2x256x128xf32, #tpu.memory_space<vmem>>, vector<1x256x16xf32>
    %get3A_8 = vector.shape_cast %get3A_7 : vector<1x256x16xf32> to vector<256x16xf32>
    %add3A = arith.addf %get3A_3, %get3A_8 : vector<256x16xf32>
    %max3A = arith.constant 1.000000e+00 : f32
    %max3A_9 = vector.broadcast %max3A : f32 to vector<256x16xf32>
    %max3A_10 = arith.maximumf %add3A, %max3A_9 : vector<256x16xf32>
    %iota3A = tpu.iota {dimensions = array<i32: 0>} : vector<256x16xi32>
    %mul3A = arith.constant 256 : i32
    %mul3A_11 = arith.muli %arg0, %mul3A : i32
    %add3A_12 = vector.broadcast %mul3A_11 : i32 to vector<256x16xi32>
    %add3A_13 = arith.addi %iota3A, %add3A_12 : vector<256x16xi32>
    %lt3A = arith.constant 10000 : i32
    %lt3A_14 = vector.broadcast %lt3A : i32 to vector<256x16xi32>
    %lt3A_15 = arith.cmpi slt, %add3A_13, %lt3A_14 : vector<256x16xi32>
    %div3A = arith.constant 1.000000e+00 : f32
    %div3A_16 = vector.broadcast %div3A : f32 to vector<256x16xf32>
    %div3A_17 = arith.divf %div3A_16, %max3A_10 : vector<256x16xf32>
    %jit3A = arith.constant 0.000000e+00 : f32
    %broadcast_in_dim3A = vector.broadcast %jit3A : f32 to vector<256x16xf32>
    %select_n3A = arith.select %lt3A_15, %div3A_17, %broadcast_in_dim3A : vector<256x16xi1>, vector<256x16xf32>
    %rsqrt3A = math.rsqrt %max3A_10 : vector<256x16xf32>
    %jit3A_18 = arith.constant 0.000000e+00 : f32
    %broadcast_in_dim3A_19 = vector.broadcast %jit3A_18 : f32 to vector<256x16xf32>
    %select_n3A_20 = arith.select %lt3A_15, %rsqrt3A, %broadcast_in_dim3A_19 : vector<256x16xi1>, vector<256x16xf32>
    %swap3A = arith.constant 0 : index
    %swap3A_21 = arith.constant 0 : index
    %swap3A_22 = vector.load %arg7[%swap3A, %swap3A_21] : memref<256x16xf32, #tpu.memory_space<vmem>>, vector<256x16xf32>
    tpu.vector_store %arg7[%swap3A, %swap3A_21], %select_n3A {strides = array<i32>} : memref<256x16xf32, #tpu.memory_space<vmem>>, vector<256x16xf32>,
    %swap3A_23 = arith.constant 0 : index
    %swap3A_24 = arith.constant 0 : index
    %swap3A_25 = vector.load %arg8[%swap3A_23, %swap3A_24] : memref<256x16xf32, #tpu.memory_space<vmem>>, vector<256x16xf32>
    tpu.vector_store %arg8[%swap3A_23, %swap3A_24], %select_n3A_20 {strides = array<i32>} : memref<256x16xf32, #tpu.memory_space<vmem>>, vector<256x16xf32>,
    %get3A_26 = arith.constant 0 : index
    %get3A_27 = arith.constant 0 : index
    %get3A_28 = vector.load %arg2[%get3A_26, %get3A_27] : memref<256x128xf32, #tpu.memory_space<vmem>>, vector<256x128xf32>
    %get3A_29 = arith.constant 0 : index
    %get3A_30 = arith.constant 0 : index
    %get3A_31 = vector.load %arg3[%get3A_29, %get3A_30] : memref<1x128xf32, #tpu.memory_space<vmem>>, vector<1x128xf32>
    %mul3A_32 = vector.broadcast %get3A_31 : vector<1x128xf32> to vector<256x128xf32>
    %mul3A_33 = arith.mulf %get3A_28, %mul3A_32 : vector<256x128xf32>
    %get3A_34 = arith.constant 0 : index
    %get3A_35 = arith.constant 0 : index
    %get3A_36 = vector.load %arg4[%get3A_34, %get3A_35] : memref<1x128xf32, #tpu.memory_space<vmem>>, vector<1x128xf32>
    %add3A_37 = vector.broadcast %get3A_36 : vector<1x128xf32> to vector<256x128xf32>
    %add3A_38 = arith.addf %mul3A_33, %add3A_37 : vector<256x128xf32>
    %swap3A_39 = arith.constant 0 : index
    %swap3A_40 = arith.constant 0 : index
    %swap3A_41 = vector.load %arg5[%swap3A_39, %swap3A_40] : memref<256x128xf32, #tpu.memory_space<vmem>>, vector<256x128xf32>
    tpu.vector_store %arg5[%swap3A_39, %swap3A_40], %add3A_38 {strides = array<i32>} : memref<256x128xf32, #tpu.memory_space<vmem>>, vector<256x128xf32>,
    %slice3A = vector.extract_strided_slice %select_n3A {offsets = [0, 0], sizes = [256, 1], strides = [1, 1]} : vector<256x16xf32> to vector<256x1xf32>
    %mul3A_42 = vector.broadcast %slice3A : vector<256x1xf32> to vector<256x128xf32>
    %mul3A_43 = arith.mulf %add3A_38, %mul3A_42 : vector<256x128xf32>
    %swap3A_44 = arith.constant 0 : index
    %swap3A_45 = arith.constant 0 : index
    %swap3A_46 = vector.load %arg6[%swap3A_44, %swap3A_45] : memref<256x128xf32, #tpu.memory_space<vmem>>, vector<256x128xf32>
    tpu.vector_store %arg6[%swap3A_44, %swap3A_45], %mul3A_43 {strides = array<i32>} : memref<256x128xf32, #tpu.memory_space<vmem>>, vector<256x128xf32>,
    return
  }
  func.func @transform_0(%arg0: i32) -> (i32, i32, i32) {
    %c0_i32 = arith.constant 0 : i32
    %c0_i32_0 = arith.constant 0 : i32
    %c0_i32_1 = arith.constant 0 : i32
    return %c0_i32, %arg0, %c0_i32_0 : i32, i32, i32
  }
  func.func @transform_1(%arg0: i32) -> (i32, i32) {
    %c0_i32 = arith.constant 0 : i32
    %c0_i32_0 = arith.constant 0 : i32
    return %arg0, %c0_i32 : i32, i32
  }
  func.func @transform_2(%arg0: i32) -> (i32, i32) {
    %c0_i32 = arith.constant 0 : i32
    %c0_i32_0 = arith.constant 0 : i32
    %c0_i32_1 = arith.constant 0 : i32
    return %c0_i32, %c0_i32_0 : i32, i32
  }
  func.func @transform_3(%arg0: i32) -> (i32, i32) {
    %c0_i32 = arith.constant 0 : i32
    %c0_i32_0 = arith.constant 0 : i32
    %c0_i32_1 = arith.constant 0 : i32
    return %c0_i32, %c0_i32_0 : i32, i32
  }
  func.func @transform_4(%arg0: i32) -> (i32, i32) {
    %c0_i32 = arith.constant 0 : i32
    %c0_i32_0 = arith.constant 0 : i32
    return %arg0, %c0_i32 : i32, i32
  }
  func.func @transform_5(%arg0: i32) -> (i32, i32) {
    %c0_i32 = arith.constant 0 : i32
    %c0_i32_0 = arith.constant 0 : i32
    return %arg0, %c0_i32 : i32, i32
  }
  func.func @transform_6(%arg0: i32) -> (i32, i32) {
    %c0_i32 = arith.constant 0 : i32
    %c0_i32_0 = arith.constant 0 : i32
    return %arg0, %c0_i32 : i32, i32
  }
  func.func @transform_7(%arg0: i32) -> (i32, i32) {
    %c0_i32 = arith.constant 0 : i32
    %c0_i32_0 = arith.constant 0 : i32
    return %arg0, %c0_i32 : i32, i32
  }
}

module attributes {stable_mosaic.version = 14 : i64} {
  func.func @_comb_body(%arg0: i32, %arg1: memref<256x128xf32, #tpu.memory_space<vmem>>, %arg2: memref<2x256x128xf32, #tpu.memory_space<vmem>>, %arg3: memref<256x16xf32, #tpu.memory_space<vmem>>, %arg4: memref<256x128xf32, #tpu.memory_space<vmem>>, %arg5: memref<256x128xf32, #tpu.memory_space<vmem>>) attributes {dimension_semantics = [#tpu.dimension_semantics<arbitrary>], iteration_bounds = array<i64: 40>, scalar_prefetch = 0 : i64, scratch_operands = 0 : i64, tpu.core_type = #tpu.core_type<tc>, window_params = [{transform_indices = @transform_0, window_bounds = array<i64: 256, 128>}, {transform_indices = @transform_1, window_bounds = array<i64: 2, 256, 128>}, {transform_indices = @transform_2, window_bounds = array<i64: 256, 16>}, {transform_indices = @transform_3, window_bounds = array<i64: 256, 128>}, {transform_indices = @transform_4, window_bounds = array<i64: 256, 128>}]} {
    %get3A = arith.constant 0 : index
    %get3A_0 = arith.constant 0 : index
    %get3A_1 = vector.load %arg1[%get3A, %get3A_0] : memref<256x128xf32, #tpu.memory_space<vmem>>, vector<256x128xf32>
    %get3A_2 = arith.constant 0 : index
    %get3A_3 = arith.constant 0 : index
    %get3A_4 = arith.constant 0 : index
    %get3A_5 = vector.load %arg2[%get3A_2, %get3A_3, %get3A_4] : memref<2x256x128xf32, #tpu.memory_space<vmem>>, vector<1x256x128xf32>
    %get3A_6 = vector.shape_cast %get3A_5 : vector<1x256x128xf32> to vector<256x128xf32>
    %add3A = arith.addf %get3A_1, %get3A_6 : vector<256x128xf32>
    %get3A_7 = arith.constant 1 : index
    %get3A_8 = arith.constant 0 : index
    %get3A_9 = arith.constant 0 : index
    %get3A_10 = vector.load %arg2[%get3A_7, %get3A_8, %get3A_9] : memref<2x256x128xf32, #tpu.memory_space<vmem>>, vector<1x256x128xf32>
    %get3A_11 = vector.shape_cast %get3A_10 : vector<1x256x128xf32> to vector<256x128xf32>
    %add3A_12 = arith.addf %add3A, %get3A_11 : vector<256x128xf32>
    %mul3A = arith.constant 5.000000e-01 : f32
    %mul3A_13 = vector.broadcast %mul3A : f32 to vector<256x128xf32>
    %mul3A_14 = arith.mulf %mul3A_13, %add3A_12 : vector<256x128xf32>
    %swap3A = arith.constant 0 : index
    %swap3A_15 = arith.constant 0 : index
    %swap3A_16 = vector.load %arg4[%swap3A, %swap3A_15] : memref<256x128xf32, #tpu.memory_space<vmem>>, vector<256x128xf32>
    tpu.vector_store %arg4[%swap3A, %swap3A_15], %mul3A_14 {strides = array<i32>} : memref<256x128xf32, #tpu.memory_space<vmem>>, vector<256x128xf32>,
    %get3A_17 = arith.constant 0 : index
    %get3A_18 = arith.constant 0 : index
    %get3A_19 = vector.load %arg3[%get3A_17, %get3A_18] : memref<256x16xf32, #tpu.memory_space<vmem>>, vector<256x1xf32>
    %mul3A_20 = vector.broadcast %get3A_19 : vector<256x1xf32> to vector<256x128xf32>
    %mul3A_21 = arith.mulf %mul3A_14, %mul3A_20 : vector<256x128xf32>
    %swap3A_22 = arith.constant 0 : index
    %swap3A_23 = arith.constant 0 : index
    %swap3A_24 = vector.load %arg5[%swap3A_22, %swap3A_23] : memref<256x128xf32, #tpu.memory_space<vmem>>, vector<256x128xf32>
    tpu.vector_store %arg5[%swap3A_22, %swap3A_23], %mul3A_21 {strides = array<i32>} : memref<256x128xf32, #tpu.memory_space<vmem>>, vector<256x128xf32>,
    return
  }
  func.func @transform_0(%arg0: i32) -> (i32, i32) {
    %c0_i32 = arith.constant 0 : i32
    %c0_i32_0 = arith.constant 0 : i32
    return %arg0, %c0_i32 : i32, i32
  }
  func.func @transform_1(%arg0: i32) -> (i32, i32, i32) {
    %c0_i32 = arith.constant 0 : i32
    %c0_i32_0 = arith.constant 0 : i32
    %c0_i32_1 = arith.constant 0 : i32
    return %c0_i32, %arg0, %c0_i32_0 : i32, i32, i32
  }
  func.func @transform_2(%arg0: i32) -> (i32, i32) {
    %c0_i32 = arith.constant 0 : i32
    %c0_i32_0 = arith.constant 0 : i32
    return %arg0, %c0_i32 : i32, i32
  }
  func.func @transform_3(%arg0: i32) -> (i32, i32) {
    %c0_i32 = arith.constant 0 : i32
    %c0_i32_0 = arith.constant 0 : i32
    return %arg0, %c0_i32 : i32, i32
  }
  func.func @transform_4(%arg0: i32) -> (i32, i32) {
    %c0_i32 = arith.constant 0 : i32
    %c0_i32_0 = arith.constant 0 : i32
    return %arg0, %c0_i32 : i32, i32
  }
}

module attributes {stable_mosaic.version = 14 : i64} {
  func.func @_attn_body(%arg0: i32, %arg1: memref<256x128xf32, #tpu.memory_space<vmem>>, %arg2: memref<256x128xf32, #tpu.memory_space<vmem>>, %arg3: memref<256x128xf32, #tpu.memory_space<vmem>>, %arg4: memref<2x256x128xf32, #tpu.memory_space<vmem>>, %arg5: memref<256x16xf32, #tpu.memory_space<vmem>>, %arg6: memref<128x512xf32, #tpu.memory_space<vmem>>, %arg7: memref<512x128xf32, #tpu.memory_space<vmem>>, %arg8: memref<128x512xf32, #tpu.memory_space<vmem>>, %arg9: memref<1x512xf32, #tpu.memory_space<vmem>>, %arg10: memref<1x512xf32, #tpu.memory_space<vmem>>, %arg11: memref<512x128xf32, #tpu.memory_space<vmem>>, %arg12: memref<1x128xf32, #tpu.memory_space<vmem>>, %arg13: memref<256x128xf32, #tpu.memory_space<vmem>>, %arg14: memref<256x128xf32, #tpu.memory_space<vmem>>) attributes {dimension_semantics = [#tpu.dimension_semantics<arbitrary>], iteration_bounds = array<i64: 40>, scalar_prefetch = 0 : i64, scratch_operands = 0 : i64, tpu.core_type = #tpu.core_type<tc>, window_params = [{transform_indices = @transform_0, window_bounds = array<i64: 256, 128>}, {transform_indices = @transform_1, window_bounds = array<i64: 256, 128>}, {transform_indices = @transform_2, window_bounds = array<i64: 256, 128>}, {transform_indices = @transform_3, window_bounds = array<i64: 2, 256, 128>}, {transform_indices = @transform_4, window_bounds = array<i64: 256, 16>}, {pipeline_mode = #tpu.pipeline_mode<synchronous>, transform_indices = @transform_5, window_bounds = array<i64: 128, 512>}, {pipeline_mode = #tpu.pipeline_mode<synchronous>, transform_indices = @transform_6, window_bounds = array<i64: 512, 128>}, {pipeline_mode = #tpu.pipeline_mode<synchronous>, transform_indices = @transform_7, window_bounds = array<i64: 128, 512>}, {pipeline_mode = #tpu.pipeline_mode<synchronous>, transform_indices = @transform_8, window_bounds = array<i64: 1, 512>}, {pipeline_mode = #tpu.pipeline_mode<synchronous>, transform_indices = @transform_9, window_bounds = array<i64: 1, 512>}, {pipeline_mode = #tpu.pipeline_mode<synchronous>, transform_indices = @transform_10, window_bounds = array<i64: 512, 128>}, {pipeline_mode = #tpu.pipeline_mode<synchronous>, transform_indices = @transform_11, window_bounds = array<i64: 1, 128>}, {transform_indices = @transform_12, window_bounds = array<i64: 256, 128>}, {transform_indices = @transform_13, window_bounds = array<i64: 256, 128>}]} {
    %get3A = arith.constant 0 : index
    %get3A_0 = arith.constant 0 : index
    %get3A_1 = vector.load %arg1[%get3A, %get3A_0] : memref<256x128xf32, #tpu.memory_space<vmem>>, vector<256x128xf32>
    %get3A_2 = arith.constant 0 : index
    %get3A_3 = arith.constant 0 : index
    %get3A_4 = vector.load %arg2[%get3A_2, %get3A_3] : memref<256x128xf32, #tpu.memory_space<vmem>>, vector<256x128xf32>
    %get3A_5 = arith.constant 0 : index
    %get3A_6 = arith.constant 0 : index
    %get3A_7 = vector.load %arg3[%get3A_5, %get3A_6] : memref<256x128xf32, #tpu.memory_space<vmem>>, vector<256x128xf32>
    %get3A_8 = arith.constant 0 : index
    %get3A_9 = arith.constant 0 : index
    %get3A_10 = arith.constant 0 : index
    %get3A_11 = vector.load %arg4[%get3A_8, %get3A_9, %get3A_10] : memref<2x256x128xf32, #tpu.memory_space<vmem>>, vector<1x256x128xf32>
    %get3A_12 = vector.shape_cast %get3A_11 : vector<1x256x128xf32> to vector<256x128xf32>
    %add3A = arith.addf %get3A_7, %get3A_12 : vector<256x128xf32>
    %get3A_13 = arith.constant 1 : index
    %get3A_14 = arith.constant 0 : index
    %get3A_15 = arith.constant 0 : index
    %get3A_16 = vector.load %arg4[%get3A_13, %get3A_14, %get3A_15] : memref<2x256x128xf32, #tpu.memory_space<vmem>>, vector<1x256x128xf32>
    %get3A_17 = vector.shape_cast %get3A_16 : vector<1x256x128xf32> to vector<256x128xf32>
    %add3A_18 = arith.addf %add3A, %get3A_17 : vector<256x128xf32>
    %mul3A = arith.constant 5.000000e-01 : f32
    %mul3A_19 = vector.broadcast %mul3A : f32 to vector<256x128xf32>
    %mul3A_20 = arith.mulf %mul3A_19, %add3A_18 : vector<256x128xf32>
    %get3A_21 = arith.constant 0 : index
    %get3A_22 = arith.constant 0 : index
    %get3A_23 = vector.load %arg6[%get3A_21, %get3A_22] : memref<128x512xf32, #tpu.memory_space<vmem>>, vector<128x512xf32>
    %get3A_24 = arith.constant 0 : index
    %get3A_25 = arith.constant 0 : index
    %get3A_26 = vector.load %arg7[%get3A_24, %get3A_25] : memref<512x128xf32, #tpu.memory_space<vmem>>, vector<512x128xf32>
    %get3A_27 = arith.constant 0 : index
    %get3A_28 = arith.constant 0 : index
    %get3A_29 = vector.load %arg8[%get3A_27, %get3A_28] : memref<128x512xf32, #tpu.memory_space<vmem>>, vector<128x512xf32>
    %sub3A = arith.subf %get3A_1, %get3A_4 : vector<256x128xf32>
    %sub3A_30 = arith.subf %get3A_4, %mul3A_20 : vector<256x128xf32>
    %dot_general3A = arith.constant dense<0.000000e+00> : vector<256x512xf32>
    %dot_general3A_31 = tpu.matmul %get3A_1, %get3A_23, %dot_general3A {dimension_numbers = #tpu.dot_dimension_numbers<[1], [0], [0], [1], [0, 0, 1, 1], [], []>, transpose_lhs_hint = false} : vector<256x128xf32>, vector<128x512xf32>, vector<256x512xf32> -> vector<256x512xf32>
    %dot_general3A_32 = arith.constant dense<0.000000e+00> : vector<256x128xf32>
    %dot_general3A_33 = tpu.matmul %dot_general3A_31, %get3A_26, %dot_general3A_32 {dimension_numbers = #tpu.dot_dimension_numbers<[1], [0], [0], [1], [0, 0, 1, 1], [], []>, transpose_lhs_hint = false} : vector<256x512xf32>, vector<512x128xf32>, vector<256x128xf32> -> vector<256x128xf32>
    %ge3A = arith.constant 0.000000e+00 : f32
    %ge3A_34 = vector.broadcast %ge3A : f32 to vector<256x128xf32>
    %ge3A_35 = arith.cmpf oge, %dot_general3A_33, %ge3A_34 : vector<256x128xf32>
    %mul3A_36 = arith.constant 2.000000e-01 : f32
    %mul3A_37 = vector.broadcast %mul3A_36 : f32 to vector<256x128xf32>
    %mul3A_38 = arith.mulf %mul3A_37, %dot_general3A_33 : vector<256x128xf32>
    %select_n3A = arith.select %ge3A_35, %dot_general3A_33, %mul3A_38 : vector<256x128xi1>, vector<256x128xf32>
    %dot_general3A_39 = arith.constant dense<0.000000e+00> : vector<256x512xf32>
    %dot_general3A_40 = tpu.matmul %get3A_4, %get3A_23, %dot_general3A_39 {dimension_numbers = #tpu.dot_dimension_numbers<[1], [0], [0], [1], [0, 0, 1, 1], [], []>, transpose_lhs_hint = false} : vector<256x128xf32>, vector<128x512xf32>, vector<256x512xf32> -> vector<256x512xf32>
    %dot_general3A_41 = arith.constant dense<0.000000e+00> : vector<256x128xf32>
    %dot_general3A_42 = tpu.matmul %dot_general3A_40, %get3A_26, %dot_general3A_41 {dimension_numbers = #tpu.dot_dimension_numbers<[1], [0], [0], [1], [0, 0, 1, 1], [], []>, transpose_lhs_hint = false} : vector<256x512xf32>, vector<512x128xf32>, vector<256x128xf32> -> vector<256x128xf32>
    %ge3A_43 = arith.constant 0.000000e+00 : f32
    %ge3A_44 = vector.broadcast %ge3A_43 : f32 to vector<256x128xf32>
    %ge3A_45 = arith.cmpf oge, %dot_general3A_42, %ge3A_44 : vector<256x128xf32>
    %mul3A_46 = arith.constant 2.000000e-01 : f32
    %mul3A_47 = vector.broadcast %mul3A_46 : f32 to vector<256x128xf32>
    %mul3A_48 = arith.mulf %mul3A_47, %dot_general3A_42 : vector<256x128xf32>
    %select_n3A_49 = arith.select %ge3A_45, %dot_general3A_42, %mul3A_48 : vector<256x128xi1>, vector<256x128xf32>
    %dot_general3A_50 = arith.constant dense<0.000000e+00> : vector<256x512xf32>
    %dot_general3A_51 = tpu.matmul %get3A_7, %get3A_23, %dot_general3A_50 {dimension_numbers = #tpu.dot_dimension_numbers<[1], [0], [0], [1], [0, 0, 1, 1], [], []>, transpose_lhs_hint = false} : vector<256x128xf32>, vector<128x512xf32>, vector<256x512xf32> -> vector<256x512xf32>
    %dot_general3A_52 = arith.constant dense<0.000000e+00> : vector<256x128xf32>
    %dot_general3A_53 = tpu.matmul %dot_general3A_51, %get3A_26, %dot_general3A_52 {dimension_numbers = #tpu.dot_dimension_numbers<[1], [0], [0], [1], [0, 0, 1, 1], [], []>, transpose_lhs_hint = false} : vector<256x512xf32>, vector<512x128xf32>, vector<256x128xf32> -> vector<256x128xf32>
    %ge3A_54 = arith.constant 0.000000e+00 : f32
    %ge3A_55 = vector.broadcast %ge3A_54 : f32 to vector<256x128xf32>
    %ge3A_56 = arith.cmpf oge, %dot_general3A_53, %ge3A_55 : vector<256x128xf32>
    %mul3A_57 = arith.constant 2.000000e-01 : f32
    %mul3A_58 = vector.broadcast %mul3A_57 : f32 to vector<256x128xf32>
    %mul3A_59 = arith.mulf %mul3A_58, %dot_general3A_53 : vector<256x128xf32>
    %select_n3A_60 = arith.select %ge3A_56, %dot_general3A_53, %mul3A_59 : vector<256x128xi1>, vector<256x128xf32>
    %dot_general3A_61 = arith.constant dense<0.000000e+00> : vector<256x512xf32>
    %dot_general3A_62 = tpu.matmul %sub3A, %get3A_23, %dot_general3A_61 {dimension_numbers = #tpu.dot_dimension_numbers<[1], [0], [0], [1], [0, 0, 1, 1], [], []>, transpose_lhs_hint = false} : vector<256x128xf32>, vector<128x512xf32>, vector<256x512xf32> -> vector<256x512xf32>
    %abs3A = math.absf %dot_general3A_62 : vector<256x512xf32>
    %dot_general3A_63 = arith.constant dense<0.000000e+00> : vector<256x128xf32>
    %dot_general3A_64 = tpu.matmul %abs3A, %get3A_26, %dot_general3A_63 {dimension_numbers = #tpu.dot_dimension_numbers<[1], [0], [0], [1], [0, 0, 1, 1], [], []>, transpose_lhs_hint = false} : vector<256x512xf32>, vector<512x128xf32>, vector<256x128xf32> -> vector<256x128xf32>
    %ge3A_65 = arith.constant 0.000000e+00 : f32
    %ge3A_66 = vector.broadcast %ge3A_65 : f32 to vector<256x128xf32>
    %ge3A_67 = arith.cmpf oge, %dot_general3A_64, %ge3A_66 : vector<256x128xf32>
    %mul3A_68 = arith.constant 2.000000e-01 : f32
    %mul3A_69 = vector.broadcast %mul3A_68 : f32 to vector<256x128xf32>
    %mul3A_70 = arith.mulf %mul3A_69, %dot_general3A_64 : vector<256x128xf32>
    %select_n3A_71 = arith.select %ge3A_67, %dot_general3A_64, %mul3A_70 : vector<256x128xi1>, vector<256x128xf32>
    %dot_general3A_72 = arith.constant dense<0.000000e+00> : vector<256x512xf32>
    %dot_general3A_73 = tpu.matmul %sub3A_30, %get3A_23, %dot_general3A_72 {dimension_numbers = #tpu.dot_dimension_numbers<[1], [0], [0], [1], [0, 0, 1, 1], [], []>, transpose_lhs_hint = false} : vector<256x128xf32>, vector<128x512xf32>, vector<256x512xf32> -> vector<256x512xf32>
    %abs3A_74 = math.absf %dot_general3A_73 : vector<256x512xf32>
    %dot_general3A_75 = arith.constant dense<0.000000e+00> : vector<256x128xf32>
    %dot_general3A_76 = tpu.matmul %abs3A_74, %get3A_26, %dot_general3A_75 {dimension_numbers = #tpu.dot_dimension_numbers<[1], [0], [0], [1], [0, 0, 1, 1], [], []>, transpose_lhs_hint = false} : vector<256x512xf32>, vector<512x128xf32>, vector<256x128xf32> -> vector<256x128xf32>
    %ge3A_77 = arith.constant 0.000000e+00 : f32
    %ge3A_78 = vector.broadcast %ge3A_77 : f32 to vector<256x128xf32>
    %ge3A_79 = arith.cmpf oge, %dot_general3A_76, %ge3A_78 : vector<256x128xf32>
    %mul3A_80 = arith.constant 2.000000e-01 : f32
    %mul3A_81 = vector.broadcast %mul3A_80 : f32 to vector<256x128xf32>
    %mul3A_82 = arith.mulf %mul3A_81, %dot_general3A_76 : vector<256x128xf32>
    %select_n3A_83 = arith.select %ge3A_79, %dot_general3A_76, %mul3A_82 : vector<256x128xi1>, vector<256x128xf32>
    %max3A = arith.maximumf %select_n3A, %select_n3A_49 : vector<256x128xf32>
    %max3A_84 = arith.maximumf %max3A, %select_n3A_60 : vector<256x128xf32>
    %max3A_85 = arith.maximumf %max3A_84, %select_n3A_71 : vector<256x128xf32>
    %max3A_86 = arith.maximumf %max3A_85, %select_n3A_83 : vector<256x128xf32>
    %sub3A_87 = arith.subf %select_n3A, %max3A_86 : vector<256x128xf32>
    %exp3A = math.exp %sub3A_87 : vector<256x128xf32>
    %sub3A_88 = arith.subf %select_n3A_49, %max3A_86 : vector<256x128xf32>
    %exp3A_89 = math.exp %sub3A_88 : vector<256x128xf32>
    %sub3A_90 = arith.subf %select_n3A_60, %max3A_86 : vector<256x128xf32>
    %exp3A_91 = math.exp %sub3A_90 : vector<256x128xf32>
    %sub3A_92 = arith.subf %select_n3A_71, %max3A_86 : vector<256x128xf32>
    %exp3A_93 = math.exp %sub3A_92 : vector<256x128xf32>
    %sub3A_94 = arith.subf %select_n3A_83, %max3A_86 : vector<256x128xf32>
    %exp3A_95 = math.exp %sub3A_94 : vector<256x128xf32>
    %add3A_96 = arith.addf %exp3A, %exp3A_89 : vector<256x128xf32>
    %add3A_97 = arith.addf %add3A_96, %exp3A_91 : vector<256x128xf32>
    %add3A_98 = arith.addf %add3A_97, %exp3A_93 : vector<256x128xf32>
    %add3A_99 = arith.addf %add3A_98, %exp3A_95 : vector<256x128xf32>
    %broadcast_in_dim3A = arith.constant 0.000000e+00 : f32
    %broadcast_in_dim3A_100 = vector.broadcast %broadcast_in_dim3A : f32 to vector<256x512xf32>
    %div3A = arith.divf %exp3A, %add3A_99 : vector<256x128xf32>
    %dot_general3A_101 = arith.constant dense<0.000000e+00> : vector<256x512xf32>
    %dot_general3A_102 = tpu.matmul %div3A, %get3A_29, %dot_general3A_101 {dimension_numbers = #tpu.dot_dimension_numbers<[1], [0], [0], [1], [0, 0, 1, 1], [], []>, transpose_lhs_hint = false} : vector<256x128xf32>, vector<128x512xf32>, vector<256x512xf32> -> vector<256x512xf32>
    %mul3A_103 = arith.mulf %dot_general3A_31, %dot_general3A_102 : vector<256x512xf32>
    %add3A_104 = arith.addf %broadcast_in_dim3A_100, %mul3A_103 : vector<256x512xf32>
    %div3A_105 = arith.divf %exp3A_89, %add3A_99 : vector<256x128xf32>
    %dot_general3A_106 = arith.constant dense<0.000000e+00> : vector<256x512xf32>
    %dot_general3A_107 = tpu.matmul %div3A_105, %get3A_29, %dot_general3A_106 {dimension_numbers = #tpu.dot_dimension_numbers<[1], [0], [0], [1], [0, 0, 1, 1], [], []>, transpose_lhs_hint = false} : vector<256x128xf32>, vector<128x512xf32>, vector<256x512xf32> -> vector<256x512xf32>
    %mul3A_108 = arith.mulf %dot_general3A_40, %dot_general3A_107 : vector<256x512xf32>
    %add3A_109 = arith.addf %add3A_104, %mul3A_108 : vector<256x512xf32>
    %div3A_110 = arith.divf %exp3A_91, %add3A_99 : vector<256x128xf32>
    %dot_general3A_111 = arith.constant dense<0.000000e+00> : vector<256x512xf32>
    %dot_general3A_112 = tpu.matmul %div3A_110, %get3A_29, %dot_general3A_111 {dimension_numbers = #tpu.dot_dimension_numbers<[1], [0], [0], [1], [0, 0, 1, 1], [], []>, transpose_lhs_hint = false} : vector<256x128xf32>, vector<128x512xf32>, vector<256x512xf32> -> vector<256x512xf32>
    %mul3A_113 = arith.mulf %dot_general3A_51, %dot_general3A_112 : vector<256x512xf32>
    %add3A_114 = arith.addf %add3A_109, %mul3A_113 : vector<256x512xf32>
    %div3A_115 = arith.divf %exp3A_93, %add3A_99 : vector<256x128xf32>
    %dot_general3A_116 = arith.constant dense<0.000000e+00> : vector<256x512xf32>
    %dot_general3A_117 = tpu.matmul %div3A_115, %get3A_29, %dot_general3A_116 {dimension_numbers = #tpu.dot_dimension_numbers<[1], [0], [0], [1], [0, 0, 1, 1], [], []>, transpose_lhs_hint = false} : vector<256x128xf32>, vector<128x512xf32>, vector<256x512xf32> -> vector<256x512xf32>
    %mul3A_118 = arith.mulf %abs3A, %dot_general3A_117 : vector<256x512xf32>
    %add3A_119 = arith.addf %add3A_114, %mul3A_118 : vector<256x512xf32>
    %div3A_120 = arith.divf %exp3A_95, %add3A_99 : vector<256x128xf32>
    %dot_general3A_121 = arith.constant dense<0.000000e+00> : vector<256x512xf32>
    %dot_general3A_122 = tpu.matmul %div3A_120, %get3A_29, %dot_general3A_121 {dimension_numbers = #tpu.dot_dimension_numbers<[1], [0], [0], [1], [0, 0, 1, 1], [], []>, transpose_lhs_hint = false} : vector<256x128xf32>, vector<128x512xf32>, vector<256x512xf32> -> vector<256x512xf32>
    %mul3A_123 = arith.mulf %abs3A_74, %dot_general3A_122 : vector<256x512xf32>
    %add3A_124 = arith.addf %add3A_119, %mul3A_123 : vector<256x512xf32>
    %get3A_125 = arith.constant 0 : index
    %get3A_126 = arith.constant 0 : index
    %get3A_127 = vector.load %arg9[%get3A_125, %get3A_126] : memref<1x512xf32, #tpu.memory_space<vmem>>, vector<1x512xf32>
    %mul3A_128 = vector.broadcast %get3A_127 : vector<1x512xf32> to vector<256x512xf32>
    %mul3A_129 = arith.mulf %add3A_124, %mul3A_128 : vector<256x512xf32>
    %get3A_130 = arith.constant 0 : index
    %get3A_131 = arith.constant 0 : index
    %get3A_132 = vector.load %arg10[%get3A_130, %get3A_131] : memref<1x512xf32, #tpu.memory_space<vmem>>, vector<1x512xf32>
    %add3A_133 = vector.broadcast %get3A_132 : vector<1x512xf32> to vector<256x512xf32>
    %add3A_134 = arith.addf %mul3A_129, %add3A_133 : vector<256x512xf32>
    %max3A_135 = arith.constant 0.000000e+00 : f32
    %max3A_136 = vector.broadcast %max3A_135 : f32 to vector<256x512xf32>
    %max3A_137 = arith.maximumf %add3A_134, %max3A_136 : vector<256x512xf32>
    %get3A_138 = arith.constant 0 : index
    %get3A_139 = arith.constant 0 : index
    %get3A_140 = vector.load %arg11[%get3A_138, %get3A_139] : memref<512x128xf32, #tpu.memory_space<vmem>>, vector<512x128xf32>
    %dot_general3A_141 = arith.constant dense<0.000000e+00> : vector<256x128xf32>
    %dot_general3A_142 = tpu.matmul %max3A_137, %get3A_140, %dot_general3A_141 {dimension_numbers = #tpu.dot_dimension_numbers<[1], [0], [0], [1], [0, 0, 1, 1], [], []>, transpose_lhs_hint = false} : vector<256x512xf32>, vector<512x128xf32>, vector<256x128xf32> -> vector<256x128xf32>
    %get3A_143 = arith.constant 0 : index
    %get3A_144 = arith.constant 0 : index
    %get3A_145 = vector.load %arg12[%get3A_143, %get3A_144] : memref<1x128xf32, #tpu.memory_space<vmem>>, vector<1x128xf32>
    %add3A_146 = vector.broadcast %get3A_145 : vector<1x128xf32> to vector<256x128xf32>
    %add3A_147 = arith.addf %dot_general3A_142, %add3A_146 : vector<256x128xf32>
    %swap3A = arith.constant 0 : index
    %swap3A_148 = arith.constant 0 : index
    %swap3A_149 = vector.load %arg13[%swap3A, %swap3A_148] : memref<256x128xf32, #tpu.memory_space<vmem>>, vector<256x128xf32>
    tpu.vector_store %arg13[%swap3A, %swap3A_148], %add3A_147 {strides = array<i32>} : memref<256x128xf32, #tpu.memory_space<vmem>>, vector<256x128xf32>,
    %get3A_150 = arith.constant 0 : index
    %get3A_151 = arith.constant 0 : index
    %get3A_152 = vector.load %arg5[%get3A_150, %get3A_151] : memref<256x16xf32, #tpu.memory_space<vmem>>, vector<256x1xf32>
    %mul3A_153 = vector.broadcast %get3A_152 : vector<256x1xf32> to vector<256x128xf32>
    %mul3A_154 = arith.mulf %add3A_147, %mul3A_153 : vector<256x128xf32>
    %swap3A_155 = arith.constant 0 : index
    %swap3A_156 = arith.constant 0 : index
    %swap3A_157 = vector.load %arg14[%swap3A_155, %swap3A_156] : memref<256x128xf32, #tpu.memory_space<vmem>>, vector<256x128xf32>
    tpu.vector_store %arg14[%swap3A_155, %swap3A_156], %mul3A_154 {strides = array<i32>} : memref<256x128xf32, #tpu.memory_space<vmem>>, vector<256x128xf32>,
    return
  }
  func.func @transform_0(%arg0: i32) -> (i32, i32) {
    %c0_i32 = arith.constant 0 : i32
    %c0_i32_0 = arith.constant 0 : i32
    return %arg0, %c0_i32 : i32, i32
  }
  func.func @transform_1(%arg0: i32) -> (i32, i32) {
    %c0_i32 = arith.constant 0 : i32
    %c0_i32_0 = arith.constant 0 : i32
    return %arg0, %c0_i32 : i32, i32
  }
  func.func @transform_2(%arg0: i32) -> (i32, i32) {
    %c0_i32 = arith.constant 0 : i32
    %c0_i32_0 = arith.constant 0 : i32
    return %arg0, %c0_i32 : i32, i32
  }
  func.func @transform_3(%arg0: i32) -> (i32, i32, i32) {
    %c0_i32 = arith.constant 0 : i32
    %c0_i32_0 = arith.constant 0 : i32
    %c0_i32_1 = arith.constant 0 : i32
    return %c0_i32, %arg0, %c0_i32_0 : i32, i32, i32
  }
  func.func @transform_4(%arg0: i32) -> (i32, i32) {
    %c0_i32 = arith.constant 0 : i32
    %c0_i32_0 = arith.constant 0 : i32
    return %arg0, %c0_i32 : i32, i32
  }
  func.func @transform_5(%arg0: i32) -> (i32, i32) {
    %c0_i32 = arith.constant 0 : i32
    %c0_i32_0 = arith.constant 0 : i32
    %c0_i32_1 = arith.constant 0 : i32
    return %c0_i32, %c0_i32_0 : i32, i32
  }
  func.func @transform_6(%arg0: i32) -> (i32, i32) {
    %c0_i32 = arith.constant 0 : i32
    %c0_i32_0 = arith.constant 0 : i32
    %c0_i32_1 = arith.constant 0 : i32
    return %c0_i32, %c0_i32_0 : i32, i32
  }
  func.func @transform_7(%arg0: i32) -> (i32, i32) {
    %c0_i32 = arith.constant 0 : i32
    %c0_i32_0 = arith.constant 0 : i32
    %c0_i32_1 = arith.constant 0 : i32
    return %c0_i32, %c0_i32_0 : i32, i32
  }
  func.func @transform_8(%arg0: i32) -> (i32, i32) {
    %c0_i32 = arith.constant 0 : i32
    %c0_i32_0 = arith.constant 0 : i32
    %c0_i32_1 = arith.constant 0 : i32
    return %c0_i32, %c0_i32_0 : i32, i32
  }
  func.func @transform_9(%arg0: i32) -> (i32, i32) {
    %c0_i32 = arith.constant 0 : i32
    %c0_i32_0 = arith.constant 0 : i32
    %c0_i32_1 = arith.constant 0 : i32
    return %c0_i32, %c0_i32_0 : i32, i32
  }
  func.func @transform_10(%arg0: i32) -> (i32, i32) {
    %c0_i32 = arith.constant 0 : i32
    %c0_i32_0 = arith.constant 0 : i32
    %c0_i32_1 = arith.constant 0 : i32
    return %c0_i32, %c0_i32_0 : i32, i32
  }
  func.func @transform_11(%arg0: i32) -> (i32, i32) {
    %c0_i32 = arith.constant 0 : i32
    %c0_i32_0 = arith.constant 0 : i32
    %c0_i32_1 = arith.constant 0 : i32
    return %c0_i32, %c0_i32_0 : i32, i32
  }
  func.func @transform_12(%arg0: i32) -> (i32, i32) {
    %c0_i32 = arith.constant 0 : i32
    %c0_i32_0 = arith.constant 0 : i32
    return %arg0, %c0_i32 : i32, i32
  }
  func.func @transform_13(%arg0: i32) -> (i32, i32) {
    %c0_i32 = arith.constant 0 : i32
    %c0_i32_0 = arith.constant 0 : i32
    return %arg0, %c0_i32 : i32, i32
  }
}

module attributes {stable_mosaic.version = 14 : i64} {
  func.func @_final_body(%arg0: i32, %arg1: memref<256x128xf32, #tpu.memory_space<vmem>>, %arg2: memref<2x256x128xf32, #tpu.memory_space<vmem>>, %arg3: memref<256x16xf32, #tpu.memory_space<vmem>>, %arg4: memref<1x128xf32, #tpu.memory_space<vmem>>, %arg5: memref<1x128xf32, #tpu.memory_space<vmem>>, %arg6: memref<128x128xf32, #tpu.memory_space<vmem>>, %arg7: memref<1x128xf32, #tpu.memory_space<vmem>>, %arg8: memref<256x128xf32, #tpu.memory_space<vmem>>) attributes {dimension_semantics = [#tpu.dimension_semantics<arbitrary>], iteration_bounds = array<i64: 40>, scalar_prefetch = 0 : i64, scratch_operands = 0 : i64, tpu.core_type = #tpu.core_type<tc>, window_params = [{transform_indices = @transform_0, window_bounds = array<i64: 256, 128>}, {transform_indices = @transform_1, window_bounds = array<i64: 2, 256, 128>}, {transform_indices = @transform_2, window_bounds = array<i64: 256, 16>}, {pipeline_mode = #tpu.pipeline_mode<synchronous>, transform_indices = @transform_3, window_bounds = array<i64: 1, 128>}, {pipeline_mode = #tpu.pipeline_mode<synchronous>, transform_indices = @transform_4, window_bounds = array<i64: 1, 128>}, {pipeline_mode = #tpu.pipeline_mode<synchronous>, transform_indices = @transform_5, window_bounds = array<i64: 128, 128>}, {pipeline_mode = #tpu.pipeline_mode<synchronous>, transform_indices = @transform_6, window_bounds = array<i64: 1, 128>}, {transform_indices = @transform_7, window_bounds = array<i64: 256, 128>}]} {
    %get3A = arith.constant 0 : index
    %get3A_0 = arith.constant 0 : index
    %get3A_1 = arith.constant 0 : index
    %get3A_2 = vector.load %arg2[%get3A, %get3A_0, %get3A_1] : memref<2x256x128xf32, #tpu.memory_space<vmem>>, vector<1x256x128xf32>
    %get3A_3 = vector.shape_cast %get3A_2 : vector<1x256x128xf32> to vector<256x128xf32>
    %get3A_4 = arith.constant 1 : index
    %get3A_5 = arith.constant 0 : index
    %get3A_6 = arith.constant 0 : index
    %get3A_7 = vector.load %arg2[%get3A_4, %get3A_5, %get3A_6] : memref<2x256x128xf32, #tpu.memory_space<vmem>>, vector<1x256x128xf32>
    %get3A_8 = vector.shape_cast %get3A_7 : vector<1x256x128xf32> to vector<256x128xf32>
    %add3A = arith.addf %get3A_3, %get3A_8 : vector<256x128xf32>
    %get3A_9 = arith.constant 0 : index
    %get3A_10 = arith.constant 0 : index
    %get3A_11 = vector.load %arg3[%get3A_9, %get3A_10] : memref<256x16xf32, #tpu.memory_space<vmem>>, vector<256x1xf32>
    %mul3A = vector.broadcast %get3A_11 : vector<256x1xf32> to vector<256x128xf32>
    %mul3A_12 = arith.mulf %add3A, %mul3A : vector<256x128xf32>
    %mul3A_13 = arith.constant 5.000000e-01 : f32
    %mul3A_14 = vector.broadcast %mul3A_13 : f32 to vector<256x128xf32>
    %mul3A_15 = arith.mulf %mul3A_14, %mul3A_12 : vector<256x128xf32>
    %get3A_16 = arith.constant 0 : index
    %get3A_17 = arith.constant 0 : index
    %get3A_18 = vector.load %arg1[%get3A_16, %get3A_17] : memref<256x128xf32, #tpu.memory_space<vmem>>, vector<256x128xf32>
    %add3A_19 = arith.addf %mul3A_15, %get3A_18 : vector<256x128xf32>
    %div3A = arith.constant 1.500000e+00 : f32
    %div3A_20 = vector.broadcast %div3A : f32 to vector<256x128xf32>
    %div3A_21 = arith.divf %add3A_19, %div3A_20 : vector<256x128xf32>
    %get3A_22 = arith.constant 0 : index
    %get3A_23 = arith.constant 0 : index
    %get3A_24 = vector.load %arg4[%get3A_22, %get3A_23] : memref<1x128xf32, #tpu.memory_space<vmem>>, vector<1x128xf32>
    %mul3A_25 = vector.broadcast %get3A_24 : vector<1x128xf32> to vector<256x128xf32>
    %mul3A_26 = arith.mulf %div3A_21, %mul3A_25 : vector<256x128xf32>
    %get3A_27 = arith.constant 0 : index
    %get3A_28 = arith.constant 0 : index
    %get3A_29 = vector.load %arg5[%get3A_27, %get3A_28] : memref<1x128xf32, #tpu.memory_space<vmem>>, vector<1x128xf32>
    %add3A_30 = vector.broadcast %get3A_29 : vector<1x128xf32> to vector<256x128xf32>
    %add3A_31 = arith.addf %mul3A_26, %add3A_30 : vector<256x128xf32>
    %ge3A = arith.constant 0.000000e+00 : f32
    %ge3A_32 = vector.broadcast %ge3A : f32 to vector<256x128xf32>
    %ge3A_33 = arith.cmpf oge, %add3A_31, %ge3A_32 : vector<256x128xf32>
    %mul3A_34 = arith.constant 0.00999999977 : f32
    %mul3A_35 = vector.broadcast %mul3A_34 : f32 to vector<256x128xf32>
    %mul3A_36 = arith.mulf %mul3A_35, %add3A_31 : vector<256x128xf32>
    %select_n3A = arith.select %ge3A_33, %add3A_31, %mul3A_36 : vector<256x128xi1>, vector<256x128xf32>
    %get3A_37 = arith.constant 0 : index
    %get3A_38 = arith.constant 0 : index
    %get3A_39 = vector.load %arg6[%get3A_37, %get3A_38] : memref<128x128xf32, #tpu.memory_space<vmem>>, vector<128x128xf32>
    %dot_general3A = arith.constant dense<0.000000e+00> : vector<256x128xf32>
    %dot_general3A_40 = tpu.matmul %select_n3A, %get3A_39, %dot_general3A {dimension_numbers = #tpu.dot_dimension_numbers<[1], [0], [0], [1], [0, 0, 1, 1], [], []>, transpose_lhs_hint = false} : vector<256x128xf32>, vector<128x128xf32>, vector<256x128xf32> -> vector<256x128xf32>
    %get3A_41 = arith.constant 0 : index
    %get3A_42 = arith.constant 0 : index
    %get3A_43 = vector.load %arg7[%get3A_41, %get3A_42] : memref<1x128xf32, #tpu.memory_space<vmem>>, vector<1x128xf32>
    %add3A_44 = vector.broadcast %get3A_43 : vector<1x128xf32> to vector<256x128xf32>
    %add3A_45 = arith.addf %dot_general3A_40, %add3A_44 : vector<256x128xf32>
    %reduce_max3A = arith.constant dense<0xFF800000> : vector<256xf32>
    %reduce_max3A_46 = vector.multi_reduction <maximumf>, %add3A_45, %reduce_max3A [1] : vector<256x128xf32> to vector<256xf32>
    %broadcast_in_dim3A = vector.shape_cast %reduce_max3A_46 : vector<256xf32> to vector<256x1xf32>
    %sub3A = vector.broadcast %broadcast_in_dim3A : vector<256x1xf32> to vector<256x128xf32>
    %sub3A_47 = arith.subf %add3A_45, %sub3A : vector<256x128xf32>
    %exp3A = math.exp %sub3A_47 : vector<256x128xf32>
    %reduce_sum3A = arith.constant dense<0.000000e+00> : vector<256xf32>
    %reduce_sum3A_48 = vector.multi_reduction <add>, %exp3A, %reduce_sum3A [1] : vector<256x128xf32> to vector<256xf32>
    %broadcast_in_dim3A_49 = vector.shape_cast %reduce_sum3A_48 : vector<256xf32> to vector<256x1xf32>
    %log3A = math.log %broadcast_in_dim3A_49 : vector<256x1xf32>
    %add3A_50 = arith.addf %log3A, %broadcast_in_dim3A : vector<256x1xf32>
    %sub3A_51 = vector.broadcast %add3A_50 : vector<256x1xf32> to vector<256x128xf32>
    %sub3A_52 = arith.subf %add3A_45, %sub3A_51 : vector<256x128xf32>
    %swap3A = arith.constant 0 : index
    %swap3A_53 = arith.constant 0 : index
    %swap3A_54 = vector.load %arg8[%swap3A, %swap3A_53] : memref<256x128xf32, #tpu.memory_space<vmem>>, vector<256x128xf32>
    tpu.vector_store %arg8[%swap3A, %swap3A_53], %sub3A_52 {strides = array<i32>} : memref<256x128xf32, #tpu.memory_space<vmem>>, vector<256x128xf32>,
    return
  }
  func.func @transform_0(%arg0: i32) -> (i32, i32) {
    %c0_i32 = arith.constant 0 : i32
    %c0_i32_0 = arith.constant 0 : i32
    return %arg0, %c0_i32 : i32, i32
  }
  func.func @transform_1(%arg0: i32) -> (i32, i32, i32) {
    %c0_i32 = arith.constant 0 : i32
    %c0_i32_0 = arith.constant 0 : i32
    %c0_i32_1 = arith.constant 0 : i32
    return %c0_i32, %arg0, %c0_i32_0 : i32, i32, i32
  }
  func.func @transform_2(%arg0: i32) -> (i32, i32) {
    %c0_i32 = arith.constant 0 : i32
    %c0_i32_0 = arith.constant 0 : i32
    return %arg0, %c0_i32 : i32, i32
  }
  func.func @transform_3(%arg0: i32) -> (i32, i32) {
    %c0_i32 = arith.constant 0 : i32
    %c0_i32_0 = arith.constant 0 : i32
    %c0_i32_1 = arith.constant 0 : i32
    return %c0_i32, %c0_i32_0 : i32, i32
  }
  func.func @transform_4(%arg0: i32) -> (i32, i32) {
    %c0_i32 = arith.constant 0 : i32
    %c0_i32_0 = arith.constant 0 : i32
    %c0_i32_1 = arith.constant 0 : i32
    return %c0_i32, %c0_i32_0 : i32, i32
  }
  func.func @transform_5(%arg0: i32) -> (i32, i32) {
    %c0_i32 = arith.constant 0 : i32
    %c0_i32_0 = arith.constant 0 : i32
    %c0_i32_1 = arith.constant 0 : i32
    return %c0_i32, %c0_i32_0 : i32, i32
  }
  func.func @transform_6(%arg0: i32) -> (i32, i32) {
    %c0_i32 = arith.constant 0 : i32
    %c0_i32_0 = arith.constant 0 : i32
    %c0_i32_1 = arith.constant 0 : i32
    return %c0_i32, %c0_i32_0 : i32, i32
  }
  func.func @transform_7(%arg0: i32) -> (i32, i32) {
    %c0_i32 = arith.constant 0 : i32
    %c0_i32_0 = arith.constant 0 : i32
    return %arg0, %c0_i32 : i32, i32
  }
}

</mosaic_0001>

<sc_bundles>
// kernel: kernel.14.cloned.1.call-start
scs
__scs_entry_jumppad:
0x0: {  	(pc) =	sbr.rel $0x88, $3  }
0x1: {  	(tag) =	ssettag $0x0;
	lr =	simm.s32 $0x1  }
0x2: {  	[smem:$0x3F91] =	sst lr;
	_ =	strace $0xD0000000  }
0x3: {  	_ = 	snop  }
0x4: {  	_ = 	snop  }
0x5: {  	_ = 	snop  }
0x6: {  	_ = 	snop  }
0x7: {  	_ = 	snop  }
__scs_overlays_trampoline_lowered:
0x8: {  	[smem:$0x3FA0] =	sst s0  }
0x9: {  	[smem:$0x3FA1] =	sst s1  }
0xa: {  	[smem:$0x3FA2] =	sst s2  }
0xb: {  	[smem:$0x3FA3] =	sst s3  }
0xc: {  	[smem:$0x3FA4] =	sst s4  }
0xd: {  	[smem:$0x3FA5] =	sst s5  }
0xe: {  	[smem:$0x3FA6] =	sst s6  }
0xf: {  	[smem:$0x3FA7] =	sst s7  }
0x10: {  	[smem:$0x3FA8] =	sst s8  }
0x11: {  	[smem:$0x3FA9] =	sst s9;
	s0 =	simm.s32 @!p0 $0x0  }
0x12: {  	s1 =	sld [smem:$0x3F8F];
	s0 =	simm.s32 @p0 $0x1  }
0x13: {  	[smem:$0x3FAA] =	sst s0;
	s0 =	simm.s32 @!p1 $0x0  }
0x14: {  	s2 =	sld [smem:$0x3F8E];
	s0 =	simm.s32 @p1 $0x1  }
0x15: {  	[smem:$0x3FAB] =	sst s0;
	s0 =	simm.s32 @!p2 $0x0  }
0x16: {  	s3 =	sld [smem:$0x3FDB];
	s0 =	simm.s32 @p2 $0x1  }
0x17: {  	s4 =	simm.s32 $0x1BF5;
	[smem:$0x3FAD] =	sst s0  }
0x18: {  	s0 =	sld [smem:$0x3F90];
	_ =	swait.ge [sflag:s4], $0x0  }
0x19: {  	s7 =	sld [smem:$0x3F91]  }
0x1a: {  	s8 =	sadd.s32 $0xFFFFE003, lr  }
0x1b: {  	s9 =	sadd.s32 $0xFFFFFEF7, lr;
	s5 =	simm.s32 $0xFFFFFFFF;
	p2 =	slt.u32 s8, $0xFFFFF086  }
0x1c: {  	p1 =	slt.u32 s9, $0xF7A;
	s5 =	simm.s32 @!p2 $0x0  }
0x1d: {  	s5 =	simm.s32 @p1 $0x1;
	p0 =	seq.s32 s7, s2  }
0x1e: {  	s7 =	smul.u32 @!p0 $0xF7A, s2;
	p2 =	seq.s32 @!p0 s5, $0x0  }
0x1f: {  	s9 =	smul.u32 $0xF7A, s1;
	s8 =	simm.s32 @!p0 $0x1BF5;
	p2 =	por !p2, p0  }
0x20: {  	[sflag:s8] =	ssyncset.s32 @!p0 $0xFFFFF086;
	s6 =	sadd.s32 @!p0 s3, s7;
	s7 =	simm.s32 @!p0 $0x108  }
0x21: {  	s3 =	sadd.s32 s3, s9;
	s6 =	sadd.s32 @!p0 $0x88, s6;
	s7 =	simm.s32 @p2 $0x1082  }
0x22: {  	[simem:s7], [sflag:s8] =	dma.local @!p0 [hbm:s6], $0xF7A  }
0x23: {  	s9 =	sor.u32 $0xD0000000, s2;
	s6 =	simm.s32 $0x108;
	_ =	swait.ge @!p0 [sflag:s8], $0x0  }
0x24: {  	s3 =	sadd.s32 $0x88, s3;
	s6 =	simm.s32 @!p1 $0x1082;
	[sflag:s4] =	ssyncset.s32 $0xFFFFF086  }
0x25: {  	[simem:s6], [sflag:s4] =	dma.local [hbm:s3], $0xF7A  }
0x26: {  	[smem:$0x3F91] =	sst s1;
	(tag) =	ssettag s2;
	_ =	strace s9  }
0x27: {  	s1 =	sld [smem:$0x3FA1]  }
0x28: {  	s2 =	sld [smem:$0x3FA2]  }
0x29: {  	s4 =	sld [smem:$0x3FA4]  }
0x2a: {  	p0 =	seq.s32 s5, $0x0;
	s5 =	sld [smem:$0x3FA5]  }
0x2b: {  	s6 =	sld [smem:$0x3FA6]  }
0x2c: {  	s7 =	sld [smem:$0x3FA7]  }
0x2d: {  	s3 =	simm.s32 $0x108;
	s8 =	sld [smem:$0x3FA8]  }
0x2e: {  	s3 =	simm.s32 @!p0 $0x1082;
	s9 =	sld [smem:$0x3FA9]  }
0x2f: {  	lr =	sadd.s32 s0, s3;
	s0 =	sld [smem:$0x3FA0]  }
0x30: {  	s3 =	sld [smem:$0x3FA3]  }
0x31: {  	[smem:$0x3FAC] =	sst s10  }
0x32: {  	s10 =	sld [smem:$0x3FAA];
	_ =	sdelay $0x3  }
0x33: {  	p0 =	seq.s32 s10, $0x1;
	s10 =	sld [smem:$0x3FAC];
	_ =	sdelay $0x3  }
0x34: {  	[smem:$0x3FAC] =	sst s10  }
0x35: {  	s10 =	sld [smem:$0x3FAB];
	_ =	sdelay $0x3  }
0x36: {  	p1 =	seq.s32 s10, $0x1;
	s10 =	sld [smem:$0x3FAC];
	_ =	sdelay $0x3  }
0x37: {  	[smem:$0x3FAC] =	sst s10  }
0x38: {  	s10 =	sld [smem:$0x3FAD]  }
0x39: {  	_ = 	snop;
	(pc) =	sbr.ind lr, $3  }
0x3a: {  	_ = 	snop  }
0x3b: {  	_ = 	snop  }
0x3c: {  	p2 =	seq.s32 s10, $0x1;
	s10 =	sld [smem:$0x3FAC]  }
0x3d: {  	_ =	shalt  }
0x3e: {  	_ =	shalt  }
0x3f: {  	_ =	shalt  }
0x40: {  	_ =	shalt  }
0x41: {  	_ =	shalt  }
0x42: {  	_ =	shalt  }
0x43: {  	_ =	shalt  }
0x44: {  	_ =	shalt  }
0x45: {  	_ =	shalt  }
0x46: {  	_ =	shalt  }
0x47: {  	_ =	shalt  }
0x48: {  	_ =	shalt  }
0x49: {  	_ =	shalt  }
0x4a: {  	_ =	shalt  }
0x4b: {  	_ =	shalt  }
0x4c: {  	_ =	shalt  }
0x4d: {  	_ =	shalt  }
0x4e: {  	_ =	shalt  }
0x4f: {  	_ =	shalt  }
0x50: {  	_ =	shalt  }
0x51: {  	_ =	shalt  }
0x52: {  	_ =	shalt  }
0x53: {  	_ =	shalt  }
0x54: {  	_ =	shalt  }
0x55: {  	_ =	shalt  }
0x56: {  	_ =	shalt  }
0x57: {  	_ =	shalt  }
0x58: {  	_ =	shalt  }
0x59: {  	_ =	shalt  }
0x5a: {  	_ =	shalt  }
0x5b: {  	_ =	shalt  }
0x5c: {  	_ =	shalt  }
0x5d: {  	_ =	shalt  }
0x5e: {  	_ =	shalt  }
0x5f: {  	_ =	shalt  }
0x60: {  	_ =	shalt  }
0x61: {  	_ =	shalt  }
0x62: {  	_ =	shalt  }
0x63: {  	_ =	shalt  }
0x64: {  	_ =	shalt  }
0x65: {  	_ =	shalt  }
0x66: {  	_ =	shalt  }
0x67: {  	_ =	shalt  }
0x68: {  	_ =	shalt  }
0x69: {  	_ =	shalt  }
0x6a: {  	_ =	shalt  }
0x6b: {  	_ =	shalt  }
0x6c: {  	_ =	shalt  }
0x6d: {  	_ =	shalt  }
0x6e: {  	_ =	shalt  }
0x6f: {  	_ =	shalt  }
0x70: {  	_ =	shalt  }
0x71: {  	_ =	shalt  }
0x72: {  	_ =	shalt  }
0x73: {  	_ =	shalt  }
0x74: {  	_ =	shalt  }
0x75: {  	_ =	shalt  }
0x76: {  	_ =	shalt  }
0x77: {  	_ =	shalt  }
0x78: {  	_ =	shalt  }
0x79: {  	_ =	shalt  }
0x7a: {  	_ =	shalt  }
0x7b: {  	_ =	shalt  }
0x7c: {  	_ =	shalt  }
0x7d: {  	_ =	shalt  }
0x7e: {  	_ =	shalt  }
0x7f: {  	_ =	shalt  }
0x80: {  	_ =	shalt  }
0x81: {  	_ =	shalt  }
0x82: {  	_ =	shalt  }
0x83: {  	_ =	shalt  }
0x84: {  	_ =	shalt  }
0x85: {  	_ =	shalt  }
0x86: {  	_ =	shalt  }
0x87: {  	_ =	shalt  }
.Lfunc_end0:
.L_simem_size_0:
called_computation_lowered:
.L_overlay_start_0:
0x88: {  	s2 =	sld [smem:$0x3FD9]  }
0x89: {  	s3 =	sld [smem:$0x3FFE];
	_ =	sdelay $0x1  }
0x8a: {  	s1 =	srdreg.scid  }
0x8b: {  	s0 =	sand.u32 $0x1, s1  }
0x8c: {  	s17 =	sshll.u32 s0, $0xA;
	s2 =	sadd.s32 s3, s2  }
0x8d: {  	s2 =	sadd.s32 s2, s17  }
0x8e: {  	[smem:$0x3FB8] =	sst s2  }
0x8f: {  	_ = 	snop  }
0x90: {  	s2 =	sld [smem:$0x3FD0];
	(tm) =	ssettm $0x1  }
0x91: {  	s18 =	sld [smem:$0x3FFB];
	_ =	sdelay $0x3  }
0x92: {  	_ =	strace s18  }
0x93: {  	s3 =	sld [smem:$0x3FFC];
	_ =	sdelay $0x3  }
0x94: {  	_ =	strace s3  }
0x95: {  	s3 =	sld [smem:$0x3FFD];
	_ =	sdelay $0x3  }
0x96: {  	_ =	strace s3  }
0x97: {  	_ =	strace $0x8FFFFFFF  }
0x98: {  	s19 =	sld [smem:$0x3FDB];
	_ =	sdelay $0x1  }
0x99: {  	s4 =	simm.s32 $_scs_section_size  }
0x9a: {  	s5 =	simm.s32 $_size__tile_overlayer_lowered;
	s6 =	simm.s32 $_tile_overlayer_lowered  }
0x9b: {  	s22 =	simm.s32 $0x1BFF;
	s21 =	sshll.u32 s6, $0x1;
	s3 =	sadd.s32 s4, s19  }
0x9c: {  	s7 =	simm.s32 $0x0;
	s20 =	sshll.u32 s5, $0x1;
	s5 =	sadd.s32 s21, s3  }
0x9d: {  	[timem:s7], [sflag:s22] =	dma.local [hbm:s5], s20  }
0x9e: {  	_ =	swait.ge [sflag:s22], s20  }
0x9f: {  	s4 =	ssub.s32 $0x0, s20;
	[sflag:s22] =	ssyncset.done $0x0  }
0xa0: {  	[sflag:s22] =	ssyncadd.s32 s4;
	_ =	sdelay $0x1  }
0xa1: {  	s23 =	simm.s32 $0x1B8B  }
0xa2: {  	_ =	swait.ge [sflag:s23], $0x1  }
0xa3: {  	[sflag:s23] =	ssyncset.done $0x0  }
0xa4: {  	s25 =	simm.s32 $0x1B8E;
	s24 =	sld [smem:$0x3FFE];
	[sflag:s23] =	ssyncadd.s32 $0xFFFFFFFF  }
0xa5: {  	s26 =	simm.s32 $execute0_lowered;
	[smem:$0x3FD2] =	sst s25  }
0xa6: {  	s5 =	sshll.u32 s26, $0x1;
	_ =	strace $0x80000046;
	[dreg:$0x1] =	wrdreg $0xFFFFFFFF  }
0xa7: {  	s28 =	simm.s32 $_size_execute0_lowered;
	s3 =	sadd.s32 s3, s5;
	[dreg:$0x0] =	wrdreg $0x0  }
0xa8: {  	s5 =	sshll.u32 s28, $0x1;
	[dreg:$0x2] =	wrdreg s3  }
0xa9: {  	[dreg:$0x3] =	wrdreg s5  }
0xaa: {  	[dreg:$0x4] =	wrdreg $0xC0  }
0xab: {  	_ =	task [dreg:s7], $0x5FFFF  }
0xac: {  	[dreg:$0x1] =	wrdreg $0xFFFFFFFF  }
0xad: {  	[dreg:$0x0] =	wrdreg $0x60  }
0xae: {  	[dreg:$0x2] =	wrdreg s24  }
0xaf: {  	[dreg:$0x3] =	wrdreg s2  }
0xb0: {  	[dreg:$0x4] =	wrdreg $0x24000  }
0xb1: {  	[dreg:$0x5] =	wrdreg $0x9  }
0xb2: {  	_ =	task.clear_ibuf [dreg:s7], $0x6FFFF;
	_ =	strace $0x90000046  }
0xb3: {  	s29 =	simm.s32 $0x9;
	_ =	strace $0x80000048  }
0xb4: {  	_ =	swait.ge [sflag:s29], $0x1  }
0xb5: {  	[sflag:s29] =	ssyncadd.s32 $0xFFFFFFFF  }
0xb6: {  	_ =	strace $0x90000048  }
0xb7: {  	_ =	sfence  }
0xb8: {  	s30 =	sld [smem:$0x0];
	_ =	sdelay $0x2  }
0xb9: {  	s31 =	sshll.u32 s1, $0xD;
	s1 =	sshrl.u32 s1, $0x2  }
0xba: {  	s3 =	sand.u32 $0x4000, s31;
	s1 =	sadd.s32 s1, s30  }
0xbb: {  	s0 =	sor.u32 s3, s0;
	s1 =	sshll.u32 s1, $0x11  }
0xbc: {  	s0 =	sor.u32 s1, s0  }
0xbd: {  	s0 =	sadd.s32 $0x8F2B, s0  }
0xbe: {  	[sflag:s0] =	ssyncadd.remote.s32 $0x1  }
0xbf: {  	_ =	sfence.sel $0xFFFF  }
0xc0: {  	[dreg:$0x0] =	wrdreg $0xFFFFFFFF;
	(pc) =	sbr.abs _section_cstart, $3  }
0xc1: {  	[dreg:$0x1] =	wrdreg $0xFFFFFFFF  }
0xc2: {  	_ =	task.clear_ibuf [dreg:s7], $0x2FFFF;
	_ =	strace $0x9FFFFFFF  }
0xc3: {  	(tm) =	ssettm $0x7FFFFFFF  }
tec
execute0_lowered:
.L_overlay_start_1:
0x0: {  	(tag) =	ssettag $0x1  }
0x1: {  	s0 =	rddreg [dreg:$0x0]  }
0x2: {  	s3 =	rddreg [dreg:$0x2]  }
0x3: {  	s19 =	stileid.u32;
	s1 =	srdreg.scid;
	s4 =	simm.s32 $0x0  }
0x4: {  	s17 =	simm.s32 $0x80;
	s18 =	simm.s32 $0x100;
	s22 =	simm.s32 $0x400  }
0x5: {  	s28 =	simm.s32 $0x300;
	s29 =	simm.s32 $0x2;
	s30 =	simm.s32 $0x3  }
0x6: {  	s31 =	simm.s32 $0x0;
	s2 =	smul.u32 $0x14000, s19;
	s1 =	sand.u32 $0x1, s1  }
0x7: {  	[smem:$0x7FF] =	sst s4;
	s6 =	sshll.u32 s19, $0x1;
	s9 =	smul.u32 $0x50000, s19  }
0x8: {  	s26 =	sshll.u32 s19, $0x6;
	s5 =	smul.u32 $0x140000, s1;
	_ =	strace $0x80000047  }
0x9: {  	s6 =	sor.u32 s1, s6;
	s1 =	ssub.s32 $0x2, s1;
	s20 =	sor.u32 $0x1C03, s26  }
0xa: {  	s26 =	simm.s32 $0x280;
	s7 =	sshrl.u32 s2, $0x3;
	s24 =	sshrl.u32 s1, $0x1  }
0xb: {  	s25 =	sshrl.u32 s9, $0x2;
	s2 =	sadd.s32 s2, s5;
	s5 =	smul.u32 $0x5000, s6  }
0xc: {  	s6 =	sadd.s32 $0x5A00, s0;
	s11 =	sadd.s32 s7, s0;
	s1 =	ssub.s32 s1, s24  }
0xd: {  	s24 =	simm.s32 $0x40;
	s2 =	sshrl.u32 s2, $0x3;
	s11 =	sadd.s32 $0x19A00, s11  }
.Ltmp0:
0xe: {  	s13 =	smax.u32 s1, $0x1;
	s23 =	sshrl.u32 s5, $0x3;
	(pc) =	sbr.rel .LBB2_1-.Ltmp0, $4  }
0xf: {  	s0 =	sadd.s32 s2, s0;
	s2 =	sadd.s32 s25, s3;
	s7 =	sadd.s32 s6, s23  }
0x10: {  	s12 =	sadd.s32 $0x41A00, s0;
	s21 =	sshrl.u32 s2, $0x3;
	s23 =	simm.s32 $0x1  }
0x11: {  	s8 =	sadd.s32 $0x10, s7;
	s9 =	sadd.s32 $0x20, s7;
	s10 =	sadd.s32 $0x30, s7  }
0x12: {  	s14 =	sadd.s32 $0x40, s7;
	s15 =	sadd.s32 $0x50, s7;
	s16 =	sadd.s32 $0x60, s7  }
.LBB2_7:
0x13: {  	_ =	swait.ge [sflag:s29], $0x2000  }
0x14: {  	[sflag:s29] =	ssyncset.done $0x0  }
0x15: {  	[sflag:s29] =	ssyncadd.s32 $0xFFFFE000  }
0x16: {  	_ =	swait.ge [sflag:s29], $0x2000  }
0x17: {  	[sflag:s29] =	ssyncset.done $0x0  }
0x18: {  	[sflag:s29] =	ssyncadd.s32 $0xFFFFE000  }
0x19: {  	_ =	swait.ge [sflag:s29], $0x2000  }
0x1a: {  	s31 =	sadd.s32 $0x1, s31;
	[sflag:s29] =	ssyncset.done $0x0  }
0x1b: {  	p0 =	sne.s32 s31, s13;
	[sflag:s29] =	ssyncadd.s32 $0xFFFFE000  }
.Ltmp1:
0x1c: {  	[bflag:$0x0] =	sbarrier.arrive $0xFFFF;
	(pc) =	sbr.rel @!p0 .LBB2_8-.Ltmp1, $4  }
0x1d: {  	[hbm:s12], [sflag:s20] =	dma.local [spmem:s21], $0x2800  }
0x1e: {  	_ =	swait.ge [sflag:s30], $0x2800  }
0x1f: {  	[sflag:s30] =	ssyncset.done $0x0  }
0x20: {  	[sflag:s30] =	ssyncadd.s32 $0xFFFFD800  }
.LBB2_1:
0x21: {  	[tilespmem:s4], [sflag:$0x3] =	stream.linear.gather [hbm4b:s7+s4], $0x80, $0x38;
	[tilespmem:$0x16400] =	vst v63  }
0x22: {  	_ =	swait.ge [sflag:s30], $0x80  }
0x23: {  	[sflag:s30] =	ssyncset.done $0x0  }
0x24: {  	[sflag:s30] =	ssyncadd.s32 $0xFFFFFF80  }
0x25: {  	[tilespmem:s17], [sflag:$0x1] =	stream.linear.gather [hbm4b:s8+s4], $0x80, $0x38;
	[tilespmem:$0x16400] =	vst v63  }
0x26: {  	_ = 	snop  }
0x27: {  	[tilespmem:s18], [sflag:$0x1] =	stream.linear.gather [hbm4b:s9+s4], $0x80, $0x38;
	[tilespmem:$0x16400] =	vst v63  }
0x28: {  	s0 =	simm.s32 $0x180  }
0x29: {  	[tilespmem:s0], [sflag:$0x1] =	stream.linear.gather [hbm4b:s10+s4], $0x80, $0x38;
	[tilespmem:$0x16400] =	vst v63  }
0x2a: {  	[spmem:s21], [sflag:s20] =	dma.local [hbm:s11], $0x2800  }
0x2b: {  	_ =	swait.ge [sflag:s30], $0x2800  }
0x2c: {  	[sflag:s30] =	ssyncset.done $0x0  }
0x2d: {  	[sflag:s30] =	ssyncadd.s32 $0xFFFFD800  }
0x2e: {  	s19 =	rddreg [dreg:$0x1]  }
0x2f: {  	[tilespmem:s22], [sflag:$0x3] =	stream.linear.gather [hbm4b:s19+s4], $0x2000, $0x38;
	[tilespmem:$0x16400] =	vst v63  }
0x30: {  	_ =	swait.ge [sflag:s30], $0x2000  }
0x31: {  	[sflag:s30] =	ssyncset.done $0x0  }
0x32: {  	[sflag:s30] =	ssyncadd.s32 $0xFFFFE000  }
0x33: {  	_ =	swait.ge [sflag:s23], $0x80  }
0x34: {  	[sflag:s23] =	ssyncset.done $0x0  }
0x35: {  	[sflag:s23] =	ssyncadd.s32 $0xFFFFFF80  }
0x36: {  	[bflag:$0x0] =	sbarrier.arrive $0xFFFF  }
0x37: {  	[spmem:s3] =	stream.indirect.scatter.add.f32 [tilespmem:s22], [sflag:$0x2], $0x80, s4, s24, $0xb8;
	[tilespmem:$0x16400] =	vst v63  }
0x38: {  	s25 =	simm.s32 $0x200  }
0x39: {  	[tilespmem:s25], [sflag:$0x1] =	stream.linear.gather [hbm4b:s14+s4], $0x80, $0x38;
	[tilespmem:$0x16400] =	vst v63  }
0x3a: {  	_ =	swait.ge [sflag:s23], $0x80  }
0x3b: {  	[sflag:s23] =	ssyncset.done $0x0  }
0x3c: {  	[sflag:s23] =	ssyncadd.s32 $0xFFFFFF80  }
0x3d: {  	[spmem:s3] =	stream.indirect.scatter.add.f32 [tilespmem:s22], [sflag:$0x2], $0x80, s17, s24, $0xb8;
	[tilespmem:$0x16400] =	vst v63  }
0x3e: {  	_ = 	snop  }
0x3f: {  	[tilespmem:s26], [sflag:$0x1] =	stream.linear.gather [hbm4b:s15+s4], $0x80, $0x38;
	[tilespmem:$0x16400] =	vst v63  }
0x40: {  	_ =	swait.ge [sflag:s23], $0x80  }
0x41: {  	[sflag:s23] =	ssyncset.done $0x0  }
0x42: {  	[sflag:s23] =	ssyncadd.s32 $0xFFFFFF80  }
0x43: {  	[spmem:s3] =	stream.indirect.scatter.add.f32 [tilespmem:s22], [sflag:$0x2], $0x80, s18, s24, $0xb8;
	[tilespmem:$0x16400] =	vst v63  }
.Ltmp2:
0x44: {  	_ = 	snop;
	(pc) =	sbr.rel .LBB2_2-.Ltmp2, $4  }
0x45: {  	[tilespmem:s28], [sflag:$0x1] =	stream.linear.gather [hbm4b:s16+s4], $0x80, $0x38;
	[tilespmem:$0x16400] =	vst v63  }
0x46: {  	_ =	swait.ge [sflag:s23], $0x80  }
0x47: {  	s1 =	simm.s32 $0x380;
	[sflag:s23] =	ssyncset.done $0x0  }
0x48: {  	s2 =	simm.s32 $0x3;
	s0 =	simm.s32 $0xE00;
	[sflag:s23] =	ssyncadd.s32 $0xFFFFFF80  }
.LBB2_3:
0x49: {  	s19 =	sand.u32 $0xFC00, s1  }
0x4a: {  	s25 =	sand.u32 $0x380, s1;
	s19 =	sadd.s32 s5, s19  }
0x4b: {  	s19 =	sor.u32 s25, s19  }
0x4c: {  	s25 =	sand.u32 $0xE00, s0;
	s19 =	sshrl.u32 s19, $0x3  }
0x4d: {  	s25 =	sshrl.u32 s25, $0x2;
	s19 =	sadd.s32 s6, s19  }
0x4e: {  	[tilespmem:s25], [sflag:$0x1] =	stream.linear.gather [hbm4b:s19+s4], $0x80, $0x38;
	[tilespmem:$0x16400] =	vst v63  }
.LBB2_5:
0x4f: {  	_ =	swait.ge [sflag:s23], $0x80  }
0x50: {  	[sflag:s23] =	ssyncset.done $0x0  }
0x51: {  	[sflag:s23] =	ssyncadd.s32 $0xFFFFFF80  }
.LBB2_6:
0x52: {  	s2 =	sadd.s32 $0x1, s2  }
0x53: {  	p0 =	sne.s32 s2, $0x9F  }
.Ltmp3:
0x54: {  	_ = 	snop;
	(pc) =	sbr.rel @!p0 .LBB2_7-.Ltmp3, $2  }
0x55: {  	_ =	sdelay $0x2  }
0x56: {  	s0 =	sadd.s32 $0x200, s0;
	s1 =	sadd.s32 $0x80, s1  }
.LBB2_2:
0x57: {  	s19 =	sadd.s32 $0xFFFFF800, s0  }
0x58: {  	p0 =	sgt.u32 s2, $0x9A;
	s19 =	sand.u32 $0xE00, s19  }
.Ltmp4:
0x59: {  	s19 =	sshrl.u32 s19, $0x2;
	(pc) =	sbr.rel @!p0 .LBB2_3-.Ltmp4, $4  }
0x5a: {  	[spmem:s3] =	stream.indirect.scatter.add.f32 [tilespmem:s22], [sflag:$0x2], $0x80, s19, s24, $0xb8;
	[tilespmem:$0x16400] =	vst v63  }
0x5b: {  	_ =	swait.ge [sflag:s29], $0x2000  }
0x5c: {  	[sflag:s29] =	ssyncset.done $0x0  }
0x5d: {  	[sflag:s29] =	ssyncadd.s32 $0xFFFFE000  }
0x5e: {  	p0 =	sgt.u32 s2, $0x9C  }
.Ltmp5:
0x5f: {  	_ = 	snop;
	(pc) =	sbr.rel @p0 .LBB2_6-.Ltmp5, $4  }
.Ltmp6:
0x60: {  	_ = 	snop;
	(pc) =	sbr.rel @!p0 .LBB2_5-.Ltmp6, $4  }
0x61: {  	_ = 	snop  }
0x62: {  	_ = 	snop  }
0x63: {  	_ = 	snop  }
0x64: {  	_ = 	snop  }
.LBB2_8:
0x65: {  	_ =	sfence.sel $0x180000  }
0x66: {  	[bflag:$0x0] =	sbarrier.arrive $0xFFFF  }
0x67: {  	_ =	strace $0x90000047  }
0x68: {  	s0 =	stileid.u32;
	[bflag:$0x2] =	sbarrier.arrive $0xFFFF  }
0x69: {  	p0 =	sne.s32 s0, $0x0;
	s0 =	rddreg [dreg:$0x3]  }
0x6a: {  	s0 =	sadd.s32 @!p0 $0x100000, s0  }
0x6b: {  	[sflag:s0] =	ssyncadd.tile.s32 @!p0 $0x1;
	_ =	shalt  }
.Lfunc_end2:
_tile_overlayer_lowered:
.L_overlay_start_2:
0x6c: {  	(tag) =	ssettag $0x2  }
0x6d: {  	s0 =	rddreg [dreg:$0x0];
	s2 =	stileid.u32  }
0x6e: {  	s1 =	rddreg [dreg:$0x1];
	p0 =	sne.s32 s2, $0x0  }
0x6f: {  	s3 =	rddreg [dreg:$0x2];
	[bflag:$0x3] =	sbarrier.arrive $0xFFFF;
	s2 =	simm.s32 @!p0 $0x1C03  }
0x70: {  	[timem:s3], [sflag:s2] =	dma.local @!p0 [hbm:s0], s1  }
0x71: {  	s0 =	simm.s32 @!p0 $0x3  }
0x72: {  	_ =	swait.ge @!p0 [sflag:s0], s1  }
0x73: {  	s1 =	ssub.s32 @!p0 $0x0, s1;
	[sflag:s0] =	ssyncset.done @!p0 $0x0  }
0x74: {  	[sflag:s0] =	ssyncadd.s32 @!p0 s1  }
0x75: {  	[bflag:$0x3] =	sbarrier.arrive $0xFFFF  }
0x76: {  	_ =	shalt  }

// kernel: kernel.17.cloned.1.call-start
scs
__scs_entry_jumppad:
0x0: {  	(pc) =	sbr.rel $0x88, $3  }
0x1: {  	(tag) =	ssettag $0x0;
	lr =	simm.s32 $0x1  }
0x2: {  	[smem:$0x3F91] =	sst lr;
	_ =	strace $0xD0000000  }
0x3: {  	_ = 	snop  }
0x4: {  	_ = 	snop  }
0x5: {  	_ = 	snop  }
0x6: {  	_ = 	snop  }
0x7: {  	_ = 	snop  }
__scs_overlays_trampoline_lowered:
0x8: {  	[smem:$0x3FA0] =	sst s0  }
0x9: {  	[smem:$0x3FA1] =	sst s1  }
0xa: {  	[smem:$0x3FA2] =	sst s2  }
0xb: {  	[smem:$0x3FA3] =	sst s3  }
0xc: {  	[smem:$0x3FA4] =	sst s4  }
0xd: {  	[smem:$0x3FA5] =	sst s5  }
0xe: {  	[smem:$0x3FA6] =	sst s6  }
0xf: {  	[smem:$0x3FA7] =	sst s7  }
0x10: {  	[smem:$0x3FA8] =	sst s8  }
0x11: {  	[smem:$0x3FA9] =	sst s9;
	s0 =	simm.s32 @!p0 $0x0  }
0x12: {  	s1 =	sld [smem:$0x3F8F];
	s0 =	simm.s32 @p0 $0x1  }
0x13: {  	[smem:$0x3FAA] =	sst s0;
	s0 =	simm.s32 @!p1 $0x0  }
0x14: {  	s2 =	sld [smem:$0x3F8E];
	s0 =	simm.s32 @p1 $0x1  }
0x15: {  	[smem:$0x3FAB] =	sst s0;
	s0 =	simm.s32 @!p2 $0x0  }
0x16: {  	s3 =	sld [smem:$0x3FDB];
	s0 =	simm.s32 @p2 $0x1  }
0x17: {  	s4 =	simm.s32 $0x1BF5;
	[smem:$0x3FAD] =	sst s0  }
0x18: {  	s0 =	sld [smem:$0x3F90];
	_ =	swait.ge [sflag:s4], $0x0  }
0x19: {  	s7 =	sld [smem:$0x3F91]  }
0x1a: {  	s8 =	sadd.s32 $0xFFFFE003, lr  }
0x1b: {  	s9 =	sadd.s32 $0xFFFFFEF7, lr;
	s5 =	simm.s32 $0xFFFFFFFF;
	p2 =	slt.u32 s8, $0xFFFFF086  }
0x1c: {  	p1 =	slt.u32 s9, $0xF7A;
	s5 =	simm.s32 @!p2 $0x0  }
0x1d: {  	s5 =	simm.s32 @p1 $0x1;
	p0 =	seq.s32 s7, s2  }
0x1e: {  	s7 =	smul.u32 @!p0 $0xF7A, s2;
	p2 =	seq.s32 @!p0 s5, $0x0  }
0x1f: {  	s9 =	smul.u32 $0xF7A, s1;
	s8 =	simm.s32 @!p0 $0x1BF5;
	p2 =	por !p2, p0  }
0x20: {  	[sflag:s8] =	ssyncset.s32 @!p0 $0xFFFFF086;
	s6 =	sadd.s32 @!p0 s3, s7;
	s7 =	simm.s32 @!p0 $0x108  }
0x21: {  	s3 =	sadd.s32 s3, s9;
	s6 =	sadd.s32 @!p0 $0x88, s6;
	s7 =	simm.s32 @p2 $0x1082  }
0x22: {  	[simem:s7], [sflag:s8] =	dma.local @!p0 [hbm:s6], $0xF7A  }
0x23: {  	s9 =	sor.u32 $0xD0000000, s2;
	s6 =	simm.s32 $0x108;
	_ =	swait.ge @!p0 [sflag:s8], $0x0  }
0x24: {  	s3 =	sadd.s32 $0x88, s3;
	s6 =	simm.s32 @!p1 $0x1082;
	[sflag:s4] =	ssyncset.s32 $0xFFFFF086  }
0x25: {  	[simem:s6], [sflag:s4] =	dma.local [hbm:s3], $0xF7A  }
0x26: {  	[smem:$0x3F91] =	sst s1;
	(tag) =	ssettag s2;
	_ =	strace s9  }
0x27: {  	s1 =	sld [smem:$0x3FA1]  }
0x28: {  	s2 =	sld [smem:$0x3FA2]  }
0x29: {  	s4 =	sld [smem:$0x3FA4]  }
0x2a: {  	p0 =	seq.s32 s5, $0x0;
	s5 =	sld [smem:$0x3FA5]  }
0x2b: {  	s6 =	sld [smem:$0x3FA6]  }
0x2c: {  	s7 =	sld [smem:$0x3FA7]  }
0x2d: {  	s3 =	simm.s32 $0x108;
	s8 =	sld [smem:$0x3FA8]  }
0x2e: {  	s3 =	simm.s32 @!p0 $0x1082;
	s9 =	sld [smem:$0x3FA9]  }
0x2f: {  	lr =	sadd.s32 s0, s3;
	s0 =	sld [smem:$0x3FA0]  }
0x30: {  	s3 =	sld [smem:$0x3FA3]  }
0x31: {  	[smem:$0x3FAC] =	sst s10  }
0x32: {  	s10 =	sld [smem:$0x3FAA];
	_ =	sdelay $0x3  }
0x33: {  	p0 =	seq.s32 s10, $0x1;
	s10 =	sld [smem:$0x3FAC];
	_ =	sdelay $0x3  }
0x34: {  	[smem:$0x3FAC] =	sst s10  }
0x35: {  	s10 =	sld [smem:$0x3FAB];
	_ =	sdelay $0x3  }
0x36: {  	p1 =	seq.s32 s10, $0x1;
	s10 =	sld [smem:$0x3FAC];
	_ =	sdelay $0x3  }
0x37: {  	[smem:$0x3FAC] =	sst s10  }
0x38: {  	s10 =	sld [smem:$0x3FAD]  }
0x39: {  	_ = 	snop;
	(pc) =	sbr.ind lr, $3  }
0x3a: {  	_ = 	snop  }
0x3b: {  	_ = 	snop  }
0x3c: {  	p2 =	seq.s32 s10, $0x1;
	s10 =	sld [smem:$0x3FAC]  }
0x3d: {  	_ =	shalt  }
0x3e: {  	_ =	shalt  }
0x3f: {  	_ =	shalt  }
0x40: {  	_ =	shalt  }
0x41: {  	_ =	shalt  }
0x42: {  	_ =	shalt  }
0x43: {  	_ =	shalt  }
0x44: {  	_ =	shalt  }
0x45: {  	_ =	shalt  }
0x46: {  	_ =	shalt  }
0x47: {  	_ =	shalt  }
0x48: {  	_ =	shalt  }
0x49: {  	_ =	shalt  }
0x4a: {  	_ =	shalt  }
0x4b: {  	_ =	shalt  }
0x4c: {  	_ =	shalt  }
0x4d: {  	_ =	shalt  }
0x4e: {  	_ =	shalt  }
0x4f: {  	_ =	shalt  }
0x50: {  	_ =	shalt  }
0x51: {  	_ =	shalt  }
0x52: {  	_ =	shalt  }
0x53: {  	_ =	shalt  }
0x54: {  	_ =	shalt  }
0x55: {  	_ =	shalt  }
0x56: {  	_ =	shalt  }
0x57: {  	_ =	shalt  }
0x58: {  	_ =	shalt  }
0x59: {  	_ =	shalt  }
0x5a: {  	_ =	shalt  }
0x5b: {  	_ =	shalt  }
0x5c: {  	_ =	shalt  }
0x5d: {  	_ =	shalt  }
0x5e: {  	_ =	shalt  }
0x5f: {  	_ =	shalt  }
0x60: {  	_ =	shalt  }
0x61: {  	_ =	shalt  }
0x62: {  	_ =	shalt  }
0x63: {  	_ =	shalt  }
0x64: {  	_ =	shalt  }
0x65: {  	_ =	shalt  }
0x66: {  	_ =	shalt  }
0x67: {  	_ =	shalt  }
0x68: {  	_ =	shalt  }
0x69: {  	_ =	shalt  }
0x6a: {  	_ =	shalt  }
0x6b: {  	_ =	shalt  }
0x6c: {  	_ =	shalt  }
0x6d: {  	_ =	shalt  }
0x6e: {  	_ =	shalt  }
0x6f: {  	_ =	shalt  }
0x70: {  	_ =	shalt  }
0x71: {  	_ =	shalt  }
0x72: {  	_ =	shalt  }
0x73: {  	_ =	shalt  }
0x74: {  	_ =	shalt  }
0x75: {  	_ =	shalt  }
0x76: {  	_ =	shalt  }
0x77: {  	_ =	shalt  }
0x78: {  	_ =	shalt  }
0x79: {  	_ =	shalt  }
0x7a: {  	_ =	shalt  }
0x7b: {  	_ =	shalt  }
0x7c: {  	_ =	shalt  }
0x7d: {  	_ =	shalt  }
0x7e: {  	_ =	shalt  }
0x7f: {  	_ =	shalt  }
0x80: {  	_ =	shalt  }
0x81: {  	_ =	shalt  }
0x82: {  	_ =	shalt  }
0x83: {  	_ =	shalt  }
0x84: {  	_ =	shalt  }
0x85: {  	_ =	shalt  }
0x86: {  	_ =	shalt  }
0x87: {  	_ =	shalt  }
.Lfunc_end0:
.L_simem_size_0:
called_computation.1_lowered:
.L_overlay_start_0:
0x88: {  	s2 =	sld [smem:$0x3FD9]  }
0x89: {  	s3 =	sld [smem:$0x3FFE];
	_ =	sdelay $0x1  }
0x8a: {  	s1 =	srdreg.scid  }
0x8b: {  	s0 =	sand.u32 $0x1, s1  }
0x8c: {  	s16 =	sshll.u32 s0, $0xA;
	s2 =	sadd.s32 s3, s2  }
0x8d: {  	s2 =	sadd.s32 s2, s16  }
0x8e: {  	[smem:$0x3FB8] =	sst s2  }
0x8f: {  	_ = 	snop  }
0x90: {  	(tm) =	ssettm $0x1  }
0x91: {  	s17 =	sld [smem:$0x3FFB];
	_ =	sdelay $0x3  }
0x92: {  	_ =	strace s17  }
0x93: {  	s2 =	sld [smem:$0x3FFC];
	_ =	sdelay $0x3  }
0x94: {  	_ =	strace s2  }
0x95: {  	s2 =	sld [smem:$0x3FFD];
	_ =	sdelay $0x3  }
0x96: {  	_ =	strace s2  }
0x97: {  	_ =	strace $0x8FFFFFFF  }
0x98: {  	s18 =	sld [smem:$0x3FDB];
	_ =	sdelay $0x1  }
0x99: {  	s19 =	simm.s32 $_scs_section_size  }
0x9a: {  	s4 =	simm.s32 $_size__tile_overlayer_lowered;
	s5 =	simm.s32 $_tile_overlayer_lowered  }
0x9b: {  	s22 =	simm.s32 $0x1BFF;
	s21 =	sshll.u32 s5, $0x1;
	s2 =	sadd.s32 s19, s18  }
0x9c: {  	s6 =	simm.s32 $0x0;
	s20 =	sshll.u32 s4, $0x1;
	s4 =	sadd.s32 s21, s2  }
0x9d: {  	[timem:s6], [sflag:s22] =	dma.local [hbm:s4], s20  }
0x9e: {  	_ =	swait.ge [sflag:s22], s20  }
0x9f: {  	s3 =	ssub.s32 $0x0, s20;
	[sflag:s22] =	ssyncset.done $0x0  }
0xa0: {  	[sflag:s22] =	ssyncadd.s32 s3;
	_ =	sdelay $0x1  }
0xa1: {  	s23 =	simm.s32 $0x1B8B  }
0xa2: {  	_ =	swait.ge [sflag:s23], $0x1  }
0xa3: {  	[sflag:s23] =	ssyncset.done $0x0  }
0xa4: {  	s25 =	simm.s32 $0x1B8E;
	s24 =	sld [smem:$0x3FFE];
	[sflag:s23] =	ssyncadd.s32 $0xFFFFFFFF  }
0xa5: {  	s26 =	simm.s32 $execute0_lowered;
	[smem:$0x3FD2] =	sst s25  }
0xa6: {  	s4 =	sshll.u32 s26, $0x1;
	_ =	strace $0x80000049;
	[dreg:$0x1] =	wrdreg $0xFFFFFFFF  }
0xa7: {  	s28 =	simm.s32 $_size_execute0_lowered;
	s2 =	sadd.s32 s2, s4;
	[dreg:$0x0] =	wrdreg $0x0  }
0xa8: {  	s4 =	sshll.u32 s28, $0x1;
	[dreg:$0x2] =	wrdreg s2  }
0xa9: {  	[dreg:$0x3] =	wrdreg s4  }
0xaa: {  	[dreg:$0x4] =	wrdreg $0xC0  }
0xab: {  	_ =	task [dreg:s6], $0x5FFFF  }
0xac: {  	[dreg:$0x1] =	wrdreg $0xFFFFFFFF  }
0xad: {  	[dreg:$0x0] =	wrdreg $0x60  }
0xae: {  	[dreg:$0x2] =	wrdreg s24  }
0xaf: {  	[dreg:$0x3] =	wrdreg $0x98000  }
0xb0: {  	[dreg:$0x4] =	wrdreg $0x9  }
0xb1: {  	_ =	task.clear_ibuf [dreg:s6], $0x5FFFF;
	_ =	strace $0x90000049  }
0xb2: {  	s29 =	simm.s32 $0x9;
	_ =	strace $0x8000004B  }
0xb3: {  	_ =	swait.ge [sflag:s29], $0x1  }
0xb4: {  	[sflag:s29] =	ssyncadd.s32 $0xFFFFFFFF  }
0xb5: {  	_ =	strace $0x9000004B  }
0xb6: {  	_ =	sfence  }
0xb7: {  	s30 =	sld [smem:$0x0];
	_ =	sdelay $0x2  }
0xb8: {  	s31 =	sshll.u32 s1, $0xD;
	s1 =	sshrl.u32 s1, $0x2  }
0xb9: {  	s3 =	sand.u32 $0x4000, s31;
	s1 =	sadd.s32 s1, s30  }
0xba: {  	s0 =	sor.u32 s3, s0;
	s1 =	sshll.u32 s1, $0x11  }
0xbb: {  	s0 =	sor.u32 s1, s0  }
0xbc: {  	s0 =	sadd.s32 $0x8F2B, s0  }
0xbd: {  	[sflag:s0] =	ssyncadd.remote.s32 $0x1  }
0xbe: {  	_ =	sfence.sel $0xFFFF  }
0xbf: {  	[dreg:$0x0] =	wrdreg $0xFFFFFFFF;
	(pc) =	sbr.abs _section_cstart, $3  }
0xc0: {  	[dreg:$0x1] =	wrdreg $0xFFFFFFFF  }
0xc1: {  	_ =	task.clear_ibuf [dreg:s6], $0x2FFFF;
	_ =	strace $0x9FFFFFFF  }
0xc2: {  	(tm) =	ssettm $0x7FFFFFFF  }
0xc3: {  	_ =	shalt  }
tec
execute0_lowered:
.L_overlay_start_1:
0x0: {  	(tag) =	ssettag $0x1  }
0x1: {  	s0 =	rddreg [dreg:$0x0]  }
0x2: {  	s1 =	rddreg [dreg:$0x1];
	s3 =	simm.s32 $0x0  }
0x3: {  	s12 =	stileid.u32;
	s2 =	srdreg.scid;
	s20 =	simm.s32 $0x4  }
0x4: {  	s21 =	simm.s32 $0x80;
	s28 =	simm.s32 $0x60;
	s30 =	simm.s32 $0x1  }
0x5: {  	s22 =	simm.s32 $0x0;
	[smem:$0x7FF] =	sst s3;
	s4 =	sadd.s32 $0x9FA00, s0  }
0x6: {  	s8 =	smul.u32 $0x14000, s12;
	s2 =	sand.u32 $0x1, s2;
	s6 =	sshll.u32 s12, $0x1  }
0x7: {  	s5 =	sadd.s32 $0xC7A00, s0;
	s16 =	smul.u32 $0x50000, s12;
	_ =	strace $0x8000004A  }
0x8: {  	s9 =	smul.u32 $0x140000, s2;
	s7 =	sor.u32 s2, s6;
	s6 =	sadd.s32 $0x91A00, s0  }
0x9: {  	s2 =	ssub.s32 $0x2, s2;
	s10 =	sshrl.u32 s8, $0x3;
	s7 =	smul.u32 $0x3800, s7  }
0xa: {  	s24 =	sshrl.u32 s2, $0x1;
	s16 =	sshrl.u32 s16, $0x2;
	s17 =	sadd.s32 s10, s0  }
0xb: {  	s8 =	sadd.s32 s8, s9;
	s2 =	ssub.s32 s2, s24;
	s16 =	sadd.s32 s16, s1  }
0xc: {  	s8 =	sshrl.u32 s8, $0x3;
	s14 =	sshrl.u32 s7, $0x3;
	s17 =	sadd.s32 $0x19A00, s17  }
0xd: {  	s19 =	smax.u32 s2, $0x1;
	s2 =	simm.s32 $0x3;
	s0 =	sadd.s32 s8, s0  }
0xe: {  	s11 =	sor.u32 $0x10, s14;
	s25 =	sadd.s32 s5, s14;
	s26 =	sadd.s32 s6, s14  }
.Ltmp0:
0xf: {  	s13 =	sor.u32 $0x20, s14;
	[dreg:$0x3] =	wrdreg s25;
	(pc) =	sbr.rel .LBB2_1-.Ltmp0, $4  }
0x10: {  	s15 =	sor.u32 $0x30, s14;
	[dreg:$0x4] =	wrdreg s26;
	s29 =	sadd.s32 s5, s11  }
0x11: {  	s31 =	sadd.s32 s6, s11;
	s12 =	sadd.s32 s5, s13;
	s13 =	sadd.s32 s6, s13  }
0x12: {  	s14 =	sadd.s32 s5, s15;
	s15 =	sadd.s32 s6, s15;
	[dreg:$0x5] =	wrdreg s29  }
0x13: {  	s18 =	sadd.s32 $0xD5A00, s0;
	s0 =	simm.s32 $0x2;
	[dreg:$0x6] =	wrdreg s31  }
.LBB2_5:
0x14: {  	_ =	swait.ge [sflag:s2], $0x3000  }
0x15: {  	s22 =	sadd.s32 $0x1, s22;
	[sflag:s2] =	ssyncset.done $0x0  }
0x16: {  	p0 =	sne.s32 s22, s19;
	[sflag:s2] =	ssyncadd.s32 $0xFFFFD000  }
.Ltmp1:
0x17: {  	[bflag:$0x0] =	sbarrier.arrive $0xFFFF;
	(pc) =	sbr.rel @!p0 .LBB2_6-.Ltmp1, $4  }
0x18: {  	[hbm:s18], [sflag:s24] =	dma.local [spmem:s25], $0x2800  }
0x19: {  	_ =	swait.ge [sflag:s20], $0x2800  }
0x1a: {  	[sflag:s20] =	ssyncset.done $0x0  }
0x1b: {  	[sflag:s20] =	ssyncadd.s32 $0xFFFFD800  }
.LBB2_1:
0x1c: {  	s8 =	rddreg [dreg:$0x3]  }
0x1d: {  	[tilespmem:s3], [sflag:$0x4] =	stream.linear.gather [hbm4b:s8+s3], $0x80, $0x38;
	[tilespmem:$0x1D800] =	vst v63  }
0x1e: {  	_ =	swait.ge [sflag:s20], $0x80  }
0x1f: {  	[sflag:s20] =	ssyncset.done $0x0  }
0x20: {  	s23 =	simm.s32 $0x400;
	s25 =	rddreg [dreg:$0x4];
	[sflag:s20] =	ssyncadd.s32 $0xFFFFFF80  }
0x21: {  	[tilespmem:s23], [sflag:$0x4] =	stream.linear.gather [hbm4b:s25+s3], $0x80, $0x38;
	[tilespmem:$0x1D800] =	vst v63  }
0x22: {  	_ =	swait.ge [sflag:s20], $0x80  }
0x23: {  	[sflag:s20] =	ssyncset.done $0x0  }
0x24: {  	s26 =	rddreg [dreg:$0x5];
	[sflag:s20] =	ssyncadd.s32 $0xFFFFFF80  }
0x25: {  	[tilespmem:s21], [sflag:$0x1] =	stream.linear.gather [hbm4b:s26+s3], $0x80, $0x38;
	[tilespmem:$0x1D800] =	vst v63  }
0x26: {  	s9 =	simm.s32 $0x480;
	s31 =	rddreg [dreg:$0x6]  }
0x27: {  	[tilespmem:s9], [sflag:$0x1] =	stream.linear.gather [hbm4b:s31+s3], $0x80, $0x38;
	[tilespmem:$0x1D800] =	vst v63  }
0x28: {  	s9 =	simm.s32 $0x100  }
0x29: {  	[tilespmem:s9], [sflag:$0x1] =	stream.linear.gather [hbm4b:s12+s3], $0x80, $0x38;
	[tilespmem:$0x1D800] =	vst v63  }
0x2a: {  	s10 =	simm.s32 $0x500  }
0x2b: {  	[tilespmem:s10], [sflag:$0x1] =	stream.linear.gather [hbm4b:s13+s3], $0x80, $0x38;
	[tilespmem:$0x1D800] =	vst v63  }
0x2c: {  	s11 =	simm.s32 $0x180  }
0x2d: {  	[tilespmem:s11], [sflag:$0x1] =	stream.linear.gather [hbm4b:s14+s3], $0x80, $0x38;
	[tilespmem:$0x1D800] =	vst v63  }
0x2e: {  	s24 =	simm.s32 $0x580  }
0x2f: {  	[tilespmem:s24], [sflag:$0x1] =	stream.linear.gather [hbm4b:s15+s3], $0x80, $0x38;
	[tilespmem:$0x1D800] =	vst v63  }
0x30: {  	s25 =	simm.s32 $0x800  }
0x31: {  	[tilespmem:s25], [sflag:$0x2] =	stream.indirect.gather [hbm4b:s4+s28], $0x80, s3, s28, $0xb8;
	[tilespmem:$0x1D800] =	vst v63  }
0x32: {  	_ =	swait.ge [sflag:s30], $0x80  }
0x33: {  	[sflag:s30] =	ssyncset.done $0x0  }
0x34: {  	[sflag:s30] =	ssyncadd.s32 $0xFFFFFF80  }
0x35: {  	s31 =	stileid.u32;
	_ =	swait.ge [sflag:s30], $0x80  }
0x36: {  	s26 =	simm.s32 $0x3800;
	s24 =	sshll.u32 s31, $0x6;
	[sflag:s30] =	ssyncset.done $0x0  }
0x37: {  	s24 =	sor.u32 $0x1C04, s24;
	s25 =	sshrl.u32 s16, $0x3;
	[sflag:s30] =	ssyncadd.s32 $0xFFFFFF80  }
0x38: {  	[tilespmem:s26], [sflag:$0x2] =	stream.indirect.gather [hbm4b:s4+s28], $0x80, s21, s28, $0xb8;
	[tilespmem:$0x1D800] =	vst v63  }
0x39: {  	[spmem:s25], [sflag:s24] =	dma.local [hbm:s17], $0x2800  }
.Ltmp2:
0x3a: {  	_ =	swait.ge [sflag:s20], $0x2800;
	(pc) =	sbr.rel .LBB2_2-.Ltmp2, $4  }
0x3b: {  	[sflag:s20] =	ssyncset.done $0x0  }
0x3c: {  	[sflag:s20] =	ssyncadd.s32 $0xFFFFD800  }
0x3d: {  	[bflag:$0x0] =	sbarrier.arrive $0xFFFF  }
0x3e: {  	s29 =	simm.s32 $0x2;
	s26 =	simm.s32 $0x200  }
.LBB2_4:
0x3f: {  	s8 =	smul.u32 $0xAB, s31;
	_ =	sdelay $0x1  }
0x40: {  	s8 =	sshrl.u32 s8, $0x9  }
0x41: {  	s8 =	sand.u32 $0x7F, s8  }
0x42: {  	s8 =	smul.u32 $0x3, s8;
	_ =	sdelay $0x1  }
0x43: {  	s8 =	ssub.s32 s31, s8  }
0x44: {  	s29 =	sadd.s32 $0x1, s29;
	s8 =	sand.u32 $0xFF, s8  }
0x45: {  	p0 =	sne.s32 s29, $0x6C;
	s8 =	smul.u32 $0xC000, s8  }
.Ltmp3:
0x46: {  	s9 =	sadd.s32 $0xFFFFFC00, s23;
	(pc) =	sbr.rel @!p0 .LBB2_5-.Ltmp3, $4  }
0x47: {  	s9 =	sand.u32 $0xE00, s9  }
0x48: {  	s26 =	sadd.s32 $0x80, s26;
	s9 =	sshrl.u32 s9, $0x2;
	s8 =	sshrl.u32 s8, $0x2  }
0x49: {  	s23 =	sadd.s32 $0x200, s23;
	s9 =	sor.u32 $0x400, s9;
	s8 =	sor.u32 $0x800, s8  }
0x4a: {  	[spmem:s1] =	stream.indirect.scatter.add.f32 [tilespmem:s8], [sflag:$0x3], $0x80, s9, s28, $0xb8;
	[tilespmem:$0x1D800] =	vst v63  }
.LBB2_2:
0x4b: {  	s31 =	sadd.s32 $0xFFFFFFFE, s29  }
0x4c: {  	p0 =	sgt.u32 s31, $0x67  }
0x4d: {  	s8 =	simm.s32 @!p0 $0x1  }
0x4e: {  	_ =	swait.ge @!p0 [sflag:s8], $0x80  }
0x4f: {  	[sflag:s8] =	ssyncset.done @!p0 $0x0  }
0x50: {  	[sflag:s8] =	ssyncadd.s32 @!p0 $0xFFFFFF80  }
0x51: {  	_ =	swait.ge @!p0 [sflag:s8], $0x80  }
0x52: {  	[sflag:s8] =	ssyncset.done @!p0 $0x0  }
0x53: {  	[sflag:s8] =	ssyncadd.s32 @!p0 $0xFFFFFF80;
	p0 =	seq.s32 s29, $0x2  }
0x54: {  	p1 =	sgt.u32 @!p0 s31, $0x67  }
0x55: {  	_ =	swait.ge [sflag:s0], $0x3000;
	p1 =	por p0, !p1  }
.Ltmp4:
0x56: {  	[sflag:s0] =	ssyncset.done $0x0;
	(pc) =	sbr.rel @!p1 .LBB2_4-.Ltmp4, $4  }
0x57: {  	s8 =	simm.s32 @!p0 $0x3;
	[sflag:s0] =	ssyncadd.s32 $0xFFFFD000  }
0x58: {  	_ =	swait.ge @!p0 [sflag:s8], $0x3000  }
0x59: {  	[sflag:s8] =	ssyncset.done @!p0 $0x0  }
0x5a: {  	[sflag:s8] =	ssyncadd.s32 @!p0 $0xFFFFD000  }
0x5b: {  	s8 =	smul.u32 $0xAB, s29;
	_ =	sdelay $0x1  }
0x5c: {  	s8 =	sshrl.u32 s8, $0x9  }
0x5d: {  	s8 =	sand.u32 $0x7F, s8  }
0x5e: {  	s8 =	smul.u32 $0x3, s8;
	_ =	sdelay $0x1  }
0x5f: {  	s8 =	ssub.s32 s29, s8  }
0x60: {  	s8 =	sand.u32 $0xFF, s8  }
0x61: {  	s8 =	smul.u32 $0xC000, s8;
	_ =	sdelay $0x1  }
0x62: {  	s9 =	sand.u32 $0xE00, s23;
	s8 =	sshrl.u32 s8, $0x2  }
0x63: {  	p0 =	sgt.u32 s31, $0x65;
	s9 =	sshrl.u32 s9, $0x2;
	s8 =	sor.u32 $0x800, s8  }
0x64: {  	[tilespmem:s8], [sflag:$0x2] =	stream.indirect.gather [hbm4b:s4+s28], $0x80, s9, s28, $0xb8;
	[tilespmem:$0x1D800] =	vst v63  }
0x65: {  	s8 =	sand.u32 @!p0 $0x7C00, s26  }
0x66: {  	s9 =	sand.u32 @!p0 $0x380, s26;
	s8 =	sadd.s32 @!p0 s7, s8  }
0x67: {  	s8 =	sor.u32 @!p0 s9, s8  }
.Ltmp5:
0x68: {  	s8 =	sshrl.u32 @!p0 s8, $0x3;
	(pc) =	sbr.rel .LBB2_4-.Ltmp5, $4  }
0x69: {  	s11 =	simm.s32 @!p0 $0x0;
	s10 =	sadd.s32 @!p0 s5, s8  }
0x6a: {  	[tilespmem:s9], [sflag:$0x1] =	stream.linear.gather @!p0 [hbm4b:s10+s11], $0x80, $0x38;
	[tilespmem:$0x1D800] =	vst v63  }
0x6b: {  	s8 =	sadd.s32 @!p0 s6, s8;
	s9 =	sor.u32 @!p0 $0x400, s9  }
0x6c: {  	[tilespmem:s9], [sflag:$0x1] =	stream.linear.gather @!p0 [hbm4b:s8+s11], $0x80, $0x38;
	[tilespmem:$0x1D800] =	vst v63  }
.LBB2_6:
0x6d: {  	_ =	sfence.sel $0x180000  }
0x6e: {  	[bflag:$0x0] =	sbarrier.arrive $0xFFFF  }
0x6f: {  	_ =	strace $0x9000004A  }
0x70: {  	s0 =	stileid.u32;
	[bflag:$0x2] =	sbarrier.arrive $0xFFFF  }
0x71: {  	p0 =	sne.s32 s0, $0x0;
	s0 =	rddreg [dreg:$0x2]  }
0x72: {  	s0 =	sadd.s32 @!p0 $0x100000, s0  }
0x73: {  	[sflag:s0] =	ssyncadd.tile.s32 @!p0 $0x1;
	_ =	shalt  }
.Lfunc_end2:
_tile_overlayer_lowered:
.L_overlay_start_2:
0x74: {  	(tag) =	ssettag $0x2  }
0x75: {  	s0 =	rddreg [dreg:$0x0];
	s2 =	stileid.u32  }
0x76: {  	s1 =	rddreg [dreg:$0x1];
	p0 =	sne.s32 s2, $0x0  }
0x77: {  	s3 =	rddreg [dreg:$0x2];
	[bflag:$0x3] =	sbarrier.arrive $0xFFFF;
	s2 =	simm.s32 @!p0 $0x1C04  }
0x78: {  	[timem:s3], [sflag:s2] =	dma.local @!p0 [hbm:s0], s1  }
0x79: {  	s0 =	simm.s32 @!p0 $0x4  }
0x7a: {  	_ =	swait.ge @!p0 [sflag:s0], s1  }
0x7b: {  	s1 =	ssub.s32 @!p0 $0x0, s1;
	[sflag:s0] =	ssyncset.done @!p0 $0x0  }
0x7c: {  	[sflag:s0] =	ssyncadd.s32 @!p0 s1  }
0x7d: {  	[bflag:$0x3] =	sbarrier.arrive $0xFFFF  }
0x7e: {  	_ =	shalt  }

// kernel: kernel.20.cloned.1.call-start
scs
__scs_entry_jumppad:
0x0: {  	(pc) =	sbr.rel $0x88, $3  }
0x1: {  	(tag) =	ssettag $0x0;
	lr =	simm.s32 $0x1  }
0x2: {  	[smem:$0x3F91] =	sst lr;
	_ =	strace $0xD0000000  }
0x3: {  	_ = 	snop  }
0x4: {  	_ = 	snop  }
0x5: {  	_ = 	snop  }
0x6: {  	_ = 	snop  }
0x7: {  	_ = 	snop  }
__scs_overlays_trampoline_lowered:
0x8: {  	[smem:$0x3FA0] =	sst s0  }
0x9: {  	[smem:$0x3FA1] =	sst s1  }
0xa: {  	[smem:$0x3FA2] =	sst s2  }
0xb: {  	[smem:$0x3FA3] =	sst s3  }
0xc: {  	[smem:$0x3FA4] =	sst s4  }
0xd: {  	[smem:$0x3FA5] =	sst s5  }
0xe: {  	[smem:$0x3FA6] =	sst s6  }
0xf: {  	[smem:$0x3FA7] =	sst s7  }
0x10: {  	[smem:$0x3FA8] =	sst s8  }
0x11: {  	[smem:$0x3FA9] =	sst s9;
	s0 =	simm.s32 @!p0 $0x0  }
0x12: {  	s1 =	sld [smem:$0x3F8F];
	s0 =	simm.s32 @p0 $0x1  }
0x13: {  	[smem:$0x3FAA] =	sst s0;
	s0 =	simm.s32 @!p1 $0x0  }
0x14: {  	s2 =	sld [smem:$0x3F8E];
	s0 =	simm.s32 @p1 $0x1  }
0x15: {  	[smem:$0x3FAB] =	sst s0;
	s0 =	simm.s32 @!p2 $0x0  }
0x16: {  	s3 =	sld [smem:$0x3FDB];
	s0 =	simm.s32 @p2 $0x1  }
0x17: {  	s4 =	simm.s32 $0x1BF5;
	[smem:$0x3FAD] =	sst s0  }
0x18: {  	s0 =	sld [smem:$0x3F90];
	_ =	swait.ge [sflag:s4], $0x0  }
0x19: {  	s7 =	sld [smem:$0x3F91]  }
0x1a: {  	s8 =	sadd.s32 $0xFFFFE003, lr  }
0x1b: {  	s9 =	sadd.s32 $0xFFFFFEF7, lr;
	s5 =	simm.s32 $0xFFFFFFFF;
	p2 =	slt.u32 s8, $0xFFFFF086  }
0x1c: {  	p1 =	slt.u32 s9, $0xF7A;
	s5 =	simm.s32 @!p2 $0x0  }
0x1d: {  	s5 =	simm.s32 @p1 $0x1;
	p0 =	seq.s32 s7, s2  }
0x1e: {  	s7 =	smul.u32 @!p0 $0xF7A, s2;
	p2 =	seq.s32 @!p0 s5, $0x0  }
0x1f: {  	s9 =	smul.u32 $0xF7A, s1;
	s8 =	simm.s32 @!p0 $0x1BF5;
	p2 =	por !p2, p0  }
0x20: {  	[sflag:s8] =	ssyncset.s32 @!p0 $0xFFFFF086;
	s6 =	sadd.s32 @!p0 s3, s7;
	s7 =	simm.s32 @!p0 $0x108  }
0x21: {  	s3 =	sadd.s32 s3, s9;
	s6 =	sadd.s32 @!p0 $0x88, s6;
	s7 =	simm.s32 @p2 $0x1082  }
0x22: {  	[simem:s7], [sflag:s8] =	dma.local @!p0 [hbm:s6], $0xF7A  }
0x23: {  	s9 =	sor.u32 $0xD0000000, s2;
	s6 =	simm.s32 $0x108;
	_ =	swait.ge @!p0 [sflag:s8], $0x0  }
0x24: {  	s3 =	sadd.s32 $0x88, s3;
	s6 =	simm.s32 @!p1 $0x1082;
	[sflag:s4] =	ssyncset.s32 $0xFFFFF086  }
0x25: {  	[simem:s6], [sflag:s4] =	dma.local [hbm:s3], $0xF7A  }
0x26: {  	[smem:$0x3F91] =	sst s1;
	(tag) =	ssettag s2;
	_ =	strace s9  }
0x27: {  	s1 =	sld [smem:$0x3FA1]  }
0x28: {  	s2 =	sld [smem:$0x3FA2]  }
0x29: {  	s4 =	sld [smem:$0x3FA4]  }
0x2a: {  	p0 =	seq.s32 s5, $0x0;
	s5 =	sld [smem:$0x3FA5]  }
0x2b: {  	s6 =	sld [smem:$0x3FA6]  }
0x2c: {  	s7 =	sld [smem:$0x3FA7]  }
0x2d: {  	s3 =	simm.s32 $0x108;
	s8 =	sld [smem:$0x3FA8]  }
0x2e: {  	s3 =	simm.s32 @!p0 $0x1082;
	s9 =	sld [smem:$0x3FA9]  }
0x2f: {  	lr =	sadd.s32 s0, s3;
	s0 =	sld [smem:$0x3FA0]  }
0x30: {  	s3 =	sld [smem:$0x3FA3]  }
0x31: {  	[smem:$0x3FAC] =	sst s10  }
0x32: {  	s10 =	sld [smem:$0x3FAA];
	_ =	sdelay $0x3  }
0x33: {  	p0 =	seq.s32 s10, $0x1;
	s10 =	sld [smem:$0x3FAC];
	_ =	sdelay $0x3  }
0x34: {  	[smem:$0x3FAC] =	sst s10  }
0x35: {  	s10 =	sld [smem:$0x3FAB];
	_ =	sdelay $0x3  }
0x36: {  	p1 =	seq.s32 s10, $0x1;
	s10 =	sld [smem:$0x3FAC];
	_ =	sdelay $0x3  }
0x37: {  	[smem:$0x3FAC] =	sst s10  }
0x38: {  	s10 =	sld [smem:$0x3FAD]  }
0x39: {  	_ = 	snop;
	(pc) =	sbr.ind lr, $3  }
0x3a: {  	_ = 	snop  }
0x3b: {  	_ = 	snop  }
0x3c: {  	p2 =	seq.s32 s10, $0x1;
	s10 =	sld [smem:$0x3FAC]  }
0x3d: {  	_ =	shalt  }
0x3e: {  	_ =	shalt  }
0x3f: {  	_ =	shalt  }
0x40: {  	_ =	shalt  }
0x41: {  	_ =	shalt  }
0x42: {  	_ =	shalt  }
0x43: {  	_ =	shalt  }
0x44: {  	_ =	shalt  }
0x45: {  	_ =	shalt  }
0x46: {  	_ =	shalt  }
0x47: {  	_ =	shalt  }
0x48: {  	_ =	shalt  }
0x49: {  	_ =	shalt  }
0x4a: {  	_ =	shalt  }
0x4b: {  	_ =	shalt  }
0x4c: {  	_ =	shalt  }
0x4d: {  	_ =	shalt  }
0x4e: {  	_ =	shalt  }
0x4f: {  	_ =	shalt  }
0x50: {  	_ =	shalt  }
0x51: {  	_ =	shalt  }
0x52: {  	_ =	shalt  }
0x53: {  	_ =	shalt  }
0x54: {  	_ =	shalt  }
0x55: {  	_ =	shalt  }
0x56: {  	_ =	shalt  }
0x57: {  	_ =	shalt  }
0x58: {  	_ =	shalt  }
0x59: {  	_ =	shalt  }
0x5a: {  	_ =	shalt  }
0x5b: {  	_ =	shalt  }
0x5c: {  	_ =	shalt  }
0x5d: {  	_ =	shalt  }
0x5e: {  	_ =	shalt  }
0x5f: {  	_ =	shalt  }
0x60: {  	_ =	shalt  }
0x61: {  	_ =	shalt  }
0x62: {  	_ =	shalt  }
0x63: {  	_ =	shalt  }
0x64: {  	_ =	shalt  }
0x65: {  	_ =	shalt  }
0x66: {  	_ =	shalt  }
0x67: {  	_ =	shalt  }
0x68: {  	_ =	shalt  }
0x69: {  	_ =	shalt  }
0x6a: {  	_ =	shalt  }
0x6b: {  	_ =	shalt  }
0x6c: {  	_ =	shalt  }
0x6d: {  	_ =	shalt  }
0x6e: {  	_ =	shalt  }
0x6f: {  	_ =	shalt  }
0x70: {  	_ =	shalt  }
0x71: {  	_ =	shalt  }
0x72: {  	_ =	shalt  }
0x73: {  	_ =	shalt  }
0x74: {  	_ =	shalt  }
0x75: {  	_ =	shalt  }
0x76: {  	_ =	shalt  }
0x77: {  	_ =	shalt  }
0x78: {  	_ =	shalt  }
0x79: {  	_ =	shalt  }
0x7a: {  	_ =	shalt  }
0x7b: {  	_ =	shalt  }
0x7c: {  	_ =	shalt  }
0x7d: {  	_ =	shalt  }
0x7e: {  	_ =	shalt  }
0x7f: {  	_ =	shalt  }
0x80: {  	_ =	shalt  }
0x81: {  	_ =	shalt  }
0x82: {  	_ =	shalt  }
0x83: {  	_ =	shalt  }
0x84: {  	_ =	shalt  }
0x85: {  	_ =	shalt  }
0x86: {  	_ =	shalt  }
0x87: {  	_ =	shalt  }
.Lfunc_end0:
.L_simem_size_0:
called_computation.2_lowered:
.L_overlay_start_0:
0x88: {  	s2 =	sld [smem:$0x3FD9]  }
0x89: {  	s3 =	sld [smem:$0x3FFE];
	_ =	sdelay $0x1  }
0x8a: {  	s1 =	srdreg.scid  }
0x8b: {  	s0 =	sand.u32 $0x1, s1  }
0x8c: {  	s16 =	sshll.u32 s0, $0xA;
	s2 =	sadd.s32 s3, s2  }
0x8d: {  	s2 =	sadd.s32 s2, s16  }
0x8e: {  	[smem:$0x3FB8] =	sst s2  }
0x8f: {  	_ = 	snop  }
0x90: {  	(tm) =	ssettm $0x1  }
0x91: {  	s17 =	sld [smem:$0x3FFB];
	_ =	sdelay $0x3  }
0x92: {  	_ =	strace s17  }
0x93: {  	s2 =	sld [smem:$0x3FFC];
	_ =	sdelay $0x3  }
0x94: {  	_ =	strace s2  }
0x95: {  	s2 =	sld [smem:$0x3FFD];
	_ =	sdelay $0x3  }
0x96: {  	_ =	strace s2  }
0x97: {  	_ =	strace $0x8FFFFFFF  }
0x98: {  	s18 =	sld [smem:$0x3FDB];
	_ =	sdelay $0x1  }
0x99: {  	s19 =	simm.s32 $_scs_section_size  }
0x9a: {  	s4 =	simm.s32 $_size__tile_overlayer_lowered;
	s5 =	simm.s32 $_tile_overlayer_lowered  }
0x9b: {  	s22 =	simm.s32 $0x1BFF;
	s21 =	sshll.u32 s5, $0x1;
	s2 =	sadd.s32 s19, s18  }
0x9c: {  	s6 =	simm.s32 $0x0;
	s20 =	sshll.u32 s4, $0x1;
	s4 =	sadd.s32 s21, s2  }
0x9d: {  	[timem:s6], [sflag:s22] =	dma.local [hbm:s4], s20  }
0x9e: {  	_ =	swait.ge [sflag:s22], s20  }
0x9f: {  	s3 =	ssub.s32 $0x0, s20;
	[sflag:s22] =	ssyncset.done $0x0  }
0xa0: {  	[sflag:s22] =	ssyncadd.s32 s3;
	_ =	sdelay $0x1  }
0xa1: {  	s23 =	simm.s32 $0x1B8B  }
0xa2: {  	_ =	swait.ge [sflag:s23], $0x1  }
0xa3: {  	[sflag:s23] =	ssyncset.done $0x0  }
0xa4: {  	s25 =	simm.s32 $0x1B8E;
	s24 =	sld [smem:$0x3FFE];
	[sflag:s23] =	ssyncadd.s32 $0xFFFFFFFF  }
0xa5: {  	s26 =	simm.s32 $execute0_lowered;
	[smem:$0x3FD2] =	sst s25  }
0xa6: {  	s4 =	sshll.u32 s26, $0x1;
	_ =	strace $0x8000004C;
	[dreg:$0x1] =	wrdreg $0xFFFFFFFF  }
0xa7: {  	s28 =	simm.s32 $_size_execute0_lowered;
	s2 =	sadd.s32 s2, s4;
	[dreg:$0x0] =	wrdreg $0x0  }
0xa8: {  	s4 =	sshll.u32 s28, $0x1;
	[dreg:$0x2] =	wrdreg s2  }
0xa9: {  	[dreg:$0x3] =	wrdreg s4  }
0xaa: {  	[dreg:$0x4] =	wrdreg $0xC0  }
0xab: {  	_ =	task [dreg:s6], $0x5FFFF  }
0xac: {  	[dreg:$0x1] =	wrdreg $0xFFFFFFFF  }
0xad: {  	[dreg:$0x0] =	wrdreg $0x60  }
0xae: {  	[dreg:$0x2] =	wrdreg s24  }
0xaf: {  	[dreg:$0x3] =	wrdreg $0x98000  }
0xb0: {  	[dreg:$0x4] =	wrdreg $0x9  }
0xb1: {  	_ =	task.clear_ibuf [dreg:s6], $0x5FFFF;
	_ =	strace $0x9000004C  }
0xb2: {  	s29 =	simm.s32 $0x9;
	_ =	strace $0x8000004E  }
0xb3: {  	_ =	swait.ge [sflag:s29], $0x1  }
0xb4: {  	[sflag:s29] =	ssyncadd.s32 $0xFFFFFFFF  }
0xb5: {  	_ =	strace $0x9000004E  }
0xb6: {  	_ =	sfence  }
0xb7: {  	s30 =	sld [smem:$0x0];
	_ =	sdelay $0x2  }
0xb8: {  	s31 =	sshll.u32 s1, $0xD;
	s1 =	sshrl.u32 s1, $0x2  }
0xb9: {  	s3 =	sand.u32 $0x4000, s31;
	s1 =	sadd.s32 s1, s30  }
0xba: {  	s0 =	sor.u32 s3, s0;
	s1 =	sshll.u32 s1, $0x11  }
0xbb: {  	s0 =	sor.u32 s1, s0  }
0xbc: {  	s0 =	sadd.s32 $0x8F2B, s0  }
0xbd: {  	[sflag:s0] =	ssyncadd.remote.s32 $0x1  }
0xbe: {  	_ =	sfence.sel $0xFFFF  }
0xbf: {  	[dreg:$0x0] =	wrdreg $0xFFFFFFFF;
	(pc) =	sbr.abs _section_cstart, $3  }
0xc0: {  	[dreg:$0x1] =	wrdreg $0xFFFFFFFF  }
0xc1: {  	_ =	task.clear_ibuf [dreg:s6], $0x2FFFF;
	_ =	strace $0x9FFFFFFF  }
0xc2: {  	(tm) =	ssettm $0x7FFFFFFF  }
0xc3: {  	_ =	shalt  }
tec
execute0_lowered:
.L_overlay_start_1:
0x0: {  	(tag) =	ssettag $0x1  }
0x1: {  	s0 =	rddreg [dreg:$0x0]  }
0x2: {  	s1 =	rddreg [dreg:$0x1];
	s3 =	simm.s32 $0x0  }
0x3: {  	s12 =	stileid.u32;
	s2 =	srdreg.scid;
	s20 =	simm.s32 $0x4  }
0x4: {  	s21 =	simm.s32 $0x80;
	s28 =	simm.s32 $0x60;
	s30 =	simm.s32 $0x1  }
0x5: {  	s22 =	simm.s32 $0x0;
	[smem:$0x7FF] =	sst s3;
	s4 =	sadd.s32 $0x69A00, s0  }
0x6: {  	s8 =	smul.u32 $0x14000, s12;
	s2 =	sand.u32 $0x1, s2;
	s6 =	sshll.u32 s12, $0x1  }
0x7: {  	s5 =	sadd.s32 $0xC7A00, s0;
	s16 =	smul.u32 $0x50000, s12;
	_ =	strace $0x8000004D  }
0x8: {  	s9 =	smul.u32 $0x140000, s2;
	s7 =	sor.u32 s2, s6;
	s6 =	sadd.s32 $0x91A00, s0  }
0x9: {  	s2 =	ssub.s32 $0x2, s2;
	s10 =	sshrl.u32 s8, $0x3;
	s7 =	smul.u32 $0x3800, s7  }
0xa: {  	s24 =	sshrl.u32 s2, $0x1;
	s16 =	sshrl.u32 s16, $0x2;
	s17 =	sadd.s32 s10, s0  }
0xb: {  	s8 =	sadd.s32 s8, s9;
	s2 =	ssub.s32 s2, s24;
	s16 =	sadd.s32 s16, s1  }
0xc: {  	s8 =	sshrl.u32 s8, $0x3;
	s14 =	sshrl.u32 s7, $0x3;
	s17 =	sadd.s32 $0x19A00, s17  }
0xd: {  	s19 =	smax.u32 s2, $0x1;
	s2 =	simm.s32 $0x3;
	s0 =	sadd.s32 s8, s0  }
0xe: {  	s11 =	sor.u32 $0x10, s14;
	s25 =	sadd.s32 s5, s14;
	s26 =	sadd.s32 s6, s14  }
.Ltmp0:
0xf: {  	s13 =	sor.u32 $0x20, s14;
	[dreg:$0x3] =	wrdreg s25;
	(pc) =	sbr.rel .LBB2_1-.Ltmp0, $4  }
0x10: {  	s15 =	sor.u32 $0x30, s14;
	[dreg:$0x4] =	wrdreg s26;
	s29 =	sadd.s32 s5, s11  }
0x11: {  	s31 =	sadd.s32 s6, s11;
	s12 =	sadd.s32 s5, s13;
	s13 =	sadd.s32 s6, s13  }
0x12: {  	s14 =	sadd.s32 s5, s15;
	s15 =	sadd.s32 s6, s15;
	[dreg:$0x5] =	wrdreg s29  }
0x13: {  	s18 =	sadd.s32 $0xD5A00, s0;
	s0 =	simm.s32 $0x2;
	[dreg:$0x6] =	wrdreg s31  }
.LBB2_5:
0x14: {  	_ =	swait.ge [sflag:s2], $0x3000  }
0x15: {  	s22 =	sadd.s32 $0x1, s22;
	[sflag:s2] =	ssyncset.done $0x0  }
0x16: {  	p0 =	sne.s32 s22, s19;
	[sflag:s2] =	ssyncadd.s32 $0xFFFFD000  }
.Ltmp1:
0x17: {  	[bflag:$0x0] =	sbarrier.arrive $0xFFFF;
	(pc) =	sbr.rel @!p0 .LBB2_6-.Ltmp1, $4  }
0x18: {  	[hbm:s18], [sflag:s24] =	dma.local [spmem:s25], $0x2800  }
0x19: {  	_ =	swait.ge [sflag:s20], $0x2800  }
0x1a: {  	[sflag:s20] =	ssyncset.done $0x0  }
0x1b: {  	[sflag:s20] =	ssyncadd.s32 $0xFFFFD800  }
.LBB2_1:
0x1c: {  	s8 =	rddreg [dreg:$0x3]  }
0x1d: {  	[tilespmem:s3], [sflag:$0x4] =	stream.linear.gather [hbm4b:s8+s3], $0x80, $0x38;
	[tilespmem:$0x1D800] =	vst v63  }
0x1e: {  	_ =	swait.ge [sflag:s20], $0x80  }
0x1f: {  	[sflag:s20] =	ssyncset.done $0x0  }
0x20: {  	s23 =	simm.s32 $0x400;
	s25 =	rddreg [dreg:$0x4];
	[sflag:s20] =	ssyncadd.s32 $0xFFFFFF80  }
0x21: {  	[tilespmem:s23], [sflag:$0x4] =	stream.linear.gather [hbm4b:s25+s3], $0x80, $0x38;
	[tilespmem:$0x1D800] =	vst v63  }
0x22: {  	_ =	swait.ge [sflag:s20], $0x80  }
0x23: {  	[sflag:s20] =	ssyncset.done $0x0  }
0x24: {  	s26 =	rddreg [dreg:$0x5];
	[sflag:s20] =	ssyncadd.s32 $0xFFFFFF80  }
0x25: {  	[tilespmem:s21], [sflag:$0x1] =	stream.linear.gather [hbm4b:s26+s3], $0x80, $0x38;
	[tilespmem:$0x1D800] =	vst v63  }
0x26: {  	s9 =	simm.s32 $0x480;
	s31 =	rddreg [dreg:$0x6]  }
0x27: {  	[tilespmem:s9], [sflag:$0x1] =	stream.linear.gather [hbm4b:s31+s3], $0x80, $0x38;
	[tilespmem:$0x1D800] =	vst v63  }
0x28: {  	s9 =	simm.s32 $0x100  }
0x29: {  	[tilespmem:s9], [sflag:$0x1] =	stream.linear.gather [hbm4b:s12+s3], $0x80, $0x38;
	[tilespmem:$0x1D800] =	vst v63  }
0x2a: {  	s10 =	simm.s32 $0x500  }
0x2b: {  	[tilespmem:s10], [sflag:$0x1] =	stream.linear.gather [hbm4b:s13+s3], $0x80, $0x38;
	[tilespmem:$0x1D800] =	vst v63  }
0x2c: {  	s11 =	simm.s32 $0x180  }
0x2d: {  	[tilespmem:s11], [sflag:$0x1] =	stream.linear.gather [hbm4b:s14+s3], $0x80, $0x38;
	[tilespmem:$0x1D800] =	vst v63  }
0x2e: {  	s24 =	simm.s32 $0x580  }
0x2f: {  	[tilespmem:s24], [sflag:$0x1] =	stream.linear.gather [hbm4b:s15+s3], $0x80, $0x38;
	[tilespmem:$0x1D800] =	vst v63  }
0x30: {  	s25 =	simm.s32 $0x800  }
0x31: {  	[tilespmem:s25], [sflag:$0x2] =	stream.indirect.gather [hbm4b:s4+s28], $0x80, s3, s28, $0xb8;
	[tilespmem:$0x1D800] =	vst v63  }
0x32: {  	_ =	swait.ge [sflag:s30], $0x80  }
0x33: {  	[sflag:s30] =	ssyncset.done $0x0  }
0x34: {  	[sflag:s30] =	ssyncadd.s32 $0xFFFFFF80  }
0x35: {  	s31 =	stileid.u32;
	_ =	swait.ge [sflag:s30], $0x80  }
0x36: {  	s26 =	simm.s32 $0x3800;
	s24 =	sshll.u32 s31, $0x6;
	[sflag:s30] =	ssyncset.done $0x0  }
0x37: {  	s24 =	sor.u32 $0x1C04, s24;
	s25 =	sshrl.u32 s16, $0x3;
	[sflag:s30] =	ssyncadd.s32 $0xFFFFFF80  }
0x38: {  	[tilespmem:s26], [sflag:$0x2] =	stream.indirect.gather [hbm4b:s4+s28], $0x80, s21, s28, $0xb8;
	[tilespmem:$0x1D800] =	vst v63  }
0x39: {  	[spmem:s25], [sflag:s24] =	dma.local [hbm:s17], $0x2800  }
.Ltmp2:
0x3a: {  	_ =	swait.ge [sflag:s20], $0x2800;
	(pc) =	sbr.rel .LBB2_2-.Ltmp2, $4  }
0x3b: {  	[sflag:s20] =	ssyncset.done $0x0  }
0x3c: {  	[sflag:s20] =	ssyncadd.s32 $0xFFFFD800  }
0x3d: {  	[bflag:$0x0] =	sbarrier.arrive $0xFFFF  }
0x3e: {  	s29 =	simm.s32 $0x2;
	s26 =	simm.s32 $0x200  }
.LBB2_4:
0x3f: {  	s8 =	smul.u32 $0xAB, s31;
	_ =	sdelay $0x1  }
0x40: {  	s8 =	sshrl.u32 s8, $0x9  }
0x41: {  	s8 =	sand.u32 $0x7F, s8  }
0x42: {  	s8 =	smul.u32 $0x3, s8;
	_ =	sdelay $0x1  }
0x43: {  	s8 =	ssub.s32 s31, s8  }
0x44: {  	s29 =	sadd.s32 $0x1, s29;
	s8 =	sand.u32 $0xFF, s8  }
0x45: {  	p0 =	sne.s32 s29, $0x6C;
	s8 =	smul.u32 $0xC000, s8  }
.Ltmp3:
0x46: {  	s9 =	sadd.s32 $0xFFFFFC00, s23;
	(pc) =	sbr.rel @!p0 .LBB2_5-.Ltmp3, $4  }
0x47: {  	s9 =	sand.u32 $0xE00, s9  }
0x48: {  	s26 =	sadd.s32 $0x80, s26;
	s9 =	sshrl.u32 s9, $0x2;
	s8 =	sshrl.u32 s8, $0x2  }
0x49: {  	s23 =	sadd.s32 $0x200, s23;
	s9 =	sor.u32 $0x400, s9;
	s8 =	sor.u32 $0x800, s8  }
0x4a: {  	[spmem:s1] =	stream.indirect.scatter.add.f32 [tilespmem:s8], [sflag:$0x3], $0x80, s9, s28, $0xb8;
	[tilespmem:$0x1D800] =	vst v63  }
.LBB2_2:
0x4b: {  	s31 =	sadd.s32 $0xFFFFFFFE, s29  }
0x4c: {  	p0 =	sgt.u32 s31, $0x67  }
0x4d: {  	s8 =	simm.s32 @!p0 $0x1  }
0x4e: {  	_ =	swait.ge @!p0 [sflag:s8], $0x80  }
0x4f: {  	[sflag:s8] =	ssyncset.done @!p0 $0x0  }
0x50: {  	[sflag:s8] =	ssyncadd.s32 @!p0 $0xFFFFFF80  }
0x51: {  	_ =	swait.ge @!p0 [sflag:s8], $0x80  }
0x52: {  	[sflag:s8] =	ssyncset.done @!p0 $0x0  }
0x53: {  	[sflag:s8] =	ssyncadd.s32 @!p0 $0xFFFFFF80;
	p0 =	seq.s32 s29, $0x2  }
0x54: {  	p1 =	sgt.u32 @!p0 s31, $0x67  }
0x55: {  	_ =	swait.ge [sflag:s0], $0x3000;
	p1 =	por p0, !p1  }
.Ltmp4:
0x56: {  	[sflag:s0] =	ssyncset.done $0x0;
	(pc) =	sbr.rel @!p1 .LBB2_4-.Ltmp4, $4  }
0x57: {  	s8 =	simm.s32 @!p0 $0x3;
	[sflag:s0] =	ssyncadd.s32 $0xFFFFD000  }
0x58: {  	_ =	swait.ge @!p0 [sflag:s8], $0x3000  }
0x59: {  	[sflag:s8] =	ssyncset.done @!p0 $0x0  }
0x5a: {  	[sflag:s8] =	ssyncadd.s32 @!p0 $0xFFFFD000  }
0x5b: {  	s8 =	smul.u32 $0xAB, s29;
	_ =	sdelay $0x1  }
0x5c: {  	s8 =	sshrl.u32 s8, $0x9  }
0x5d: {  	s8 =	sand.u32 $0x7F, s8  }
0x5e: {  	s8 =	smul.u32 $0x3, s8;
	_ =	sdelay $0x1  }
0x5f: {  	s8 =	ssub.s32 s29, s8  }
0x60: {  	s8 =	sand.u32 $0xFF, s8  }
0x61: {  	s8 =	smul.u32 $0xC000, s8;
	_ =	sdelay $0x1  }
0x62: {  	s9 =	sand.u32 $0xE00, s23;
	s8 =	sshrl.u32 s8, $0x2  }
0x63: {  	p0 =	sgt.u32 s31, $0x65;
	s9 =	sshrl.u32 s9, $0x2;
	s8 =	sor.u32 $0x800, s8  }
0x64: {  	[tilespmem:s8], [sflag:$0x2] =	stream.indirect.gather [hbm4b:s4+s28], $0x80, s9, s28, $0xb8;
	[tilespmem:$0x1D800] =	vst v63  }
0x65: {  	s8 =	sand.u32 @!p0 $0x7C00, s26  }
0x66: {  	s9 =	sand.u32 @!p0 $0x380, s26;
	s8 =	sadd.s32 @!p0 s7, s8  }
0x67: {  	s8 =	sor.u32 @!p0 s9, s8  }
.Ltmp5:
0x68: {  	s8 =	sshrl.u32 @!p0 s8, $0x3;
	(pc) =	sbr.rel .LBB2_4-.Ltmp5, $4  }
0x69: {  	s11 =	simm.s32 @!p0 $0x0;
	s10 =	sadd.s32 @!p0 s5, s8  }
0x6a: {  	[tilespmem:s9], [sflag:$0x1] =	stream.linear.gather @!p0 [hbm4b:s10+s11], $0x80, $0x38;
	[tilespmem:$0x1D800] =	vst v63  }
0x6b: {  	s8 =	sadd.s32 @!p0 s6, s8;
	s9 =	sor.u32 @!p0 $0x400, s9  }
0x6c: {  	[tilespmem:s9], [sflag:$0x1] =	stream.linear.gather @!p0 [hbm4b:s8+s11], $0x80, $0x38;
	[tilespmem:$0x1D800] =	vst v63  }
.LBB2_6:
0x6d: {  	_ =	sfence.sel $0x180000  }
0x6e: {  	[bflag:$0x0] =	sbarrier.arrive $0xFFFF  }
0x6f: {  	_ =	strace $0x9000004D  }
0x70: {  	s0 =	stileid.u32;
	[bflag:$0x2] =	sbarrier.arrive $0xFFFF  }
0x71: {  	p0 =	sne.s32 s0, $0x0;
	s0 =	rddreg [dreg:$0x2]  }
0x72: {  	s0 =	sadd.s32 @!p0 $0x100000, s0  }
0x73: {  	[sflag:s0] =	ssyncadd.tile.s32 @!p0 $0x1;
	_ =	shalt  }
.Lfunc_end2:
_tile_overlayer_lowered:
.L_overlay_start_2:
0x74: {  	(tag) =	ssettag $0x2  }
0x75: {  	s0 =	rddreg [dreg:$0x0];
	s2 =	stileid.u32  }
0x76: {  	s1 =	rddreg [dreg:$0x1];
	p0 =	sne.s32 s2, $0x0  }
0x77: {  	s3 =	rddreg [dreg:$0x2];
	[bflag:$0x3] =	sbarrier.arrive $0xFFFF;
	s2 =	simm.s32 @!p0 $0x1C04  }
0x78: {  	[timem:s3], [sflag:s2] =	dma.local @!p0 [hbm:s0], s1  }
0x79: {  	s0 =	simm.s32 @!p0 $0x4  }
0x7a: {  	_ =	swait.ge @!p0 [sflag:s0], s1  }
0x7b: {  	s1 =	ssub.s32 @!p0 $0x0, s1;
	[sflag:s0] =	ssyncset.done @!p0 $0x0  }
0x7c: {  	[sflag:s0] =	ssyncadd.s32 @!p0 s1  }
0x7d: {  	[bflag:$0x3] =	sbarrier.arrive $0xFFFF  }
0x7e: {  	_ =	shalt  }

// kernel: kernel.23.cloned.1.call-start
scs
__scs_entry_jumppad:
0x0: {  	(pc) =	sbr.rel $0x88, $3  }
0x1: {  	(tag) =	ssettag $0x0;
	lr =	simm.s32 $0x1  }
0x2: {  	[smem:$0x3F91] =	sst lr;
	_ =	strace $0xD0000000  }
0x3: {  	_ = 	snop  }
0x4: {  	_ = 	snop  }
0x5: {  	_ = 	snop  }
0x6: {  	_ = 	snop  }
0x7: {  	_ = 	snop  }
__scs_overlays_trampoline_lowered:
0x8: {  	[smem:$0x3FA0] =	sst s0  }
0x9: {  	[smem:$0x3FA1] =	sst s1  }
0xa: {  	[smem:$0x3FA2] =	sst s2  }
0xb: {  	[smem:$0x3FA3] =	sst s3  }
0xc: {  	[smem:$0x3FA4] =	sst s4  }
0xd: {  	[smem:$0x3FA5] =	sst s5  }
0xe: {  	[smem:$0x3FA6] =	sst s6  }
0xf: {  	[smem:$0x3FA7] =	sst s7  }
0x10: {  	[smem:$0x3FA8] =	sst s8  }
0x11: {  	[smem:$0x3FA9] =	sst s9;
	s0 =	simm.s32 @!p0 $0x0  }
0x12: {  	s1 =	sld [smem:$0x3F8F];
	s0 =	simm.s32 @p0 $0x1  }
0x13: {  	[smem:$0x3FAA] =	sst s0;
	s0 =	simm.s32 @!p1 $0x0  }
0x14: {  	s2 =	sld [smem:$0x3F8E];
	s0 =	simm.s32 @p1 $0x1  }
0x15: {  	[smem:$0x3FAB] =	sst s0;
	s0 =	simm.s32 @!p2 $0x0  }
0x16: {  	s3 =	sld [smem:$0x3FDB];
	s0 =	simm.s32 @p2 $0x1  }
0x17: {  	s4 =	simm.s32 $0x1BF5;
	[smem:$0x3FAD] =	sst s0  }
0x18: {  	s0 =	sld [smem:$0x3F90];
	_ =	swait.ge [sflag:s4], $0x0  }
0x19: {  	s7 =	sld [smem:$0x3F91]  }
0x1a: {  	s8 =	sadd.s32 $0xFFFFE003, lr  }
0x1b: {  	s9 =	sadd.s32 $0xFFFFFEF7, lr;
	s5 =	simm.s32 $0xFFFFFFFF;
	p2 =	slt.u32 s8, $0xFFFFF086  }
0x1c: {  	p1 =	slt.u32 s9, $0xF7A;
	s5 =	simm.s32 @!p2 $0x0  }
0x1d: {  	s5 =	simm.s32 @p1 $0x1;
	p0 =	seq.s32 s7, s2  }
0x1e: {  	s7 =	smul.u32 @!p0 $0xF7A, s2;
	p2 =	seq.s32 @!p0 s5, $0x0  }
0x1f: {  	s9 =	smul.u32 $0xF7A, s1;
	s8 =	simm.s32 @!p0 $0x1BF5;
	p2 =	por !p2, p0  }
0x20: {  	[sflag:s8] =	ssyncset.s32 @!p0 $0xFFFFF086;
	s6 =	sadd.s32 @!p0 s3, s7;
	s7 =	simm.s32 @!p0 $0x108  }
0x21: {  	s3 =	sadd.s32 s3, s9;
	s6 =	sadd.s32 @!p0 $0x88, s6;
	s7 =	simm.s32 @p2 $0x1082  }
0x22: {  	[simem:s7], [sflag:s8] =	dma.local @!p0 [hbm:s6], $0xF7A  }
0x23: {  	s9 =	sor.u32 $0xD0000000, s2;
	s6 =	simm.s32 $0x108;
	_ =	swait.ge @!p0 [sflag:s8], $0x0  }
0x24: {  	s3 =	sadd.s32 $0x88, s3;
	s6 =	simm.s32 @!p1 $0x1082;
	[sflag:s4] =	ssyncset.s32 $0xFFFFF086  }
0x25: {  	[simem:s6], [sflag:s4] =	dma.local [hbm:s3], $0xF7A  }
0x26: {  	[smem:$0x3F91] =	sst s1;
	(tag) =	ssettag s2;
	_ =	strace s9  }
0x27: {  	s1 =	sld [smem:$0x3FA1]  }
0x28: {  	s2 =	sld [smem:$0x3FA2]  }
0x29: {  	s4 =	sld [smem:$0x3FA4]  }
0x2a: {  	p0 =	seq.s32 s5, $0x0;
	s5 =	sld [smem:$0x3FA5]  }
0x2b: {  	s6 =	sld [smem:$0x3FA6]  }
0x2c: {  	s7 =	sld [smem:$0x3FA7]  }
0x2d: {  	s3 =	simm.s32 $0x108;
	s8 =	sld [smem:$0x3FA8]  }
0x2e: {  	s3 =	simm.s32 @!p0 $0x1082;
	s9 =	sld [smem:$0x3FA9]  }
0x2f: {  	lr =	sadd.s32 s0, s3;
	s0 =	sld [smem:$0x3FA0]  }
0x30: {  	s3 =	sld [smem:$0x3FA3]  }
0x31: {  	[smem:$0x3FAC] =	sst s10  }
0x32: {  	s10 =	sld [smem:$0x3FAA];
	_ =	sdelay $0x3  }
0x33: {  	p0 =	seq.s32 s10, $0x1;
	s10 =	sld [smem:$0x3FAC];
	_ =	sdelay $0x3  }
0x34: {  	[smem:$0x3FAC] =	sst s10  }
0x35: {  	s10 =	sld [smem:$0x3FAB];
	_ =	sdelay $0x3  }
0x36: {  	p1 =	seq.s32 s10, $0x1;
	s10 =	sld [smem:$0x3FAC];
	_ =	sdelay $0x3  }
0x37: {  	[smem:$0x3FAC] =	sst s10  }
0x38: {  	s10 =	sld [smem:$0x3FAD]  }
0x39: {  	_ = 	snop;
	(pc) =	sbr.ind lr, $3  }
0x3a: {  	_ = 	snop  }
0x3b: {  	_ = 	snop  }
0x3c: {  	p2 =	seq.s32 s10, $0x1;
	s10 =	sld [smem:$0x3FAC]  }
0x3d: {  	_ =	shalt  }
0x3e: {  	_ =	shalt  }
0x3f: {  	_ =	shalt  }
0x40: {  	_ =	shalt  }
0x41: {  	_ =	shalt  }
0x42: {  	_ =	shalt  }
0x43: {  	_ =	shalt  }
0x44: {  	_ =	shalt  }
0x45: {  	_ =	shalt  }
0x46: {  	_ =	shalt  }
0x47: {  	_ =	shalt  }
0x48: {  	_ =	shalt  }
0x49: {  	_ =	shalt  }
0x4a: {  	_ =	shalt  }
0x4b: {  	_ =	shalt  }
0x4c: {  	_ =	shalt  }
0x4d: {  	_ =	shalt  }
0x4e: {  	_ =	shalt  }
0x4f: {  	_ =	shalt  }
0x50: {  	_ =	shalt  }
0x51: {  	_ =	shalt  }
0x52: {  	_ =	shalt  }
0x53: {  	_ =	shalt  }
0x54: {  	_ =	shalt  }
0x55: {  	_ =	shalt  }
0x56: {  	_ =	shalt  }
0x57: {  	_ =	shalt  }
0x58: {  	_ =	shalt  }
0x59: {  	_ =	shalt  }
0x5a: {  	_ =	shalt  }
0x5b: {  	_ =	shalt  }
0x5c: {  	_ =	shalt  }
0x5d: {  	_ =	shalt  }
0x5e: {  	_ =	shalt  }
0x5f: {  	_ =	shalt  }
0x60: {  	_ =	shalt  }
0x61: {  	_ =	shalt  }
0x62: {  	_ =	shalt  }
0x63: {  	_ =	shalt  }
0x64: {  	_ =	shalt  }
0x65: {  	_ =	shalt  }
0x66: {  	_ =	shalt  }
0x67: {  	_ =	shalt  }
0x68: {  	_ =	shalt  }
0x69: {  	_ =	shalt  }
0x6a: {  	_ =	shalt  }
0x6b: {  	_ =	shalt  }
0x6c: {  	_ =	shalt  }
0x6d: {  	_ =	shalt  }
0x6e: {  	_ =	shalt  }
0x6f: {  	_ =	shalt  }
0x70: {  	_ =	shalt  }
0x71: {  	_ =	shalt  }
0x72: {  	_ =	shalt  }
0x73: {  	_ =	shalt  }
0x74: {  	_ =	shalt  }
0x75: {  	_ =	shalt  }
0x76: {  	_ =	shalt  }
0x77: {  	_ =	shalt  }
0x78: {  	_ =	shalt  }
0x79: {  	_ =	shalt  }
0x7a: {  	_ =	shalt  }
0x7b: {  	_ =	shalt  }
0x7c: {  	_ =	shalt  }
0x7d: {  	_ =	shalt  }
0x7e: {  	_ =	shalt  }
0x7f: {  	_ =	shalt  }
0x80: {  	_ =	shalt  }
0x81: {  	_ =	shalt  }
0x82: {  	_ =	shalt  }
0x83: {  	_ =	shalt  }
0x84: {  	_ =	shalt  }
0x85: {  	_ =	shalt  }
0x86: {  	_ =	shalt  }
0x87: {  	_ =	shalt  }
.Lfunc_end0:
.L_simem_size_0:
called_computation.3_lowered:
.L_overlay_start_0:
0x88: {  	s2 =	sld [smem:$0x3FD9]  }
0x89: {  	s3 =	sld [smem:$0x3FFE];
	_ =	sdelay $0x1  }
0x8a: {  	s1 =	srdreg.scid  }
0x8b: {  	s0 =	sand.u32 $0x1, s1  }
0x8c: {  	s16 =	sshll.u32 s0, $0xA;
	s2 =	sadd.s32 s3, s2  }
0x8d: {  	s2 =	sadd.s32 s2, s16  }
0x8e: {  	[smem:$0x3FB8] =	sst s2  }
0x8f: {  	_ = 	snop  }
0x90: {  	(tm) =	ssettm $0x1  }
0x91: {  	s17 =	sld [smem:$0x3FFB];
	_ =	sdelay $0x3  }
0x92: {  	_ =	strace s17  }
0x93: {  	s2 =	sld [smem:$0x3FFC];
	_ =	sdelay $0x3  }
0x94: {  	_ =	strace s2  }
0x95: {  	s2 =	sld [smem:$0x3FFD];
	_ =	sdelay $0x3  }
0x96: {  	_ =	strace s2  }
0x97: {  	_ =	strace $0x8FFFFFFF  }
0x98: {  	s18 =	sld [smem:$0x3FDB];
	_ =	sdelay $0x1  }
0x99: {  	s19 =	simm.s32 $_scs_section_size  }
0x9a: {  	s4 =	simm.s32 $_size__tile_overlayer_lowered;
	s5 =	simm.s32 $_tile_overlayer_lowered  }
0x9b: {  	s22 =	simm.s32 $0x1BFF;
	s21 =	sshll.u32 s5, $0x1;
	s2 =	sadd.s32 s19, s18  }
0x9c: {  	s6 =	simm.s32 $0x0;
	s20 =	sshll.u32 s4, $0x1;
	s4 =	sadd.s32 s21, s2  }
0x9d: {  	[timem:s6], [sflag:s22] =	dma.local [hbm:s4], s20  }
0x9e: {  	_ =	swait.ge [sflag:s22], s20  }
0x9f: {  	s3 =	ssub.s32 $0x0, s20;
	[sflag:s22] =	ssyncset.done $0x0  }
0xa0: {  	[sflag:s22] =	ssyncadd.s32 s3;
	_ =	sdelay $0x1  }
0xa1: {  	s23 =	simm.s32 $0x1B8B  }
0xa2: {  	_ =	swait.ge [sflag:s23], $0x1  }
0xa3: {  	[sflag:s23] =	ssyncset.done $0x0  }
0xa4: {  	s25 =	simm.s32 $0x1B8E;
	s24 =	sld [smem:$0x3FFE];
	[sflag:s23] =	ssyncadd.s32 $0xFFFFFFFF  }
0xa5: {  	s26 =	simm.s32 $execute0_lowered;
	[smem:$0x3FD2] =	sst s25  }
0xa6: {  	s4 =	sshll.u32 s26, $0x1;
	_ =	strace $0x8000004F;
	[dreg:$0x1] =	wrdreg $0xFFFFFFFF  }
0xa7: {  	s28 =	simm.s32 $_size_execute0_lowered;
	s2 =	sadd.s32 s2, s4;
	[dreg:$0x0] =	wrdreg $0x0  }
0xa8: {  	s4 =	sshll.u32 s28, $0x1;
	[dreg:$0x2] =	wrdreg s2  }
0xa9: {  	[dreg:$0x3] =	wrdreg s4  }
0xaa: {  	[dreg:$0x4] =	wrdreg $0xC0  }
0xab: {  	_ =	task [dreg:s6], $0x5FFFF  }
0xac: {  	[dreg:$0x1] =	wrdreg $0xFFFFFFFF  }
0xad: {  	[dreg:$0x0] =	wrdreg $0x60  }
0xae: {  	[dreg:$0x2] =	wrdreg s24  }
0xaf: {  	[dreg:$0x3] =	wrdreg $0x98000  }
0xb0: {  	[dreg:$0x4] =	wrdreg $0x9  }
0xb1: {  	_ =	task.clear_ibuf [dreg:s6], $0x5FFFF;
	_ =	strace $0x9000004F  }
0xb2: {  	s29 =	simm.s32 $0x9;
	_ =	strace $0x80000051  }
0xb3: {  	_ =	swait.ge [sflag:s29], $0x1  }
0xb4: {  	[sflag:s29] =	ssyncadd.s32 $0xFFFFFFFF  }
0xb5: {  	_ =	strace $0x90000051  }
0xb6: {  	_ =	sfence  }
0xb7: {  	s30 =	sld [smem:$0x0];
	_ =	sdelay $0x2  }
0xb8: {  	s31 =	sshll.u32 s1, $0xD;
	s1 =	sshrl.u32 s1, $0x2  }
0xb9: {  	s3 =	sand.u32 $0x4000, s31;
	s1 =	sadd.s32 s1, s30  }
0xba: {  	s0 =	sor.u32 s3, s0;
	s1 =	sshll.u32 s1, $0x11  }
0xbb: {  	s0 =	sor.u32 s1, s0  }
0xbc: {  	s0 =	sadd.s32 $0x8F2B, s0  }
0xbd: {  	[sflag:s0] =	ssyncadd.remote.s32 $0x1  }
0xbe: {  	_ =	sfence.sel $0xFFFF  }
0xbf: {  	[dreg:$0x0] =	wrdreg $0xFFFFFFFF;
	(pc) =	sbr.abs _section_cstart, $3  }
0xc0: {  	[dreg:$0x1] =	wrdreg $0xFFFFFFFF  }
0xc1: {  	_ =	task.clear_ibuf [dreg:s6], $0x2FFFF;
	_ =	strace $0x9FFFFFFF  }
0xc2: {  	(tm) =	ssettm $0x7FFFFFFF  }
0xc3: {  	_ =	shalt  }
tec
execute0_lowered:
.L_overlay_start_1:
0x0: {  	(tag) =	ssettag $0x1  }
0x1: {  	s0 =	rddreg [dreg:$0x0]  }
0x2: {  	s1 =	rddreg [dreg:$0x1];
	s3 =	simm.s32 $0x0  }
0x3: {  	s12 =	stileid.u32;
	s2 =	srdreg.scid;
	s20 =	simm.s32 $0x4  }
0x4: {  	s21 =	simm.s32 $0x80;
	s28 =	simm.s32 $0x60;
	s30 =	simm.s32 $0x1  }
0x5: {  	s22 =	simm.s32 $0x0;
	[smem:$0x7FF] =	sst s3;
	s4 =	sadd.s32 $0x69A00, s0  }
0x6: {  	s8 =	smul.u32 $0x14000, s12;
	s2 =	sand.u32 $0x1, s2;
	s6 =	sshll.u32 s12, $0x1  }
0x7: {  	s5 =	sadd.s32 $0xC7A00, s0;
	s16 =	smul.u32 $0x50000, s12;
	_ =	strace $0x80000050  }
0x8: {  	s9 =	smul.u32 $0x140000, s2;
	s7 =	sor.u32 s2, s6;
	s6 =	sadd.s32 $0x91A00, s0  }
0x9: {  	s2 =	ssub.s32 $0x2, s2;
	s10 =	sshrl.u32 s8, $0x3;
	s7 =	smul.u32 $0x3800, s7  }
0xa: {  	s24 =	sshrl.u32 s2, $0x1;
	s16 =	sshrl.u32 s16, $0x2;
	s17 =	sadd.s32 s10, s0  }
0xb: {  	s8 =	sadd.s32 s8, s9;
	s2 =	ssub.s32 s2, s24;
	s16 =	sadd.s32 s16, s1  }
0xc: {  	s8 =	sshrl.u32 s8, $0x3;
	s14 =	sshrl.u32 s7, $0x3;
	s17 =	sadd.s32 $0x19A00, s17  }
0xd: {  	s19 =	smax.u32 s2, $0x1;
	s2 =	simm.s32 $0x3;
	s0 =	sadd.s32 s8, s0  }
0xe: {  	s11 =	sor.u32 $0x10, s14;
	s25 =	sadd.s32 s5, s14;
	s26 =	sadd.s32 s6, s14  }
.Ltmp0:
0xf: {  	s13 =	sor.u32 $0x20, s14;
	[dreg:$0x3] =	wrdreg s25;
	(pc) =	sbr.rel .LBB2_1-.Ltmp0, $4  }
0x10: {  	s15 =	sor.u32 $0x30, s14;
	[dreg:$0x4] =	wrdreg s26;
	s29 =	sadd.s32 s5, s11  }
0x11: {  	s31 =	sadd.s32 s6, s11;
	s12 =	sadd.s32 s5, s13;
	s13 =	sadd.s32 s6, s13  }
0x12: {  	s14 =	sadd.s32 s5, s15;
	s15 =	sadd.s32 s6, s15;
	[dreg:$0x5] =	wrdreg s29  }
0x13: {  	s18 =	sadd.s32 $0xD5A00, s0;
	s0 =	simm.s32 $0x2;
	[dreg:$0x6] =	wrdreg s31  }
.LBB2_5:
0x14: {  	_ =	swait.ge [sflag:s2], $0x3000  }
0x15: {  	s22 =	sadd.s32 $0x1, s22;
	[sflag:s2] =	ssyncset.done $0x0  }
0x16: {  	p0 =	sne.s32 s22, s19;
	[sflag:s2] =	ssyncadd.s32 $0xFFFFD000  }
.Ltmp1:
0x17: {  	[bflag:$0x0] =	sbarrier.arrive $0xFFFF;
	(pc) =	sbr.rel @!p0 .LBB2_6-.Ltmp1, $4  }
0x18: {  	[hbm:s18], [sflag:s24] =	dma.local [spmem:s25], $0x2800  }
0x19: {  	_ =	swait.ge [sflag:s20], $0x2800  }
0x1a: {  	[sflag:s20] =	ssyncset.done $0x0  }
0x1b: {  	[sflag:s20] =	ssyncadd.s32 $0xFFFFD800  }
.LBB2_1:
0x1c: {  	s8 =	rddreg [dreg:$0x3]  }
0x1d: {  	[tilespmem:s3], [sflag:$0x4] =	stream.linear.gather [hbm4b:s8+s3], $0x80, $0x38;
	[tilespmem:$0x1D800] =	vst v63  }
0x1e: {  	_ =	swait.ge [sflag:s20], $0x80  }
0x1f: {  	[sflag:s20] =	ssyncset.done $0x0  }
0x20: {  	s23 =	simm.s32 $0x400;
	s25 =	rddreg [dreg:$0x4];
	[sflag:s20] =	ssyncadd.s32 $0xFFFFFF80  }
0x21: {  	[tilespmem:s23], [sflag:$0x4] =	stream.linear.gather [hbm4b:s25+s3], $0x80, $0x38;
	[tilespmem:$0x1D800] =	vst v63  }
0x22: {  	_ =	swait.ge [sflag:s20], $0x80  }
0x23: {  	[sflag:s20] =	ssyncset.done $0x0  }
0x24: {  	s26 =	rddreg [dreg:$0x5];
	[sflag:s20] =	ssyncadd.s32 $0xFFFFFF80  }
0x25: {  	[tilespmem:s21], [sflag:$0x1] =	stream.linear.gather [hbm4b:s26+s3], $0x80, $0x38;
	[tilespmem:$0x1D800] =	vst v63  }
0x26: {  	s9 =	simm.s32 $0x480;
	s31 =	rddreg [dreg:$0x6]  }
0x27: {  	[tilespmem:s9], [sflag:$0x1] =	stream.linear.gather [hbm4b:s31+s3], $0x80, $0x38;
	[tilespmem:$0x1D800] =	vst v63  }
0x28: {  	s9 =	simm.s32 $0x100  }
0x29: {  	[tilespmem:s9], [sflag:$0x1] =	stream.linear.gather [hbm4b:s12+s3], $0x80, $0x38;
	[tilespmem:$0x1D800] =	vst v63  }
0x2a: {  	s10 =	simm.s32 $0x500  }
0x2b: {  	[tilespmem:s10], [sflag:$0x1] =	stream.linear.gather [hbm4b:s13+s3], $0x80, $0x38;
	[tilespmem:$0x1D800] =	vst v63  }
0x2c: {  	s11 =	simm.s32 $0x180  }
0x2d: {  	[tilespmem:s11], [sflag:$0x1] =	stream.linear.gather [hbm4b:s14+s3], $0x80, $0x38;
	[tilespmem:$0x1D800] =	vst v63  }
0x2e: {  	s24 =	simm.s32 $0x580  }
0x2f: {  	[tilespmem:s24], [sflag:$0x1] =	stream.linear.gather [hbm4b:s15+s3], $0x80, $0x38;
	[tilespmem:$0x1D800] =	vst v63  }
0x30: {  	s25 =	simm.s32 $0x800  }
0x31: {  	[tilespmem:s25], [sflag:$0x2] =	stream.indirect.gather [hbm4b:s4+s28], $0x80, s3, s28, $0xb8;
	[tilespmem:$0x1D800] =	vst v63  }
0x32: {  	_ =	swait.ge [sflag:s30], $0x80  }
0x33: {  	[sflag:s30] =	ssyncset.done $0x0  }
0x34: {  	[sflag:s30] =	ssyncadd.s32 $0xFFFFFF80  }
0x35: {  	s31 =	stileid.u32;
	_ =	swait.ge [sflag:s30], $0x80  }
0x36: {  	s26 =	simm.s32 $0x3800;
	s24 =	sshll.u32 s31, $0x6;
	[sflag:s30] =	ssyncset.done $0x0  }
0x37: {  	s24 =	sor.u32 $0x1C04, s24;
	s25 =	sshrl.u32 s16, $0x3;
	[sflag:s30] =	ssyncadd.s32 $0xFFFFFF80  }
0x38: {  	[tilespmem:s26], [sflag:$0x2] =	stream.indirect.gather [hbm4b:s4+s28], $0x80, s21, s28, $0xb8;
	[tilespmem:$0x1D800] =	vst v63  }
0x39: {  	[spmem:s25], [sflag:s24] =	dma.local [hbm:s17], $0x2800  }
.Ltmp2:
0x3a: {  	_ =	swait.ge [sflag:s20], $0x2800;
	(pc) =	sbr.rel .LBB2_2-.Ltmp2, $4  }
0x3b: {  	[sflag:s20] =	ssyncset.done $0x0  }
0x3c: {  	[sflag:s20] =	ssyncadd.s32 $0xFFFFD800  }
0x3d: {  	[bflag:$0x0] =	sbarrier.arrive $0xFFFF  }
0x3e: {  	s29 =	simm.s32 $0x2;
	s26 =	simm.s32 $0x200  }
.LBB2_4:
0x3f: {  	s8 =	smul.u32 $0xAB, s31;
	_ =	sdelay $0x1  }
0x40: {  	s8 =	sshrl.u32 s8, $0x9  }
0x41: {  	s8 =	sand.u32 $0x7F, s8  }
0x42: {  	s8 =	smul.u32 $0x3, s8;
	_ =	sdelay $0x1  }
0x43: {  	s8 =	ssub.s32 s31, s8  }
0x44: {  	s29 =	sadd.s32 $0x1, s29;
	s8 =	sand.u32 $0xFF, s8  }
0x45: {  	p0 =	sne.s32 s29, $0x6C;
	s8 =	smul.u32 $0xC000, s8  }
.Ltmp3:
0x46: {  	s9 =	sadd.s32 $0xFFFFFC00, s23;
	(pc) =	sbr.rel @!p0 .LBB2_5-.Ltmp3, $4  }
0x47: {  	s9 =	sand.u32 $0xE00, s9  }
0x48: {  	s26 =	sadd.s32 $0x80, s26;
	s9 =	sshrl.u32 s9, $0x2;
	s8 =	sshrl.u32 s8, $0x2  }
0x49: {  	s23 =	sadd.s32 $0x200, s23;
	s9 =	sor.u32 $0x400, s9;
	s8 =	sor.u32 $0x800, s8  }
0x4a: {  	[spmem:s1] =	stream.indirect.scatter.add.f32 [tilespmem:s8], [sflag:$0x3], $0x80, s9, s28, $0xb8;
	[tilespmem:$0x1D800] =	vst v63  }
.LBB2_2:
0x4b: {  	s31 =	sadd.s32 $0xFFFFFFFE, s29  }
0x4c: {  	p0 =	sgt.u32 s31, $0x67  }
0x4d: {  	s8 =	simm.s32 @!p0 $0x1  }
0x4e: {  	_ =	swait.ge @!p0 [sflag:s8], $0x80  }
0x4f: {  	[sflag:s8] =	ssyncset.done @!p0 $0x0  }
0x50: {  	[sflag:s8] =	ssyncadd.s32 @!p0 $0xFFFFFF80  }
0x51: {  	_ =	swait.ge @!p0 [sflag:s8], $0x80  }
0x52: {  	[sflag:s8] =	ssyncset.done @!p0 $0x0  }
0x53: {  	[sflag:s8] =	ssyncadd.s32 @!p0 $0xFFFFFF80;
	p0 =	seq.s32 s29, $0x2  }
0x54: {  	p1 =	sgt.u32 @!p0 s31, $0x67  }
0x55: {  	_ =	swait.ge [sflag:s0], $0x3000;
	p1 =	por p0, !p1  }
.Ltmp4:
0x56: {  	[sflag:s0] =	ssyncset.done $0x0;
	(pc) =	sbr.rel @!p1 .LBB2_4-.Ltmp4, $4  }
0x57: {  	s8 =	simm.s32 @!p0 $0x3;
	[sflag:s0] =	ssyncadd.s32 $0xFFFFD000  }
0x58: {  	_ =	swait.ge @!p0 [sflag:s8], $0x3000  }
0x59: {  	[sflag:s8] =	ssyncset.done @!p0 $0x0  }
0x5a: {  	[sflag:s8] =	ssyncadd.s32 @!p0 $0xFFFFD000  }
0x5b: {  	s8 =	smul.u32 $0xAB, s29;
	_ =	sdelay $0x1  }
0x5c: {  	s8 =	sshrl.u32 s8, $0x9  }
0x5d: {  	s8 =	sand.u32 $0x7F, s8  }
0x5e: {  	s8 =	smul.u32 $0x3, s8;
	_ =	sdelay $0x1  }
0x5f: {  	s8 =	ssub.s32 s29, s8  }
0x60: {  	s8 =	sand.u32 $0xFF, s8  }
0x61: {  	s8 =	smul.u32 $0xC000, s8;
	_ =	sdelay $0x1  }
0x62: {  	s9 =	sand.u32 $0xE00, s23;
	s8 =	sshrl.u32 s8, $0x2  }
0x63: {  	p0 =	sgt.u32 s31, $0x65;
	s9 =	sshrl.u32 s9, $0x2;
	s8 =	sor.u32 $0x800, s8  }
0x64: {  	[tilespmem:s8], [sflag:$0x2] =	stream.indirect.gather [hbm4b:s4+s28], $0x80, s9, s28, $0xb8;
	[tilespmem:$0x1D800] =	vst v63  }
0x65: {  	s8 =	sand.u32 @!p0 $0x7C00, s26  }
0x66: {  	s9 =	sand.u32 @!p0 $0x380, s26;
	s8 =	sadd.s32 @!p0 s7, s8  }
0x67: {  	s8 =	sor.u32 @!p0 s9, s8  }
.Ltmp5:
0x68: {  	s8 =	sshrl.u32 @!p0 s8, $0x3;
	(pc) =	sbr.rel .LBB2_4-.Ltmp5, $4  }
0x69: {  	s11 =	simm.s32 @!p0 $0x0;
	s10 =	sadd.s32 @!p0 s5, s8  }
0x6a: {  	[tilespmem:s9], [sflag:$0x1] =	stream.linear.gather @!p0 [hbm4b:s10+s11], $0x80, $0x38;
	[tilespmem:$0x1D800] =	vst v63  }
0x6b: {  	s8 =	sadd.s32 @!p0 s6, s8;
	s9 =	sor.u32 @!p0 $0x400, s9  }
0x6c: {  	[tilespmem:s9], [sflag:$0x1] =	stream.linear.gather @!p0 [hbm4b:s8+s11], $0x80, $0x38;
	[tilespmem:$0x1D800] =	vst v63  }
.LBB2_6:
0x6d: {  	_ =	sfence.sel $0x180000  }
0x6e: {  	[bflag:$0x0] =	sbarrier.arrive $0xFFFF  }
0x6f: {  	_ =	strace $0x90000050  }
0x70: {  	s0 =	stileid.u32;
	[bflag:$0x2] =	sbarrier.arrive $0xFFFF  }
0x71: {  	p0 =	sne.s32 s0, $0x0;
	s0 =	rddreg [dreg:$0x2]  }
0x72: {  	s0 =	sadd.s32 @!p0 $0x100000, s0  }
0x73: {  	[sflag:s0] =	ssyncadd.tile.s32 @!p0 $0x1;
	_ =	shalt  }
.Lfunc_end2:
_tile_overlayer_lowered:
.L_overlay_start_2:
0x74: {  	(tag) =	ssettag $0x2  }
0x75: {  	s0 =	rddreg [dreg:$0x0];
	s2 =	stileid.u32  }
0x76: {  	s1 =	rddreg [dreg:$0x1];
	p0 =	sne.s32 s2, $0x0  }
0x77: {  	s3 =	rddreg [dreg:$0x2];
	[bflag:$0x3] =	sbarrier.arrive $0xFFFF;
	s2 =	simm.s32 @!p0 $0x1C04  }
0x78: {  	[timem:s3], [sflag:s2] =	dma.local @!p0 [hbm:s0], s1  }
0x79: {  	s0 =	simm.s32 @!p0 $0x4  }
0x7a: {  	_ =	swait.ge @!p0 [sflag:s0], s1  }
0x7b: {  	s1 =	ssub.s32 @!p0 $0x0, s1;
	[sflag:s0] =	ssyncset.done @!p0 $0x0  }
0x7c: {  	[sflag:s0] =	ssyncadd.s32 @!p0 s1  }
0x7d: {  	[bflag:$0x3] =	sbarrier.arrive $0xFFFF  }
0x7e: {  	_ =	shalt  }

// kernel: kernel.26.cloned.1.call-start
scs
__scs_entry_jumppad:
0x0: {  	(pc) =	sbr.rel $0x88, $3  }
0x1: {  	(tag) =	ssettag $0x0;
	lr =	simm.s32 $0x1  }
0x2: {  	[smem:$0x3F91] =	sst lr;
	_ =	strace $0xD0000000  }
0x3: {  	_ = 	snop  }
0x4: {  	_ = 	snop  }
0x5: {  	_ = 	snop  }
0x6: {  	_ = 	snop  }
0x7: {  	_ = 	snop  }
__scs_overlays_trampoline_lowered:
0x8: {  	[smem:$0x3FA0] =	sst s0  }
0x9: {  	[smem:$0x3FA1] =	sst s1  }
0xa: {  	[smem:$0x3FA2] =	sst s2  }
0xb: {  	[smem:$0x3FA3] =	sst s3  }
0xc: {  	[smem:$0x3FA4] =	sst s4  }
0xd: {  	[smem:$0x3FA5] =	sst s5  }
0xe: {  	[smem:$0x3FA6] =	sst s6  }
0xf: {  	[smem:$0x3FA7] =	sst s7  }
0x10: {  	[smem:$0x3FA8] =	sst s8  }
0x11: {  	[smem:$0x3FA9] =	sst s9;
	s0 =	simm.s32 @!p0 $0x0  }
0x12: {  	s1 =	sld [smem:$0x3F8F];
	s0 =	simm.s32 @p0 $0x1  }
0x13: {  	[smem:$0x3FAA] =	sst s0;
	s0 =	simm.s32 @!p1 $0x0  }
0x14: {  	s2 =	sld [smem:$0x3F8E];
	s0 =	simm.s32 @p1 $0x1  }
0x15: {  	[smem:$0x3FAB] =	sst s0;
	s0 =	simm.s32 @!p2 $0x0  }
0x16: {  	s3 =	sld [smem:$0x3FDB];
	s0 =	simm.s32 @p2 $0x1  }
0x17: {  	s4 =	simm.s32 $0x1BF5;
	[smem:$0x3FAD] =	sst s0  }
0x18: {  	s0 =	sld [smem:$0x3F90];
	_ =	swait.ge [sflag:s4], $0x0  }
0x19: {  	s7 =	sld [smem:$0x3F91]  }
0x1a: {  	s8 =	sadd.s32 $0xFFFFE003, lr  }
0x1b: {  	s9 =	sadd.s32 $0xFFFFFEF7, lr;
	s5 =	simm.s32 $0xFFFFFFFF;
	p2 =	slt.u32 s8, $0xFFFFF086  }
0x1c: {  	p1 =	slt.u32 s9, $0xF7A;
	s5 =	simm.s32 @!p2 $0x0  }
0x1d: {  	s5 =	simm.s32 @p1 $0x1;
	p0 =	seq.s32 s7, s2  }
0x1e: {  	s7 =	smul.u32 @!p0 $0xF7A, s2;
	p2 =	seq.s32 @!p0 s5, $0x0  }
0x1f: {  	s9 =	smul.u32 $0xF7A, s1;
	s8 =	simm.s32 @!p0 $0x1BF5;
	p2 =	por !p2, p0  }
0x20: {  	[sflag:s8] =	ssyncset.s32 @!p0 $0xFFFFF086;
	s6 =	sadd.s32 @!p0 s3, s7;
	s7 =	simm.s32 @!p0 $0x108  }
0x21: {  	s3 =	sadd.s32 s3, s9;
	s6 =	sadd.s32 @!p0 $0x88, s6;
	s7 =	simm.s32 @p2 $0x1082  }
0x22: {  	[simem:s7], [sflag:s8] =	dma.local @!p0 [hbm:s6], $0xF7A  }
0x23: {  	s9 =	sor.u32 $0xD0000000, s2;
	s6 =	simm.s32 $0x108;
	_ =	swait.ge @!p0 [sflag:s8], $0x0  }
0x24: {  	s3 =	sadd.s32 $0x88, s3;
	s6 =	simm.s32 @!p1 $0x1082;
	[sflag:s4] =	ssyncset.s32 $0xFFFFF086  }
0x25: {  	[simem:s6], [sflag:s4] =	dma.local [hbm:s3], $0xF7A  }
0x26: {  	[smem:$0x3F91] =	sst s1;
	(tag) =	ssettag s2;
	_ =	strace s9  }
0x27: {  	s1 =	sld [smem:$0x3FA1]  }
0x28: {  	s2 =	sld [smem:$0x3FA2]  }
0x29: {  	s4 =	sld [smem:$0x3FA4]  }
0x2a: {  	p0 =	seq.s32 s5, $0x0;
	s5 =	sld [smem:$0x3FA5]  }
0x2b: {  	s6 =	sld [smem:$0x3FA6]  }
0x2c: {  	s7 =	sld [smem:$0x3FA7]  }
0x2d: {  	s3 =	simm.s32 $0x108;
	s8 =	sld [smem:$0x3FA8]  }
0x2e: {  	s3 =	simm.s32 @!p0 $0x1082;
	s9 =	sld [smem:$0x3FA9]  }
0x2f: {  	lr =	sadd.s32 s0, s3;
	s0 =	sld [smem:$0x3FA0]  }
0x30: {  	s3 =	sld [smem:$0x3FA3]  }
0x31: {  	[smem:$0x3FAC] =	sst s10  }
0x32: {  	s10 =	sld [smem:$0x3FAA];
	_ =	sdelay $0x3  }
0x33: {  	p0 =	seq.s32 s10, $0x1;
	s10 =	sld [smem:$0x3FAC];
	_ =	sdelay $0x3  }
0x34: {  	[smem:$0x3FAC] =	sst s10  }
0x35: {  	s10 =	sld [smem:$0x3FAB];
	_ =	sdelay $0x3  }
0x36: {  	p1 =	seq.s32 s10, $0x1;
	s10 =	sld [smem:$0x3FAC];
	_ =	sdelay $0x3  }
0x37: {  	[smem:$0x3FAC] =	sst s10  }
0x38: {  	s10 =	sld [smem:$0x3FAD]  }
0x39: {  	_ = 	snop;
	(pc) =	sbr.ind lr, $3  }
0x3a: {  	_ = 	snop  }
0x3b: {  	_ = 	snop  }
0x3c: {  	p2 =	seq.s32 s10, $0x1;
	s10 =	sld [smem:$0x3FAC]  }
0x3d: {  	_ =	shalt  }
0x3e: {  	_ =	shalt  }
0x3f: {  	_ =	shalt  }
0x40: {  	_ =	shalt  }
0x41: {  	_ =	shalt  }
0x42: {  	_ =	shalt  }
0x43: {  	_ =	shalt  }
0x44: {  	_ =	shalt  }
0x45: {  	_ =	shalt  }
0x46: {  	_ =	shalt  }
0x47: {  	_ =	shalt  }
0x48: {  	_ =	shalt  }
0x49: {  	_ =	shalt  }
0x4a: {  	_ =	shalt  }
0x4b: {  	_ =	shalt  }
0x4c: {  	_ =	shalt  }
0x4d: {  	_ =	shalt  }
0x4e: {  	_ =	shalt  }
0x4f: {  	_ =	shalt  }
0x50: {  	_ =	shalt  }
0x51: {  	_ =	shalt  }
0x52: {  	_ =	shalt  }
0x53: {  	_ =	shalt  }
0x54: {  	_ =	shalt  }
0x55: {  	_ =	shalt  }
0x56: {  	_ =	shalt  }
0x57: {  	_ =	shalt  }
0x58: {  	_ =	shalt  }
0x59: {  	_ =	shalt  }
0x5a: {  	_ =	shalt  }
0x5b: {  	_ =	shalt  }
0x5c: {  	_ =	shalt  }
0x5d: {  	_ =	shalt  }
0x5e: {  	_ =	shalt  }
0x5f: {  	_ =	shalt  }
0x60: {  	_ =	shalt  }
0x61: {  	_ =	shalt  }
0x62: {  	_ =	shalt  }
0x63: {  	_ =	shalt  }
0x64: {  	_ =	shalt  }
0x65: {  	_ =	shalt  }
0x66: {  	_ =	shalt  }
0x67: {  	_ =	shalt  }
0x68: {  	_ =	shalt  }
0x69: {  	_ =	shalt  }
0x6a: {  	_ =	shalt  }
0x6b: {  	_ =	shalt  }
0x6c: {  	_ =	shalt  }
0x6d: {  	_ =	shalt  }
0x6e: {  	_ =	shalt  }
0x6f: {  	_ =	shalt  }
0x70: {  	_ =	shalt  }
0x71: {  	_ =	shalt  }
0x72: {  	_ =	shalt  }
0x73: {  	_ =	shalt  }
0x74: {  	_ =	shalt  }
0x75: {  	_ =	shalt  }
0x76: {  	_ =	shalt  }
0x77: {  	_ =	shalt  }
0x78: {  	_ =	shalt  }
0x79: {  	_ =	shalt  }
0x7a: {  	_ =	shalt  }
0x7b: {  	_ =	shalt  }
0x7c: {  	_ =	shalt  }
0x7d: {  	_ =	shalt  }
0x7e: {  	_ =	shalt  }
0x7f: {  	_ =	shalt  }
0x80: {  	_ =	shalt  }
0x81: {  	_ =	shalt  }
0x82: {  	_ =	shalt  }
0x83: {  	_ =	shalt  }
0x84: {  	_ =	shalt  }
0x85: {  	_ =	shalt  }
0x86: {  	_ =	shalt  }
0x87: {  	_ =	shalt  }
.Lfunc_end0:
.L_simem_size_0:
called_computation.4_lowered:
.L_overlay_start_0:
0x88: {  	s2 =	sld [smem:$0x3FD9]  }
0x89: {  	s3 =	sld [smem:$0x3FFE];
	_ =	sdelay $0x1  }
0x8a: {  	s1 =	srdreg.scid  }
0x8b: {  	s0 =	sand.u32 $0x1, s1  }
0x8c: {  	s16 =	sshll.u32 s0, $0xA;
	s2 =	sadd.s32 s3, s2  }
0x8d: {  	s2 =	sadd.s32 s2, s16  }
0x8e: {  	[smem:$0x3FB8] =	sst s2  }
0x8f: {  	_ = 	snop  }
0x90: {  	(tm) =	ssettm $0x1  }
0x91: {  	s17 =	sld [smem:$0x3FFB];
	_ =	sdelay $0x3  }
0x92: {  	_ =	strace s17  }
0x93: {  	s2 =	sld [smem:$0x3FFC];
	_ =	sdelay $0x3  }
0x94: {  	_ =	strace s2  }
0x95: {  	s2 =	sld [smem:$0x3FFD];
	_ =	sdelay $0x3  }
0x96: {  	_ =	strace s2  }
0x97: {  	_ =	strace $0x8FFFFFFF  }
0x98: {  	s18 =	sld [smem:$0x3FDB];
	_ =	sdelay $0x1  }
0x99: {  	s19 =	simm.s32 $_scs_section_size  }
0x9a: {  	s4 =	simm.s32 $_size__tile_overlayer_lowered;
	s5 =	simm.s32 $_tile_overlayer_lowered  }
0x9b: {  	s22 =	simm.s32 $0x1BFF;
	s21 =	sshll.u32 s5, $0x1;
	s2 =	sadd.s32 s19, s18  }
0x9c: {  	s6 =	simm.s32 $0x0;
	s20 =	sshll.u32 s4, $0x1;
	s4 =	sadd.s32 s21, s2  }
0x9d: {  	[timem:s6], [sflag:s22] =	dma.local [hbm:s4], s20  }
0x9e: {  	_ =	swait.ge [sflag:s22], s20  }
0x9f: {  	s3 =	ssub.s32 $0x0, s20;
	[sflag:s22] =	ssyncset.done $0x0  }
0xa0: {  	[sflag:s22] =	ssyncadd.s32 s3;
	_ =	sdelay $0x1  }
0xa1: {  	s23 =	simm.s32 $0x1B8B  }
0xa2: {  	_ =	swait.ge [sflag:s23], $0x1  }
0xa3: {  	[sflag:s23] =	ssyncset.done $0x0  }
0xa4: {  	s25 =	simm.s32 $0x1B8E;
	s24 =	sld [smem:$0x3FFE];
	[sflag:s23] =	ssyncadd.s32 $0xFFFFFFFF  }
0xa5: {  	s26 =	simm.s32 $execute0_lowered;
	[smem:$0x3FD2] =	sst s25  }
0xa6: {  	s4 =	sshll.u32 s26, $0x1;
	_ =	strace $0x80000052;
	[dreg:$0x1] =	wrdreg $0xFFFFFFFF  }
0xa7: {  	s28 =	simm.s32 $_size_execute0_lowered;
	s2 =	sadd.s32 s2, s4;
	[dreg:$0x0] =	wrdreg $0x0  }
0xa8: {  	s4 =	sshll.u32 s28, $0x1;
	[dreg:$0x2] =	wrdreg s2  }
0xa9: {  	[dreg:$0x3] =	wrdreg s4  }
0xaa: {  	[dreg:$0x4] =	wrdreg $0xC0  }
0xab: {  	_ =	task [dreg:s6], $0x5FFFF  }
0xac: {  	[dreg:$0x1] =	wrdreg $0xFFFFFFFF  }
0xad: {  	[dreg:$0x0] =	wrdreg $0x60  }
0xae: {  	[dreg:$0x2] =	wrdreg s24  }
0xaf: {  	[dreg:$0x3] =	wrdreg $0x98000  }
0xb0: {  	[dreg:$0x4] =	wrdreg $0x9  }
0xb1: {  	_ =	task.clear_ibuf [dreg:s6], $0x5FFFF;
	_ =	strace $0x90000052  }
0xb2: {  	s29 =	simm.s32 $0x9;
	_ =	strace $0x80000054  }
0xb3: {  	_ =	swait.ge [sflag:s29], $0x1  }
0xb4: {  	[sflag:s29] =	ssyncadd.s32 $0xFFFFFFFF  }
0xb5: {  	_ =	strace $0x90000054  }
0xb6: {  	_ =	sfence  }
0xb7: {  	s30 =	sld [smem:$0x0];
	_ =	sdelay $0x2  }
0xb8: {  	s31 =	sshll.u32 s1, $0xD;
	s1 =	sshrl.u32 s1, $0x2  }
0xb9: {  	s3 =	sand.u32 $0x4000, s31;
	s1 =	sadd.s32 s1, s30  }
0xba: {  	s0 =	sor.u32 s3, s0;
	s1 =	sshll.u32 s1, $0x11  }
0xbb: {  	s0 =	sor.u32 s1, s0  }
0xbc: {  	s0 =	sadd.s32 $0x8F2B, s0  }
0xbd: {  	[sflag:s0] =	ssyncadd.remote.s32 $0x1  }
0xbe: {  	_ =	sfence.sel $0xFFFF  }
0xbf: {  	[dreg:$0x0] =	wrdreg $0xFFFFFFFF;
	(pc) =	sbr.abs _section_cstart, $3  }
0xc0: {  	[dreg:$0x1] =	wrdreg $0xFFFFFFFF  }
0xc1: {  	_ =	task.clear_ibuf [dreg:s6], $0x2FFFF;
	_ =	strace $0x9FFFFFFF  }
0xc2: {  	(tm) =	ssettm $0x7FFFFFFF  }
0xc3: {  	_ =	shalt  }
tec
execute0_lowered:
.L_overlay_start_1:
0x0: {  	(tag) =	ssettag $0x1  }
0x1: {  	s0 =	rddreg [dreg:$0x0]  }
0x2: {  	s1 =	rddreg [dreg:$0x1];
	s3 =	simm.s32 $0x0  }
0x3: {  	s12 =	stileid.u32;
	s2 =	srdreg.scid;
	s20 =	simm.s32 $0x4  }
0x4: {  	s21 =	simm.s32 $0x80;
	s28 =	simm.s32 $0x60;
	s30 =	simm.s32 $0x1  }
0x5: {  	s22 =	simm.s32 $0x0;
	[smem:$0x7FF] =	sst s3;
	s4 =	sadd.s32 $0x69A00, s0  }
0x6: {  	s8 =	smul.u32 $0x14000, s12;
	s2 =	sand.u32 $0x1, s2;
	s6 =	sshll.u32 s12, $0x1  }
0x7: {  	s5 =	sadd.s32 $0xC7A00, s0;
	s16 =	smul.u32 $0x50000, s12;
	_ =	strace $0x80000053  }
0x8: {  	s9 =	smul.u32 $0x140000, s2;
	s7 =	sor.u32 s2, s6;
	s6 =	sadd.s32 $0x91A00, s0  }
0x9: {  	s2 =	ssub.s32 $0x2, s2;
	s10 =	sshrl.u32 s8, $0x3;
	s7 =	smul.u32 $0x3800, s7  }
0xa: {  	s24 =	sshrl.u32 s2, $0x1;
	s16 =	sshrl.u32 s16, $0x2;
	s17 =	sadd.s32 s10, s0  }
0xb: {  	s8 =	sadd.s32 s8, s9;
	s2 =	ssub.s32 s2, s24;
	s16 =	sadd.s32 s16, s1  }
0xc: {  	s8 =	sshrl.u32 s8, $0x3;
	s14 =	sshrl.u32 s7, $0x3;
	s17 =	sadd.s32 $0x19A00, s17  }
0xd: {  	s19 =	smax.u32 s2, $0x1;
	s2 =	simm.s32 $0x3;
	s0 =	sadd.s32 s8, s0  }
0xe: {  	s11 =	sor.u32 $0x10, s14;
	s25 =	sadd.s32 s5, s14;
	s26 =	sadd.s32 s6, s14  }
.Ltmp0:
0xf: {  	s13 =	sor.u32 $0x20, s14;
	[dreg:$0x3] =	wrdreg s25;
	(pc) =	sbr.rel .LBB2_1-.Ltmp0, $4  }
0x10: {  	s15 =	sor.u32 $0x30, s14;
	[dreg:$0x4] =	wrdreg s26;
	s29 =	sadd.s32 s5, s11  }
0x11: {  	s31 =	sadd.s32 s6, s11;
	s12 =	sadd.s32 s5, s13;
	s13 =	sadd.s32 s6, s13  }
0x12: {  	s14 =	sadd.s32 s5, s15;
	s15 =	sadd.s32 s6, s15;
	[dreg:$0x5] =	wrdreg s29  }
0x13: {  	s18 =	sadd.s32 $0xD5A00, s0;
	s0 =	simm.s32 $0x2;
	[dreg:$0x6] =	wrdreg s31  }
.LBB2_5:
0x14: {  	_ =	swait.ge [sflag:s2], $0x3000  }
0x15: {  	s22 =	sadd.s32 $0x1, s22;
	[sflag:s2] =	ssyncset.done $0x0  }
0x16: {  	p0 =	sne.s32 s22, s19;
	[sflag:s2] =	ssyncadd.s32 $0xFFFFD000  }
.Ltmp1:
0x17: {  	[bflag:$0x0] =	sbarrier.arrive $0xFFFF;
	(pc) =	sbr.rel @!p0 .LBB2_6-.Ltmp1, $4  }
0x18: {  	[hbm:s18], [sflag:s24] =	dma.local [spmem:s25], $0x2800  }
0x19: {  	_ =	swait.ge [sflag:s20], $0x2800  }
0x1a: {  	[sflag:s20] =	ssyncset.done $0x0  }
0x1b: {  	[sflag:s20] =	ssyncadd.s32 $0xFFFFD800  }
.LBB2_1:
0x1c: {  	s8 =	rddreg [dreg:$0x3]  }
0x1d: {  	[tilespmem:s3], [sflag:$0x4] =	stream.linear.gather [hbm4b:s8+s3], $0x80, $0x38;
	[tilespmem:$0x1D800] =	vst v63  }
0x1e: {  	_ =	swait.ge [sflag:s20], $0x80  }
0x1f: {  	[sflag:s20] =	ssyncset.done $0x0  }
0x20: {  	s23 =	simm.s32 $0x400;
	s25 =	rddreg [dreg:$0x4];
	[sflag:s20] =	ssyncadd.s32 $0xFFFFFF80  }
0x21: {  	[tilespmem:s23], [sflag:$0x4] =	stream.linear.gather [hbm4b:s25+s3], $0x80, $0x38;
	[tilespmem:$0x1D800] =	vst v63  }
0x22: {  	_ =	swait.ge [sflag:s20], $0x80  }
0x23: {  	[sflag:s20] =	ssyncset.done $0x0  }
0x24: {  	s26 =	rddreg [dreg:$0x5];
	[sflag:s20] =	ssyncadd.s32 $0xFFFFFF80  }
0x25: {  	[tilespmem:s21], [sflag:$0x1] =	stream.linear.gather [hbm4b:s26+s3], $0x80, $0x38;
	[tilespmem:$0x1D800] =	vst v63  }
0x26: {  	s9 =	simm.s32 $0x480;
	s31 =	rddreg [dreg:$0x6]  }
0x27: {  	[tilespmem:s9], [sflag:$0x1] =	stream.linear.gather [hbm4b:s31+s3], $0x80, $0x38;
	[tilespmem:$0x1D800] =	vst v63  }
0x28: {  	s9 =	simm.s32 $0x100  }
0x29: {  	[tilespmem:s9], [sflag:$0x1] =	stream.linear.gather [hbm4b:s12+s3], $0x80, $0x38;
	[tilespmem:$0x1D800] =	vst v63  }
0x2a: {  	s10 =	simm.s32 $0x500  }
0x2b: {  	[tilespmem:s10], [sflag:$0x1] =	stream.linear.gather [hbm4b:s13+s3], $0x80, $0x38;
	[tilespmem:$0x1D800] =	vst v63  }
0x2c: {  	s11 =	simm.s32 $0x180  }
0x2d: {  	[tilespmem:s11], [sflag:$0x1] =	stream.linear.gather [hbm4b:s14+s3], $0x80, $0x38;
	[tilespmem:$0x1D800] =	vst v63  }
0x2e: {  	s24 =	simm.s32 $0x580  }
0x2f: {  	[tilespmem:s24], [sflag:$0x1] =	stream.linear.gather [hbm4b:s15+s3], $0x80, $0x38;
	[tilespmem:$0x1D800] =	vst v63  }
0x30: {  	s25 =	simm.s32 $0x800  }
0x31: {  	[tilespmem:s25], [sflag:$0x2] =	stream.indirect.gather [hbm4b:s4+s28], $0x80, s3, s28, $0xb8;
	[tilespmem:$0x1D800] =	vst v63  }
0x32: {  	_ =	swait.ge [sflag:s30], $0x80  }
0x33: {  	[sflag:s30] =	ssyncset.done $0x0  }
0x34: {  	[sflag:s30] =	ssyncadd.s32 $0xFFFFFF80  }
0x35: {  	s31 =	stileid.u32;
	_ =	swait.ge [sflag:s30], $0x80  }
0x36: {  	s26 =	simm.s32 $0x3800;
	s24 =	sshll.u32 s31, $0x6;
	[sflag:s30] =	ssyncset.done $0x0  }
0x37: {  	s24 =	sor.u32 $0x1C04, s24;
	s25 =	sshrl.u32 s16, $0x3;
	[sflag:s30] =	ssyncadd.s32 $0xFFFFFF80  }
0x38: {  	[tilespmem:s26], [sflag:$0x2] =	stream.indirect.gather [hbm4b:s4+s28], $0x80, s21, s28, $0xb8;
	[tilespmem:$0x1D800] =	vst v63  }
0x39: {  	[spmem:s25], [sflag:s24] =	dma.local [hbm:s17], $0x2800  }
.Ltmp2:
0x3a: {  	_ =	swait.ge [sflag:s20], $0x2800;
	(pc) =	sbr.rel .LBB2_2-.Ltmp2, $4  }
0x3b: {  	[sflag:s20] =	ssyncset.done $0x0  }
0x3c: {  	[sflag:s20] =	ssyncadd.s32 $0xFFFFD800  }
0x3d: {  	[bflag:$0x0] =	sbarrier.arrive $0xFFFF  }
0x3e: {  	s29 =	simm.s32 $0x2;
	s26 =	simm.s32 $0x200  }
.LBB2_4:
0x3f: {  	s8 =	smul.u32 $0xAB, s31;
	_ =	sdelay $0x1  }
0x40: {  	s8 =	sshrl.u32 s8, $0x9  }
0x41: {  	s8 =	sand.u32 $0x7F, s8  }
0x42: {  	s8 =	smul.u32 $0x3, s8;
	_ =	sdelay $0x1  }
0x43: {  	s8 =	ssub.s32 s31, s8  }
0x44: {  	s29 =	sadd.s32 $0x1, s29;
	s8 =	sand.u32 $0xFF, s8  }
0x45: {  	p0 =	sne.s32 s29, $0x6C;
	s8 =	smul.u32 $0xC000, s8  }
.Ltmp3:
0x46: {  	s9 =	sadd.s32 $0xFFFFFC00, s23;
	(pc) =	sbr.rel @!p0 .LBB2_5-.Ltmp3, $4  }
0x47: {  	s9 =	sand.u32 $0xE00, s9  }
0x48: {  	s26 =	sadd.s32 $0x80, s26;
	s9 =	sshrl.u32 s9, $0x2;
	s8 =	sshrl.u32 s8, $0x2  }
0x49: {  	s23 =	sadd.s32 $0x200, s23;
	s9 =	sor.u32 $0x400, s9;
	s8 =	sor.u32 $0x800, s8  }
0x4a: {  	[spmem:s1] =	stream.indirect.scatter.add.f32 [tilespmem:s8], [sflag:$0x3], $0x80, s9, s28, $0xb8;
	[tilespmem:$0x1D800] =	vst v63  }
.LBB2_2:
0x4b: {  	s31 =	sadd.s32 $0xFFFFFFFE, s29  }
0x4c: {  	p0 =	sgt.u32 s31, $0x67  }
0x4d: {  	s8 =	simm.s32 @!p0 $0x1  }
0x4e: {  	_ =	swait.ge @!p0 [sflag:s8], $0x80  }
0x4f: {  	[sflag:s8] =	ssyncset.done @!p0 $0x0  }
0x50: {  	[sflag:s8] =	ssyncadd.s32 @!p0 $0xFFFFFF80  }
0x51: {  	_ =	swait.ge @!p0 [sflag:s8], $0x80  }
0x52: {  	[sflag:s8] =	ssyncset.done @!p0 $0x0  }
0x53: {  	[sflag:s8] =	ssyncadd.s32 @!p0 $0xFFFFFF80;
	p0 =	seq.s32 s29, $0x2  }
0x54: {  	p1 =	sgt.u32 @!p0 s31, $0x67  }
0x55: {  	_ =	swait.ge [sflag:s0], $0x3000;
	p1 =	por p0, !p1  }
.Ltmp4:
0x56: {  	[sflag:s0] =	ssyncset.done $0x0;
	(pc) =	sbr.rel @!p1 .LBB2_4-.Ltmp4, $4  }
0x57: {  	s8 =	simm.s32 @!p0 $0x3;
	[sflag:s0] =	ssyncadd.s32 $0xFFFFD000  }
0x58: {  	_ =	swait.ge @!p0 [sflag:s8], $0x3000  }
0x59: {  	[sflag:s8] =	ssyncset.done @!p0 $0x0  }
0x5a: {  	[sflag:s8] =	ssyncadd.s32 @!p0 $0xFFFFD000  }
0x5b: {  	s8 =	smul.u32 $0xAB, s29;
	_ =	sdelay $0x1  }
0x5c: {  	s8 =	sshrl.u32 s8, $0x9  }
0x5d: {  	s8 =	sand.u32 $0x7F, s8  }
0x5e: {  	s8 =	smul.u32 $0x3, s8;
	_ =	sdelay $0x1  }
0x5f: {  	s8 =	ssub.s32 s29, s8  }
0x60: {  	s8 =	sand.u32 $0xFF, s8  }
0x61: {  	s8 =	smul.u32 $0xC000, s8;
	_ =	sdelay $0x1  }
0x62: {  	s9 =	sand.u32 $0xE00, s23;
	s8 =	sshrl.u32 s8, $0x2  }
0x63: {  	p0 =	sgt.u32 s31, $0x65;
	s9 =	sshrl.u32 s9, $0x2;
	s8 =	sor.u32 $0x800, s8  }
0x64: {  	[tilespmem:s8], [sflag:$0x2] =	stream.indirect.gather [hbm4b:s4+s28], $0x80, s9, s28, $0xb8;
	[tilespmem:$0x1D800] =	vst v63  }
0x65: {  	s8 =	sand.u32 @!p0 $0x7C00, s26  }
0x66: {  	s9 =	sand.u32 @!p0 $0x380, s26;
	s8 =	sadd.s32 @!p0 s7, s8  }
0x67: {  	s8 =	sor.u32 @!p0 s9, s8  }
.Ltmp5:
0x68: {  	s8 =	sshrl.u32 @!p0 s8, $0x3;
	(pc) =	sbr.rel .LBB2_4-.Ltmp5, $4  }
0x69: {  	s11 =	simm.s32 @!p0 $0x0;
	s10 =	sadd.s32 @!p0 s5, s8  }
0x6a: {  	[tilespmem:s9], [sflag:$0x1] =	stream.linear.gather @!p0 [hbm4b:s10+s11], $0x80, $0x38;
	[tilespmem:$0x1D800] =	vst v63  }
0x6b: {  	s8 =	sadd.s32 @!p0 s6, s8;
	s9 =	sor.u32 @!p0 $0x400, s9  }
0x6c: {  	[tilespmem:s9], [sflag:$0x1] =	stream.linear.gather @!p0 [hbm4b:s8+s11], $0x80, $0x38;
	[tilespmem:$0x1D800] =	vst v63  }
.LBB2_6:
0x6d: {  	_ =	sfence.sel $0x180000  }
0x6e: {  	[bflag:$0x0] =	sbarrier.arrive $0xFFFF  }
0x6f: {  	_ =	strace $0x90000053  }
0x70: {  	s0 =	stileid.u32;
	[bflag:$0x2] =	sbarrier.arrive $0xFFFF  }
0x71: {  	p0 =	sne.s32 s0, $0x0;
	s0 =	rddreg [dreg:$0x2]  }
0x72: {  	s0 =	sadd.s32 @!p0 $0x100000, s0  }
0x73: {  	[sflag:s0] =	ssyncadd.tile.s32 @!p0 $0x1;
	_ =	shalt  }
.Lfunc_end2:
_tile_overlayer_lowered:
.L_overlay_start_2:
0x74: {  	(tag) =	ssettag $0x2  }
0x75: {  	s0 =	rddreg [dreg:$0x0];
	s2 =	stileid.u32  }
0x76: {  	s1 =	rddreg [dreg:$0x1];
	p0 =	sne.s32 s2, $0x0  }
0x77: {  	s3 =	rddreg [dreg:$0x2];
	[bflag:$0x3] =	sbarrier.arrive $0xFFFF;
	s2 =	simm.s32 @!p0 $0x1C04  }
0x78: {  	[timem:s3], [sflag:s2] =	dma.local @!p0 [hbm:s0], s1  }
0x79: {  	s0 =	simm.s32 @!p0 $0x4  }
0x7a: {  	_ =	swait.ge @!p0 [sflag:s0], s1  }
0x7b: {  	s1 =	ssub.s32 @!p0 $0x0, s1;
	[sflag:s0] =	ssyncset.done @!p0 $0x0  }
0x7c: {  	[sflag:s0] =	ssyncadd.s32 @!p0 s1  }
0x7d: {  	[bflag:$0x3] =	sbarrier.arrive $0xFFFF  }
0x7e: {  	_ =	shalt  }

// kernel: kernel.29.cloned.1.call-start
scs
__scs_entry_jumppad:
0x0: {  	(pc) =	sbr.rel $0x88, $3  }
0x1: {  	(tag) =	ssettag $0x0;
	lr =	simm.s32 $0x1  }
0x2: {  	[smem:$0x3F91] =	sst lr;
	_ =	strace $0xD0000000  }
0x3: {  	_ = 	snop  }
0x4: {  	_ = 	snop  }
0x5: {  	_ = 	snop  }
0x6: {  	_ = 	snop  }
0x7: {  	_ = 	snop  }
__scs_overlays_trampoline_lowered:
0x8: {  	[smem:$0x3FA0] =	sst s0  }
0x9: {  	[smem:$0x3FA1] =	sst s1  }
0xa: {  	[smem:$0x3FA2] =	sst s2  }
0xb: {  	[smem:$0x3FA3] =	sst s3  }
0xc: {  	[smem:$0x3FA4] =	sst s4  }
0xd: {  	[smem:$0x3FA5] =	sst s5  }
0xe: {  	[smem:$0x3FA6] =	sst s6  }
0xf: {  	[smem:$0x3FA7] =	sst s7  }
0x10: {  	[smem:$0x3FA8] =	sst s8  }
0x11: {  	[smem:$0x3FA9] =	sst s9;
	s0 =	simm.s32 @!p0 $0x0  }
0x12: {  	s1 =	sld [smem:$0x3F8F];
	s0 =	simm.s32 @p0 $0x1  }
0x13: {  	[smem:$0x3FAA] =	sst s0;
	s0 =	simm.s32 @!p1 $0x0  }
0x14: {  	s2 =	sld [smem:$0x3F8E];
	s0 =	simm.s32 @p1 $0x1  }
0x15: {  	[smem:$0x3FAB] =	sst s0;
	s0 =	simm.s32 @!p2 $0x0  }
0x16: {  	s3 =	sld [smem:$0x3FDB];
	s0 =	simm.s32 @p2 $0x1  }
0x17: {  	s4 =	simm.s32 $0x1BF5;
	[smem:$0x3FAD] =	sst s0  }
0x18: {  	s0 =	sld [smem:$0x3F90];
	_ =	swait.ge [sflag:s4], $0x0  }
0x19: {  	s7 =	sld [smem:$0x3F91]  }
0x1a: {  	s8 =	sadd.s32 $0xFFFFE003, lr  }
0x1b: {  	s9 =	sadd.s32 $0xFFFFFEF7, lr;
	s5 =	simm.s32 $0xFFFFFFFF;
	p2 =	slt.u32 s8, $0xFFFFF086  }
0x1c: {  	p1 =	slt.u32 s9, $0xF7A;
	s5 =	simm.s32 @!p2 $0x0  }
0x1d: {  	s5 =	simm.s32 @p1 $0x1;
	p0 =	seq.s32 s7, s2  }
0x1e: {  	s7 =	smul.u32 @!p0 $0xF7A, s2;
	p2 =	seq.s32 @!p0 s5, $0x0  }
0x1f: {  	s9 =	smul.u32 $0xF7A, s1;
	s8 =	simm.s32 @!p0 $0x1BF5;
	p2 =	por !p2, p0  }
0x20: {  	[sflag:s8] =	ssyncset.s32 @!p0 $0xFFFFF086;
	s6 =	sadd.s32 @!p0 s3, s7;
	s7 =	simm.s32 @!p0 $0x108  }
0x21: {  	s3 =	sadd.s32 s3, s9;
	s6 =	sadd.s32 @!p0 $0x88, s6;
	s7 =	simm.s32 @p2 $0x1082  }
0x22: {  	[simem:s7], [sflag:s8] =	dma.local @!p0 [hbm:s6], $0xF7A  }
0x23: {  	s9 =	sor.u32 $0xD0000000, s2;
	s6 =	simm.s32 $0x108;
	_ =	swait.ge @!p0 [sflag:s8], $0x0  }
0x24: {  	s3 =	sadd.s32 $0x88, s3;
	s6 =	simm.s32 @!p1 $0x1082;
	[sflag:s4] =	ssyncset.s32 $0xFFFFF086  }
0x25: {  	[simem:s6], [sflag:s4] =	dma.local [hbm:s3], $0xF7A  }
0x26: {  	[smem:$0x3F91] =	sst s1;
	(tag) =	ssettag s2;
	_ =	strace s9  }
0x27: {  	s1 =	sld [smem:$0x3FA1]  }
0x28: {  	s2 =	sld [smem:$0x3FA2]  }
0x29: {  	s4 =	sld [smem:$0x3FA4]  }
0x2a: {  	p0 =	seq.s32 s5, $0x0;
	s5 =	sld [smem:$0x3FA5]  }
0x2b: {  	s6 =	sld [smem:$0x3FA6]  }
0x2c: {  	s7 =	sld [smem:$0x3FA7]  }
0x2d: {  	s3 =	simm.s32 $0x108;
	s8 =	sld [smem:$0x3FA8]  }
0x2e: {  	s3 =	simm.s32 @!p0 $0x1082;
	s9 =	sld [smem:$0x3FA9]  }
0x2f: {  	lr =	sadd.s32 s0, s3;
	s0 =	sld [smem:$0x3FA0]  }
0x30: {  	s3 =	sld [smem:$0x3FA3]  }
0x31: {  	[smem:$0x3FAC] =	sst s10  }
0x32: {  	s10 =	sld [smem:$0x3FAA];
	_ =	sdelay $0x3  }
0x33: {  	p0 =	seq.s32 s10, $0x1;
	s10 =	sld [smem:$0x3FAC];
	_ =	sdelay $0x3  }
0x34: {  	[smem:$0x3FAC] =	sst s10  }
0x35: {  	s10 =	sld [smem:$0x3FAB];
	_ =	sdelay $0x3  }
0x36: {  	p1 =	seq.s32 s10, $0x1;
	s10 =	sld [smem:$0x3FAC];
	_ =	sdelay $0x3  }
0x37: {  	[smem:$0x3FAC] =	sst s10  }
0x38: {  	s10 =	sld [smem:$0x3FAD]  }
0x39: {  	_ = 	snop;
	(pc) =	sbr.ind lr, $3  }
0x3a: {  	_ = 	snop  }
0x3b: {  	_ = 	snop  }
0x3c: {  	p2 =	seq.s32 s10, $0x1;
	s10 =	sld [smem:$0x3FAC]  }
0x3d: {  	_ =	shalt  }
0x3e: {  	_ =	shalt  }
0x3f: {  	_ =	shalt  }
0x40: {  	_ =	shalt  }
0x41: {  	_ =	shalt  }
0x42: {  	_ =	shalt  }
0x43: {  	_ =	shalt  }
0x44: {  	_ =	shalt  }
0x45: {  	_ =	shalt  }
0x46: {  	_ =	shalt  }
0x47: {  	_ =	shalt  }
0x48: {  	_ =	shalt  }
0x49: {  	_ =	shalt  }
0x4a: {  	_ =	shalt  }
0x4b: {  	_ =	shalt  }
0x4c: {  	_ =	shalt  }
0x4d: {  	_ =	shalt  }
0x4e: {  	_ =	shalt  }
0x4f: {  	_ =	shalt  }
0x50: {  	_ =	shalt  }
0x51: {  	_ =	shalt  }
0x52: {  	_ =	shalt  }
0x53: {  	_ =	shalt  }
0x54: {  	_ =	shalt  }
0x55: {  	_ =	shalt  }
0x56: {  	_ =	shalt  }
0x57: {  	_ =	shalt  }
0x58: {  	_ =	shalt  }
0x59: {  	_ =	shalt  }
0x5a: {  	_ =	shalt  }
0x5b: {  	_ =	shalt  }
0x5c: {  	_ =	shalt  }
0x5d: {  	_ =	shalt  }
0x5e: {  	_ =	shalt  }
0x5f: {  	_ =	shalt  }
0x60: {  	_ =	shalt  }
0x61: {  	_ =	shalt  }
0x62: {  	_ =	shalt  }
0x63: {  	_ =	shalt  }
0x64: {  	_ =	shalt  }
0x65: {  	_ =	shalt  }
0x66: {  	_ =	shalt  }
0x67: {  	_ =	shalt  }
0x68: {  	_ =	shalt  }
0x69: {  	_ =	shalt  }
0x6a: {  	_ =	shalt  }
0x6b: {  	_ =	shalt  }
0x6c: {  	_ =	shalt  }
0x6d: {  	_ =	shalt  }
0x6e: {  	_ =	shalt  }
0x6f: {  	_ =	shalt  }
0x70: {  	_ =	shalt  }
0x71: {  	_ =	shalt  }
0x72: {  	_ =	shalt  }
0x73: {  	_ =	shalt  }
0x74: {  	_ =	shalt  }
0x75: {  	_ =	shalt  }
0x76: {  	_ =	shalt  }
0x77: {  	_ =	shalt  }
0x78: {  	_ =	shalt  }
0x79: {  	_ =	shalt  }
0x7a: {  	_ =	shalt  }
0x7b: {  	_ =	shalt  }
0x7c: {  	_ =	shalt  }
0x7d: {  	_ =	shalt  }
0x7e: {  	_ =	shalt  }
0x7f: {  	_ =	shalt  }
0x80: {  	_ =	shalt  }
0x81: {  	_ =	shalt  }
0x82: {  	_ =	shalt  }
0x83: {  	_ =	shalt  }
0x84: {  	_ =	shalt  }
0x85: {  	_ =	shalt  }
0x86: {  	_ =	shalt  }
0x87: {  	_ =	shalt  }
.Lfunc_end0:
.L_simem_size_0:
called_computation.5_lowered:
.L_overlay_start_0:
0x88: {  	s2 =	sld [smem:$0x3FD9]  }
0x89: {  	s3 =	sld [smem:$0x3FFE];
	_ =	sdelay $0x1  }
0x8a: {  	s1 =	srdreg.scid  }
0x8b: {  	s0 =	sand.u32 $0x1, s1  }
0x8c: {  	s16 =	sshll.u32 s0, $0xA;
	s2 =	sadd.s32 s3, s2  }
0x8d: {  	s2 =	sadd.s32 s2, s16  }
0x8e: {  	[smem:$0x3FB8] =	sst s2  }
0x8f: {  	_ = 	snop  }
0x90: {  	(tm) =	ssettm $0x1  }
0x91: {  	s17 =	sld [smem:$0x3FFB];
	_ =	sdelay $0x3  }
0x92: {  	_ =	strace s17  }
0x93: {  	s2 =	sld [smem:$0x3FFC];
	_ =	sdelay $0x3  }
0x94: {  	_ =	strace s2  }
0x95: {  	s2 =	sld [smem:$0x3FFD];
	_ =	sdelay $0x3  }
0x96: {  	_ =	strace s2  }
0x97: {  	_ =	strace $0x8FFFFFFF  }
0x98: {  	s18 =	sld [smem:$0x3FDB];
	_ =	sdelay $0x1  }
0x99: {  	s19 =	simm.s32 $_scs_section_size  }
0x9a: {  	s4 =	simm.s32 $_size__tile_overlayer_lowered;
	s5 =	simm.s32 $_tile_overlayer_lowered  }
0x9b: {  	s22 =	simm.s32 $0x1BFF;
	s21 =	sshll.u32 s5, $0x1;
	s2 =	sadd.s32 s19, s18  }
0x9c: {  	s6 =	simm.s32 $0x0;
	s20 =	sshll.u32 s4, $0x1;
	s4 =	sadd.s32 s21, s2  }
0x9d: {  	[timem:s6], [sflag:s22] =	dma.local [hbm:s4], s20  }
0x9e: {  	_ =	swait.ge [sflag:s22], s20  }
0x9f: {  	s3 =	ssub.s32 $0x0, s20;
	[sflag:s22] =	ssyncset.done $0x0  }
0xa0: {  	[sflag:s22] =	ssyncadd.s32 s3;
	_ =	sdelay $0x1  }
0xa1: {  	s23 =	simm.s32 $0x1B8B  }
0xa2: {  	_ =	swait.ge [sflag:s23], $0x1  }
0xa3: {  	[sflag:s23] =	ssyncset.done $0x0  }
0xa4: {  	s25 =	simm.s32 $0x1B8E;
	s24 =	sld [smem:$0x3FFE];
	[sflag:s23] =	ssyncadd.s32 $0xFFFFFFFF  }
0xa5: {  	s26 =	simm.s32 $execute0_lowered;
	[smem:$0x3FD2] =	sst s25  }
0xa6: {  	s4 =	sshll.u32 s26, $0x1;
	_ =	strace $0x80000055;
	[dreg:$0x1] =	wrdreg $0xFFFFFFFF  }
0xa7: {  	s28 =	simm.s32 $_size_execute0_lowered;
	s2 =	sadd.s32 s2, s4;
	[dreg:$0x0] =	wrdreg $0x0  }
0xa8: {  	s4 =	sshll.u32 s28, $0x1;
	[dreg:$0x2] =	wrdreg s2  }
0xa9: {  	[dreg:$0x3] =	wrdreg s4  }
0xaa: {  	[dreg:$0x4] =	wrdreg $0xC0  }
0xab: {  	_ =	task [dreg:s6], $0x5FFFF  }
0xac: {  	[dreg:$0x1] =	wrdreg $0xFFFFFFFF  }
0xad: {  	[dreg:$0x0] =	wrdreg $0x60  }
0xae: {  	[dreg:$0x2] =	wrdreg s24  }
0xaf: {  	[dreg:$0x3] =	wrdreg $0x98000  }
0xb0: {  	[dreg:$0x4] =	wrdreg $0x9  }
0xb1: {  	_ =	task.clear_ibuf [dreg:s6], $0x5FFFF;
	_ =	strace $0x90000055  }
0xb2: {  	s29 =	simm.s32 $0x9;
	_ =	strace $0x80000057  }
0xb3: {  	_ =	swait.ge [sflag:s29], $0x1  }
0xb4: {  	[sflag:s29] =	ssyncadd.s32 $0xFFFFFFFF  }
0xb5: {  	_ =	strace $0x90000057  }
0xb6: {  	_ =	sfence  }
0xb7: {  	s30 =	sld [smem:$0x0];
	_ =	sdelay $0x2  }
0xb8: {  	s31 =	sshll.u32 s1, $0xD;
	s1 =	sshrl.u32 s1, $0x2  }
0xb9: {  	s3 =	sand.u32 $0x4000, s31;
	s1 =	sadd.s32 s1, s30  }
0xba: {  	s0 =	sor.u32 s3, s0;
	s1 =	sshll.u32 s1, $0x11  }
0xbb: {  	s0 =	sor.u32 s1, s0  }
0xbc: {  	s0 =	sadd.s32 $0x8F2B, s0  }
0xbd: {  	[sflag:s0] =	ssyncadd.remote.s32 $0x1  }
0xbe: {  	_ =	sfence.sel $0xFFFF  }
0xbf: {  	[dreg:$0x0] =	wrdreg $0xFFFFFFFF;
	(pc) =	sbr.abs _section_cstart, $3  }
0xc0: {  	[dreg:$0x1] =	wrdreg $0xFFFFFFFF  }
0xc1: {  	_ =	task.clear_ibuf [dreg:s6], $0x2FFFF;
	_ =	strace $0x9FFFFFFF  }
0xc2: {  	(tm) =	ssettm $0x7FFFFFFF  }
0xc3: {  	_ =	shalt  }
tec
execute0_lowered:
.L_overlay_start_1:
0x0: {  	(tag) =	ssettag $0x1  }
0x1: {  	s0 =	rddreg [dreg:$0x0]  }
0x2: {  	s1 =	rddreg [dreg:$0x1];
	s3 =	simm.s32 $0x0  }
0x3: {  	s12 =	stileid.u32;
	s2 =	srdreg.scid;
	s20 =	simm.s32 $0x4  }
0x4: {  	s21 =	simm.s32 $0x80;
	s28 =	simm.s32 $0x60;
	s30 =	simm.s32 $0x1  }
0x5: {  	s22 =	simm.s32 $0x0;
	[smem:$0x7FF] =	sst s3;
	s4 =	sadd.s32 $0x69A00, s0  }
0x6: {  	s8 =	smul.u32 $0x14000, s12;
	s2 =	sand.u32 $0x1, s2;
	s6 =	sshll.u32 s12, $0x1  }
0x7: {  	s5 =	sadd.s32 $0xC7A00, s0;
	s16 =	smul.u32 $0x50000, s12;
	_ =	strace $0x80000056  }
0x8: {  	s9 =	smul.u32 $0x140000, s2;
	s7 =	sor.u32 s2, s6;
	s6 =	sadd.s32 $0x91A00, s0  }
0x9: {  	s2 =	ssub.s32 $0x2, s2;
	s10 =	sshrl.u32 s8, $0x3;
	s7 =	smul.u32 $0x3800, s7  }
0xa: {  	s24 =	sshrl.u32 s2, $0x1;
	s16 =	sshrl.u32 s16, $0x2;
	s17 =	sadd.s32 s10, s0  }
0xb: {  	s8 =	sadd.s32 s8, s9;
	s2 =	ssub.s32 s2, s24;
	s16 =	sadd.s32 s16, s1  }
0xc: {  	s8 =	sshrl.u32 s8, $0x3;
	s14 =	sshrl.u32 s7, $0x3;
	s17 =	sadd.s32 $0x19A00, s17  }
0xd: {  	s19 =	smax.u32 s2, $0x1;
	s2 =	simm.s32 $0x3;
	s0 =	sadd.s32 s8, s0  }
0xe: {  	s11 =	sor.u32 $0x10, s14;
	s25 =	sadd.s32 s5, s14;
	s26 =	sadd.s32 s6, s14  }
.Ltmp0:
0xf: {  	s13 =	sor.u32 $0x20, s14;
	[dreg:$0x3] =	wrdreg s25;
	(pc) =	sbr.rel .LBB2_1-.Ltmp0, $4  }
0x10: {  	s15 =	sor.u32 $0x30, s14;
	[dreg:$0x4] =	wrdreg s26;
	s29 =	sadd.s32 s5, s11  }
0x11: {  	s31 =	sadd.s32 s6, s11;
	s12 =	sadd.s32 s5, s13;
	s13 =	sadd.s32 s6, s13  }
0x12: {  	s14 =	sadd.s32 s5, s15;
	s15 =	sadd.s32 s6, s15;
	[dreg:$0x5] =	wrdreg s29  }
0x13: {  	s18 =	sadd.s32 $0xD5A00, s0;
	s0 =	simm.s32 $0x2;
	[dreg:$0x6] =	wrdreg s31  }
.LBB2_5:
0x14: {  	_ =	swait.ge [sflag:s2], $0x3000  }
0x15: {  	s22 =	sadd.s32 $0x1, s22;
	[sflag:s2] =	ssyncset.done $0x0  }
0x16: {  	p0 =	sne.s32 s22, s19;
	[sflag:s2] =	ssyncadd.s32 $0xFFFFD000  }
.Ltmp1:
0x17: {  	[bflag:$0x0] =	sbarrier.arrive $0xFFFF;
	(pc) =	sbr.rel @!p0 .LBB2_6-.Ltmp1, $4  }
0x18: {  	[hbm:s18], [sflag:s24] =	dma.local [spmem:s25], $0x2800  }
0x19: {  	_ =	swait.ge [sflag:s20], $0x2800  }
0x1a: {  	[sflag:s20] =	ssyncset.done $0x0  }
0x1b: {  	[sflag:s20] =	ssyncadd.s32 $0xFFFFD800  }
.LBB2_1:
0x1c: {  	s8 =	rddreg [dreg:$0x3]  }
0x1d: {  	[tilespmem:s3], [sflag:$0x4] =	stream.linear.gather [hbm4b:s8+s3], $0x80, $0x38;
	[tilespmem:$0x1D800] =	vst v63  }
0x1e: {  	_ =	swait.ge [sflag:s20], $0x80  }
0x1f: {  	[sflag:s20] =	ssyncset.done $0x0  }
0x20: {  	s23 =	simm.s32 $0x400;
	s25 =	rddreg [dreg:$0x4];
	[sflag:s20] =	ssyncadd.s32 $0xFFFFFF80  }
0x21: {  	[tilespmem:s23], [sflag:$0x4] =	stream.linear.gather [hbm4b:s25+s3], $0x80, $0x38;
	[tilespmem:$0x1D800] =	vst v63  }
0x22: {  	_ =	swait.ge [sflag:s20], $0x80  }
0x23: {  	[sflag:s20] =	ssyncset.done $0x0  }
0x24: {  	s26 =	rddreg [dreg:$0x5];
	[sflag:s20] =	ssyncadd.s32 $0xFFFFFF80  }
0x25: {  	[tilespmem:s21], [sflag:$0x1] =	stream.linear.gather [hbm4b:s26+s3], $0x80, $0x38;
	[tilespmem:$0x1D800] =	vst v63  }
0x26: {  	s9 =	simm.s32 $0x480;
	s31 =	rddreg [dreg:$0x6]  }
0x27: {  	[tilespmem:s9], [sflag:$0x1] =	stream.linear.gather [hbm4b:s31+s3], $0x80, $0x38;
	[tilespmem:$0x1D800] =	vst v63  }
0x28: {  	s9 =	simm.s32 $0x100  }
0x29: {  	[tilespmem:s9], [sflag:$0x1] =	stream.linear.gather [hbm4b:s12+s3], $0x80, $0x38;
	[tilespmem:$0x1D800] =	vst v63  }
0x2a: {  	s10 =	simm.s32 $0x500  }
0x2b: {  	[tilespmem:s10], [sflag:$0x1] =	stream.linear.gather [hbm4b:s13+s3], $0x80, $0x38;
	[tilespmem:$0x1D800] =	vst v63  }
0x2c: {  	s11 =	simm.s32 $0x180  }
0x2d: {  	[tilespmem:s11], [sflag:$0x1] =	stream.linear.gather [hbm4b:s14+s3], $0x80, $0x38;
	[tilespmem:$0x1D800] =	vst v63  }
0x2e: {  	s24 =	simm.s32 $0x580  }
0x2f: {  	[tilespmem:s24], [sflag:$0x1] =	stream.linear.gather [hbm4b:s15+s3], $0x80, $0x38;
	[tilespmem:$0x1D800] =	vst v63  }
0x30: {  	s25 =	simm.s32 $0x800  }
0x31: {  	[tilespmem:s25], [sflag:$0x2] =	stream.indirect.gather [hbm4b:s4+s28], $0x80, s3, s28, $0xb8;
	[tilespmem:$0x1D800] =	vst v63  }
0x32: {  	_ =	swait.ge [sflag:s30], $0x80  }
0x33: {  	[sflag:s30] =	ssyncset.done $0x0  }
0x34: {  	[sflag:s30] =	ssyncadd.s32 $0xFFFFFF80  }
0x35: {  	s31 =	stileid.u32;
	_ =	swait.ge [sflag:s30], $0x80  }
0x36: {  	s26 =	simm.s32 $0x3800;
	s24 =	sshll.u32 s31, $0x6;
	[sflag:s30] =	ssyncset.done $0x0  }
0x37: {  	s24 =	sor.u32 $0x1C04, s24;
	s25 =	sshrl.u32 s16, $0x3;
	[sflag:s30] =	ssyncadd.s32 $0xFFFFFF80  }
0x38: {  	[tilespmem:s26], [sflag:$0x2] =	stream.indirect.gather [hbm4b:s4+s28], $0x80, s21, s28, $0xb8;
	[tilespmem:$0x1D800] =	vst v63  }
0x39: {  	[spmem:s25], [sflag:s24] =	dma.local [hbm:s17], $0x2800  }
.Ltmp2:
0x3a: {  	_ =	swait.ge [sflag:s20], $0x2800;
	(pc) =	sbr.rel .LBB2_2-.Ltmp2, $4  }
0x3b: {  	[sflag:s20] =	ssyncset.done $0x0  }
0x3c: {  	[sflag:s20] =	ssyncadd.s32 $0xFFFFD800  }
0x3d: {  	[bflag:$0x0] =	sbarrier.arrive $0xFFFF  }
0x3e: {  	s29 =	simm.s32 $0x2;
	s26 =	simm.s32 $0x200  }
.LBB2_4:
0x3f: {  	s8 =	smul.u32 $0xAB, s31;
	_ =	sdelay $0x1  }
0x40: {  	s8 =	sshrl.u32 s8, $0x9  }
0x41: {  	s8 =	sand.u32 $0x7F, s8  }
0x42: {  	s8 =	smul.u32 $0x3, s8;
	_ =	sdelay $0x1  }
0x43: {  	s8 =	ssub.s32 s31, s8  }
0x44: {  	s29 =	sadd.s32 $0x1, s29;
	s8 =	sand.u32 $0xFF, s8  }
0x45: {  	p0 =	sne.s32 s29, $0x6C;
	s8 =	smul.u32 $0xC000, s8  }
.Ltmp3:
0x46: {  	s9 =	sadd.s32 $0xFFFFFC00, s23;
	(pc) =	sbr.rel @!p0 .LBB2_5-.Ltmp3, $4  }
0x47: {  	s9 =	sand.u32 $0xE00, s9  }
0x48: {  	s26 =	sadd.s32 $0x80, s26;
	s9 =	sshrl.u32 s9, $0x2;
	s8 =	sshrl.u32 s8, $0x2  }
0x49: {  	s23 =	sadd.s32 $0x200, s23;
	s9 =	sor.u32 $0x400, s9;
	s8 =	sor.u32 $0x800, s8  }
0x4a: {  	[spmem:s1] =	stream.indirect.scatter.add.f32 [tilespmem:s8], [sflag:$0x3], $0x80, s9, s28, $0xb8;
	[tilespmem:$0x1D800] =	vst v63  }
.LBB2_2:
0x4b: {  	s31 =	sadd.s32 $0xFFFFFFFE, s29  }
0x4c: {  	p0 =	sgt.u32 s31, $0x67  }
0x4d: {  	s8 =	simm.s32 @!p0 $0x1  }
0x4e: {  	_ =	swait.ge @!p0 [sflag:s8], $0x80  }
0x4f: {  	[sflag:s8] =	ssyncset.done @!p0 $0x0  }
0x50: {  	[sflag:s8] =	ssyncadd.s32 @!p0 $0xFFFFFF80  }
0x51: {  	_ =	swait.ge @!p0 [sflag:s8], $0x80  }
0x52: {  	[sflag:s8] =	ssyncset.done @!p0 $0x0  }
0x53: {  	[sflag:s8] =	ssyncadd.s32 @!p0 $0xFFFFFF80;
	p0 =	seq.s32 s29, $0x2  }
0x54: {  	p1 =	sgt.u32 @!p0 s31, $0x67  }
0x55: {  	_ =	swait.ge [sflag:s0], $0x3000;
	p1 =	por p0, !p1  }
.Ltmp4:
0x56: {  	[sflag:s0] =	ssyncset.done $0x0;
	(pc) =	sbr.rel @!p1 .LBB2_4-.Ltmp4, $4  }
0x57: {  	s8 =	simm.s32 @!p0 $0x3;
	[sflag:s0] =	ssyncadd.s32 $0xFFFFD000  }
0x58: {  	_ =	swait.ge @!p0 [sflag:s8], $0x3000  }
0x59: {  	[sflag:s8] =	ssyncset.done @!p0 $0x0  }
0x5a: {  	[sflag:s8] =	ssyncadd.s32 @!p0 $0xFFFFD000  }
0x5b: {  	s8 =	smul.u32 $0xAB, s29;
	_ =	sdelay $0x1  }
0x5c: {  	s8 =	sshrl.u32 s8, $0x9  }
0x5d: {  	s8 =	sand.u32 $0x7F, s8  }
0x5e: {  	s8 =	smul.u32 $0x3, s8;
	_ =	sdelay $0x1  }
0x5f: {  	s8 =	ssub.s32 s29, s8  }
0x60: {  	s8 =	sand.u32 $0xFF, s8  }
0x61: {  	s8 =	smul.u32 $0xC000, s8;
	_ =	sdelay $0x1  }
0x62: {  	s9 =	sand.u32 $0xE00, s23;
	s8 =	sshrl.u32 s8, $0x2  }
0x63: {  	p0 =	sgt.u32 s31, $0x65;
	s9 =	sshrl.u32 s9, $0x2;
	s8 =	sor.u32 $0x800, s8  }
0x64: {  	[tilespmem:s8], [sflag:$0x2] =	stream.indirect.gather [hbm4b:s4+s28], $0x80, s9, s28, $0xb8;
	[tilespmem:$0x1D800] =	vst v63  }
0x65: {  	s8 =	sand.u32 @!p0 $0x7C00, s26  }
0x66: {  	s9 =	sand.u32 @!p0 $0x380, s26;
	s8 =	sadd.s32 @!p0 s7, s8  }
0x67: {  	s8 =	sor.u32 @!p0 s9, s8  }
.Ltmp5:
0x68: {  	s8 =	sshrl.u32 @!p0 s8, $0x3;
	(pc) =	sbr.rel .LBB2_4-.Ltmp5, $4  }
0x69: {  	s11 =	simm.s32 @!p0 $0x0;
	s10 =	sadd.s32 @!p0 s5, s8  }
0x6a: {  	[tilespmem:s9], [sflag:$0x1] =	stream.linear.gather @!p0 [hbm4b:s10+s11], $0x80, $0x38;
	[tilespmem:$0x1D800] =	vst v63  }
0x6b: {  	s8 =	sadd.s32 @!p0 s6, s8;
	s9 =	sor.u32 @!p0 $0x400, s9  }
0x6c: {  	[tilespmem:s9], [sflag:$0x1] =	stream.linear.gather @!p0 [hbm4b:s8+s11], $0x80, $0x38;
	[tilespmem:$0x1D800] =	vst v63  }
.LBB2_6:
0x6d: {  	_ =	sfence.sel $0x180000  }
0x6e: {  	[bflag:$0x0] =	sbarrier.arrive $0xFFFF  }
0x6f: {  	_ =	strace $0x90000056  }
0x70: {  	s0 =	stileid.u32;
	[bflag:$0x2] =	sbarrier.arrive $0xFFFF  }
0x71: {  	p0 =	sne.s32 s0, $0x0;
	s0 =	rddreg [dreg:$0x2]  }
0x72: {  	s0 =	sadd.s32 @!p0 $0x100000, s0  }
0x73: {  	[sflag:s0] =	ssyncadd.tile.s32 @!p0 $0x1;
	_ =	shalt  }
.Lfunc_end2:
_tile_overlayer_lowered:
.L_overlay_start_2:
0x74: {  	(tag) =	ssettag $0x2  }
0x75: {  	s0 =	rddreg [dreg:$0x0];
	s2 =	stileid.u32  }
0x76: {  	s1 =	rddreg [dreg:$0x1];
	p0 =	sne.s32 s2, $0x0  }
0x77: {  	s3 =	rddreg [dreg:$0x2];
	[bflag:$0x3] =	sbarrier.arrive $0xFFFF;
	s2 =	simm.s32 @!p0 $0x1C04  }
0x78: {  	[timem:s3], [sflag:s2] =	dma.local @!p0 [hbm:s0], s1  }
0x79: {  	s0 =	simm.s32 @!p0 $0x4  }
0x7a: {  	_ =	swait.ge @!p0 [sflag:s0], s1  }
0x7b: {  	s1 =	ssub.s32 @!p0 $0x0, s1;
	[sflag:s0] =	ssyncset.done @!p0 $0x0  }
0x7c: {  	[sflag:s0] =	ssyncadd.s32 @!p0 s1  }
0x7d: {  	[bflag:$0x3] =	sbarrier.arrive $0xFFFF  }
0x7e: {  	_ =	shalt  }

</sc_bundles>
